<compile_context>
chip_gen: v7x
topology: tpu7x:2x2x1
jax: 0.10.2.dev20260603
libtpu: 0.0.44.dev20260713+nightly
codegen_flags: <defaults>
</compile_context>

<pallas_src>
import functools

import jax
import jax.numpy as jnp
from jax import lax
from jax.experimental import pallas as pl
from jax.experimental.pallas import tpu as pltpu
from jax.experimental.pallas import tpu_sc as plsc

_NC, _NS, _L = 2, 16, 16
_NW = _NC * _NS


def _diag_sc_body(x_hbm, out_hbm, blk_v, out_v, sem0, sem1):
    wid = lax.axis_index("s") * _NC + lax.axis_index("c")
    mats_per_w = out_v.shape[0]
    m = x_hbm.shape[1]
    nq = m // 128
    total = mats_per_w * nq
    sems = [sem0, sem1]
    neg = jnp.float32(-jnp.inf)
    iota = lax.iota(jnp.int32, _L)

    def start(i):
        mat = wid * mats_per_w + i // nq
        q = i % nq
        return pltpu.async_copy(
            x_hbm.at[mat, pl.ds(128 * q, 128), pl.ds(128 * q, 128)],
            blk_v.at[i % 2],
            sems[i % 2],
        )

    cp = start(0)
    acc = jnp.full((_L,), neg, dtype=jnp.float32)
    for i in range(total):
        cp.wait()
        if i + 1 < total:
            nxt = start(i + 1)
        buf = i % 2
        for k in range(8):
            def body(l, a, k=k, buf=buf):
                v = blk_v[buf, 16 * k + l, pl.ds(16 * k, _L)]
                return jnp.maximum(a, jnp.where(iota == l, v, neg))

            acc = lax.fori_loop(0, _L, body, acc)
        if i % nq == nq - 1:
            out_v[i // nq] = acc
            acc = jnp.full((_L,), neg, dtype=jnp.float32)
        if i + 1 < total:
            cp = nxt
    pltpu.sync_copy(out_v, out_hbm.at[wid])


def _sc_diag_max(x3d):
    n_mat, m, _ = x3d.shape
    mats_per_w = n_mat // _NW
    mesh = plsc.VectorSubcoreMesh(core_axis_name="c", subcore_axis_name="s")
    return functools.partial(
        pl.kernel,
        mesh=mesh,
        out_type=jax.ShapeDtypeStruct((_NW, mats_per_w, _L), jnp.float32),
        scratch_types=[
            pltpu.VMEM((2, 128, 128), jnp.float32),
            pltpu.VMEM((mats_per_w, _L), jnp.float32),
            pltpu.SemaphoreType.DMA,
            pltpu.SemaphoreType.DMA,
        ],
        compiler_params=pltpu.CompilerParams(use_tc_tiling_on_sc=True),
    )(_diag_sc_body)(x3d)


def _maxes_body(x_ref, out_ref):
    i = pl.program_id(0)
    x = x_ref[...]
    N, m, _ = x.shape
    C2 = out_ref.shape[1]
    C = C2 // 2
    per_row = C // N
    row = jax.lax.broadcasted_iota(jnp.int32, (m, m), 0)
    col = jax.lax.broadcasted_iota(jnp.int32, (m, m), 1)
    eq = (row == col)[None]
    neg = jnp.float32(-jnp.inf)
    dmax = jnp.max(jnp.where(eq, x, neg), axis=(1, 2)).reshape(1, N)
    omax = jnp.max(jnp.where(eq, neg, x), axis=(1, 2)).reshape(1, N)
    n_steps = pl.num_programs(0)
    for step in range(n_steps):
        b = step // per_row
        c0 = (step % per_row) * N

        @pl.when(i == step)
        def _(b=b, c0=c0):
            out_ref[b : b + 1, c0 : c0 + N] = dmax
            out_ref[b : b + 1, C + c0 : C + c0 + N] = omax


def kernel(x):
    B, C, m, _ = x.shape
    n_mat = B * C
    x3d = x.reshape(n_mat, m, m)
    sc_out = _sc_diag_max(x3d)
    diag = jnp.max(sc_out.reshape(n_mat, _L), axis=-1).reshape(B, C)
    N = 8
    tc_out = pl.pallas_call(
        _maxes_body,
        grid=(n_mat // N,),
        in_specs=[pl.BlockSpec((N, m, m), lambda i: (i, 0, 0))],
        out_specs=pl.BlockSpec((B, 2 * C), lambda i: (0, 0)),
        out_shape=jax.ShapeDtypeStruct((B, 2 * C), x.dtype),
    )(x3d)
    return jnp.concatenate((diag, tc_out[:, C:]), axis=-1)

# --- scband reference (transcript-rebuilt; emitter-appended) ---
"""Pipeline reference for scband-max-suffix-classification-61306363183287 (READ-ONLY COPY).

The authoritative reference and input builder live on the scoring server;
editing this copy changes nothing except your own understanding.
"""

import jax, jax.numpy as jnp
import numpy as np


def setup_inputs(seed: int = 0) -> dict:
    key = jax.random.key(seed)
    x = jax.random.normal(key, (8, 16, 512, 512), dtype=jnp.float32)
    return {"x": x}


def reference(x):
    m = x.shape[-1]
    # max over the diagonal of each [m, m] matrix
    diag = jnp.diagonal(x, axis1=-2, axis2=-1)  # [B, C, m]
    max_diag = jnp.max(diag, axis=-1)  # [B, C]
    # mask the diagonal with -inf (functional equivalent of in-place write)
    idx = jnp.arange(m)
    x_masked = x.at[:, :, idx, idx].set(-jnp.inf)
    # max over all off-diagonal entries
    max_off = jnp.max(jnp.max(x_masked, axis=-1), axis=-1)  # [B, C]
    return jnp.concatenate((max_diag, max_off), axis=-1)  # [B, 2*C]

if __name__ == "__main__":
    import jax
    _d = setup_inputs()
    print(jax.jit(kernel)(*tuple(_d.values())))

</pallas_src>

<mosaic_0001>
#map = affine_map<(d0, d1) -> (0, 0, 0)>
module attributes {stable_mosaic.version = 14 : i64} {
  func.func @_diag_sc_body(%arg0: i32, %arg1: i32, %arg2: memref<128x512x512xf32, #tpu.memory_space<hbm>>, %arg3: memref<32x4x16xf32, #tpu.memory_space<hbm>>, %arg4: memref<2x128x128xf32, #tpu.memory_space<vmem>>, %arg5: memref<4x16xf32, #tpu.memory_space<vmem>>, %arg6: memref<!tpu.dma_semaphore, #tpu.memory_space<semaphore_mem>>, %arg7: memref<!tpu.dma_semaphore, #tpu.memory_space<semaphore_mem>>) attributes {dimension_semantics = [#tpu.dimension_semantics<core_parallel>, #tpu.dimension_semantics<subcore_parallel>], iteration_bounds = array<i64: 2, 16>, scalar_prefetch = 0 : i64, scratch_operands = 4 : i64, tpu.core_type = #tpu.core_type<sc_vector_subcore>, window_params = [{transform_indices = #map}, {transform_indices = #map}]} {
    %mul3A = arith.constant 2 : i32
    %mul3A_0 = arith.muli %arg1, %mul3A : i32
    %add3A = arith.addi %mul3A_0, %arg0 : i32
    %iota3A = tpu.iota {dimensions = array<i32: 0>} : vector<16xi32>
    %mul3A_1 = arith.constant 4 : i32
    %mul3A_2 = arith.muli %add3A, %mul3A_1 : i32
    %add3A_3 = arith.constant 0 : i32
    %add3A_4 = arith.addi %mul3A_2, %add3A_3 : i32
    %dma_start3A = arith.constant 0 : i32
    %dma_start3A_5 = arith.constant 0 : i32
    %dma_start3A_6 = arith.constant 0 : i32
    %dma_start3A_7 = tpu.memref_slice %arg4[%dma_start3A, %dma_start3A_5, %dma_start3A_6] : memref<2x128x128xf32, #tpu.memory_space<vmem>> -> memref<1x128x128xf32, #tpu.memory_space<vmem>>
    %dma_start3A_8 = tpu.memref_squeeze %dma_start3A_7 : memref<1x128x128xf32, #tpu.memory_space<vmem>> -> memref<128x128xf32, #tpu.memory_space<vmem>>
    %dma_start3A_9 = arith.constant 0 : i32
    %dma_start3A_10 = arith.constant 0 : i32
    %dma_start3A_11 = tpu.memref_slice %arg2[%add3A_4, %dma_start3A_9, %dma_start3A_10] : memref<128x512x512xf32, #tpu.memory_space<hbm>> -> memref<1x128x128xf32, #tpu.memory_space<hbm>>
    %dma_start3A_12 = tpu.memref_squeeze %dma_start3A_11 : memref<1x128x128xf32, #tpu.memory_space<hbm>> -> memref<128x128xf32, #tpu.memory_space<hbm>>
    %dma_start3A_13 = arith.constant 0 : i32
    %dma_start3A_14 = arith.constant 0 : i32
    %dma_start3A_15 = tpu.memref_slice %arg4[%dma_start3A, %dma_start3A_13, %dma_start3A_14] : memref<2x128x128xf32, #tpu.memory_space<vmem>> -> memref<1x128x128xf32, #tpu.memory_space<vmem>>
    %dma_start3A_16 = tpu.memref_squeeze %dma_start3A_15 : memref<1x128x128xf32, #tpu.memory_space<vmem>> -> memref<128x128xf32, #tpu.memory_space<vmem>>
    %dma_start3A_17 = arith.constant 0 : i32
    %dma_start3A_18 = arith.constant 0 : i32
    %dma_start3A_19 = tpu.memref_slice %arg2[%add3A_4, %dma_start3A_17, %dma_start3A_18] : memref<128x512x512xf32, #tpu.memory_space<hbm>> -> memref<1x128x128xf32, #tpu.memory_space<hbm>>
    %dma_start3A_20 = tpu.memref_squeeze %dma_start3A_19 : memref<1x128x128xf32, #tpu.memory_space<hbm>> -> memref<128x128xf32, #tpu.memory_space<hbm>>
    tpu.enqueue_dma source(%dma_start3A_20 : memref<128x128xf32, #tpu.memory_space<hbm>>) target(%dma_start3A_16 : memref<128x128xf32, #tpu.memory_space<vmem>>) target_semaphore(%arg6 : memref<!tpu.dma_semaphore, #tpu.memory_space<semaphore_mem>>)
    %broadcast_in_dim3A = arith.constant 0xFF800000 : f32
    %broadcast_in_dim3A_21 = vector.broadcast %broadcast_in_dim3A : f32 to vector<16xf32>
    %dma_wait3A = arith.constant 0 : i32
    %dma_wait3A_22 = arith.constant 0 : i32
    %dma_wait3A_23 = arith.constant 0 : i32
    %dma_wait3A_24 = tpu.memref_slice %arg4[%dma_wait3A, %dma_wait3A_22, %dma_wait3A_23] : memref<2x128x128xf32, #tpu.memory_space<vmem>> -> memref<1x128x128xf32, #tpu.memory_space<vmem>>
    %dma_wait3A_25 = tpu.memref_squeeze %dma_wait3A_24 : memref<1x128x128xf32, #tpu.memory_space<vmem>> -> memref<128x128xf32, #tpu.memory_space<vmem>>
    %dma_wait3A_26 = arith.constant 0 : i32
    %dma_wait3A_27 = arith.constant 0 : i32
    %dma_wait3A_28 = tpu.memref_slice %arg2[%add3A_4, %dma_wait3A_26, %dma_wait3A_27] : memref<128x512x512xf32, #tpu.memory_space<hbm>> -> memref<1x128x128xf32, #tpu.memory_space<hbm>>
    %dma_wait3A_29 = tpu.memref_squeeze %dma_wait3A_28 : memref<1x128x128xf32, #tpu.memory_space<hbm>> -> memref<128x128xf32, #tpu.memory_space<hbm>>
    %dma_wait3A_30 = arith.constant 0 : i32
    %dma_wait3A_31 = arith.constant 0 : i32
    %dma_wait3A_32 = tpu.memref_slice %arg4[%dma_wait3A, %dma_wait3A_30, %dma_wait3A_31] : memref<2x128x128xf32, #tpu.memory_space<vmem>> -> memref<1x128x128xf32, #tpu.memory_space<vmem>>
    %dma_wait3A_33 = tpu.memref_squeeze %dma_wait3A_32 : memref<1x128x128xf32, #tpu.memory_space<vmem>> -> memref<128x128xf32, #tpu.memory_space<vmem>>
    %dma_wait3A_34 = arith.constant 0 : i32
    %dma_wait3A_35 = arith.constant 0 : i32
    %dma_wait3A_36 = tpu.memref_slice %arg2[%add3A_4, %dma_wait3A_34, %dma_wait3A_35] : memref<128x512x512xf32, #tpu.memory_space<hbm>> -> memref<1x128x128xf32, #tpu.memory_space<hbm>>
    %dma_wait3A_37 = tpu.memref_squeeze %dma_wait3A_36 : memref<1x128x128xf32, #tpu.memory_space<hbm>> -> memref<128x128xf32, #tpu.memory_space<hbm>>
    tpu.wait_dma2 semaphore(%arg6 : memref<!tpu.dma_semaphore, #tpu.memory_space<semaphore_mem>>) src(%dma_wait3A_37 : memref<128x128xf32, #tpu.memory_space<hbm>>) dst(%dma_wait3A_33 : memref<128x128xf32, #tpu.memory_space<vmem>>)
    %mul3A_38 = arith.constant 4 : i32
    %mul3A_39 = arith.muli %add3A, %mul3A_38 : i32
    %add3A_40 = arith.constant 0 : i32
    %add3A_41 = arith.addi %mul3A_39, %add3A_40 : i32
    %dma_start3A_42 = arith.constant 1 : i32
    %dma_start3A_43 = arith.constant 0 : i32
    %dma_start3A_44 = arith.constant 0 : i32
    %dma_start3A_45 = tpu.memref_slice %arg4[%dma_start3A_42, %dma_start3A_43, %dma_start3A_44] : memref<2x128x128xf32, #tpu.memory_space<vmem>> -> memref<1x128x128xf32, #tpu.memory_space<vmem>>
    %dma_start3A_46 = tpu.memref_squeeze %dma_start3A_45 : memref<1x128x128xf32, #tpu.memory_space<vmem>> -> memref<128x128xf32, #tpu.memory_space<vmem>>
    %dma_start3A_47 = arith.constant 128 : i32
    %dma_start3A_48 = arith.constant 128 : i32
    %dma_start3A_49 = tpu.memref_slice %arg2[%add3A_41, %dma_start3A_47, %dma_start3A_48] : memref<128x512x512xf32, #tpu.memory_space<hbm>> -> memref<1x128x128xf32, #tpu.memory_space<hbm>>
    %dma_start3A_50 = tpu.memref_squeeze %dma_start3A_49 : memref<1x128x128xf32, #tpu.memory_space<hbm>> -> memref<128x128xf32, #tpu.memory_space<hbm>>
    %dma_start3A_51 = arith.constant 0 : i32
    %dma_start3A_52 = arith.constant 0 : i32
    %dma_start3A_53 = tpu.memref_slice %arg4[%dma_start3A_42, %dma_start3A_51, %dma_start3A_52] : memref<2x128x128xf32, #tpu.memory_space<vmem>> -> memref<1x128x128xf32, #tpu.memory_space<vmem>>
    %dma_start3A_54 = tpu.memref_squeeze %dma_start3A_53 : memref<1x128x128xf32, #tpu.memory_space<vmem>> -> memref<128x128xf32, #tpu.memory_space<vmem>>
    %dma_start3A_55 = arith.constant 128 : i32
    %dma_start3A_56 = arith.constant 128 : i32
    %dma_start3A_57 = tpu.memref_slice %arg2[%add3A_41, %dma_start3A_55, %dma_start3A_56] : memref<128x512x512xf32, #tpu.memory_space<hbm>> -> memref<1x128x128xf32, #tpu.memory_space<hbm>>
    %dma_start3A_58 = tpu.memref_squeeze %dma_start3A_57 : memref<1x128x128xf32, #tpu.memory_space<hbm>> -> memref<128x128xf32, #tpu.memory_space<hbm>>
    tpu.enqueue_dma source(%dma_start3A_58 : memref<128x128xf32, #tpu.memory_space<hbm>>) target(%dma_start3A_54 : memref<128x128xf32, #tpu.memory_space<vmem>>) target_semaphore(%arg7 : memref<!tpu.dma_semaphore, #tpu.memory_space<semaphore_mem>>)
    %scan3A = arith.constant 0xFF800000 : f32
    %scan3A_59 = arith.constant 0 : i32
    %scan3A_60 = arith.constant 16 : i32
    %scan3A_61 = arith.addi %scan3A_59, %scan3A_60 : i32
    %scan3A_62 = arith.constant 1 : i32
    %scan3A_63 = scf.for %scan3A_1534 = %scan3A_59 to %scan3A_61 step %scan3A_62 iter_args(%scan3A_1535 = %broadcast_in_dim3A_21) -> (vector<16xf32>)  : i32 {
      %add3A_1536 = arith.constant 0 : i32
      %add3A_1537 = arith.addi %add3A_1536, %scan3A_1534 : i32
      %get3A = arith.constant 0 : i32
      %get3A_1538 = arith.index_cast %get3A : i32 to index
      %get3A_1539 = arith.index_cast %add3A_1537 : i32 to index
      %get3A_1540 = arith.constant 0 : index
      %get3A_1541 = tpu.vector_load %arg4[%get3A_1538, %get3A_1539, %get3A_1540] {strides = array<i32>} : memref<2x128x128xf32, #tpu.memory_space<vmem>>, vector<1x1x16xf32>,
      %get3A_1542 = vector.shape_cast %get3A_1541 : vector<1x1x16xf32> to vector<16xf32>
      %eq3A = vector.broadcast %scan3A_1534 : i32 to vector<16xi32>
      %eq3A_1543 = arith.cmpi eq, %iota3A, %eq3A : vector<16xi32>
      %broadcast_in_dim3A_1544 = vector.broadcast %scan3A : f32 to vector<16xf32>
      %select_n3A = arith.select %eq3A_1543, %get3A_1542, %broadcast_in_dim3A_1544 : vector<16xi1>, vector<16xf32>
      %max3A = arith.maximumf %scan3A_1535, %select_n3A : vector<16xf32>
      scf.yield %max3A : vector<16xf32>
    }
    %scan3A_64 = arith.constant 16 : i32
    %scan3A_65 = arith.constant 0xFF800000 : f32
    %scan3A_66 = arith.constant 0 : i32
    %scan3A_67 = arith.constant 16 : i32
    %scan3A_68 = arith.addi %scan3A_66, %scan3A_67 : i32
    %scan3A_69 = arith.constant 1 : i32
    %scan3A_70 = scf.for %scan3A_1534 = %scan3A_66 to %scan3A_68 step %scan3A_69 iter_args(%scan3A_1535 = %scan3A_63) -> (vector<16xf32>)  : i32 {
      %add3A_1536 = arith.constant 16 : i32
      %add3A_1537 = arith.addi %add3A_1536, %scan3A_1534 : i32
      %get3A = arith.constant 0 : i32
      %get3A_1538 = arith.index_cast %get3A : i32 to index
      %get3A_1539 = arith.index_cast %add3A_1537 : i32 to index
      %get3A_1540 = arith.constant 16 : index
      %get3A_1541 = tpu.vector_load %arg4[%get3A_1538, %get3A_1539, %get3A_1540] {strides = array<i32>} : memref<2x128x128xf32, #tpu.memory_space<vmem>>, vector<1x1x16xf32>,
      %get3A_1542 = vector.shape_cast %get3A_1541 : vector<1x1x16xf32> to vector<16xf32>
      %eq3A = vector.broadcast %scan3A_1534 : i32 to vector<16xi32>
      %eq3A_1543 = arith.cmpi eq, %iota3A, %eq3A : vector<16xi32>
      %broadcast_in_dim3A_1544 = vector.broadcast %scan3A_65 : f32 to vector<16xf32>
      %select_n3A = arith.select %eq3A_1543, %get3A_1542, %broadcast_in_dim3A_1544 : vector<16xi1>, vector<16xf32>
      %max3A = arith.maximumf %scan3A_1535, %select_n3A : vector<16xf32>
      scf.yield %max3A : vector<16xf32>
    }
    %scan3A_71 = arith.constant 16 : i32
    %scan3A_72 = arith.constant 0xFF800000 : f32
    %scan3A_73 = arith.constant 0 : i32
    %scan3A_74 = arith.constant 16 : i32
    %scan3A_75 = arith.addi %scan3A_73, %scan3A_74 : i32
    %scan3A_76 = arith.constant 1 : i32
    %scan3A_77 = scf.for %scan3A_1534 = %scan3A_73 to %scan3A_75 step %scan3A_76 iter_args(%scan3A_1535 = %scan3A_70) -> (vector<16xf32>)  : i32 {
      %add3A_1536 = arith.constant 32 : i32
      %add3A_1537 = arith.addi %add3A_1536, %scan3A_1534 : i32
      %get3A = arith.constant 0 : i32
      %get3A_1538 = arith.index_cast %get3A : i32 to index
      %get3A_1539 = arith.index_cast %add3A_1537 : i32 to index
      %get3A_1540 = arith.constant 32 : index
      %get3A_1541 = tpu.vector_load %arg4[%get3A_1538, %get3A_1539, %get3A_1540] {strides = array<i32>} : memref<2x128x128xf32, #tpu.memory_space<vmem>>, vector<1x1x16xf32>,
      %get3A_1542 = vector.shape_cast %get3A_1541 : vector<1x1x16xf32> to vector<16xf32>
      %eq3A = vector.broadcast %scan3A_1534 : i32 to vector<16xi32>
      %eq3A_1543 = arith.cmpi eq, %iota3A, %eq3A : vector<16xi32>
      %broadcast_in_dim3A_1544 = vector.broadcast %scan3A_72 : f32 to vector<16xf32>
      %select_n3A = arith.select %eq3A_1543, %get3A_1542, %broadcast_in_dim3A_1544 : vector<16xi1>, vector<16xf32>
      %max3A = arith.maximumf %scan3A_1535, %select_n3A : vector<16xf32>
      scf.yield %max3A : vector<16xf32>
    }
    %scan3A_78 = arith.constant 16 : i32
    %scan3A_79 = arith.constant 0xFF800000 : f32
    %scan3A_80 = arith.constant 0 : i32
    %scan3A_81 = arith.constant 16 : i32
    %scan3A_82 = arith.addi %scan3A_80, %scan3A_81 : i32
    %scan3A_83 = arith.constant 1 : i32
    %scan3A_84 = scf.for %scan3A_1534 = %scan3A_80 to %scan3A_82 step %scan3A_83 iter_args(%scan3A_1535 = %scan3A_77) -> (vector<16xf32>)  : i32 {
      %add3A_1536 = arith.constant 48 : i32
      %add3A_1537 = arith.addi %add3A_1536, %scan3A_1534 : i32
      %get3A = arith.constant 0 : i32
      %get3A_1538 = arith.index_cast %get3A : i32 to index
      %get3A_1539 = arith.index_cast %add3A_1537 : i32 to index
      %get3A_1540 = arith.constant 48 : index
      %get3A_1541 = tpu.vector_load %arg4[%get3A_1538, %get3A_1539, %get3A_1540] {strides = array<i32>} : memref<2x128x128xf32, #tpu.memory_space<vmem>>, vector<1x1x16xf32>,
      %get3A_1542 = vector.shape_cast %get3A_1541 : vector<1x1x16xf32> to vector<16xf32>
      %eq3A = vector.broadcast %scan3A_1534 : i32 to vector<16xi32>
      %eq3A_1543 = arith.cmpi eq, %iota3A, %eq3A : vector<16xi32>
      %broadcast_in_dim3A_1544 = vector.broadcast %scan3A_79 : f32 to vector<16xf32>
      %select_n3A = arith.select %eq3A_1543, %get3A_1542, %broadcast_in_dim3A_1544 : vector<16xi1>, vector<16xf32>
      %max3A = arith.maximumf %scan3A_1535, %select_n3A : vector<16xf32>
      scf.yield %max3A : vector<16xf32>
    }
    %scan3A_85 = arith.constant 16 : i32
    %scan3A_86 = arith.constant 0xFF800000 : f32
    %scan3A_87 = arith.constant 0 : i32
    %scan3A_88 = arith.constant 16 : i32
    %scan3A_89 = arith.addi %scan3A_87, %scan3A_88 : i32
    %scan3A_90 = arith.constant 1 : i32
    %scan3A_91 = scf.for %scan3A_1534 = %scan3A_87 to %scan3A_89 step %scan3A_90 iter_args(%scan3A_1535 = %scan3A_84) -> (vector<16xf32>)  : i32 {
      %add3A_1536 = arith.constant 64 : i32
      %add3A_1537 = arith.addi %add3A_1536, %scan3A_1534 : i32
      %get3A = arith.constant 0 : i32
      %get3A_1538 = arith.index_cast %get3A : i32 to index
      %get3A_1539 = arith.index_cast %add3A_1537 : i32 to index
      %get3A_1540 = arith.constant 64 : index
      %get3A_1541 = tpu.vector_load %arg4[%get3A_1538, %get3A_1539, %get3A_1540] {strides = array<i32>} : memref<2x128x128xf32, #tpu.memory_space<vmem>>, vector<1x1x16xf32>,
      %get3A_1542 = vector.shape_cast %get3A_1541 : vector<1x1x16xf32> to vector<16xf32>
      %eq3A = vector.broadcast %scan3A_1534 : i32 to vector<16xi32>
      %eq3A_1543 = arith.cmpi eq, %iota3A, %eq3A : vector<16xi32>
      %broadcast_in_dim3A_1544 = vector.broadcast %scan3A_86 : f32 to vector<16xf32>
      %select_n3A = arith.select %eq3A_1543, %get3A_1542, %broadcast_in_dim3A_1544 : vector<16xi1>, vector<16xf32>
      %max3A = arith.maximumf %scan3A_1535, %select_n3A : vector<16xf32>
      scf.yield %max3A : vector<16xf32>
    }
    %scan3A_92 = arith.constant 16 : i32
    %scan3A_93 = arith.constant 0xFF800000 : f32
    %scan3A_94 = arith.constant 0 : i32
    %scan3A_95 = arith.constant 16 : i32
    %scan3A_96 = arith.addi %scan3A_94, %scan3A_95 : i32
    %scan3A_97 = arith.constant 1 : i32
    %scan3A_98 = scf.for %scan3A_1534 = %scan3A_94 to %scan3A_96 step %scan3A_97 iter_args(%scan3A_1535 = %scan3A_91) -> (vector<16xf32>)  : i32 {
      %add3A_1536 = arith.constant 80 : i32
      %add3A_1537 = arith.addi %add3A_1536, %scan3A_1534 : i32
      %get3A = arith.constant 0 : i32
      %get3A_1538 = arith.index_cast %get3A : i32 to index
      %get3A_1539 = arith.index_cast %add3A_1537 : i32 to index
      %get3A_1540 = arith.constant 80 : index
      %get3A_1541 = tpu.vector_load %arg4[%get3A_1538, %get3A_1539, %get3A_1540] {strides = array<i32>} : memref<2x128x128xf32, #tpu.memory_space<vmem>>, vector<1x1x16xf32>,
      %get3A_1542 = vector.shape_cast %get3A_1541 : vector<1x1x16xf32> to vector<16xf32>
      %eq3A = vector.broadcast %scan3A_1534 : i32 to vector<16xi32>
      %eq3A_1543 = arith.cmpi eq, %iota3A, %eq3A : vector<16xi32>
      %broadcast_in_dim3A_1544 = vector.broadcast %scan3A_93 : f32 to vector<16xf32>
      %select_n3A = arith.select %eq3A_1543, %get3A_1542, %broadcast_in_dim3A_1544 : vector<16xi1>, vector<16xf32>
      %max3A = arith.maximumf %scan3A_1535, %select_n3A : vector<16xf32>
      scf.yield %max3A : vector<16xf32>
    }
    %scan3A_99 = arith.constant 16 : i32
    %scan3A_100 = arith.constant 0xFF800000 : f32
    %scan3A_101 = arith.constant 0 : i32
    %scan3A_102 = arith.constant 16 : i32
    %scan3A_103 = arith.addi %scan3A_101, %scan3A_102 : i32
    %scan3A_104 = arith.constant 1 : i32
    %scan3A_105 = scf.for %scan3A_1534 = %scan3A_101 to %scan3A_103 step %scan3A_104 iter_args(%scan3A_1535 = %scan3A_98) -> (vector<16xf32>)  : i32 {
      %add3A_1536 = arith.constant 96 : i32
      %add3A_1537 = arith.addi %add3A_1536, %scan3A_1534 : i32
      %get3A = arith.constant 0 : i32
      %get3A_1538 = arith.index_cast %get3A : i32 to index
      %get3A_1539 = arith.index_cast %add3A_1537 : i32 to index
      %get3A_1540 = arith.constant 96 : index
      %get3A_1541 = tpu.vector_load %arg4[%get3A_1538, %get3A_1539, %get3A_1540] {strides = array<i32>} : memref<2x128x128xf32, #tpu.memory_space<vmem>>, vector<1x1x16xf32>,
      %get3A_1542 = vector.shape_cast %get3A_1541 : vector<1x1x16xf32> to vector<16xf32>
      %eq3A = vector.broadcast %scan3A_1534 : i32 to vector<16xi32>
      %eq3A_1543 = arith.cmpi eq, %iota3A, %eq3A : vector<16xi32>
      %broadcast_in_dim3A_1544 = vector.broadcast %scan3A_100 : f32 to vector<16xf32>
      %select_n3A = arith.select %eq3A_1543, %get3A_1542, %broadcast_in_dim3A_1544 : vector<16xi1>, vector<16xf32>
      %max3A = arith.maximumf %scan3A_1535, %select_n3A : vector<16xf32>
      scf.yield %max3A : vector<16xf32>
    }
    %scan3A_106 = arith.constant 16 : i32
    %scan3A_107 = arith.constant 0xFF800000 : f32
    %scan3A_108 = arith.constant 0 : i32
    %scan3A_109 = arith.constant 16 : i32
    %scan3A_110 = arith.addi %scan3A_108, %scan3A_109 : i32
    %scan3A_111 = arith.constant 1 : i32
    %scan3A_112 = scf.for %scan3A_1534 = %scan3A_108 to %scan3A_110 step %scan3A_111 iter_args(%scan3A_1535 = %scan3A_105) -> (vector<16xf32>)  : i32 {
      %add3A_1536 = arith.constant 112 : i32
      %add3A_1537 = arith.addi %add3A_1536, %scan3A_1534 : i32
      %get3A = arith.constant 0 : i32
      %get3A_1538 = arith.index_cast %get3A : i32 to index
      %get3A_1539 = arith.index_cast %add3A_1537 : i32 to index
      %get3A_1540 = arith.constant 112 : index
      %get3A_1541 = tpu.vector_load %arg4[%get3A_1538, %get3A_1539, %get3A_1540] {strides = array<i32>} : memref<2x128x128xf32, #tpu.memory_space<vmem>>, vector<1x1x16xf32>,
      %get3A_1542 = vector.shape_cast %get3A_1541 : vector<1x1x16xf32> to vector<16xf32>
      %eq3A = vector.broadcast %scan3A_1534 : i32 to vector<16xi32>
      %eq3A_1543 = arith.cmpi eq, %iota3A, %eq3A : vector<16xi32>
      %broadcast_in_dim3A_1544 = vector.broadcast %scan3A_107 : f32 to vector<16xf32>
      %select_n3A = arith.select %eq3A_1543, %get3A_1542, %broadcast_in_dim3A_1544 : vector<16xi1>, vector<16xf32>
      %max3A = arith.maximumf %scan3A_1535, %select_n3A : vector<16xf32>
      scf.yield %max3A : vector<16xf32>
    }
    %scan3A_113 = arith.constant 16 : i32
    %dma_wait3A_114 = arith.constant 1 : i32
    %dma_wait3A_115 = arith.constant 0 : i32
    %dma_wait3A_116 = arith.constant 0 : i32
    %dma_wait3A_117 = tpu.memref_slice %arg4[%dma_wait3A_114, %dma_wait3A_115, %dma_wait3A_116] : memref<2x128x128xf32, #tpu.memory_space<vmem>> -> memref<1x128x128xf32, #tpu.memory_space<vmem>>
    %dma_wait3A_118 = tpu.memref_squeeze %dma_wait3A_117 : memref<1x128x128xf32, #tpu.memory_space<vmem>> -> memref<128x128xf32, #tpu.memory_space<vmem>>
    %dma_wait3A_119 = arith.constant 128 : i32
    %dma_wait3A_120 = arith.constant 128 : i32
    %dma_wait3A_121 = tpu.memref_slice %arg2[%add3A_41, %dma_wait3A_119, %dma_wait3A_120] : memref<128x512x512xf32, #tpu.memory_space<hbm>> -> memref<1x128x128xf32, #tpu.memory_space<hbm>>
    %dma_wait3A_122 = tpu.memref_squeeze %dma_wait3A_121 : memref<1x128x128xf32, #tpu.memory_space<hbm>> -> memref<128x128xf32, #tpu.memory_space<hbm>>
    %dma_wait3A_123 = arith.constant 0 : i32
    %dma_wait3A_124 = arith.constant 0 : i32
    %dma_wait3A_125 = tpu.memref_slice %arg4[%dma_wait3A_114, %dma_wait3A_123, %dma_wait3A_124] : memref<2x128x128xf32, #tpu.memory_space<vmem>> -> memref<1x128x128xf32, #tpu.memory_space<vmem>>
    %dma_wait3A_126 = tpu.memref_squeeze %dma_wait3A_125 : memref<1x128x128xf32, #tpu.memory_space<vmem>> -> memref<128x128xf32, #tpu.memory_space<vmem>>
    %dma_wait3A_127 = arith.constant 128 : i32
    %dma_wait3A_128 = arith.constant 128 : i32
    %dma_wait3A_129 = tpu.memref_slice %arg2[%add3A_41, %dma_wait3A_127, %dma_wait3A_128] : memref<128x512x512xf32, #tpu.memory_space<hbm>> -> memref<1x128x128xf32, #tpu.memory_space<hbm>>
    %dma_wait3A_130 = tpu.memref_squeeze %dma_wait3A_129 : memref<1x128x128xf32, #tpu.memory_space<hbm>> -> memref<128x128xf32, #tpu.memory_space<hbm>>
    tpu.wait_dma2 semaphore(%arg7 : memref<!tpu.dma_semaphore, #tpu.memory_space<semaphore_mem>>) src(%dma_wait3A_130 : memref<128x128xf32, #tpu.memory_space<hbm>>) dst(%dma_wait3A_126 : memref<128x128xf32, #tpu.memory_space<vmem>>)
    %mul3A_131 = arith.constant 4 : i32
    %mul3A_132 = arith.muli %add3A, %mul3A_131 : i32
    %add3A_133 = arith.constant 0 : i32
    %add3A_134 = arith.addi %mul3A_132, %add3A_133 : i32
    %dma_start3A_135 = arith.constant 0 : i32
    %dma_start3A_136 = arith.constant 0 : i32
    %dma_start3A_137 = arith.constant 0 : i32
    %dma_start3A_138 = tpu.memref_slice %arg4[%dma_start3A_135, %dma_start3A_136, %dma_start3A_137] : memref<2x128x128xf32, #tpu.memory_space<vmem>> -> memref<1x128x128xf32, #tpu.memory_space<vmem>>
    %dma_start3A_139 = tpu.memref_squeeze %dma_start3A_138 : memref<1x128x128xf32, #tpu.memory_space<vmem>> -> memref<128x128xf32, #tpu.memory_space<vmem>>
    %dma_start3A_140 = arith.constant 256 : i32
    %dma_start3A_141 = arith.constant 256 : i32
    %dma_start3A_142 = tpu.memref_slice %arg2[%add3A_134, %dma_start3A_140, %dma_start3A_141] : memref<128x512x512xf32, #tpu.memory_space<hbm>> -> memref<1x128x128xf32, #tpu.memory_space<hbm>>
    %dma_start3A_143 = tpu.memref_squeeze %dma_start3A_142 : memref<1x128x128xf32, #tpu.memory_space<hbm>> -> memref<128x128xf32, #tpu.memory_space<hbm>>
    %dma_start3A_144 = arith.constant 0 : i32
    %dma_start3A_145 = arith.constant 0 : i32
    %dma_start3A_146 = tpu.memref_slice %arg4[%dma_start3A_135, %dma_start3A_144, %dma_start3A_145] : memref<2x128x128xf32, #tpu.memory_space<vmem>> -> memref<1x128x128xf32, #tpu.memory_space<vmem>>
    %dma_start3A_147 = tpu.memref_squeeze %dma_start3A_146 : memref<1x128x128xf32, #tpu.memory_space<vmem>> -> memref<128x128xf32, #tpu.memory_space<vmem>>
    %dma_start3A_148 = arith.constant 256 : i32
    %dma_start3A_149 = arith.constant 256 : i32
    %dma_start3A_150 = tpu.memref_slice %arg2[%add3A_134, %dma_start3A_148, %dma_start3A_149] : memref<128x512x512xf32, #tpu.memory_space<hbm>> -> memref<1x128x128xf32, #tpu.memory_space<hbm>>
    %dma_start3A_151 = tpu.memref_squeeze %dma_start3A_150 : memref<1x128x128xf32, #tpu.memory_space<hbm>> -> memref<128x128xf32, #tpu.memory_space<hbm>>
    tpu.enqueue_dma source(%dma_start3A_151 : memref<128x128xf32, #tpu.memory_space<hbm>>) target(%dma_start3A_147 : memref<128x128xf32, #tpu.memory_space<vmem>>) target_semaphore(%arg6 : memref<!tpu.dma_semaphore, #tpu.memory_space<semaphore_mem>>)
    %scan3A_152 = arith.constant 0xFF800000 : f32
    %scan3A_153 = arith.constant 0 : i32
    %scan3A_154 = arith.constant 16 : i32
    %scan3A_155 = arith.addi %scan3A_153, %scan3A_154 : i32
    %scan3A_156 = arith.constant 1 : i32
    %scan3A_157 = scf.for %scan3A_1534 = %scan3A_153 to %scan3A_155 step %scan3A_156 iter_args(%scan3A_1535 = %scan3A_112) -> (vector<16xf32>)  : i32 {
      %add3A_1536 = arith.constant 0 : i32
      %add3A_1537 = arith.addi %add3A_1536, %scan3A_1534 : i32
      %get3A = arith.constant 1 : i32
      %get3A_1538 = arith.index_cast %get3A : i32 to index
      %get3A_1539 = arith.index_cast %add3A_1537 : i32 to index
      %get3A_1540 = arith.constant 0 : index
      %get3A_1541 = tpu.vector_load %arg4[%get3A_1538, %get3A_1539, %get3A_1540] {strides = array<i32>} : memref<2x128x128xf32, #tpu.memory_space<vmem>>, vector<1x1x16xf32>,
      %get3A_1542 = vector.shape_cast %get3A_1541 : vector<1x1x16xf32> to vector<16xf32>
      %eq3A = vector.broadcast %scan3A_1534 : i32 to vector<16xi32>
      %eq3A_1543 = arith.cmpi eq, %iota3A, %eq3A : vector<16xi32>
      %broadcast_in_dim3A_1544 = vector.broadcast %scan3A_152 : f32 to vector<16xf32>
      %select_n3A = arith.select %eq3A_1543, %get3A_1542, %broadcast_in_dim3A_1544 : vector<16xi1>, vector<16xf32>
      %max3A = arith.maximumf %scan3A_1535, %select_n3A : vector<16xf32>
      scf.yield %max3A : vector<16xf32>
    }
    %scan3A_158 = arith.constant 16 : i32
    %scan3A_159 = arith.constant 0xFF800000 : f32
    %scan3A_160 = arith.constant 0 : i32
    %scan3A_161 = arith.constant 16 : i32
    %scan3A_162 = arith.addi %scan3A_160, %scan3A_161 : i32
    %scan3A_163 = arith.constant 1 : i32
    %scan3A_164 = scf.for %scan3A_1534 = %scan3A_160 to %scan3A_162 step %scan3A_163 iter_args(%scan3A_1535 = %scan3A_157) -> (vector<16xf32>)  : i32 {
      %add3A_1536 = arith.constant 16 : i32
      %add3A_1537 = arith.addi %add3A_1536, %scan3A_1534 : i32
      %get3A = arith.constant 1 : i32
      %get3A_1538 = arith.index_cast %get3A : i32 to index
      %get3A_1539 = arith.index_cast %add3A_1537 : i32 to index
      %get3A_1540 = arith.constant 16 : index
      %get3A_1541 = tpu.vector_load %arg4[%get3A_1538, %get3A_1539, %get3A_1540] {strides = array<i32>} : memref<2x128x128xf32, #tpu.memory_space<vmem>>, vector<1x1x16xf32>,
      %get3A_1542 = vector.shape_cast %get3A_1541 : vector<1x1x16xf32> to vector<16xf32>
      %eq3A = vector.broadcast %scan3A_1534 : i32 to vector<16xi32>
      %eq3A_1543 = arith.cmpi eq, %iota3A, %eq3A : vector<16xi32>
      %broadcast_in_dim3A_1544 = vector.broadcast %scan3A_159 : f32 to vector<16xf32>
      %select_n3A = arith.select %eq3A_1543, %get3A_1542, %broadcast_in_dim3A_1544 : vector<16xi1>, vector<16xf32>
      %max3A = arith.maximumf %scan3A_1535, %select_n3A : vector<16xf32>
      scf.yield %max3A : vector<16xf32>
    }
    %scan3A_165 = arith.constant 16 : i32
    %scan3A_166 = arith.constant 0xFF800000 : f32
    %scan3A_167 = arith.constant 0 : i32
    %scan3A_168 = arith.constant 16 : i32
    %scan3A_169 = arith.addi %scan3A_167, %scan3A_168 : i32
    %scan3A_170 = arith.constant 1 : i32
    %scan3A_171 = scf.for %scan3A_1534 = %scan3A_167 to %scan3A_169 step %scan3A_170 iter_args(%scan3A_1535 = %scan3A_164) -> (vector<16xf32>)  : i32 {
      %add3A_1536 = arith.constant 32 : i32
      %add3A_1537 = arith.addi %add3A_1536, %scan3A_1534 : i32
      %get3A = arith.constant 1 : i32
      %get3A_1538 = arith.index_cast %get3A : i32 to index
      %get3A_1539 = arith.index_cast %add3A_1537 : i32 to index
      %get3A_1540 = arith.constant 32 : index
      %get3A_1541 = tpu.vector_load %arg4[%get3A_1538, %get3A_1539, %get3A_1540] {strides = array<i32>} : memref<2x128x128xf32, #tpu.memory_space<vmem>>, vector<1x1x16xf32>,
      %get3A_1542 = vector.shape_cast %get3A_1541 : vector<1x1x16xf32> to vector<16xf32>
      %eq3A = vector.broadcast %scan3A_1534 : i32 to vector<16xi32>
      %eq3A_1543 = arith.cmpi eq, %iota3A, %eq3A : vector<16xi32>
      %broadcast_in_dim3A_1544 = vector.broadcast %scan3A_166 : f32 to vector<16xf32>
      %select_n3A = arith.select %eq3A_1543, %get3A_1542, %broadcast_in_dim3A_1544 : vector<16xi1>, vector<16xf32>
      %max3A = arith.maximumf %scan3A_1535, %select_n3A : vector<16xf32>
      scf.yield %max3A : vector<16xf32>
    }
    %scan3A_172 = arith.constant 16 : i32
    %scan3A_173 = arith.constant 0xFF800000 : f32
    %scan3A_174 = arith.constant 0 : i32
    %scan3A_175 = arith.constant 16 : i32
    %scan3A_176 = arith.addi %scan3A_174, %scan3A_175 : i32
    %scan3A_177 = arith.constant 1 : i32
    %scan3A_178 = scf.for %scan3A_1534 = %scan3A_174 to %scan3A_176 step %scan3A_177 iter_args(%scan3A_1535 = %scan3A_171) -> (vector<16xf32>)  : i32 {
      %add3A_1536 = arith.constant 48 : i32
      %add3A_1537 = arith.addi %add3A_1536, %scan3A_1534 : i32
      %get3A = arith.constant 1 : i32
      %get3A_1538 = arith.index_cast %get3A : i32 to index
      %get3A_1539 = arith.index_cast %add3A_1537 : i32 to index
      %get3A_1540 = arith.constant 48 : index
      %get3A_1541 = tpu.vector_load %arg4[%get3A_1538, %get3A_1539, %get3A_1540] {strides = array<i32>} : memref<2x128x128xf32, #tpu.memory_space<vmem>>, vector<1x1x16xf32>,
      %get3A_1542 = vector.shape_cast %get3A_1541 : vector<1x1x16xf32> to vector<16xf32>
      %eq3A = vector.broadcast %scan3A_1534 : i32 to vector<16xi32>
      %eq3A_1543 = arith.cmpi eq, %iota3A, %eq3A : vector<16xi32>
      %broadcast_in_dim3A_1544 = vector.broadcast %scan3A_173 : f32 to vector<16xf32>
      %select_n3A = arith.select %eq3A_1543, %get3A_1542, %broadcast_in_dim3A_1544 : vector<16xi1>, vector<16xf32>
      %max3A = arith.maximumf %scan3A_1535, %select_n3A : vector<16xf32>
      scf.yield %max3A : vector<16xf32>
    }
    %scan3A_179 = arith.constant 16 : i32
    %scan3A_180 = arith.constant 0xFF800000 : f32
    %scan3A_181 = arith.constant 0 : i32
    %scan3A_182 = arith.constant 16 : i32
    %scan3A_183 = arith.addi %scan3A_181, %scan3A_182 : i32
    %scan3A_184 = arith.constant 1 : i32
    %scan3A_185 = scf.for %scan3A_1534 = %scan3A_181 to %scan3A_183 step %scan3A_184 iter_args(%scan3A_1535 = %scan3A_178) -> (vector<16xf32>)  : i32 {
      %add3A_1536 = arith.constant 64 : i32
      %add3A_1537 = arith.addi %add3A_1536, %scan3A_1534 : i32
      %get3A = arith.constant 1 : i32
      %get3A_1538 = arith.index_cast %get3A : i32 to index
      %get3A_1539 = arith.index_cast %add3A_1537 : i32 to index
      %get3A_1540 = arith.constant 64 : index
      %get3A_1541 = tpu.vector_load %arg4[%get3A_1538, %get3A_1539, %get3A_1540] {strides = array<i32>} : memref<2x128x128xf32, #tpu.memory_space<vmem>>, vector<1x1x16xf32>,
      %get3A_1542 = vector.shape_cast %get3A_1541 : vector<1x1x16xf32> to vector<16xf32>
      %eq3A = vector.broadcast %scan3A_1534 : i32 to vector<16xi32>
      %eq3A_1543 = arith.cmpi eq, %iota3A, %eq3A : vector<16xi32>
      %broadcast_in_dim3A_1544 = vector.broadcast %scan3A_180 : f32 to vector<16xf32>
      %select_n3A = arith.select %eq3A_1543, %get3A_1542, %broadcast_in_dim3A_1544 : vector<16xi1>, vector<16xf32>
      %max3A = arith.maximumf %scan3A_1535, %select_n3A : vector<16xf32>
      scf.yield %max3A : vector<16xf32>
    }
    %scan3A_186 = arith.constant 16 : i32
    %scan3A_187 = arith.constant 0xFF800000 : f32
    %scan3A_188 = arith.constant 0 : i32
    %scan3A_189 = arith.constant 16 : i32
    %scan3A_190 = arith.addi %scan3A_188, %scan3A_189 : i32
    %scan3A_191 = arith.constant 1 : i32
    %scan3A_192 = scf.for %scan3A_1534 = %scan3A_188 to %scan3A_190 step %scan3A_191 iter_args(%scan3A_1535 = %scan3A_185) -> (vector<16xf32>)  : i32 {
      %add3A_1536 = arith.constant 80 : i32
      %add3A_1537 = arith.addi %add3A_1536, %scan3A_1534 : i32
      %get3A = arith.constant 1 : i32
      %get3A_1538 = arith.index_cast %get3A : i32 to index
      %get3A_1539 = arith.index_cast %add3A_1537 : i32 to index
      %get3A_1540 = arith.constant 80 : index
      %get3A_1541 = tpu.vector_load %arg4[%get3A_1538, %get3A_1539, %get3A_1540] {strides = array<i32>} : memref<2x128x128xf32, #tpu.memory_space<vmem>>, vector<1x1x16xf32>,
      %get3A_1542 = vector.shape_cast %get3A_1541 : vector<1x1x16xf32> to vector<16xf32>
      %eq3A = vector.broadcast %scan3A_1534 : i32 to vector<16xi32>
      %eq3A_1543 = arith.cmpi eq, %iota3A, %eq3A : vector<16xi32>
      %broadcast_in_dim3A_1544 = vector.broadcast %scan3A_187 : f32 to vector<16xf32>
      %select_n3A = arith.select %eq3A_1543, %get3A_1542, %broadcast_in_dim3A_1544 : vector<16xi1>, vector<16xf32>
      %max3A = arith.maximumf %scan3A_1535, %select_n3A : vector<16xf32>
      scf.yield %max3A : vector<16xf32>
    }
    %scan3A_193 = arith.constant 16 : i32
    %scan3A_194 = arith.constant 0xFF800000 : f32
    %scan3A_195 = arith.constant 0 : i32
    %scan3A_196 = arith.constant 16 : i32
    %scan3A_197 = arith.addi %scan3A_195, %scan3A_196 : i32
    %scan3A_198 = arith.constant 1 : i32
    %scan3A_199 = scf.for %scan3A_1534 = %scan3A_195 to %scan3A_197 step %scan3A_198 iter_args(%scan3A_1535 = %scan3A_192) -> (vector<16xf32>)  : i32 {
      %add3A_1536 = arith.constant 96 : i32
      %add3A_1537 = arith.addi %add3A_1536, %scan3A_1534 : i32
      %get3A = arith.constant 1 : i32
      %get3A_1538 = arith.index_cast %get3A : i32 to index
      %get3A_1539 = arith.index_cast %add3A_1537 : i32 to index
      %get3A_1540 = arith.constant 96 : index
      %get3A_1541 = tpu.vector_load %arg4[%get3A_1538, %get3A_1539, %get3A_1540] {strides = array<i32>} : memref<2x128x128xf32, #tpu.memory_space<vmem>>, vector<1x1x16xf32>,
      %get3A_1542 = vector.shape_cast %get3A_1541 : vector<1x1x16xf32> to vector<16xf32>
      %eq3A = vector.broadcast %scan3A_1534 : i32 to vector<16xi32>
      %eq3A_1543 = arith.cmpi eq, %iota3A, %eq3A : vector<16xi32>
      %broadcast_in_dim3A_1544 = vector.broadcast %scan3A_194 : f32 to vector<16xf32>
      %select_n3A = arith.select %eq3A_1543, %get3A_1542, %broadcast_in_dim3A_1544 : vector<16xi1>, vector<16xf32>
      %max3A = arith.maximumf %scan3A_1535, %select_n3A : vector<16xf32>
      scf.yield %max3A : vector<16xf32>
    }
    %scan3A_200 = arith.constant 16 : i32
    %scan3A_201 = arith.constant 0xFF800000 : f32
    %scan3A_202 = arith.constant 0 : i32
    %scan3A_203 = arith.constant 16 : i32
    %scan3A_204 = arith.addi %scan3A_202, %scan3A_203 : i32
    %scan3A_205 = arith.constant 1 : i32
    %scan3A_206 = scf.for %scan3A_1534 = %scan3A_202 to %scan3A_204 step %scan3A_205 iter_args(%scan3A_1535 = %scan3A_199) -> (vector<16xf32>)  : i32 {
      %add3A_1536 = arith.constant 112 : i32
      %add3A_1537 = arith.addi %add3A_1536, %scan3A_1534 : i32
      %get3A = arith.constant 1 : i32
      %get3A_1538 = arith.index_cast %get3A : i32 to index
      %get3A_1539 = arith.index_cast %add3A_1537 : i32 to index
      %get3A_1540 = arith.constant 112 : index
      %get3A_1541 = tpu.vector_load %arg4[%get3A_1538, %get3A_1539, %get3A_1540] {strides = array<i32>} : memref<2x128x128xf32, #tpu.memory_space<vmem>>, vector<1x1x16xf32>,
      %get3A_1542 = vector.shape_cast %get3A_1541 : vector<1x1x16xf32> to vector<16xf32>
      %eq3A = vector.broadcast %scan3A_1534 : i32 to vector<16xi32>
      %eq3A_1543 = arith.cmpi eq, %iota3A, %eq3A : vector<16xi32>
      %broadcast_in_dim3A_1544 = vector.broadcast %scan3A_201 : f32 to vector<16xf32>
      %select_n3A = arith.select %eq3A_1543, %get3A_1542, %broadcast_in_dim3A_1544 : vector<16xi1>, vector<16xf32>
      %max3A = arith.maximumf %scan3A_1535, %select_n3A : vector<16xf32>
      scf.yield %max3A : vector<16xf32>
    }
    %scan3A_207 = arith.constant 16 : i32
    %dma_wait3A_208 = arith.constant 0 : i32
    %dma_wait3A_209 = arith.constant 0 : i32
    %dma_wait3A_210 = arith.constant 0 : i32
    %dma_wait3A_211 = tpu.memref_slice %arg4[%dma_wait3A_208, %dma_wait3A_209, %dma_wait3A_210] : memref<2x128x128xf32, #tpu.memory_space<vmem>> -> memref<1x128x128xf32, #tpu.memory_space<vmem>>
    %dma_wait3A_212 = tpu.memref_squeeze %dma_wait3A_211 : memref<1x128x128xf32, #tpu.memory_space<vmem>> -> memref<128x128xf32, #tpu.memory_space<vmem>>
    %dma_wait3A_213 = arith.constant 256 : i32
    %dma_wait3A_214 = arith.constant 256 : i32
    %dma_wait3A_215 = tpu.memref_slice %arg2[%add3A_134, %dma_wait3A_213, %dma_wait3A_214] : memref<128x512x512xf32, #tpu.memory_space<hbm>> -> memref<1x128x128xf32, #tpu.memory_space<hbm>>
    %dma_wait3A_216 = tpu.memref_squeeze %dma_wait3A_215 : memref<1x128x128xf32, #tpu.memory_space<hbm>> -> memref<128x128xf32, #tpu.memory_space<hbm>>
    %dma_wait3A_217 = arith.constant 0 : i32
    %dma_wait3A_218 = arith.constant 0 : i32
    %dma_wait3A_219 = tpu.memref_slice %arg4[%dma_wait3A_208, %dma_wait3A_217, %dma_wait3A_218] : memref<2x128x128xf32, #tpu.memory_space<vmem>> -> memref<1x128x128xf32, #tpu.memory_space<vmem>>
    %dma_wait3A_220 = tpu.memref_squeeze %dma_wait3A_219 : memref<1x128x128xf32, #tpu.memory_space<vmem>> -> memref<128x128xf32, #tpu.memory_space<vmem>>
    %dma_wait3A_221 = arith.constant 256 : i32
    %dma_wait3A_222 = arith.constant 256 : i32
    %dma_wait3A_223 = tpu.memref_slice %arg2[%add3A_134, %dma_wait3A_221, %dma_wait3A_222] : memref<128x512x512xf32, #tpu.memory_space<hbm>> -> memref<1x128x128xf32, #tpu.memory_space<hbm>>
    %dma_wait3A_224 = tpu.memref_squeeze %dma_wait3A_223 : memref<1x128x128xf32, #tpu.memory_space<hbm>> -> memref<128x128xf32, #tpu.memory_space<hbm>>
    tpu.wait_dma2 semaphore(%arg6 : memref<!tpu.dma_semaphore, #tpu.memory_space<semaphore_mem>>) src(%dma_wait3A_224 : memref<128x128xf32, #tpu.memory_space<hbm>>) dst(%dma_wait3A_220 : memref<128x128xf32, #tpu.memory_space<vmem>>)
    %mul3A_225 = arith.constant 4 : i32
    %mul3A_226 = arith.muli %add3A, %mul3A_225 : i32
    %add3A_227 = arith.constant 0 : i32
    %add3A_228 = arith.addi %mul3A_226, %add3A_227 : i32
    %dma_start3A_229 = arith.constant 1 : i32
    %dma_start3A_230 = arith.constant 0 : i32
    %dma_start3A_231 = arith.constant 0 : i32
    %dma_start3A_232 = tpu.memref_slice %arg4[%dma_start3A_229, %dma_start3A_230, %dma_start3A_231] : memref<2x128x128xf32, #tpu.memory_space<vmem>> -> memref<1x128x128xf32, #tpu.memory_space<vmem>>
    %dma_start3A_233 = tpu.memref_squeeze %dma_start3A_232 : memref<1x128x128xf32, #tpu.memory_space<vmem>> -> memref<128x128xf32, #tpu.memory_space<vmem>>
    %dma_start3A_234 = arith.constant 384 : i32
    %dma_start3A_235 = arith.constant 384 : i32
    %dma_start3A_236 = tpu.memref_slice %arg2[%add3A_228, %dma_start3A_234, %dma_start3A_235] : memref<128x512x512xf32, #tpu.memory_space<hbm>> -> memref<1x128x128xf32, #tpu.memory_space<hbm>>
    %dma_start3A_237 = tpu.memref_squeeze %dma_start3A_236 : memref<1x128x128xf32, #tpu.memory_space<hbm>> -> memref<128x128xf32, #tpu.memory_space<hbm>>
    %dma_start3A_238 = arith.constant 0 : i32
    %dma_start3A_239 = arith.constant 0 : i32
    %dma_start3A_240 = tpu.memref_slice %arg4[%dma_start3A_229, %dma_start3A_238, %dma_start3A_239] : memref<2x128x128xf32, #tpu.memory_space<vmem>> -> memref<1x128x128xf32, #tpu.memory_space<vmem>>
    %dma_start3A_241 = tpu.memref_squeeze %dma_start3A_240 : memref<1x128x128xf32, #tpu.memory_space<vmem>> -> memref<128x128xf32, #tpu.memory_space<vmem>>
    %dma_start3A_242 = arith.constant 384 : i32
    %dma_start3A_243 = arith.constant 384 : i32
    %dma_start3A_244 = tpu.memref_slice %arg2[%add3A_228, %dma_start3A_242, %dma_start3A_243] : memref<128x512x512xf32, #tpu.memory_space<hbm>> -> memref<1x128x128xf32, #tpu.memory_space<hbm>>
    %dma_start3A_245 = tpu.memref_squeeze %dma_start3A_244 : memref<1x128x128xf32, #tpu.memory_space<hbm>> -> memref<128x128xf32, #tpu.memory_space<hbm>>
    tpu.enqueue_dma source(%dma_start3A_245 : memref<128x128xf32, #tpu.memory_space<hbm>>) target(%dma_start3A_241 : memref<128x128xf32, #tpu.memory_space<vmem>>) target_semaphore(%arg7 : memref<!tpu.dma_semaphore, #tpu.memory_space<semaphore_mem>>)
    %scan3A_246 = arith.constant 0xFF800000 : f32
    %scan3A_247 = arith.constant 0 : i32
    %scan3A_248 = arith.constant 16 : i32
    %scan3A_249 = arith.addi %scan3A_247, %scan3A_248 : i32
    %scan3A_250 = arith.constant 1 : i32
    %scan3A_251 = scf.for %scan3A_1534 = %scan3A_247 to %scan3A_249 step %scan3A_250 iter_args(%scan3A_1535 = %scan3A_206) -> (vector<16xf32>)  : i32 {
      %add3A_1536 = arith.constant 0 : i32
      %add3A_1537 = arith.addi %add3A_1536, %scan3A_1534 : i32
      %get3A = arith.constant 0 : i32
      %get3A_1538 = arith.index_cast %get3A : i32 to index
      %get3A_1539 = arith.index_cast %add3A_1537 : i32 to index
      %get3A_1540 = arith.constant 0 : index
      %get3A_1541 = tpu.vector_load %arg4[%get3A_1538, %get3A_1539, %get3A_1540] {strides = array<i32>} : memref<2x128x128xf32, #tpu.memory_space<vmem>>, vector<1x1x16xf32>,
      %get3A_1542 = vector.shape_cast %get3A_1541 : vector<1x1x16xf32> to vector<16xf32>
      %eq3A = vector.broadcast %scan3A_1534 : i32 to vector<16xi32>
      %eq3A_1543 = arith.cmpi eq, %iota3A, %eq3A : vector<16xi32>
      %broadcast_in_dim3A_1544 = vector.broadcast %scan3A_246 : f32 to vector<16xf32>
      %select_n3A = arith.select %eq3A_1543, %get3A_1542, %broadcast_in_dim3A_1544 : vector<16xi1>, vector<16xf32>
      %max3A = arith.maximumf %scan3A_1535, %select_n3A : vector<16xf32>
      scf.yield %max3A : vector<16xf32>
    }
    %scan3A_252 = arith.constant 16 : i32
    %scan3A_253 = arith.constant 0xFF800000 : f32
    %scan3A_254 = arith.constant 0 : i32
    %scan3A_255 = arith.constant 16 : i32
    %scan3A_256 = arith.addi %scan3A_254, %scan3A_255 : i32
    %scan3A_257 = arith.constant 1 : i32
    %scan3A_258 = scf.for %scan3A_1534 = %scan3A_254 to %scan3A_256 step %scan3A_257 iter_args(%scan3A_1535 = %scan3A_251) -> (vector<16xf32>)  : i32 {
      %add3A_1536 = arith.constant 16 : i32
      %add3A_1537 = arith.addi %add3A_1536, %scan3A_1534 : i32
      %get3A = arith.constant 0 : i32
      %get3A_1538 = arith.index_cast %get3A : i32 to index
      %get3A_1539 = arith.index_cast %add3A_1537 : i32 to index
      %get3A_1540 = arith.constant 16 : index
      %get3A_1541 = tpu.vector_load %arg4[%get3A_1538, %get3A_1539, %get3A_1540] {strides = array<i32>} : memref<2x128x128xf32, #tpu.memory_space<vmem>>, vector<1x1x16xf32>,
      %get3A_1542 = vector.shape_cast %get3A_1541 : vector<1x1x16xf32> to vector<16xf32>
      %eq3A = vector.broadcast %scan3A_1534 : i32 to vector<16xi32>
      %eq3A_1543 = arith.cmpi eq, %iota3A, %eq3A : vector<16xi32>
      %broadcast_in_dim3A_1544 = vector.broadcast %scan3A_253 : f32 to vector<16xf32>
      %select_n3A = arith.select %eq3A_1543, %get3A_1542, %broadcast_in_dim3A_1544 : vector<16xi1>, vector<16xf32>
      %max3A = arith.maximumf %scan3A_1535, %select_n3A : vector<16xf32>
      scf.yield %max3A : vector<16xf32>
    }
    %scan3A_259 = arith.constant 16 : i32
    %scan3A_260 = arith.constant 0xFF800000 : f32
    %scan3A_261 = arith.constant 0 : i32
    %scan3A_262 = arith.constant 16 : i32
    %scan3A_263 = arith.addi %scan3A_261, %scan3A_262 : i32
    %scan3A_264 = arith.constant 1 : i32
    %scan3A_265 = scf.for %scan3A_1534 = %scan3A_261 to %scan3A_263 step %scan3A_264 iter_args(%scan3A_1535 = %scan3A_258) -> (vector<16xf32>)  : i32 {
      %add3A_1536 = arith.constant 32 : i32
      %add3A_1537 = arith.addi %add3A_1536, %scan3A_1534 : i32
      %get3A = arith.constant 0 : i32
      %get3A_1538 = arith.index_cast %get3A : i32 to index
      %get3A_1539 = arith.index_cast %add3A_1537 : i32 to index
      %get3A_1540 = arith.constant 32 : index
      %get3A_1541 = tpu.vector_load %arg4[%get3A_1538, %get3A_1539, %get3A_1540] {strides = array<i32>} : memref<2x128x128xf32, #tpu.memory_space<vmem>>, vector<1x1x16xf32>,
      %get3A_1542 = vector.shape_cast %get3A_1541 : vector<1x1x16xf32> to vector<16xf32>
      %eq3A = vector.broadcast %scan3A_1534 : i32 to vector<16xi32>
      %eq3A_1543 = arith.cmpi eq, %iota3A, %eq3A : vector<16xi32>
      %broadcast_in_dim3A_1544 = vector.broadcast %scan3A_260 : f32 to vector<16xf32>
      %select_n3A = arith.select %eq3A_1543, %get3A_1542, %broadcast_in_dim3A_1544 : vector<16xi1>, vector<16xf32>
      %max3A = arith.maximumf %scan3A_1535, %select_n3A : vector<16xf32>
      scf.yield %max3A : vector<16xf32>
    }
    %scan3A_266 = arith.constant 16 : i32
    %scan3A_267 = arith.constant 0xFF800000 : f32
    %scan3A_268 = arith.constant 0 : i32
    %scan3A_269 = arith.constant 16 : i32
    %scan3A_270 = arith.addi %scan3A_268, %scan3A_269 : i32
    %scan3A_271 = arith.constant 1 : i32
    %scan3A_272 = scf.for %scan3A_1534 = %scan3A_268 to %scan3A_270 step %scan3A_271 iter_args(%scan3A_1535 = %scan3A_265) -> (vector<16xf32>)  : i32 {
      %add3A_1536 = arith.constant 48 : i32
      %add3A_1537 = arith.addi %add3A_1536, %scan3A_1534 : i32
      %get3A = arith.constant 0 : i32
      %get3A_1538 = arith.index_cast %get3A : i32 to index
      %get3A_1539 = arith.index_cast %add3A_1537 : i32 to index
      %get3A_1540 = arith.constant 48 : index
      %get3A_1541 = tpu.vector_load %arg4[%get3A_1538, %get3A_1539, %get3A_1540] {strides = array<i32>} : memref<2x128x128xf32, #tpu.memory_space<vmem>>, vector<1x1x16xf32>,
      %get3A_1542 = vector.shape_cast %get3A_1541 : vector<1x1x16xf32> to vector<16xf32>
      %eq3A = vector.broadcast %scan3A_1534 : i32 to vector<16xi32>
      %eq3A_1543 = arith.cmpi eq, %iota3A, %eq3A : vector<16xi32>
      %broadcast_in_dim3A_1544 = vector.broadcast %scan3A_267 : f32 to vector<16xf32>
      %select_n3A = arith.select %eq3A_1543, %get3A_1542, %broadcast_in_dim3A_1544 : vector<16xi1>, vector<16xf32>
      %max3A = arith.maximumf %scan3A_1535, %select_n3A : vector<16xf32>
      scf.yield %max3A : vector<16xf32>
    }
    %scan3A_273 = arith.constant 16 : i32
    %scan3A_274 = arith.constant 0xFF800000 : f32
    %scan3A_275 = arith.constant 0 : i32
    %scan3A_276 = arith.constant 16 : i32
    %scan3A_277 = arith.addi %scan3A_275, %scan3A_276 : i32
    %scan3A_278 = arith.constant 1 : i32
    %scan3A_279 = scf.for %scan3A_1534 = %scan3A_275 to %scan3A_277 step %scan3A_278 iter_args(%scan3A_1535 = %scan3A_272) -> (vector<16xf32>)  : i32 {
      %add3A_1536 = arith.constant 64 : i32
      %add3A_1537 = arith.addi %add3A_1536, %scan3A_1534 : i32
      %get3A = arith.constant 0 : i32
      %get3A_1538 = arith.index_cast %get3A : i32 to index
      %get3A_1539 = arith.index_cast %add3A_1537 : i32 to index
      %get3A_1540 = arith.constant 64 : index
      %get3A_1541 = tpu.vector_load %arg4[%get3A_1538, %get3A_1539, %get3A_1540] {strides = array<i32>} : memref<2x128x128xf32, #tpu.memory_space<vmem>>, vector<1x1x16xf32>,
      %get3A_1542 = vector.shape_cast %get3A_1541 : vector<1x1x16xf32> to vector<16xf32>
      %eq3A = vector.broadcast %scan3A_1534 : i32 to vector<16xi32>
      %eq3A_1543 = arith.cmpi eq, %iota3A, %eq3A : vector<16xi32>
      %broadcast_in_dim3A_1544 = vector.broadcast %scan3A_274 : f32 to vector<16xf32>
      %select_n3A = arith.select %eq3A_1543, %get3A_1542, %broadcast_in_dim3A_1544 : vector<16xi1>, vector<16xf32>
      %max3A = arith.maximumf %scan3A_1535, %select_n3A : vector<16xf32>
      scf.yield %max3A : vector<16xf32>
    }
    %scan3A_280 = arith.constant 16 : i32
    %scan3A_281 = arith.constant 0xFF800000 : f32
    %scan3A_282 = arith.constant 0 : i32
    %scan3A_283 = arith.constant 16 : i32
    %scan3A_284 = arith.addi %scan3A_282, %scan3A_283 : i32
    %scan3A_285 = arith.constant 1 : i32
    %scan3A_286 = scf.for %scan3A_1534 = %scan3A_282 to %scan3A_284 step %scan3A_285 iter_args(%scan3A_1535 = %scan3A_279) -> (vector<16xf32>)  : i32 {
      %add3A_1536 = arith.constant 80 : i32
      %add3A_1537 = arith.addi %add3A_1536, %scan3A_1534 : i32
      %get3A = arith.constant 0 : i32
      %get3A_1538 = arith.index_cast %get3A : i32 to index
      %get3A_1539 = arith.index_cast %add3A_1537 : i32 to index
      %get3A_1540 = arith.constant 80 : index
      %get3A_1541 = tpu.vector_load %arg4[%get3A_1538, %get3A_1539, %get3A_1540] {strides = array<i32>} : memref<2x128x128xf32, #tpu.memory_space<vmem>>, vector<1x1x16xf32>,
      %get3A_1542 = vector.shape_cast %get3A_1541 : vector<1x1x16xf32> to vector<16xf32>
      %eq3A = vector.broadcast %scan3A_1534 : i32 to vector<16xi32>
      %eq3A_1543 = arith.cmpi eq, %iota3A, %eq3A : vector<16xi32>
      %broadcast_in_dim3A_1544 = vector.broadcast %scan3A_281 : f32 to vector<16xf32>
      %select_n3A = arith.select %eq3A_1543, %get3A_1542, %broadcast_in_dim3A_1544 : vector<16xi1>, vector<16xf32>
      %max3A = arith.maximumf %scan3A_1535, %select_n3A : vector<16xf32>
      scf.yield %max3A : vector<16xf32>
    }
    %scan3A_287 = arith.constant 16 : i32
    %scan3A_288 = arith.constant 0xFF800000 : f32
    %scan3A_289 = arith.constant 0 : i32
    %scan3A_290 = arith.constant 16 : i32
    %scan3A_291 = arith.addi %scan3A_289, %scan3A_290 : i32
    %scan3A_292 = arith.constant 1 : i32
    %scan3A_293 = scf.for %scan3A_1534 = %scan3A_289 to %scan3A_291 step %scan3A_292 iter_args(%scan3A_1535 = %scan3A_286) -> (vector<16xf32>)  : i32 {
      %add3A_1536 = arith.constant 96 : i32
      %add3A_1537 = arith.addi %add3A_1536, %scan3A_1534 : i32
      %get3A = arith.constant 0 : i32
      %get3A_1538 = arith.index_cast %get3A : i32 to index
      %get3A_1539 = arith.index_cast %add3A_1537 : i32 to index
      %get3A_1540 = arith.constant 96 : index
      %get3A_1541 = tpu.vector_load %arg4[%get3A_1538, %get3A_1539, %get3A_1540] {strides = array<i32>} : memref<2x128x128xf32, #tpu.memory_space<vmem>>, vector<1x1x16xf32>,
      %get3A_1542 = vector.shape_cast %get3A_1541 : vector<1x1x16xf32> to vector<16xf32>
      %eq3A = vector.broadcast %scan3A_1534 : i32 to vector<16xi32>
      %eq3A_1543 = arith.cmpi eq, %iota3A, %eq3A : vector<16xi32>
      %broadcast_in_dim3A_1544 = vector.broadcast %scan3A_288 : f32 to vector<16xf32>
      %select_n3A = arith.select %eq3A_1543, %get3A_1542, %broadcast_in_dim3A_1544 : vector<16xi1>, vector<16xf32>
      %max3A = arith.maximumf %scan3A_1535, %select_n3A : vector<16xf32>
      scf.yield %max3A : vector<16xf32>
    }
    %scan3A_294 = arith.constant 16 : i32
    %scan3A_295 = arith.constant 0xFF800000 : f32
    %scan3A_296 = arith.constant 0 : i32
    %scan3A_297 = arith.constant 16 : i32
    %scan3A_298 = arith.addi %scan3A_296, %scan3A_297 : i32
    %scan3A_299 = arith.constant 1 : i32
    %scan3A_300 = scf.for %scan3A_1534 = %scan3A_296 to %scan3A_298 step %scan3A_299 iter_args(%scan3A_1535 = %scan3A_293) -> (vector<16xf32>)  : i32 {
      %add3A_1536 = arith.constant 112 : i32
      %add3A_1537 = arith.addi %add3A_1536, %scan3A_1534 : i32
      %get3A = arith.constant 0 : i32
      %get3A_1538 = arith.index_cast %get3A : i32 to index
      %get3A_1539 = arith.index_cast %add3A_1537 : i32 to index
      %get3A_1540 = arith.constant 112 : index
      %get3A_1541 = tpu.vector_load %arg4[%get3A_1538, %get3A_1539, %get3A_1540] {strides = array<i32>} : memref<2x128x128xf32, #tpu.memory_space<vmem>>, vector<1x1x16xf32>,
      %get3A_1542 = vector.shape_cast %get3A_1541 : vector<1x1x16xf32> to vector<16xf32>
      %eq3A = vector.broadcast %scan3A_1534 : i32 to vector<16xi32>
      %eq3A_1543 = arith.cmpi eq, %iota3A, %eq3A : vector<16xi32>
      %broadcast_in_dim3A_1544 = vector.broadcast %scan3A_295 : f32 to vector<16xf32>
      %select_n3A = arith.select %eq3A_1543, %get3A_1542, %broadcast_in_dim3A_1544 : vector<16xi1>, vector<16xf32>
      %max3A = arith.maximumf %scan3A_1535, %select_n3A : vector<16xf32>
      scf.yield %max3A : vector<16xf32>
    }
    %scan3A_301 = arith.constant 16 : i32
    %dma_wait3A_302 = arith.constant 1 : i32
    %dma_wait3A_303 = arith.constant 0 : i32
    %dma_wait3A_304 = arith.constant 0 : i32
    %dma_wait3A_305 = tpu.memref_slice %arg4[%dma_wait3A_302, %dma_wait3A_303, %dma_wait3A_304] : memref<2x128x128xf32, #tpu.memory_space<vmem>> -> memref<1x128x128xf32, #tpu.memory_space<vmem>>
    %dma_wait3A_306 = tpu.memref_squeeze %dma_wait3A_305 : memref<1x128x128xf32, #tpu.memory_space<vmem>> -> memref<128x128xf32, #tpu.memory_space<vmem>>
    %dma_wait3A_307 = arith.constant 384 : i32
    %dma_wait3A_308 = arith.constant 384 : i32
    %dma_wait3A_309 = tpu.memref_slice %arg2[%add3A_228, %dma_wait3A_307, %dma_wait3A_308] : memref<128x512x512xf32, #tpu.memory_space<hbm>> -> memref<1x128x128xf32, #tpu.memory_space<hbm>>
    %dma_wait3A_310 = tpu.memref_squeeze %dma_wait3A_309 : memref<1x128x128xf32, #tpu.memory_space<hbm>> -> memref<128x128xf32, #tpu.memory_space<hbm>>
    %dma_wait3A_311 = arith.constant 0 : i32
    %dma_wait3A_312 = arith.constant 0 : i32
    %dma_wait3A_313 = tpu.memref_slice %arg4[%dma_wait3A_302, %dma_wait3A_311, %dma_wait3A_312] : memref<2x128x128xf32, #tpu.memory_space<vmem>> -> memref<1x128x128xf32, #tpu.memory_space<vmem>>
    %dma_wait3A_314 = tpu.memref_squeeze %dma_wait3A_313 : memref<1x128x128xf32, #tpu.memory_space<vmem>> -> memref<128x128xf32, #tpu.memory_space<vmem>>
    %dma_wait3A_315 = arith.constant 384 : i32
    %dma_wait3A_316 = arith.constant 384 : i32
    %dma_wait3A_317 = tpu.memref_slice %arg2[%add3A_228, %dma_wait3A_315, %dma_wait3A_316] : memref<128x512x512xf32, #tpu.memory_space<hbm>> -> memref<1x128x128xf32, #tpu.memory_space<hbm>>
    %dma_wait3A_318 = tpu.memref_squeeze %dma_wait3A_317 : memref<1x128x128xf32, #tpu.memory_space<hbm>> -> memref<128x128xf32, #tpu.memory_space<hbm>>
    tpu.wait_dma2 semaphore(%arg7 : memref<!tpu.dma_semaphore, #tpu.memory_space<semaphore_mem>>) src(%dma_wait3A_318 : memref<128x128xf32, #tpu.memory_space<hbm>>) dst(%dma_wait3A_314 : memref<128x128xf32, #tpu.memory_space<vmem>>)
    %mul3A_319 = arith.constant 4 : i32
    %mul3A_320 = arith.muli %add3A, %mul3A_319 : i32
    %add3A_321 = arith.constant 1 : i32
    %add3A_322 = arith.addi %mul3A_320, %add3A_321 : i32
    %dma_start3A_323 = arith.constant 0 : i32
    %dma_start3A_324 = arith.constant 0 : i32
    %dma_start3A_325 = arith.constant 0 : i32
    %dma_start3A_326 = tpu.memref_slice %arg4[%dma_start3A_323, %dma_start3A_324, %dma_start3A_325] : memref<2x128x128xf32, #tpu.memory_space<vmem>> -> memref<1x128x128xf32, #tpu.memory_space<vmem>>
    %dma_start3A_327 = tpu.memref_squeeze %dma_start3A_326 : memref<1x128x128xf32, #tpu.memory_space<vmem>> -> memref<128x128xf32, #tpu.memory_space<vmem>>
    %dma_start3A_328 = arith.constant 0 : i32
    %dma_start3A_329 = arith.constant 0 : i32
    %dma_start3A_330 = tpu.memref_slice %arg2[%add3A_322, %dma_start3A_328, %dma_start3A_329] : memref<128x512x512xf32, #tpu.memory_space<hbm>> -> memref<1x128x128xf32, #tpu.memory_space<hbm>>
    %dma_start3A_331 = tpu.memref_squeeze %dma_start3A_330 : memref<1x128x128xf32, #tpu.memory_space<hbm>> -> memref<128x128xf32, #tpu.memory_space<hbm>>
    %dma_start3A_332 = arith.constant 0 : i32
    %dma_start3A_333 = arith.constant 0 : i32
    %dma_start3A_334 = tpu.memref_slice %arg4[%dma_start3A_323, %dma_start3A_332, %dma_start3A_333] : memref<2x128x128xf32, #tpu.memory_space<vmem>> -> memref<1x128x128xf32, #tpu.memory_space<vmem>>
    %dma_start3A_335 = tpu.memref_squeeze %dma_start3A_334 : memref<1x128x128xf32, #tpu.memory_space<vmem>> -> memref<128x128xf32, #tpu.memory_space<vmem>>
    %dma_start3A_336 = arith.constant 0 : i32
    %dma_start3A_337 = arith.constant 0 : i32
    %dma_start3A_338 = tpu.memref_slice %arg2[%add3A_322, %dma_start3A_336, %dma_start3A_337] : memref<128x512x512xf32, #tpu.memory_space<hbm>> -> memref<1x128x128xf32, #tpu.memory_space<hbm>>
    %dma_start3A_339 = tpu.memref_squeeze %dma_start3A_338 : memref<1x128x128xf32, #tpu.memory_space<hbm>> -> memref<128x128xf32, #tpu.memory_space<hbm>>
    tpu.enqueue_dma source(%dma_start3A_339 : memref<128x128xf32, #tpu.memory_space<hbm>>) target(%dma_start3A_335 : memref<128x128xf32, #tpu.memory_space<vmem>>) target_semaphore(%arg6 : memref<!tpu.dma_semaphore, #tpu.memory_space<semaphore_mem>>)
    %scan3A_340 = arith.constant 0xFF800000 : f32
    %scan3A_341 = arith.constant 0 : i32
    %scan3A_342 = arith.constant 16 : i32
    %scan3A_343 = arith.addi %scan3A_341, %scan3A_342 : i32
    %scan3A_344 = arith.constant 1 : i32
    %scan3A_345 = scf.for %scan3A_1534 = %scan3A_341 to %scan3A_343 step %scan3A_344 iter_args(%scan3A_1535 = %scan3A_300) -> (vector<16xf32>)  : i32 {
      %add3A_1536 = arith.constant 0 : i32
      %add3A_1537 = arith.addi %add3A_1536, %scan3A_1534 : i32
      %get3A = arith.constant 1 : i32
      %get3A_1538 = arith.index_cast %get3A : i32 to index
      %get3A_1539 = arith.index_cast %add3A_1537 : i32 to index
      %get3A_1540 = arith.constant 0 : index
      %get3A_1541 = tpu.vector_load %arg4[%get3A_1538, %get3A_1539, %get3A_1540] {strides = array<i32>} : memref<2x128x128xf32, #tpu.memory_space<vmem>>, vector<1x1x16xf32>,
      %get3A_1542 = vector.shape_cast %get3A_1541 : vector<1x1x16xf32> to vector<16xf32>
      %eq3A = vector.broadcast %scan3A_1534 : i32 to vector<16xi32>
      %eq3A_1543 = arith.cmpi eq, %iota3A, %eq3A : vector<16xi32>
      %broadcast_in_dim3A_1544 = vector.broadcast %scan3A_340 : f32 to vector<16xf32>
      %select_n3A = arith.select %eq3A_1543, %get3A_1542, %broadcast_in_dim3A_1544 : vector<16xi1>, vector<16xf32>
      %max3A = arith.maximumf %scan3A_1535, %select_n3A : vector<16xf32>
      scf.yield %max3A : vector<16xf32>
    }
    %scan3A_346 = arith.constant 16 : i32
    %scan3A_347 = arith.constant 0xFF800000 : f32
    %scan3A_348 = arith.constant 0 : i32
    %scan3A_349 = arith.constant 16 : i32
    %scan3A_350 = arith.addi %scan3A_348, %scan3A_349 : i32
    %scan3A_351 = arith.constant 1 : i32
    %scan3A_352 = scf.for %scan3A_1534 = %scan3A_348 to %scan3A_350 step %scan3A_351 iter_args(%scan3A_1535 = %scan3A_345) -> (vector<16xf32>)  : i32 {
      %add3A_1536 = arith.constant 16 : i32
      %add3A_1537 = arith.addi %add3A_1536, %scan3A_1534 : i32
      %get3A = arith.constant 1 : i32
      %get3A_1538 = arith.index_cast %get3A : i32 to index
      %get3A_1539 = arith.index_cast %add3A_1537 : i32 to index
      %get3A_1540 = arith.constant 16 : index
      %get3A_1541 = tpu.vector_load %arg4[%get3A_1538, %get3A_1539, %get3A_1540] {strides = array<i32>} : memref<2x128x128xf32, #tpu.memory_space<vmem>>, vector<1x1x16xf32>,
      %get3A_1542 = vector.shape_cast %get3A_1541 : vector<1x1x16xf32> to vector<16xf32>
      %eq3A = vector.broadcast %scan3A_1534 : i32 to vector<16xi32>
      %eq3A_1543 = arith.cmpi eq, %iota3A, %eq3A : vector<16xi32>
      %broadcast_in_dim3A_1544 = vector.broadcast %scan3A_347 : f32 to vector<16xf32>
      %select_n3A = arith.select %eq3A_1543, %get3A_1542, %broadcast_in_dim3A_1544 : vector<16xi1>, vector<16xf32>
      %max3A = arith.maximumf %scan3A_1535, %select_n3A : vector<16xf32>
      scf.yield %max3A : vector<16xf32>
    }
    %scan3A_353 = arith.constant 16 : i32
    %scan3A_354 = arith.constant 0xFF800000 : f32
    %scan3A_355 = arith.constant 0 : i32
    %scan3A_356 = arith.constant 16 : i32
    %scan3A_357 = arith.addi %scan3A_355, %scan3A_356 : i32
    %scan3A_358 = arith.constant 1 : i32
    %scan3A_359 = scf.for %scan3A_1534 = %scan3A_355 to %scan3A_357 step %scan3A_358 iter_args(%scan3A_1535 = %scan3A_352) -> (vector<16xf32>)  : i32 {
      %add3A_1536 = arith.constant 32 : i32
      %add3A_1537 = arith.addi %add3A_1536, %scan3A_1534 : i32
      %get3A = arith.constant 1 : i32
      %get3A_1538 = arith.index_cast %get3A : i32 to index
      %get3A_1539 = arith.index_cast %add3A_1537 : i32 to index
      %get3A_1540 = arith.constant 32 : index
      %get3A_1541 = tpu.vector_load %arg4[%get3A_1538, %get3A_1539, %get3A_1540] {strides = array<i32>} : memref<2x128x128xf32, #tpu.memory_space<vmem>>, vector<1x1x16xf32>,
      %get3A_1542 = vector.shape_cast %get3A_1541 : vector<1x1x16xf32> to vector<16xf32>
      %eq3A = vector.broadcast %scan3A_1534 : i32 to vector<16xi32>
      %eq3A_1543 = arith.cmpi eq, %iota3A, %eq3A : vector<16xi32>
      %broadcast_in_dim3A_1544 = vector.broadcast %scan3A_354 : f32 to vector<16xf32>
      %select_n3A = arith.select %eq3A_1543, %get3A_1542, %broadcast_in_dim3A_1544 : vector<16xi1>, vector<16xf32>
      %max3A = arith.maximumf %scan3A_1535, %select_n3A : vector<16xf32>
      scf.yield %max3A : vector<16xf32>
    }
    %scan3A_360 = arith.constant 16 : i32
    %scan3A_361 = arith.constant 0xFF800000 : f32
    %scan3A_362 = arith.constant 0 : i32
    %scan3A_363 = arith.constant 16 : i32
    %scan3A_364 = arith.addi %scan3A_362, %scan3A_363 : i32
    %scan3A_365 = arith.constant 1 : i32
    %scan3A_366 = scf.for %scan3A_1534 = %scan3A_362 to %scan3A_364 step %scan3A_365 iter_args(%scan3A_1535 = %scan3A_359) -> (vector<16xf32>)  : i32 {
      %add3A_1536 = arith.constant 48 : i32
      %add3A_1537 = arith.addi %add3A_1536, %scan3A_1534 : i32
      %get3A = arith.constant 1 : i32
      %get3A_1538 = arith.index_cast %get3A : i32 to index
      %get3A_1539 = arith.index_cast %add3A_1537 : i32 to index
      %get3A_1540 = arith.constant 48 : index
      %get3A_1541 = tpu.vector_load %arg4[%get3A_1538, %get3A_1539, %get3A_1540] {strides = array<i32>} : memref<2x128x128xf32, #tpu.memory_space<vmem>>, vector<1x1x16xf32>,
      %get3A_1542 = vector.shape_cast %get3A_1541 : vector<1x1x16xf32> to vector<16xf32>
      %eq3A = vector.broadcast %scan3A_1534 : i32 to vector<16xi32>
      %eq3A_1543 = arith.cmpi eq, %iota3A, %eq3A : vector<16xi32>
      %broadcast_in_dim3A_1544 = vector.broadcast %scan3A_361 : f32 to vector<16xf32>
      %select_n3A = arith.select %eq3A_1543, %get3A_1542, %broadcast_in_dim3A_1544 : vector<16xi1>, vector<16xf32>
      %max3A = arith.maximumf %scan3A_1535, %select_n3A : vector<16xf32>
      scf.yield %max3A : vector<16xf32>
    }
    %scan3A_367 = arith.constant 16 : i32
    %scan3A_368 = arith.constant 0xFF800000 : f32
    %scan3A_369 = arith.constant 0 : i32
    %scan3A_370 = arith.constant 16 : i32
    %scan3A_371 = arith.addi %scan3A_369, %scan3A_370 : i32
    %scan3A_372 = arith.constant 1 : i32
    %scan3A_373 = scf.for %scan3A_1534 = %scan3A_369 to %scan3A_371 step %scan3A_372 iter_args(%scan3A_1535 = %scan3A_366) -> (vector<16xf32>)  : i32 {
      %add3A_1536 = arith.constant 64 : i32
      %add3A_1537 = arith.addi %add3A_1536, %scan3A_1534 : i32
      %get3A = arith.constant 1 : i32
      %get3A_1538 = arith.index_cast %get3A : i32 to index
      %get3A_1539 = arith.index_cast %add3A_1537 : i32 to index
      %get3A_1540 = arith.constant 64 : index
      %get3A_1541 = tpu.vector_load %arg4[%get3A_1538, %get3A_1539, %get3A_1540] {strides = array<i32>} : memref<2x128x128xf32, #tpu.memory_space<vmem>>, vector<1x1x16xf32>,
      %get3A_1542 = vector.shape_cast %get3A_1541 : vector<1x1x16xf32> to vector<16xf32>
      %eq3A = vector.broadcast %scan3A_1534 : i32 to vector<16xi32>
      %eq3A_1543 = arith.cmpi eq, %iota3A, %eq3A : vector<16xi32>
      %broadcast_in_dim3A_1544 = vector.broadcast %scan3A_368 : f32 to vector<16xf32>
      %select_n3A = arith.select %eq3A_1543, %get3A_1542, %broadcast_in_dim3A_1544 : vector<16xi1>, vector<16xf32>
      %max3A = arith.maximumf %scan3A_1535, %select_n3A : vector<16xf32>
      scf.yield %max3A : vector<16xf32>
    }
    %scan3A_374 = arith.constant 16 : i32
    %scan3A_375 = arith.constant 0xFF800000 : f32
    %scan3A_376 = arith.constant 0 : i32
    %scan3A_377 = arith.constant 16 : i32
    %scan3A_378 = arith.addi %scan3A_376, %scan3A_377 : i32
    %scan3A_379 = arith.constant 1 : i32
    %scan3A_380 = scf.for %scan3A_1534 = %scan3A_376 to %scan3A_378 step %scan3A_379 iter_args(%scan3A_1535 = %scan3A_373) -> (vector<16xf32>)  : i32 {
      %add3A_1536 = arith.constant 80 : i32
      %add3A_1537 = arith.addi %add3A_1536, %scan3A_1534 : i32
      %get3A = arith.constant 1 : i32
      %get3A_1538 = arith.index_cast %get3A : i32 to index
      %get3A_1539 = arith.index_cast %add3A_1537 : i32 to index
      %get3A_1540 = arith.constant 80 : index
      %get3A_1541 = tpu.vector_load %arg4[%get3A_1538, %get3A_1539, %get3A_1540] {strides = array<i32>} : memref<2x128x128xf32, #tpu.memory_space<vmem>>, vector<1x1x16xf32>,
      %get3A_1542 = vector.shape_cast %get3A_1541 : vector<1x1x16xf32> to vector<16xf32>
      %eq3A = vector.broadcast %scan3A_1534 : i32 to vector<16xi32>
      %eq3A_1543 = arith.cmpi eq, %iota3A, %eq3A : vector<16xi32>
      %broadcast_in_dim3A_1544 = vector.broadcast %scan3A_375 : f32 to vector<16xf32>
      %select_n3A = arith.select %eq3A_1543, %get3A_1542, %broadcast_in_dim3A_1544 : vector<16xi1>, vector<16xf32>
      %max3A = arith.maximumf %scan3A_1535, %select_n3A : vector<16xf32>
      scf.yield %max3A : vector<16xf32>
    }
    %scan3A_381 = arith.constant 16 : i32
    %scan3A_382 = arith.constant 0xFF800000 : f32
    %scan3A_383 = arith.constant 0 : i32
    %scan3A_384 = arith.constant 16 : i32
    %scan3A_385 = arith.addi %scan3A_383, %scan3A_384 : i32
    %scan3A_386 = arith.constant 1 : i32
    %scan3A_387 = scf.for %scan3A_1534 = %scan3A_383 to %scan3A_385 step %scan3A_386 iter_args(%scan3A_1535 = %scan3A_380) -> (vector<16xf32>)  : i32 {
      %add3A_1536 = arith.constant 96 : i32
      %add3A_1537 = arith.addi %add3A_1536, %scan3A_1534 : i32
      %get3A = arith.constant 1 : i32
      %get3A_1538 = arith.index_cast %get3A : i32 to index
      %get3A_1539 = arith.index_cast %add3A_1537 : i32 to index
      %get3A_1540 = arith.constant 96 : index
      %get3A_1541 = tpu.vector_load %arg4[%get3A_1538, %get3A_1539, %get3A_1540] {strides = array<i32>} : memref<2x128x128xf32, #tpu.memory_space<vmem>>, vector<1x1x16xf32>,
      %get3A_1542 = vector.shape_cast %get3A_1541 : vector<1x1x16xf32> to vector<16xf32>
      %eq3A = vector.broadcast %scan3A_1534 : i32 to vector<16xi32>
      %eq3A_1543 = arith.cmpi eq, %iota3A, %eq3A : vector<16xi32>
      %broadcast_in_dim3A_1544 = vector.broadcast %scan3A_382 : f32 to vector<16xf32>
      %select_n3A = arith.select %eq3A_1543, %get3A_1542, %broadcast_in_dim3A_1544 : vector<16xi1>, vector<16xf32>
      %max3A = arith.maximumf %scan3A_1535, %select_n3A : vector<16xf32>
      scf.yield %max3A : vector<16xf32>
    }
    %scan3A_388 = arith.constant 16 : i32
    %scan3A_389 = arith.constant 0xFF800000 : f32
    %scan3A_390 = arith.constant 0 : i32
    %scan3A_391 = arith.constant 16 : i32
    %scan3A_392 = arith.addi %scan3A_390, %scan3A_391 : i32
    %scan3A_393 = arith.constant 1 : i32
    %scan3A_394 = scf.for %scan3A_1534 = %scan3A_390 to %scan3A_392 step %scan3A_393 iter_args(%scan3A_1535 = %scan3A_387) -> (vector<16xf32>)  : i32 {
      %add3A_1536 = arith.constant 112 : i32
      %add3A_1537 = arith.addi %add3A_1536, %scan3A_1534 : i32
      %get3A = arith.constant 1 : i32
      %get3A_1538 = arith.index_cast %get3A : i32 to index
      %get3A_1539 = arith.index_cast %add3A_1537 : i32 to index
      %get3A_1540 = arith.constant 112 : index
      %get3A_1541 = tpu.vector_load %arg4[%get3A_1538, %get3A_1539, %get3A_1540] {strides = array<i32>} : memref<2x128x128xf32, #tpu.memory_space<vmem>>, vector<1x1x16xf32>,
      %get3A_1542 = vector.shape_cast %get3A_1541 : vector<1x1x16xf32> to vector<16xf32>
      %eq3A = vector.broadcast %scan3A_1534 : i32 to vector<16xi32>
      %eq3A_1543 = arith.cmpi eq, %iota3A, %eq3A : vector<16xi32>
      %broadcast_in_dim3A_1544 = vector.broadcast %scan3A_389 : f32 to vector<16xf32>
      %select_n3A = arith.select %eq3A_1543, %get3A_1542, %broadcast_in_dim3A_1544 : vector<16xi1>, vector<16xf32>
      %max3A = arith.maximumf %scan3A_1535, %select_n3A : vector<16xf32>
      scf.yield %max3A : vector<16xf32>
    }
    %scan3A_395 = arith.constant 16 : i32
    %swap3A = arith.constant 0 : i32
    %swap3A_396 = arith.index_cast %swap3A : i32 to index
    %swap3A_397 = arith.constant 0 : index
    %swap3A_398 = tpu.vector_load %arg5[%swap3A_396, %swap3A_397] {strides = array<i32>} : memref<4x16xf32, #tpu.memory_space<vmem>>, vector<1x16xf32>,
    %swap3A_399 = vector.shape_cast %swap3A_398 : vector<1x16xf32> to vector<16xf32>
    %swap3A_400 = vector.shape_cast %scan3A_394 : vector<16xf32> to vector<1x16xf32>
    tpu.vector_store %arg5[%swap3A_396, %swap3A_397], %swap3A_400 {strides = array<i32>} : memref<4x16xf32, #tpu.memory_space<vmem>>, vector<1x16xf32>,
    %broadcast_in_dim3A_401 = arith.constant 0xFF800000 : f32
    %broadcast_in_dim3A_402 = vector.broadcast %broadcast_in_dim3A_401 : f32 to vector<16xf32>
    %dma_wait3A_403 = arith.constant 0 : i32
    %dma_wait3A_404 = arith.constant 0 : i32
    %dma_wait3A_405 = arith.constant 0 : i32
    %dma_wait3A_406 = tpu.memref_slice %arg4[%dma_wait3A_403, %dma_wait3A_404, %dma_wait3A_405] : memref<2x128x128xf32, #tpu.memory_space<vmem>> -> memref<1x128x128xf32, #tpu.memory_space<vmem>>
    %dma_wait3A_407 = tpu.memref_squeeze %dma_wait3A_406 : memref<1x128x128xf32, #tpu.memory_space<vmem>> -> memref<128x128xf32, #tpu.memory_space<vmem>>
    %dma_wait3A_408 = arith.constant 0 : i32
    %dma_wait3A_409 = arith.constant 0 : i32
    %dma_wait3A_410 = tpu.memref_slice %arg2[%add3A_322, %dma_wait3A_408, %dma_wait3A_409] : memref<128x512x512xf32, #tpu.memory_space<hbm>> -> memref<1x128x128xf32, #tpu.memory_space<hbm>>
    %dma_wait3A_411 = tpu.memref_squeeze %dma_wait3A_410 : memref<1x128x128xf32, #tpu.memory_space<hbm>> -> memref<128x128xf32, #tpu.memory_space<hbm>>
    %dma_wait3A_412 = arith.constant 0 : i32
    %dma_wait3A_413 = arith.constant 0 : i32
    %dma_wait3A_414 = tpu.memref_slice %arg4[%dma_wait3A_403, %dma_wait3A_412, %dma_wait3A_413] : memref<2x128x128xf32, #tpu.memory_space<vmem>> -> memref<1x128x128xf32, #tpu.memory_space<vmem>>
    %dma_wait3A_415 = tpu.memref_squeeze %dma_wait3A_414 : memref<1x128x128xf32, #tpu.memory_space<vmem>> -> memref<128x128xf32, #tpu.memory_space<vmem>>
    %dma_wait3A_416 = arith.constant 0 : i32
    %dma_wait3A_417 = arith.constant 0 : i32
    %dma_wait3A_418 = tpu.memref_slice %arg2[%add3A_322, %dma_wait3A_416, %dma_wait3A_417] : memref<128x512x512xf32, #tpu.memory_space<hbm>> -> memref<1x128x128xf32, #tpu.memory_space<hbm>>
    %dma_wait3A_419 = tpu.memref_squeeze %dma_wait3A_418 : memref<1x128x128xf32, #tpu.memory_space<hbm>> -> memref<128x128xf32, #tpu.memory_space<hbm>>
    tpu.wait_dma2 semaphore(%arg6 : memref<!tpu.dma_semaphore, #tpu.memory_space<semaphore_mem>>) src(%dma_wait3A_419 : memref<128x128xf32, #tpu.memory_space<hbm>>) dst(%dma_wait3A_415 : memref<128x128xf32, #tpu.memory_space<vmem>>)
    %mul3A_420 = arith.constant 4 : i32
    %mul3A_421 = arith.muli %add3A, %mul3A_420 : i32
    %add3A_422 = arith.constant 1 : i32
    %add3A_423 = arith.addi %mul3A_421, %add3A_422 : i32
    %dma_start3A_424 = arith.constant 1 : i32
    %dma_start3A_425 = arith.constant 0 : i32
    %dma_start3A_426 = arith.constant 0 : i32
    %dma_start3A_427 = tpu.memref_slice %arg4[%dma_start3A_424, %dma_start3A_425, %dma_start3A_426] : memref<2x128x128xf32, #tpu.memory_space<vmem>> -> memref<1x128x128xf32, #tpu.memory_space<vmem>>
    %dma_start3A_428 = tpu.memref_squeeze %dma_start3A_427 : memref<1x128x128xf32, #tpu.memory_space<vmem>> -> memref<128x128xf32, #tpu.memory_space<vmem>>
    %dma_start3A_429 = arith.constant 128 : i32
    %dma_start3A_430 = arith.constant 128 : i32
    %dma_start3A_431 = tpu.memref_slice %arg2[%add3A_423, %dma_start3A_429, %dma_start3A_430] : memref<128x512x512xf32, #tpu.memory_space<hbm>> -> memref<1x128x128xf32, #tpu.memory_space<hbm>>
    %dma_start3A_432 = tpu.memref_squeeze %dma_start3A_431 : memref<1x128x128xf32, #tpu.memory_space<hbm>> -> memref<128x128xf32, #tpu.memory_space<hbm>>
    %dma_start3A_433 = arith.constant 0 : i32
    %dma_start3A_434 = arith.constant 0 : i32
    %dma_start3A_435 = tpu.memref_slice %arg4[%dma_start3A_424, %dma_start3A_433, %dma_start3A_434] : memref<2x128x128xf32, #tpu.memory_space<vmem>> -> memref<1x128x128xf32, #tpu.memory_space<vmem>>
    %dma_start3A_436 = tpu.memref_squeeze %dma_start3A_435 : memref<1x128x128xf32, #tpu.memory_space<vmem>> -> memref<128x128xf32, #tpu.memory_space<vmem>>
    %dma_start3A_437 = arith.constant 128 : i32
    %dma_start3A_438 = arith.constant 128 : i32
    %dma_start3A_439 = tpu.memref_slice %arg2[%add3A_423, %dma_start3A_437, %dma_start3A_438] : memref<128x512x512xf32, #tpu.memory_space<hbm>> -> memref<1x128x128xf32, #tpu.memory_space<hbm>>
    %dma_start3A_440 = tpu.memref_squeeze %dma_start3A_439 : memref<1x128x128xf32, #tpu.memory_space<hbm>> -> memref<128x128xf32, #tpu.memory_space<hbm>>
    tpu.enqueue_dma source(%dma_start3A_440 : memref<128x128xf32, #tpu.memory_space<hbm>>) target(%dma_start3A_436 : memref<128x128xf32, #tpu.memory_space<vmem>>) target_semaphore(%arg7 : memref<!tpu.dma_semaphore, #tpu.memory_space<semaphore_mem>>)
    %scan3A_441 = arith.constant 0xFF800000 : f32
    %scan3A_442 = arith.constant 0 : i32
    %scan3A_443 = arith.constant 16 : i32
    %scan3A_444 = arith.addi %scan3A_442, %scan3A_443 : i32
    %scan3A_445 = arith.constant 1 : i32
    %scan3A_446 = scf.for %scan3A_1534 = %scan3A_442 to %scan3A_444 step %scan3A_445 iter_args(%scan3A_1535 = %broadcast_in_dim3A_402) -> (vector<16xf32>)  : i32 {
      %add3A_1536 = arith.constant 0 : i32
      %add3A_1537 = arith.addi %add3A_1536, %scan3A_1534 : i32
      %get3A = arith.constant 0 : i32
      %get3A_1538 = arith.index_cast %get3A : i32 to index
      %get3A_1539 = arith.index_cast %add3A_1537 : i32 to index
      %get3A_1540 = arith.constant 0 : index
      %get3A_1541 = tpu.vector_load %arg4[%get3A_1538, %get3A_1539, %get3A_1540] {strides = array<i32>} : memref<2x128x128xf32, #tpu.memory_space<vmem>>, vector<1x1x16xf32>,
      %get3A_1542 = vector.shape_cast %get3A_1541 : vector<1x1x16xf32> to vector<16xf32>
      %eq3A = vector.broadcast %scan3A_1534 : i32 to vector<16xi32>
      %eq3A_1543 = arith.cmpi eq, %iota3A, %eq3A : vector<16xi32>
      %broadcast_in_dim3A_1544 = vector.broadcast %scan3A_441 : f32 to vector<16xf32>
      %select_n3A = arith.select %eq3A_1543, %get3A_1542, %broadcast_in_dim3A_1544 : vector<16xi1>, vector<16xf32>
      %max3A = arith.maximumf %scan3A_1535, %select_n3A : vector<16xf32>
      scf.yield %max3A : vector<16xf32>
    }
    %scan3A_447 = arith.constant 16 : i32
    %scan3A_448 = arith.constant 0xFF800000 : f32
    %scan3A_449 = arith.constant 0 : i32
    %scan3A_450 = arith.constant 16 : i32
    %scan3A_451 = arith.addi %scan3A_449, %scan3A_450 : i32
    %scan3A_452 = arith.constant 1 : i32
    %scan3A_453 = scf.for %scan3A_1534 = %scan3A_449 to %scan3A_451 step %scan3A_452 iter_args(%scan3A_1535 = %scan3A_446) -> (vector<16xf32>)  : i32 {
      %add3A_1536 = arith.constant 16 : i32
      %add3A_1537 = arith.addi %add3A_1536, %scan3A_1534 : i32
      %get3A = arith.constant 0 : i32
      %get3A_1538 = arith.index_cast %get3A : i32 to index
      %get3A_1539 = arith.index_cast %add3A_1537 : i32 to index
      %get3A_1540 = arith.constant 16 : index
      %get3A_1541 = tpu.vector_load %arg4[%get3A_1538, %get3A_1539, %get3A_1540] {strides = array<i32>} : memref<2x128x128xf32, #tpu.memory_space<vmem>>, vector<1x1x16xf32>,
      %get3A_1542 = vector.shape_cast %get3A_1541 : vector<1x1x16xf32> to vector<16xf32>
      %eq3A = vector.broadcast %scan3A_1534 : i32 to vector<16xi32>
      %eq3A_1543 = arith.cmpi eq, %iota3A, %eq3A : vector<16xi32>
      %broadcast_in_dim3A_1544 = vector.broadcast %scan3A_448 : f32 to vector<16xf32>
      %select_n3A = arith.select %eq3A_1543, %get3A_1542, %broadcast_in_dim3A_1544 : vector<16xi1>, vector<16xf32>
      %max3A = arith.maximumf %scan3A_1535, %select_n3A : vector<16xf32>
      scf.yield %max3A : vector<16xf32>
    }
    %scan3A_454 = arith.constant 16 : i32
    %scan3A_455 = arith.constant 0xFF800000 : f32
    %scan3A_456 = arith.constant 0 : i32
    %scan3A_457 = arith.constant 16 : i32
    %scan3A_458 = arith.addi %scan3A_456, %scan3A_457 : i32
    %scan3A_459 = arith.constant 1 : i32
    %scan3A_460 = scf.for %scan3A_1534 = %scan3A_456 to %scan3A_458 step %scan3A_459 iter_args(%scan3A_1535 = %scan3A_453) -> (vector<16xf32>)  : i32 {
      %add3A_1536 = arith.constant 32 : i32
      %add3A_1537 = arith.addi %add3A_1536, %scan3A_1534 : i32
      %get3A = arith.constant 0 : i32
      %get3A_1538 = arith.index_cast %get3A : i32 to index
      %get3A_1539 = arith.index_cast %add3A_1537 : i32 to index
      %get3A_1540 = arith.constant 32 : index
      %get3A_1541 = tpu.vector_load %arg4[%get3A_1538, %get3A_1539, %get3A_1540] {strides = array<i32>} : memref<2x128x128xf32, #tpu.memory_space<vmem>>, vector<1x1x16xf32>,
      %get3A_1542 = vector.shape_cast %get3A_1541 : vector<1x1x16xf32> to vector<16xf32>
      %eq3A = vector.broadcast %scan3A_1534 : i32 to vector<16xi32>
      %eq3A_1543 = arith.cmpi eq, %iota3A, %eq3A : vector<16xi32>
      %broadcast_in_dim3A_1544 = vector.broadcast %scan3A_455 : f32 to vector<16xf32>
      %select_n3A = arith.select %eq3A_1543, %get3A_1542, %broadcast_in_dim3A_1544 : vector<16xi1>, vector<16xf32>
      %max3A = arith.maximumf %scan3A_1535, %select_n3A : vector<16xf32>
      scf.yield %max3A : vector<16xf32>
    }
    %scan3A_461 = arith.constant 16 : i32
    %scan3A_462 = arith.constant 0xFF800000 : f32
    %scan3A_463 = arith.constant 0 : i32
    %scan3A_464 = arith.constant 16 : i32
    %scan3A_465 = arith.addi %scan3A_463, %scan3A_464 : i32
    %scan3A_466 = arith.constant 1 : i32
    %scan3A_467 = scf.for %scan3A_1534 = %scan3A_463 to %scan3A_465 step %scan3A_466 iter_args(%scan3A_1535 = %scan3A_460) -> (vector<16xf32>)  : i32 {
      %add3A_1536 = arith.constant 48 : i32
      %add3A_1537 = arith.addi %add3A_1536, %scan3A_1534 : i32
      %get3A = arith.constant 0 : i32
      %get3A_1538 = arith.index_cast %get3A : i32 to index
      %get3A_1539 = arith.index_cast %add3A_1537 : i32 to index
      %get3A_1540 = arith.constant 48 : index
      %get3A_1541 = tpu.vector_load %arg4[%get3A_1538, %get3A_1539, %get3A_1540] {strides = array<i32>} : memref<2x128x128xf32, #tpu.memory_space<vmem>>, vector<1x1x16xf32>,
      %get3A_1542 = vector.shape_cast %get3A_1541 : vector<1x1x16xf32> to vector<16xf32>
      %eq3A = vector.broadcast %scan3A_1534 : i32 to vector<16xi32>
      %eq3A_1543 = arith.cmpi eq, %iota3A, %eq3A : vector<16xi32>
      %broadcast_in_dim3A_1544 = vector.broadcast %scan3A_462 : f32 to vector<16xf32>
      %select_n3A = arith.select %eq3A_1543, %get3A_1542, %broadcast_in_dim3A_1544 : vector<16xi1>, vector<16xf32>
      %max3A = arith.maximumf %scan3A_1535, %select_n3A : vector<16xf32>
      scf.yield %max3A : vector<16xf32>
    }
    %scan3A_468 = arith.constant 16 : i32
    %scan3A_469 = arith.constant 0xFF800000 : f32
    %scan3A_470 = arith.constant 0 : i32
    %scan3A_471 = arith.constant 16 : i32
    %scan3A_472 = arith.addi %scan3A_470, %scan3A_471 : i32
    %scan3A_473 = arith.constant 1 : i32
    %scan3A_474 = scf.for %scan3A_1534 = %scan3A_470 to %scan3A_472 step %scan3A_473 iter_args(%scan3A_1535 = %scan3A_467) -> (vector<16xf32>)  : i32 {
      %add3A_1536 = arith.constant 64 : i32
      %add3A_1537 = arith.addi %add3A_1536, %scan3A_1534 : i32
      %get3A = arith.constant 0 : i32
      %get3A_1538 = arith.index_cast %get3A : i32 to index
      %get3A_1539 = arith.index_cast %add3A_1537 : i32 to index
      %get3A_1540 = arith.constant 64 : index
      %get3A_1541 = tpu.vector_load %arg4[%get3A_1538, %get3A_1539, %get3A_1540] {strides = array<i32>} : memref<2x128x128xf32, #tpu.memory_space<vmem>>, vector<1x1x16xf32>,
      %get3A_1542 = vector.shape_cast %get3A_1541 : vector<1x1x16xf32> to vector<16xf32>
      %eq3A = vector.broadcast %scan3A_1534 : i32 to vector<16xi32>
      %eq3A_1543 = arith.cmpi eq, %iota3A, %eq3A : vector<16xi32>
      %broadcast_in_dim3A_1544 = vector.broadcast %scan3A_469 : f32 to vector<16xf32>
      %select_n3A = arith.select %eq3A_1543, %get3A_1542, %broadcast_in_dim3A_1544 : vector<16xi1>, vector<16xf32>
      %max3A = arith.maximumf %scan3A_1535, %select_n3A : vector<16xf32>
      scf.yield %max3A : vector<16xf32>
    }
    %scan3A_475 = arith.constant 16 : i32
    %scan3A_476 = arith.constant 0xFF800000 : f32
    %scan3A_477 = arith.constant 0 : i32
    %scan3A_478 = arith.constant 16 : i32
    %scan3A_479 = arith.addi %scan3A_477, %scan3A_478 : i32
    %scan3A_480 = arith.constant 1 : i32
    %scan3A_481 = scf.for %scan3A_1534 = %scan3A_477 to %scan3A_479 step %scan3A_480 iter_args(%scan3A_1535 = %scan3A_474) -> (vector<16xf32>)  : i32 {
      %add3A_1536 = arith.constant 80 : i32
      %add3A_1537 = arith.addi %add3A_1536, %scan3A_1534 : i32
      %get3A = arith.constant 0 : i32
      %get3A_1538 = arith.index_cast %get3A : i32 to index
      %get3A_1539 = arith.index_cast %add3A_1537 : i32 to index
      %get3A_1540 = arith.constant 80 : index
      %get3A_1541 = tpu.vector_load %arg4[%get3A_1538, %get3A_1539, %get3A_1540] {strides = array<i32>} : memref<2x128x128xf32, #tpu.memory_space<vmem>>, vector<1x1x16xf32>,
      %get3A_1542 = vector.shape_cast %get3A_1541 : vector<1x1x16xf32> to vector<16xf32>
      %eq3A = vector.broadcast %scan3A_1534 : i32 to vector<16xi32>
      %eq3A_1543 = arith.cmpi eq, %iota3A, %eq3A : vector<16xi32>
      %broadcast_in_dim3A_1544 = vector.broadcast %scan3A_476 : f32 to vector<16xf32>
      %select_n3A = arith.select %eq3A_1543, %get3A_1542, %broadcast_in_dim3A_1544 : vector<16xi1>, vector<16xf32>
      %max3A = arith.maximumf %scan3A_1535, %select_n3A : vector<16xf32>
      scf.yield %max3A : vector<16xf32>
    }
    %scan3A_482 = arith.constant 16 : i32
    %scan3A_483 = arith.constant 0xFF800000 : f32
    %scan3A_484 = arith.constant 0 : i32
    %scan3A_485 = arith.constant 16 : i32
    %scan3A_486 = arith.addi %scan3A_484, %scan3A_485 : i32
    %scan3A_487 = arith.constant 1 : i32
    %scan3A_488 = scf.for %scan3A_1534 = %scan3A_484 to %scan3A_486 step %scan3A_487 iter_args(%scan3A_1535 = %scan3A_481) -> (vector<16xf32>)  : i32 {
      %add3A_1536 = arith.constant 96 : i32
      %add3A_1537 = arith.addi %add3A_1536, %scan3A_1534 : i32
      %get3A = arith.constant 0 : i32
      %get3A_1538 = arith.index_cast %get3A : i32 to index
      %get3A_1539 = arith.index_cast %add3A_1537 : i32 to index
      %get3A_1540 = arith.constant 96 : index
      %get3A_1541 = tpu.vector_load %arg4[%get3A_1538, %get3A_1539, %get3A_1540] {strides = array<i32>} : memref<2x128x128xf32, #tpu.memory_space<vmem>>, vector<1x1x16xf32>,
      %get3A_1542 = vector.shape_cast %get3A_1541 : vector<1x1x16xf32> to vector<16xf32>
      %eq3A = vector.broadcast %scan3A_1534 : i32 to vector<16xi32>
      %eq3A_1543 = arith.cmpi eq, %iota3A, %eq3A : vector<16xi32>
      %broadcast_in_dim3A_1544 = vector.broadcast %scan3A_483 : f32 to vector<16xf32>
      %select_n3A = arith.select %eq3A_1543, %get3A_1542, %broadcast_in_dim3A_1544 : vector<16xi1>, vector<16xf32>
      %max3A = arith.maximumf %scan3A_1535, %select_n3A : vector<16xf32>
      scf.yield %max3A : vector<16xf32>
    }
    %scan3A_489 = arith.constant 16 : i32
    %scan3A_490 = arith.constant 0xFF800000 : f32
    %scan3A_491 = arith.constant 0 : i32
    %scan3A_492 = arith.constant 16 : i32
    %scan3A_493 = arith.addi %scan3A_491, %scan3A_492 : i32
    %scan3A_494 = arith.constant 1 : i32
    %scan3A_495 = scf.for %scan3A_1534 = %scan3A_491 to %scan3A_493 step %scan3A_494 iter_args(%scan3A_1535 = %scan3A_488) -> (vector<16xf32>)  : i32 {
      %add3A_1536 = arith.constant 112 : i32
      %add3A_1537 = arith.addi %add3A_1536, %scan3A_1534 : i32
      %get3A = arith.constant 0 : i32
      %get3A_1538 = arith.index_cast %get3A : i32 to index
      %get3A_1539 = arith.index_cast %add3A_1537 : i32 to index
      %get3A_1540 = arith.constant 112 : index
      %get3A_1541 = tpu.vector_load %arg4[%get3A_1538, %get3A_1539, %get3A_1540] {strides = array<i32>} : memref<2x128x128xf32, #tpu.memory_space<vmem>>, vector<1x1x16xf32>,
      %get3A_1542 = vector.shape_cast %get3A_1541 : vector<1x1x16xf32> to vector<16xf32>
      %eq3A = vector.broadcast %scan3A_1534 : i32 to vector<16xi32>
      %eq3A_1543 = arith.cmpi eq, %iota3A, %eq3A : vector<16xi32>
      %broadcast_in_dim3A_1544 = vector.broadcast %scan3A_490 : f32 to vector<16xf32>
      %select_n3A = arith.select %eq3A_1543, %get3A_1542, %broadcast_in_dim3A_1544 : vector<16xi1>, vector<16xf32>
      %max3A = arith.maximumf %scan3A_1535, %select_n3A : vector<16xf32>
      scf.yield %max3A : vector<16xf32>
    }
    %scan3A_496 = arith.constant 16 : i32
    %dma_wait3A_497 = arith.constant 1 : i32
    %dma_wait3A_498 = arith.constant 0 : i32
    %dma_wait3A_499 = arith.constant 0 : i32
    %dma_wait3A_500 = tpu.memref_slice %arg4[%dma_wait3A_497, %dma_wait3A_498, %dma_wait3A_499] : memref<2x128x128xf32, #tpu.memory_space<vmem>> -> memref<1x128x128xf32, #tpu.memory_space<vmem>>
    %dma_wait3A_501 = tpu.memref_squeeze %dma_wait3A_500 : memref<1x128x128xf32, #tpu.memory_space<vmem>> -> memref<128x128xf32, #tpu.memory_space<vmem>>
    %dma_wait3A_502 = arith.constant 128 : i32
    %dma_wait3A_503 = arith.constant 128 : i32
    %dma_wait3A_504 = tpu.memref_slice %arg2[%add3A_423, %dma_wait3A_502, %dma_wait3A_503] : memref<128x512x512xf32, #tpu.memory_space<hbm>> -> memref<1x128x128xf32, #tpu.memory_space<hbm>>
    %dma_wait3A_505 = tpu.memref_squeeze %dma_wait3A_504 : memref<1x128x128xf32, #tpu.memory_space<hbm>> -> memref<128x128xf32, #tpu.memory_space<hbm>>
    %dma_wait3A_506 = arith.constant 0 : i32
    %dma_wait3A_507 = arith.constant 0 : i32
    %dma_wait3A_508 = tpu.memref_slice %arg4[%dma_wait3A_497, %dma_wait3A_506, %dma_wait3A_507] : memref<2x128x128xf32, #tpu.memory_space<vmem>> -> memref<1x128x128xf32, #tpu.memory_space<vmem>>
    %dma_wait3A_509 = tpu.memref_squeeze %dma_wait3A_508 : memref<1x128x128xf32, #tpu.memory_space<vmem>> -> memref<128x128xf32, #tpu.memory_space<vmem>>
    %dma_wait3A_510 = arith.constant 128 : i32
    %dma_wait3A_511 = arith.constant 128 : i32
    %dma_wait3A_512 = tpu.memref_slice %arg2[%add3A_423, %dma_wait3A_510, %dma_wait3A_511] : memref<128x512x512xf32, #tpu.memory_space<hbm>> -> memref<1x128x128xf32, #tpu.memory_space<hbm>>
    %dma_wait3A_513 = tpu.memref_squeeze %dma_wait3A_512 : memref<1x128x128xf32, #tpu.memory_space<hbm>> -> memref<128x128xf32, #tpu.memory_space<hbm>>
    tpu.wait_dma2 semaphore(%arg7 : memref<!tpu.dma_semaphore, #tpu.memory_space<semaphore_mem>>) src(%dma_wait3A_513 : memref<128x128xf32, #tpu.memory_space<hbm>>) dst(%dma_wait3A_509 : memref<128x128xf32, #tpu.memory_space<vmem>>)
    %mul3A_514 = arith.constant 4 : i32
    %mul3A_515 = arith.muli %add3A, %mul3A_514 : i32
    %add3A_516 = arith.constant 1 : i32
    %add3A_517 = arith.addi %mul3A_515, %add3A_516 : i32
    %dma_start3A_518 = arith.constant 0 : i32
    %dma_start3A_519 = arith.constant 0 : i32
    %dma_start3A_520 = arith.constant 0 : i32
    %dma_start3A_521 = tpu.memref_slice %arg4[%dma_start3A_518, %dma_start3A_519, %dma_start3A_520] : memref<2x128x128xf32, #tpu.memory_space<vmem>> -> memref<1x128x128xf32, #tpu.memory_space<vmem>>
    %dma_start3A_522 = tpu.memref_squeeze %dma_start3A_521 : memref<1x128x128xf32, #tpu.memory_space<vmem>> -> memref<128x128xf32, #tpu.memory_space<vmem>>
    %dma_start3A_523 = arith.constant 256 : i32
    %dma_start3A_524 = arith.constant 256 : i32
    %dma_start3A_525 = tpu.memref_slice %arg2[%add3A_517, %dma_start3A_523, %dma_start3A_524] : memref<128x512x512xf32, #tpu.memory_space<hbm>> -> memref<1x128x128xf32, #tpu.memory_space<hbm>>
    %dma_start3A_526 = tpu.memref_squeeze %dma_start3A_525 : memref<1x128x128xf32, #tpu.memory_space<hbm>> -> memref<128x128xf32, #tpu.memory_space<hbm>>
    %dma_start3A_527 = arith.constant 0 : i32
    %dma_start3A_528 = arith.constant 0 : i32
    %dma_start3A_529 = tpu.memref_slice %arg4[%dma_start3A_518, %dma_start3A_527, %dma_start3A_528] : memref<2x128x128xf32, #tpu.memory_space<vmem>> -> memref<1x128x128xf32, #tpu.memory_space<vmem>>
    %dma_start3A_530 = tpu.memref_squeeze %dma_start3A_529 : memref<1x128x128xf32, #tpu.memory_space<vmem>> -> memref<128x128xf32, #tpu.memory_space<vmem>>
    %dma_start3A_531 = arith.constant 256 : i32
    %dma_start3A_532 = arith.constant 256 : i32
    %dma_start3A_533 = tpu.memref_slice %arg2[%add3A_517, %dma_start3A_531, %dma_start3A_532] : memref<128x512x512xf32, #tpu.memory_space<hbm>> -> memref<1x128x128xf32, #tpu.memory_space<hbm>>
    %dma_start3A_534 = tpu.memref_squeeze %dma_start3A_533 : memref<1x128x128xf32, #tpu.memory_space<hbm>> -> memref<128x128xf32, #tpu.memory_space<hbm>>
    tpu.enqueue_dma source(%dma_start3A_534 : memref<128x128xf32, #tpu.memory_space<hbm>>) target(%dma_start3A_530 : memref<128x128xf32, #tpu.memory_space<vmem>>) target_semaphore(%arg6 : memref<!tpu.dma_semaphore, #tpu.memory_space<semaphore_mem>>)
    %scan3A_535 = arith.constant 0xFF800000 : f32
    %scan3A_536 = arith.constant 0 : i32
    %scan3A_537 = arith.constant 16 : i32
    %scan3A_538 = arith.addi %scan3A_536, %scan3A_537 : i32
    %scan3A_539 = arith.constant 1 : i32
    %scan3A_540 = scf.for %scan3A_1534 = %scan3A_536 to %scan3A_538 step %scan3A_539 iter_args(%scan3A_1535 = %scan3A_495) -> (vector<16xf32>)  : i32 {
      %add3A_1536 = arith.constant 0 : i32
      %add3A_1537 = arith.addi %add3A_1536, %scan3A_1534 : i32
      %get3A = arith.constant 1 : i32
      %get3A_1538 = arith.index_cast %get3A : i32 to index
      %get3A_1539 = arith.index_cast %add3A_1537 : i32 to index
      %get3A_1540 = arith.constant 0 : index
      %get3A_1541 = tpu.vector_load %arg4[%get3A_1538, %get3A_1539, %get3A_1540] {strides = array<i32>} : memref<2x128x128xf32, #tpu.memory_space<vmem>>, vector<1x1x16xf32>,
      %get3A_1542 = vector.shape_cast %get3A_1541 : vector<1x1x16xf32> to vector<16xf32>
      %eq3A = vector.broadcast %scan3A_1534 : i32 to vector<16xi32>
      %eq3A_1543 = arith.cmpi eq, %iota3A, %eq3A : vector<16xi32>
      %broadcast_in_dim3A_1544 = vector.broadcast %scan3A_535 : f32 to vector<16xf32>
      %select_n3A = arith.select %eq3A_1543, %get3A_1542, %broadcast_in_dim3A_1544 : vector<16xi1>, vector<16xf32>
      %max3A = arith.maximumf %scan3A_1535, %select_n3A : vector<16xf32>
      scf.yield %max3A : vector<16xf32>
    }
    %scan3A_541 = arith.constant 16 : i32
    %scan3A_542 = arith.constant 0xFF800000 : f32
    %scan3A_543 = arith.constant 0 : i32
    %scan3A_544 = arith.constant 16 : i32
    %scan3A_545 = arith.addi %scan3A_543, %scan3A_544 : i32
    %scan3A_546 = arith.constant 1 : i32
    %scan3A_547 = scf.for %scan3A_1534 = %scan3A_543 to %scan3A_545 step %scan3A_546 iter_args(%scan3A_1535 = %scan3A_540) -> (vector<16xf32>)  : i32 {
      %add3A_1536 = arith.constant 16 : i32
      %add3A_1537 = arith.addi %add3A_1536, %scan3A_1534 : i32
      %get3A = arith.constant 1 : i32
      %get3A_1538 = arith.index_cast %get3A : i32 to index
      %get3A_1539 = arith.index_cast %add3A_1537 : i32 to index
      %get3A_1540 = arith.constant 16 : index
      %get3A_1541 = tpu.vector_load %arg4[%get3A_1538, %get3A_1539, %get3A_1540] {strides = array<i32>} : memref<2x128x128xf32, #tpu.memory_space<vmem>>, vector<1x1x16xf32>,
      %get3A_1542 = vector.shape_cast %get3A_1541 : vector<1x1x16xf32> to vector<16xf32>
      %eq3A = vector.broadcast %scan3A_1534 : i32 to vector<16xi32>
      %eq3A_1543 = arith.cmpi eq, %iota3A, %eq3A : vector<16xi32>
      %broadcast_in_dim3A_1544 = vector.broadcast %scan3A_542 : f32 to vector<16xf32>
      %select_n3A = arith.select %eq3A_1543, %get3A_1542, %broadcast_in_dim3A_1544 : vector<16xi1>, vector<16xf32>
      %max3A = arith.maximumf %scan3A_1535, %select_n3A : vector<16xf32>
      scf.yield %max3A : vector<16xf32>
    }
    %scan3A_548 = arith.constant 16 : i32
    %scan3A_549 = arith.constant 0xFF800000 : f32
    %scan3A_550 = arith.constant 0 : i32
    %scan3A_551 = arith.constant 16 : i32
    %scan3A_552 = arith.addi %scan3A_550, %scan3A_551 : i32
    %scan3A_553 = arith.constant 1 : i32
    %scan3A_554 = scf.for %scan3A_1534 = %scan3A_550 to %scan3A_552 step %scan3A_553 iter_args(%scan3A_1535 = %scan3A_547) -> (vector<16xf32>)  : i32 {
      %add3A_1536 = arith.constant 32 : i32
      %add3A_1537 = arith.addi %add3A_1536, %scan3A_1534 : i32
      %get3A = arith.constant 1 : i32
      %get3A_1538 = arith.index_cast %get3A : i32 to index
      %get3A_1539 = arith.index_cast %add3A_1537 : i32 to index
      %get3A_1540 = arith.constant 32 : index
      %get3A_1541 = tpu.vector_load %arg4[%get3A_1538, %get3A_1539, %get3A_1540] {strides = array<i32>} : memref<2x128x128xf32, #tpu.memory_space<vmem>>, vector<1x1x16xf32>,
      %get3A_1542 = vector.shape_cast %get3A_1541 : vector<1x1x16xf32> to vector<16xf32>
      %eq3A = vector.broadcast %scan3A_1534 : i32 to vector<16xi32>
      %eq3A_1543 = arith.cmpi eq, %iota3A, %eq3A : vector<16xi32>
      %broadcast_in_dim3A_1544 = vector.broadcast %scan3A_549 : f32 to vector<16xf32>
      %select_n3A = arith.select %eq3A_1543, %get3A_1542, %broadcast_in_dim3A_1544 : vector<16xi1>, vector<16xf32>
      %max3A = arith.maximumf %scan3A_1535, %select_n3A : vector<16xf32>
      scf.yield %max3A : vector<16xf32>
    }
    %scan3A_555 = arith.constant 16 : i32
    %scan3A_556 = arith.constant 0xFF800000 : f32
    %scan3A_557 = arith.constant 0 : i32
    %scan3A_558 = arith.constant 16 : i32
    %scan3A_559 = arith.addi %scan3A_557, %scan3A_558 : i32
    %scan3A_560 = arith.constant 1 : i32
    %scan3A_561 = scf.for %scan3A_1534 = %scan3A_557 to %scan3A_559 step %scan3A_560 iter_args(%scan3A_1535 = %scan3A_554) -> (vector<16xf32>)  : i32 {
      %add3A_1536 = arith.constant 48 : i32
      %add3A_1537 = arith.addi %add3A_1536, %scan3A_1534 : i32
      %get3A = arith.constant 1 : i32
      %get3A_1538 = arith.index_cast %get3A : i32 to index
      %get3A_1539 = arith.index_cast %add3A_1537 : i32 to index
      %get3A_1540 = arith.constant 48 : index
      %get3A_1541 = tpu.vector_load %arg4[%get3A_1538, %get3A_1539, %get3A_1540] {strides = array<i32>} : memref<2x128x128xf32, #tpu.memory_space<vmem>>, vector<1x1x16xf32>,
      %get3A_1542 = vector.shape_cast %get3A_1541 : vector<1x1x16xf32> to vector<16xf32>
      %eq3A = vector.broadcast %scan3A_1534 : i32 to vector<16xi32>
      %eq3A_1543 = arith.cmpi eq, %iota3A, %eq3A : vector<16xi32>
      %broadcast_in_dim3A_1544 = vector.broadcast %scan3A_556 : f32 to vector<16xf32>
      %select_n3A = arith.select %eq3A_1543, %get3A_1542, %broadcast_in_dim3A_1544 : vector<16xi1>, vector<16xf32>
      %max3A = arith.maximumf %scan3A_1535, %select_n3A : vector<16xf32>
      scf.yield %max3A : vector<16xf32>
    }
    %scan3A_562 = arith.constant 16 : i32
    %scan3A_563 = arith.constant 0xFF800000 : f32
    %scan3A_564 = arith.constant 0 : i32
    %scan3A_565 = arith.constant 16 : i32
    %scan3A_566 = arith.addi %scan3A_564, %scan3A_565 : i32
    %scan3A_567 = arith.constant 1 : i32
    %scan3A_568 = scf.for %scan3A_1534 = %scan3A_564 to %scan3A_566 step %scan3A_567 iter_args(%scan3A_1535 = %scan3A_561) -> (vector<16xf32>)  : i32 {
      %add3A_1536 = arith.constant 64 : i32
      %add3A_1537 = arith.addi %add3A_1536, %scan3A_1534 : i32
      %get3A = arith.constant 1 : i32
      %get3A_1538 = arith.index_cast %get3A : i32 to index
      %get3A_1539 = arith.index_cast %add3A_1537 : i32 to index
      %get3A_1540 = arith.constant 64 : index
      %get3A_1541 = tpu.vector_load %arg4[%get3A_1538, %get3A_1539, %get3A_1540] {strides = array<i32>} : memref<2x128x128xf32, #tpu.memory_space<vmem>>, vector<1x1x16xf32>,
      %get3A_1542 = vector.shape_cast %get3A_1541 : vector<1x1x16xf32> to vector<16xf32>
      %eq3A = vector.broadcast %scan3A_1534 : i32 to vector<16xi32>
      %eq3A_1543 = arith.cmpi eq, %iota3A, %eq3A : vector<16xi32>
      %broadcast_in_dim3A_1544 = vector.broadcast %scan3A_563 : f32 to vector<16xf32>
      %select_n3A = arith.select %eq3A_1543, %get3A_1542, %broadcast_in_dim3A_1544 : vector<16xi1>, vector<16xf32>
      %max3A = arith.maximumf %scan3A_1535, %select_n3A : vector<16xf32>
      scf.yield %max3A : vector<16xf32>
    }
    %scan3A_569 = arith.constant 16 : i32
    %scan3A_570 = arith.constant 0xFF800000 : f32
    %scan3A_571 = arith.constant 0 : i32
    %scan3A_572 = arith.constant 16 : i32
    %scan3A_573 = arith.addi %scan3A_571, %scan3A_572 : i32
    %scan3A_574 = arith.constant 1 : i32
    %scan3A_575 = scf.for %scan3A_1534 = %scan3A_571 to %scan3A_573 step %scan3A_574 iter_args(%scan3A_1535 = %scan3A_568) -> (vector<16xf32>)  : i32 {
      %add3A_1536 = arith.constant 80 : i32
      %add3A_1537 = arith.addi %add3A_1536, %scan3A_1534 : i32
      %get3A = arith.constant 1 : i32
      %get3A_1538 = arith.index_cast %get3A : i32 to index
      %get3A_1539 = arith.index_cast %add3A_1537 : i32 to index
      %get3A_1540 = arith.constant 80 : index
      %get3A_1541 = tpu.vector_load %arg4[%get3A_1538, %get3A_1539, %get3A_1540] {strides = array<i32>} : memref<2x128x128xf32, #tpu.memory_space<vmem>>, vector<1x1x16xf32>,
      %get3A_1542 = vector.shape_cast %get3A_1541 : vector<1x1x16xf32> to vector<16xf32>
      %eq3A = vector.broadcast %scan3A_1534 : i32 to vector<16xi32>
      %eq3A_1543 = arith.cmpi eq, %iota3A, %eq3A : vector<16xi32>
      %broadcast_in_dim3A_1544 = vector.broadcast %scan3A_570 : f32 to vector<16xf32>
      %select_n3A = arith.select %eq3A_1543, %get3A_1542, %broadcast_in_dim3A_1544 : vector<16xi1>, vector<16xf32>
      %max3A = arith.maximumf %scan3A_1535, %select_n3A : vector<16xf32>
      scf.yield %max3A : vector<16xf32>
    }
    %scan3A_576 = arith.constant 16 : i32
    %scan3A_577 = arith.constant 0xFF800000 : f32
    %scan3A_578 = arith.constant 0 : i32
    %scan3A_579 = arith.constant 16 : i32
    %scan3A_580 = arith.addi %scan3A_578, %scan3A_579 : i32
    %scan3A_581 = arith.constant 1 : i32
    %scan3A_582 = scf.for %scan3A_1534 = %scan3A_578 to %scan3A_580 step %scan3A_581 iter_args(%scan3A_1535 = %scan3A_575) -> (vector<16xf32>)  : i32 {
      %add3A_1536 = arith.constant 96 : i32
      %add3A_1537 = arith.addi %add3A_1536, %scan3A_1534 : i32
      %get3A = arith.constant 1 : i32
      %get3A_1538 = arith.index_cast %get3A : i32 to index
      %get3A_1539 = arith.index_cast %add3A_1537 : i32 to index
      %get3A_1540 = arith.constant 96 : index
      %get3A_1541 = tpu.vector_load %arg4[%get3A_1538, %get3A_1539, %get3A_1540] {strides = array<i32>} : memref<2x128x128xf32, #tpu.memory_space<vmem>>, vector<1x1x16xf32>,
      %get3A_1542 = vector.shape_cast %get3A_1541 : vector<1x1x16xf32> to vector<16xf32>
      %eq3A = vector.broadcast %scan3A_1534 : i32 to vector<16xi32>
      %eq3A_1543 = arith.cmpi eq, %iota3A, %eq3A : vector<16xi32>
      %broadcast_in_dim3A_1544 = vector.broadcast %scan3A_577 : f32 to vector<16xf32>
      %select_n3A = arith.select %eq3A_1543, %get3A_1542, %broadcast_in_dim3A_1544 : vector<16xi1>, vector<16xf32>
      %max3A = arith.maximumf %scan3A_1535, %select_n3A : vector<16xf32>
      scf.yield %max3A : vector<16xf32>
    }
    %scan3A_583 = arith.constant 16 : i32
    %scan3A_584 = arith.constant 0xFF800000 : f32
    %scan3A_585 = arith.constant 0 : i32
    %scan3A_586 = arith.constant 16 : i32
    %scan3A_587 = arith.addi %scan3A_585, %scan3A_586 : i32
    %scan3A_588 = arith.constant 1 : i32
    %scan3A_589 = scf.for %scan3A_1534 = %scan3A_585 to %scan3A_587 step %scan3A_588 iter_args(%scan3A_1535 = %scan3A_582) -> (vector<16xf32>)  : i32 {
      %add3A_1536 = arith.constant 112 : i32
      %add3A_1537 = arith.addi %add3A_1536, %scan3A_1534 : i32
      %get3A = arith.constant 1 : i32
      %get3A_1538 = arith.index_cast %get3A : i32 to index
      %get3A_1539 = arith.index_cast %add3A_1537 : i32 to index
      %get3A_1540 = arith.constant 112 : index
      %get3A_1541 = tpu.vector_load %arg4[%get3A_1538, %get3A_1539, %get3A_1540] {strides = array<i32>} : memref<2x128x128xf32, #tpu.memory_space<vmem>>, vector<1x1x16xf32>,
      %get3A_1542 = vector.shape_cast %get3A_1541 : vector<1x1x16xf32> to vector<16xf32>
      %eq3A = vector.broadcast %scan3A_1534 : i32 to vector<16xi32>
      %eq3A_1543 = arith.cmpi eq, %iota3A, %eq3A : vector<16xi32>
      %broadcast_in_dim3A_1544 = vector.broadcast %scan3A_584 : f32 to vector<16xf32>
      %select_n3A = arith.select %eq3A_1543, %get3A_1542, %broadcast_in_dim3A_1544 : vector<16xi1>, vector<16xf32>
      %max3A = arith.maximumf %scan3A_1535, %select_n3A : vector<16xf32>
      scf.yield %max3A : vector<16xf32>
    }
    %scan3A_590 = arith.constant 16 : i32
    %dma_wait3A_591 = arith.constant 0 : i32
    %dma_wait3A_592 = arith.constant 0 : i32
    %dma_wait3A_593 = arith.constant 0 : i32
    %dma_wait3A_594 = tpu.memref_slice %arg4[%dma_wait3A_591, %dma_wait3A_592, %dma_wait3A_593] : memref<2x128x128xf32, #tpu.memory_space<vmem>> -> memref<1x128x128xf32, #tpu.memory_space<vmem>>
    %dma_wait3A_595 = tpu.memref_squeeze %dma_wait3A_594 : memref<1x128x128xf32, #tpu.memory_space<vmem>> -> memref<128x128xf32, #tpu.memory_space<vmem>>
    %dma_wait3A_596 = arith.constant 256 : i32
    %dma_wait3A_597 = arith.constant 256 : i32
    %dma_wait3A_598 = tpu.memref_slice %arg2[%add3A_517, %dma_wait3A_596, %dma_wait3A_597] : memref<128x512x512xf32, #tpu.memory_space<hbm>> -> memref<1x128x128xf32, #tpu.memory_space<hbm>>
    %dma_wait3A_599 = tpu.memref_squeeze %dma_wait3A_598 : memref<1x128x128xf32, #tpu.memory_space<hbm>> -> memref<128x128xf32, #tpu.memory_space<hbm>>
    %dma_wait3A_600 = arith.constant 0 : i32
    %dma_wait3A_601 = arith.constant 0 : i32
    %dma_wait3A_602 = tpu.memref_slice %arg4[%dma_wait3A_591, %dma_wait3A_600, %dma_wait3A_601] : memref<2x128x128xf32, #tpu.memory_space<vmem>> -> memref<1x128x128xf32, #tpu.memory_space<vmem>>
    %dma_wait3A_603 = tpu.memref_squeeze %dma_wait3A_602 : memref<1x128x128xf32, #tpu.memory_space<vmem>> -> memref<128x128xf32, #tpu.memory_space<vmem>>
    %dma_wait3A_604 = arith.constant 256 : i32
    %dma_wait3A_605 = arith.constant 256 : i32
    %dma_wait3A_606 = tpu.memref_slice %arg2[%add3A_517, %dma_wait3A_604, %dma_wait3A_605] : memref<128x512x512xf32, #tpu.memory_space<hbm>> -> memref<1x128x128xf32, #tpu.memory_space<hbm>>
    %dma_wait3A_607 = tpu.memref_squeeze %dma_wait3A_606 : memref<1x128x128xf32, #tpu.memory_space<hbm>> -> memref<128x128xf32, #tpu.memory_space<hbm>>
    tpu.wait_dma2 semaphore(%arg6 : memref<!tpu.dma_semaphore, #tpu.memory_space<semaphore_mem>>) src(%dma_wait3A_607 : memref<128x128xf32, #tpu.memory_space<hbm>>) dst(%dma_wait3A_603 : memref<128x128xf32, #tpu.memory_space<vmem>>)
    %mul3A_608 = arith.constant 4 : i32
    %mul3A_609 = arith.muli %add3A, %mul3A_608 : i32
    %add3A_610 = arith.constant 1 : i32
    %add3A_611 = arith.addi %mul3A_609, %add3A_610 : i32
    %dma_start3A_612 = arith.constant 1 : i32
    %dma_start3A_613 = arith.constant 0 : i32
    %dma_start3A_614 = arith.constant 0 : i32
    %dma_start3A_615 = tpu.memref_slice %arg4[%dma_start3A_612, %dma_start3A_613, %dma_start3A_614] : memref<2x128x128xf32, #tpu.memory_space<vmem>> -> memref<1x128x128xf32, #tpu.memory_space<vmem>>
    %dma_start3A_616 = tpu.memref_squeeze %dma_start3A_615 : memref<1x128x128xf32, #tpu.memory_space<vmem>> -> memref<128x128xf32, #tpu.memory_space<vmem>>
    %dma_start3A_617 = arith.constant 384 : i32
    %dma_start3A_618 = arith.constant 384 : i32
    %dma_start3A_619 = tpu.memref_slice %arg2[%add3A_611, %dma_start3A_617, %dma_start3A_618] : memref<128x512x512xf32, #tpu.memory_space<hbm>> -> memref<1x128x128xf32, #tpu.memory_space<hbm>>
    %dma_start3A_620 = tpu.memref_squeeze %dma_start3A_619 : memref<1x128x128xf32, #tpu.memory_space<hbm>> -> memref<128x128xf32, #tpu.memory_space<hbm>>
    %dma_start3A_621 = arith.constant 0 : i32
    %dma_start3A_622 = arith.constant 0 : i32
    %dma_start3A_623 = tpu.memref_slice %arg4[%dma_start3A_612, %dma_start3A_621, %dma_start3A_622] : memref<2x128x128xf32, #tpu.memory_space<vmem>> -> memref<1x128x128xf32, #tpu.memory_space<vmem>>
    %dma_start3A_624 = tpu.memref_squeeze %dma_start3A_623 : memref<1x128x128xf32, #tpu.memory_space<vmem>> -> memref<128x128xf32, #tpu.memory_space<vmem>>
    %dma_start3A_625 = arith.constant 384 : i32
    %dma_start3A_626 = arith.constant 384 : i32
    %dma_start3A_627 = tpu.memref_slice %arg2[%add3A_611, %dma_start3A_625, %dma_start3A_626] : memref<128x512x512xf32, #tpu.memory_space<hbm>> -> memref<1x128x128xf32, #tpu.memory_space<hbm>>
    %dma_start3A_628 = tpu.memref_squeeze %dma_start3A_627 : memref<1x128x128xf32, #tpu.memory_space<hbm>> -> memref<128x128xf32, #tpu.memory_space<hbm>>
    tpu.enqueue_dma source(%dma_start3A_628 : memref<128x128xf32, #tpu.memory_space<hbm>>) target(%dma_start3A_624 : memref<128x128xf32, #tpu.memory_space<vmem>>) target_semaphore(%arg7 : memref<!tpu.dma_semaphore, #tpu.memory_space<semaphore_mem>>)
    %scan3A_629 = arith.constant 0xFF800000 : f32
    %scan3A_630 = arith.constant 0 : i32
    %scan3A_631 = arith.constant 16 : i32
    %scan3A_632 = arith.addi %scan3A_630, %scan3A_631 : i32
    %scan3A_633 = arith.constant 1 : i32
    %scan3A_634 = scf.for %scan3A_1534 = %scan3A_630 to %scan3A_632 step %scan3A_633 iter_args(%scan3A_1535 = %scan3A_589) -> (vector<16xf32>)  : i32 {
      %add3A_1536 = arith.constant 0 : i32
      %add3A_1537 = arith.addi %add3A_1536, %scan3A_1534 : i32
      %get3A = arith.constant 0 : i32
      %get3A_1538 = arith.index_cast %get3A : i32 to index
      %get3A_1539 = arith.index_cast %add3A_1537 : i32 to index
      %get3A_1540 = arith.constant 0 : index
      %get3A_1541 = tpu.vector_load %arg4[%get3A_1538, %get3A_1539, %get3A_1540] {strides = array<i32>} : memref<2x128x128xf32, #tpu.memory_space<vmem>>, vector<1x1x16xf32>,
      %get3A_1542 = vector.shape_cast %get3A_1541 : vector<1x1x16xf32> to vector<16xf32>
      %eq3A = vector.broadcast %scan3A_1534 : i32 to vector<16xi32>
      %eq3A_1543 = arith.cmpi eq, %iota3A, %eq3A : vector<16xi32>
      %broadcast_in_dim3A_1544 = vector.broadcast %scan3A_629 : f32 to vector<16xf32>
      %select_n3A = arith.select %eq3A_1543, %get3A_1542, %broadcast_in_dim3A_1544 : vector<16xi1>, vector<16xf32>
      %max3A = arith.maximumf %scan3A_1535, %select_n3A : vector<16xf32>
      scf.yield %max3A : vector<16xf32>
    }
    %scan3A_635 = arith.constant 16 : i32
    %scan3A_636 = arith.constant 0xFF800000 : f32
    %scan3A_637 = arith.constant 0 : i32
    %scan3A_638 = arith.constant 16 : i32
    %scan3A_639 = arith.addi %scan3A_637, %scan3A_638 : i32
    %scan3A_640 = arith.constant 1 : i32
    %scan3A_641 = scf.for %scan3A_1534 = %scan3A_637 to %scan3A_639 step %scan3A_640 iter_args(%scan3A_1535 = %scan3A_634) -> (vector<16xf32>)  : i32 {
      %add3A_1536 = arith.constant 16 : i32
      %add3A_1537 = arith.addi %add3A_1536, %scan3A_1534 : i32
      %get3A = arith.constant 0 : i32
      %get3A_1538 = arith.index_cast %get3A : i32 to index
      %get3A_1539 = arith.index_cast %add3A_1537 : i32 to index
      %get3A_1540 = arith.constant 16 : index
      %get3A_1541 = tpu.vector_load %arg4[%get3A_1538, %get3A_1539, %get3A_1540] {strides = array<i32>} : memref<2x128x128xf32, #tpu.memory_space<vmem>>, vector<1x1x16xf32>,
      %get3A_1542 = vector.shape_cast %get3A_1541 : vector<1x1x16xf32> to vector<16xf32>
      %eq3A = vector.broadcast %scan3A_1534 : i32 to vector<16xi32>
      %eq3A_1543 = arith.cmpi eq, %iota3A, %eq3A : vector<16xi32>
      %broadcast_in_dim3A_1544 = vector.broadcast %scan3A_636 : f32 to vector<16xf32>
      %select_n3A = arith.select %eq3A_1543, %get3A_1542, %broadcast_in_dim3A_1544 : vector<16xi1>, vector<16xf32>
      %max3A = arith.maximumf %scan3A_1535, %select_n3A : vector<16xf32>
      scf.yield %max3A : vector<16xf32>
    }
    %scan3A_642 = arith.constant 16 : i32
    %scan3A_643 = arith.constant 0xFF800000 : f32
    %scan3A_644 = arith.constant 0 : i32
    %scan3A_645 = arith.constant 16 : i32
    %scan3A_646 = arith.addi %scan3A_644, %scan3A_645 : i32
    %scan3A_647 = arith.constant 1 : i32
    %scan3A_648 = scf.for %scan3A_1534 = %scan3A_644 to %scan3A_646 step %scan3A_647 iter_args(%scan3A_1535 = %scan3A_641) -> (vector<16xf32>)  : i32 {
      %add3A_1536 = arith.constant 32 : i32
      %add3A_1537 = arith.addi %add3A_1536, %scan3A_1534 : i32
      %get3A = arith.constant 0 : i32
      %get3A_1538 = arith.index_cast %get3A : i32 to index
      %get3A_1539 = arith.index_cast %add3A_1537 : i32 to index
      %get3A_1540 = arith.constant 32 : index
      %get3A_1541 = tpu.vector_load %arg4[%get3A_1538, %get3A_1539, %get3A_1540] {strides = array<i32>} : memref<2x128x128xf32, #tpu.memory_space<vmem>>, vector<1x1x16xf32>,
      %get3A_1542 = vector.shape_cast %get3A_1541 : vector<1x1x16xf32> to vector<16xf32>
      %eq3A = vector.broadcast %scan3A_1534 : i32 to vector<16xi32>
      %eq3A_1543 = arith.cmpi eq, %iota3A, %eq3A : vector<16xi32>
      %broadcast_in_dim3A_1544 = vector.broadcast %scan3A_643 : f32 to vector<16xf32>
      %select_n3A = arith.select %eq3A_1543, %get3A_1542, %broadcast_in_dim3A_1544 : vector<16xi1>, vector<16xf32>
      %max3A = arith.maximumf %scan3A_1535, %select_n3A : vector<16xf32>
      scf.yield %max3A : vector<16xf32>
    }
    %scan3A_649 = arith.constant 16 : i32
    %scan3A_650 = arith.constant 0xFF800000 : f32
    %scan3A_651 = arith.constant 0 : i32
    %scan3A_652 = arith.constant 16 : i32
    %scan3A_653 = arith.addi %scan3A_651, %scan3A_652 : i32
    %scan3A_654 = arith.constant 1 : i32
    %scan3A_655 = scf.for %scan3A_1534 = %scan3A_651 to %scan3A_653 step %scan3A_654 iter_args(%scan3A_1535 = %scan3A_648) -> (vector<16xf32>)  : i32 {
      %add3A_1536 = arith.constant 48 : i32
      %add3A_1537 = arith.addi %add3A_1536, %scan3A_1534 : i32
      %get3A = arith.constant 0 : i32
      %get3A_1538 = arith.index_cast %get3A : i32 to index
      %get3A_1539 = arith.index_cast %add3A_1537 : i32 to index
      %get3A_1540 = arith.constant 48 : index
      %get3A_1541 = tpu.vector_load %arg4[%get3A_1538, %get3A_1539, %get3A_1540] {strides = array<i32>} : memref<2x128x128xf32, #tpu.memory_space<vmem>>, vector<1x1x16xf32>,
      %get3A_1542 = vector.shape_cast %get3A_1541 : vector<1x1x16xf32> to vector<16xf32>
      %eq3A = vector.broadcast %scan3A_1534 : i32 to vector<16xi32>
      %eq3A_1543 = arith.cmpi eq, %iota3A, %eq3A : vector<16xi32>
      %broadcast_in_dim3A_1544 = vector.broadcast %scan3A_650 : f32 to vector<16xf32>
      %select_n3A = arith.select %eq3A_1543, %get3A_1542, %broadcast_in_dim3A_1544 : vector<16xi1>, vector<16xf32>
      %max3A = arith.maximumf %scan3A_1535, %select_n3A : vector<16xf32>
      scf.yield %max3A : vector<16xf32>
    }
    %scan3A_656 = arith.constant 16 : i32
    %scan3A_657 = arith.constant 0xFF800000 : f32
    %scan3A_658 = arith.constant 0 : i32
    %scan3A_659 = arith.constant 16 : i32
    %scan3A_660 = arith.addi %scan3A_658, %scan3A_659 : i32
    %scan3A_661 = arith.constant 1 : i32
    %scan3A_662 = scf.for %scan3A_1534 = %scan3A_658 to %scan3A_660 step %scan3A_661 iter_args(%scan3A_1535 = %scan3A_655) -> (vector<16xf32>)  : i32 {
      %add3A_1536 = arith.constant 64 : i32
      %add3A_1537 = arith.addi %add3A_1536, %scan3A_1534 : i32
      %get3A = arith.constant 0 : i32
      %get3A_1538 = arith.index_cast %get3A : i32 to index
      %get3A_1539 = arith.index_cast %add3A_1537 : i32 to index
      %get3A_1540 = arith.constant 64 : index
      %get3A_1541 = tpu.vector_load %arg4[%get3A_1538, %get3A_1539, %get3A_1540] {strides = array<i32>} : memref<2x128x128xf32, #tpu.memory_space<vmem>>, vector<1x1x16xf32>,
      %get3A_1542 = vector.shape_cast %get3A_1541 : vector<1x1x16xf32> to vector<16xf32>
      %eq3A = vector.broadcast %scan3A_1534 : i32 to vector<16xi32>
      %eq3A_1543 = arith.cmpi eq, %iota3A, %eq3A : vector<16xi32>
      %broadcast_in_dim3A_1544 = vector.broadcast %scan3A_657 : f32 to vector<16xf32>
      %select_n3A = arith.select %eq3A_1543, %get3A_1542, %broadcast_in_dim3A_1544 : vector<16xi1>, vector<16xf32>
      %max3A = arith.maximumf %scan3A_1535, %select_n3A : vector<16xf32>
      scf.yield %max3A : vector<16xf32>
    }
    %scan3A_663 = arith.constant 16 : i32
    %scan3A_664 = arith.constant 0xFF800000 : f32
    %scan3A_665 = arith.constant 0 : i32
    %scan3A_666 = arith.constant 16 : i32
    %scan3A_667 = arith.addi %scan3A_665, %scan3A_666 : i32
    %scan3A_668 = arith.constant 1 : i32
    %scan3A_669 = scf.for %scan3A_1534 = %scan3A_665 to %scan3A_667 step %scan3A_668 iter_args(%scan3A_1535 = %scan3A_662) -> (vector<16xf32>)  : i32 {
      %add3A_1536 = arith.constant 80 : i32
      %add3A_1537 = arith.addi %add3A_1536, %scan3A_1534 : i32
      %get3A = arith.constant 0 : i32
      %get3A_1538 = arith.index_cast %get3A : i32 to index
      %get3A_1539 = arith.index_cast %add3A_1537 : i32 to index
      %get3A_1540 = arith.constant 80 : index
      %get3A_1541 = tpu.vector_load %arg4[%get3A_1538, %get3A_1539, %get3A_1540] {strides = array<i32>} : memref<2x128x128xf32, #tpu.memory_space<vmem>>, vector<1x1x16xf32>,
      %get3A_1542 = vector.shape_cast %get3A_1541 : vector<1x1x16xf32> to vector<16xf32>
      %eq3A = vector.broadcast %scan3A_1534 : i32 to vector<16xi32>
      %eq3A_1543 = arith.cmpi eq, %iota3A, %eq3A : vector<16xi32>
      %broadcast_in_dim3A_1544 = vector.broadcast %scan3A_664 : f32 to vector<16xf32>
      %select_n3A = arith.select %eq3A_1543, %get3A_1542, %broadcast_in_dim3A_1544 : vector<16xi1>, vector<16xf32>
      %max3A = arith.maximumf %scan3A_1535, %select_n3A : vector<16xf32>
      scf.yield %max3A : vector<16xf32>
    }
    %scan3A_670 = arith.constant 16 : i32
    %scan3A_671 = arith.constant 0xFF800000 : f32
    %scan3A_672 = arith.constant 0 : i32
    %scan3A_673 = arith.constant 16 : i32
    %scan3A_674 = arith.addi %scan3A_672, %scan3A_673 : i32
    %scan3A_675 = arith.constant 1 : i32
    %scan3A_676 = scf.for %scan3A_1534 = %scan3A_672 to %scan3A_674 step %scan3A_675 iter_args(%scan3A_1535 = %scan3A_669) -> (vector<16xf32>)  : i32 {
      %add3A_1536 = arith.constant 96 : i32
      %add3A_1537 = arith.addi %add3A_1536, %scan3A_1534 : i32
      %get3A = arith.constant 0 : i32
      %get3A_1538 = arith.index_cast %get3A : i32 to index
      %get3A_1539 = arith.index_cast %add3A_1537 : i32 to index
      %get3A_1540 = arith.constant 96 : index
      %get3A_1541 = tpu.vector_load %arg4[%get3A_1538, %get3A_1539, %get3A_1540] {strides = array<i32>} : memref<2x128x128xf32, #tpu.memory_space<vmem>>, vector<1x1x16xf32>,
      %get3A_1542 = vector.shape_cast %get3A_1541 : vector<1x1x16xf32> to vector<16xf32>
      %eq3A = vector.broadcast %scan3A_1534 : i32 to vector<16xi32>
      %eq3A_1543 = arith.cmpi eq, %iota3A, %eq3A : vector<16xi32>
      %broadcast_in_dim3A_1544 = vector.broadcast %scan3A_671 : f32 to vector<16xf32>
      %select_n3A = arith.select %eq3A_1543, %get3A_1542, %broadcast_in_dim3A_1544 : vector<16xi1>, vector<16xf32>
      %max3A = arith.maximumf %scan3A_1535, %select_n3A : vector<16xf32>
      scf.yield %max3A : vector<16xf32>
    }
    %scan3A_677 = arith.constant 16 : i32
    %scan3A_678 = arith.constant 0xFF800000 : f32
    %scan3A_679 = arith.constant 0 : i32
    %scan3A_680 = arith.constant 16 : i32
    %scan3A_681 = arith.addi %scan3A_679, %scan3A_680 : i32
    %scan3A_682 = arith.constant 1 : i32
    %scan3A_683 = scf.for %scan3A_1534 = %scan3A_679 to %scan3A_681 step %scan3A_682 iter_args(%scan3A_1535 = %scan3A_676) -> (vector<16xf32>)  : i32 {
      %add3A_1536 = arith.constant 112 : i32
      %add3A_1537 = arith.addi %add3A_1536, %scan3A_1534 : i32
      %get3A = arith.constant 0 : i32
      %get3A_1538 = arith.index_cast %get3A : i32 to index
      %get3A_1539 = arith.index_cast %add3A_1537 : i32 to index
      %get3A_1540 = arith.constant 112 : index
      %get3A_1541 = tpu.vector_load %arg4[%get3A_1538, %get3A_1539, %get3A_1540] {strides = array<i32>} : memref<2x128x128xf32, #tpu.memory_space<vmem>>, vector<1x1x16xf32>,
      %get3A_1542 = vector.shape_cast %get3A_1541 : vector<1x1x16xf32> to vector<16xf32>
      %eq3A = vector.broadcast %scan3A_1534 : i32 to vector<16xi32>
      %eq3A_1543 = arith.cmpi eq, %iota3A, %eq3A : vector<16xi32>
      %broadcast_in_dim3A_1544 = vector.broadcast %scan3A_678 : f32 to vector<16xf32>
      %select_n3A = arith.select %eq3A_1543, %get3A_1542, %broadcast_in_dim3A_1544 : vector<16xi1>, vector<16xf32>
      %max3A = arith.maximumf %scan3A_1535, %select_n3A : vector<16xf32>
      scf.yield %max3A : vector<16xf32>
    }
    %scan3A_684 = arith.constant 16 : i32
    %dma_wait3A_685 = arith.constant 1 : i32
    %dma_wait3A_686 = arith.constant 0 : i32
    %dma_wait3A_687 = arith.constant 0 : i32
    %dma_wait3A_688 = tpu.memref_slice %arg4[%dma_wait3A_685, %dma_wait3A_686, %dma_wait3A_687] : memref<2x128x128xf32, #tpu.memory_space<vmem>> -> memref<1x128x128xf32, #tpu.memory_space<vmem>>
    %dma_wait3A_689 = tpu.memref_squeeze %dma_wait3A_688 : memref<1x128x128xf32, #tpu.memory_space<vmem>> -> memref<128x128xf32, #tpu.memory_space<vmem>>
    %dma_wait3A_690 = arith.constant 384 : i32
    %dma_wait3A_691 = arith.constant 384 : i32
    %dma_wait3A_692 = tpu.memref_slice %arg2[%add3A_611, %dma_wait3A_690, %dma_wait3A_691] : memref<128x512x512xf32, #tpu.memory_space<hbm>> -> memref<1x128x128xf32, #tpu.memory_space<hbm>>
    %dma_wait3A_693 = tpu.memref_squeeze %dma_wait3A_692 : memref<1x128x128xf32, #tpu.memory_space<hbm>> -> memref<128x128xf32, #tpu.memory_space<hbm>>
    %dma_wait3A_694 = arith.constant 0 : i32
    %dma_wait3A_695 = arith.constant 0 : i32
    %dma_wait3A_696 = tpu.memref_slice %arg4[%dma_wait3A_685, %dma_wait3A_694, %dma_wait3A_695] : memref<2x128x128xf32, #tpu.memory_space<vmem>> -> memref<1x128x128xf32, #tpu.memory_space<vmem>>
    %dma_wait3A_697 = tpu.memref_squeeze %dma_wait3A_696 : memref<1x128x128xf32, #tpu.memory_space<vmem>> -> memref<128x128xf32, #tpu.memory_space<vmem>>
    %dma_wait3A_698 = arith.constant 384 : i32
    %dma_wait3A_699 = arith.constant 384 : i32
    %dma_wait3A_700 = tpu.memref_slice %arg2[%add3A_611, %dma_wait3A_698, %dma_wait3A_699] : memref<128x512x512xf32, #tpu.memory_space<hbm>> -> memref<1x128x128xf32, #tpu.memory_space<hbm>>
    %dma_wait3A_701 = tpu.memref_squeeze %dma_wait3A_700 : memref<1x128x128xf32, #tpu.memory_space<hbm>> -> memref<128x128xf32, #tpu.memory_space<hbm>>
    tpu.wait_dma2 semaphore(%arg7 : memref<!tpu.dma_semaphore, #tpu.memory_space<semaphore_mem>>) src(%dma_wait3A_701 : memref<128x128xf32, #tpu.memory_space<hbm>>) dst(%dma_wait3A_697 : memref<128x128xf32, #tpu.memory_space<vmem>>)
    %mul3A_702 = arith.constant 4 : i32
    %mul3A_703 = arith.muli %add3A, %mul3A_702 : i32
    %add3A_704 = arith.constant 2 : i32
    %add3A_705 = arith.addi %mul3A_703, %add3A_704 : i32
    %dma_start3A_706 = arith.constant 0 : i32
    %dma_start3A_707 = arith.constant 0 : i32
    %dma_start3A_708 = arith.constant 0 : i32
    %dma_start3A_709 = tpu.memref_slice %arg4[%dma_start3A_706, %dma_start3A_707, %dma_start3A_708] : memref<2x128x128xf32, #tpu.memory_space<vmem>> -> memref<1x128x128xf32, #tpu.memory_space<vmem>>
    %dma_start3A_710 = tpu.memref_squeeze %dma_start3A_709 : memref<1x128x128xf32, #tpu.memory_space<vmem>> -> memref<128x128xf32, #tpu.memory_space<vmem>>
    %dma_start3A_711 = arith.constant 0 : i32
    %dma_start3A_712 = arith.constant 0 : i32
    %dma_start3A_713 = tpu.memref_slice %arg2[%add3A_705, %dma_start3A_711, %dma_start3A_712] : memref<128x512x512xf32, #tpu.memory_space<hbm>> -> memref<1x128x128xf32, #tpu.memory_space<hbm>>
    %dma_start3A_714 = tpu.memref_squeeze %dma_start3A_713 : memref<1x128x128xf32, #tpu.memory_space<hbm>> -> memref<128x128xf32, #tpu.memory_space<hbm>>
    %dma_start3A_715 = arith.constant 0 : i32
    %dma_start3A_716 = arith.constant 0 : i32
    %dma_start3A_717 = tpu.memref_slice %arg4[%dma_start3A_706, %dma_start3A_715, %dma_start3A_716] : memref<2x128x128xf32, #tpu.memory_space<vmem>> -> memref<1x128x128xf32, #tpu.memory_space<vmem>>
    %dma_start3A_718 = tpu.memref_squeeze %dma_start3A_717 : memref<1x128x128xf32, #tpu.memory_space<vmem>> -> memref<128x128xf32, #tpu.memory_space<vmem>>
    %dma_start3A_719 = arith.constant 0 : i32
    %dma_start3A_720 = arith.constant 0 : i32
    %dma_start3A_721 = tpu.memref_slice %arg2[%add3A_705, %dma_start3A_719, %dma_start3A_720] : memref<128x512x512xf32, #tpu.memory_space<hbm>> -> memref<1x128x128xf32, #tpu.memory_space<hbm>>
    %dma_start3A_722 = tpu.memref_squeeze %dma_start3A_721 : memref<1x128x128xf32, #tpu.memory_space<hbm>> -> memref<128x128xf32, #tpu.memory_space<hbm>>
    tpu.enqueue_dma source(%dma_start3A_722 : memref<128x128xf32, #tpu.memory_space<hbm>>) target(%dma_start3A_718 : memref<128x128xf32, #tpu.memory_space<vmem>>) target_semaphore(%arg6 : memref<!tpu.dma_semaphore, #tpu.memory_space<semaphore_mem>>)
    %scan3A_723 = arith.constant 0xFF800000 : f32
    %scan3A_724 = arith.constant 0 : i32
    %scan3A_725 = arith.constant 16 : i32
    %scan3A_726 = arith.addi %scan3A_724, %scan3A_725 : i32
    %scan3A_727 = arith.constant 1 : i32
    %scan3A_728 = scf.for %scan3A_1534 = %scan3A_724 to %scan3A_726 step %scan3A_727 iter_args(%scan3A_1535 = %scan3A_683) -> (vector<16xf32>)  : i32 {
      %add3A_1536 = arith.constant 0 : i32
      %add3A_1537 = arith.addi %add3A_1536, %scan3A_1534 : i32
      %get3A = arith.constant 1 : i32
      %get3A_1538 = arith.index_cast %get3A : i32 to index
      %get3A_1539 = arith.index_cast %add3A_1537 : i32 to index
      %get3A_1540 = arith.constant 0 : index
      %get3A_1541 = tpu.vector_load %arg4[%get3A_1538, %get3A_1539, %get3A_1540] {strides = array<i32>} : memref<2x128x128xf32, #tpu.memory_space<vmem>>, vector<1x1x16xf32>,
      %get3A_1542 = vector.shape_cast %get3A_1541 : vector<1x1x16xf32> to vector<16xf32>
      %eq3A = vector.broadcast %scan3A_1534 : i32 to vector<16xi32>
      %eq3A_1543 = arith.cmpi eq, %iota3A, %eq3A : vector<16xi32>
      %broadcast_in_dim3A_1544 = vector.broadcast %scan3A_723 : f32 to vector<16xf32>
      %select_n3A = arith.select %eq3A_1543, %get3A_1542, %broadcast_in_dim3A_1544 : vector<16xi1>, vector<16xf32>
      %max3A = arith.maximumf %scan3A_1535, %select_n3A : vector<16xf32>
      scf.yield %max3A : vector<16xf32>
    }
    %scan3A_729 = arith.constant 16 : i32
    %scan3A_730 = arith.constant 0xFF800000 : f32
    %scan3A_731 = arith.constant 0 : i32
    %scan3A_732 = arith.constant 16 : i32
    %scan3A_733 = arith.addi %scan3A_731, %scan3A_732 : i32
    %scan3A_734 = arith.constant 1 : i32
    %scan3A_735 = scf.for %scan3A_1534 = %scan3A_731 to %scan3A_733 step %scan3A_734 iter_args(%scan3A_1535 = %scan3A_728) -> (vector<16xf32>)  : i32 {
      %add3A_1536 = arith.constant 16 : i32
      %add3A_1537 = arith.addi %add3A_1536, %scan3A_1534 : i32
      %get3A = arith.constant 1 : i32
      %get3A_1538 = arith.index_cast %get3A : i32 to index
      %get3A_1539 = arith.index_cast %add3A_1537 : i32 to index
      %get3A_1540 = arith.constant 16 : index
      %get3A_1541 = tpu.vector_load %arg4[%get3A_1538, %get3A_1539, %get3A_1540] {strides = array<i32>} : memref<2x128x128xf32, #tpu.memory_space<vmem>>, vector<1x1x16xf32>,
      %get3A_1542 = vector.shape_cast %get3A_1541 : vector<1x1x16xf32> to vector<16xf32>
      %eq3A = vector.broadcast %scan3A_1534 : i32 to vector<16xi32>
      %eq3A_1543 = arith.cmpi eq, %iota3A, %eq3A : vector<16xi32>
      %broadcast_in_dim3A_1544 = vector.broadcast %scan3A_730 : f32 to vector<16xf32>
      %select_n3A = arith.select %eq3A_1543, %get3A_1542, %broadcast_in_dim3A_1544 : vector<16xi1>, vector<16xf32>
      %max3A = arith.maximumf %scan3A_1535, %select_n3A : vector<16xf32>
      scf.yield %max3A : vector<16xf32>
    }
    %scan3A_736 = arith.constant 16 : i32
    %scan3A_737 = arith.constant 0xFF800000 : f32
    %scan3A_738 = arith.constant 0 : i32
    %scan3A_739 = arith.constant 16 : i32
    %scan3A_740 = arith.addi %scan3A_738, %scan3A_739 : i32
    %scan3A_741 = arith.constant 1 : i32
    %scan3A_742 = scf.for %scan3A_1534 = %scan3A_738 to %scan3A_740 step %scan3A_741 iter_args(%scan3A_1535 = %scan3A_735) -> (vector<16xf32>)  : i32 {
      %add3A_1536 = arith.constant 32 : i32
      %add3A_1537 = arith.addi %add3A_1536, %scan3A_1534 : i32
      %get3A = arith.constant 1 : i32
      %get3A_1538 = arith.index_cast %get3A : i32 to index
      %get3A_1539 = arith.index_cast %add3A_1537 : i32 to index
      %get3A_1540 = arith.constant 32 : index
      %get3A_1541 = tpu.vector_load %arg4[%get3A_1538, %get3A_1539, %get3A_1540] {strides = array<i32>} : memref<2x128x128xf32, #tpu.memory_space<vmem>>, vector<1x1x16xf32>,
      %get3A_1542 = vector.shape_cast %get3A_1541 : vector<1x1x16xf32> to vector<16xf32>
      %eq3A = vector.broadcast %scan3A_1534 : i32 to vector<16xi32>
      %eq3A_1543 = arith.cmpi eq, %iota3A, %eq3A : vector<16xi32>
      %broadcast_in_dim3A_1544 = vector.broadcast %scan3A_737 : f32 to vector<16xf32>
      %select_n3A = arith.select %eq3A_1543, %get3A_1542, %broadcast_in_dim3A_1544 : vector<16xi1>, vector<16xf32>
      %max3A = arith.maximumf %scan3A_1535, %select_n3A : vector<16xf32>
      scf.yield %max3A : vector<16xf32>
    }
    %scan3A_743 = arith.constant 16 : i32
    %scan3A_744 = arith.constant 0xFF800000 : f32
    %scan3A_745 = arith.constant 0 : i32
    %scan3A_746 = arith.constant 16 : i32
    %scan3A_747 = arith.addi %scan3A_745, %scan3A_746 : i32
    %scan3A_748 = arith.constant 1 : i32
    %scan3A_749 = scf.for %scan3A_1534 = %scan3A_745 to %scan3A_747 step %scan3A_748 iter_args(%scan3A_1535 = %scan3A_742) -> (vector<16xf32>)  : i32 {
      %add3A_1536 = arith.constant 48 : i32
      %add3A_1537 = arith.addi %add3A_1536, %scan3A_1534 : i32
      %get3A = arith.constant 1 : i32
      %get3A_1538 = arith.index_cast %get3A : i32 to index
      %get3A_1539 = arith.index_cast %add3A_1537 : i32 to index
      %get3A_1540 = arith.constant 48 : index
      %get3A_1541 = tpu.vector_load %arg4[%get3A_1538, %get3A_1539, %get3A_1540] {strides = array<i32>} : memref<2x128x128xf32, #tpu.memory_space<vmem>>, vector<1x1x16xf32>,
      %get3A_1542 = vector.shape_cast %get3A_1541 : vector<1x1x16xf32> to vector<16xf32>
      %eq3A = vector.broadcast %scan3A_1534 : i32 to vector<16xi32>
      %eq3A_1543 = arith.cmpi eq, %iota3A, %eq3A : vector<16xi32>
      %broadcast_in_dim3A_1544 = vector.broadcast %scan3A_744 : f32 to vector<16xf32>
      %select_n3A = arith.select %eq3A_1543, %get3A_1542, %broadcast_in_dim3A_1544 : vector<16xi1>, vector<16xf32>
      %max3A = arith.maximumf %scan3A_1535, %select_n3A : vector<16xf32>
      scf.yield %max3A : vector<16xf32>
    }
    %scan3A_750 = arith.constant 16 : i32
    %scan3A_751 = arith.constant 0xFF800000 : f32
    %scan3A_752 = arith.constant 0 : i32
    %scan3A_753 = arith.constant 16 : i32
    %scan3A_754 = arith.addi %scan3A_752, %scan3A_753 : i32
    %scan3A_755 = arith.constant 1 : i32
    %scan3A_756 = scf.for %scan3A_1534 = %scan3A_752 to %scan3A_754 step %scan3A_755 iter_args(%scan3A_1535 = %scan3A_749) -> (vector<16xf32>)  : i32 {
      %add3A_1536 = arith.constant 64 : i32
      %add3A_1537 = arith.addi %add3A_1536, %scan3A_1534 : i32
      %get3A = arith.constant 1 : i32
      %get3A_1538 = arith.index_cast %get3A : i32 to index
      %get3A_1539 = arith.index_cast %add3A_1537 : i32 to index
      %get3A_1540 = arith.constant 64 : index
      %get3A_1541 = tpu.vector_load %arg4[%get3A_1538, %get3A_1539, %get3A_1540] {strides = array<i32>} : memref<2x128x128xf32, #tpu.memory_space<vmem>>, vector<1x1x16xf32>,
      %get3A_1542 = vector.shape_cast %get3A_1541 : vector<1x1x16xf32> to vector<16xf32>
      %eq3A = vector.broadcast %scan3A_1534 : i32 to vector<16xi32>
      %eq3A_1543 = arith.cmpi eq, %iota3A, %eq3A : vector<16xi32>
      %broadcast_in_dim3A_1544 = vector.broadcast %scan3A_751 : f32 to vector<16xf32>
      %select_n3A = arith.select %eq3A_1543, %get3A_1542, %broadcast_in_dim3A_1544 : vector<16xi1>, vector<16xf32>
      %max3A = arith.maximumf %scan3A_1535, %select_n3A : vector<16xf32>
      scf.yield %max3A : vector<16xf32>
    }
    %scan3A_757 = arith.constant 16 : i32
    %scan3A_758 = arith.constant 0xFF800000 : f32
    %scan3A_759 = arith.constant 0 : i32
    %scan3A_760 = arith.constant 16 : i32
    %scan3A_761 = arith.addi %scan3A_759, %scan3A_760 : i32
    %scan3A_762 = arith.constant 1 : i32
    %scan3A_763 = scf.for %scan3A_1534 = %scan3A_759 to %scan3A_761 step %scan3A_762 iter_args(%scan3A_1535 = %scan3A_756) -> (vector<16xf32>)  : i32 {
      %add3A_1536 = arith.constant 80 : i32
      %add3A_1537 = arith.addi %add3A_1536, %scan3A_1534 : i32
      %get3A = arith.constant 1 : i32
      %get3A_1538 = arith.index_cast %get3A : i32 to index
      %get3A_1539 = arith.index_cast %add3A_1537 : i32 to index
      %get3A_1540 = arith.constant 80 : index
      %get3A_1541 = tpu.vector_load %arg4[%get3A_1538, %get3A_1539, %get3A_1540] {strides = array<i32>} : memref<2x128x128xf32, #tpu.memory_space<vmem>>, vector<1x1x16xf32>,
      %get3A_1542 = vector.shape_cast %get3A_1541 : vector<1x1x16xf32> to vector<16xf32>
      %eq3A = vector.broadcast %scan3A_1534 : i32 to vector<16xi32>
      %eq3A_1543 = arith.cmpi eq, %iota3A, %eq3A : vector<16xi32>
      %broadcast_in_dim3A_1544 = vector.broadcast %scan3A_758 : f32 to vector<16xf32>
      %select_n3A = arith.select %eq3A_1543, %get3A_1542, %broadcast_in_dim3A_1544 : vector<16xi1>, vector<16xf32>
      %max3A = arith.maximumf %scan3A_1535, %select_n3A : vector<16xf32>
      scf.yield %max3A : vector<16xf32>
    }
    %scan3A_764 = arith.constant 16 : i32
    %scan3A_765 = arith.constant 0xFF800000 : f32
    %scan3A_766 = arith.constant 0 : i32
    %scan3A_767 = arith.constant 16 : i32
    %scan3A_768 = arith.addi %scan3A_766, %scan3A_767 : i32
    %scan3A_769 = arith.constant 1 : i32
    %scan3A_770 = scf.for %scan3A_1534 = %scan3A_766 to %scan3A_768 step %scan3A_769 iter_args(%scan3A_1535 = %scan3A_763) -> (vector<16xf32>)  : i32 {
      %add3A_1536 = arith.constant 96 : i32
      %add3A_1537 = arith.addi %add3A_1536, %scan3A_1534 : i32
      %get3A = arith.constant 1 : i32
      %get3A_1538 = arith.index_cast %get3A : i32 to index
      %get3A_1539 = arith.index_cast %add3A_1537 : i32 to index
      %get3A_1540 = arith.constant 96 : index
      %get3A_1541 = tpu.vector_load %arg4[%get3A_1538, %get3A_1539, %get3A_1540] {strides = array<i32>} : memref<2x128x128xf32, #tpu.memory_space<vmem>>, vector<1x1x16xf32>,
      %get3A_1542 = vector.shape_cast %get3A_1541 : vector<1x1x16xf32> to vector<16xf32>
      %eq3A = vector.broadcast %scan3A_1534 : i32 to vector<16xi32>
      %eq3A_1543 = arith.cmpi eq, %iota3A, %eq3A : vector<16xi32>
      %broadcast_in_dim3A_1544 = vector.broadcast %scan3A_765 : f32 to vector<16xf32>
      %select_n3A = arith.select %eq3A_1543, %get3A_1542, %broadcast_in_dim3A_1544 : vector<16xi1>, vector<16xf32>
      %max3A = arith.maximumf %scan3A_1535, %select_n3A : vector<16xf32>
      scf.yield %max3A : vector<16xf32>
    }
    %scan3A_771 = arith.constant 16 : i32
    %scan3A_772 = arith.constant 0xFF800000 : f32
    %scan3A_773 = arith.constant 0 : i32
    %scan3A_774 = arith.constant 16 : i32
    %scan3A_775 = arith.addi %scan3A_773, %scan3A_774 : i32
    %scan3A_776 = arith.constant 1 : i32
    %scan3A_777 = scf.for %scan3A_1534 = %scan3A_773 to %scan3A_775 step %scan3A_776 iter_args(%scan3A_1535 = %scan3A_770) -> (vector<16xf32>)  : i32 {
      %add3A_1536 = arith.constant 112 : i32
      %add3A_1537 = arith.addi %add3A_1536, %scan3A_1534 : i32
      %get3A = arith.constant 1 : i32
      %get3A_1538 = arith.index_cast %get3A : i32 to index
      %get3A_1539 = arith.index_cast %add3A_1537 : i32 to index
      %get3A_1540 = arith.constant 112 : index
      %get3A_1541 = tpu.vector_load %arg4[%get3A_1538, %get3A_1539, %get3A_1540] {strides = array<i32>} : memref<2x128x128xf32, #tpu.memory_space<vmem>>, vector<1x1x16xf32>,
      %get3A_1542 = vector.shape_cast %get3A_1541 : vector<1x1x16xf32> to vector<16xf32>
      %eq3A = vector.broadcast %scan3A_1534 : i32 to vector<16xi32>
      %eq3A_1543 = arith.cmpi eq, %iota3A, %eq3A : vector<16xi32>
      %broadcast_in_dim3A_1544 = vector.broadcast %scan3A_772 : f32 to vector<16xf32>
      %select_n3A = arith.select %eq3A_1543, %get3A_1542, %broadcast_in_dim3A_1544 : vector<16xi1>, vector<16xf32>
      %max3A = arith.maximumf %scan3A_1535, %select_n3A : vector<16xf32>
      scf.yield %max3A : vector<16xf32>
    }
    %scan3A_778 = arith.constant 16 : i32
    %swap3A_779 = arith.constant 1 : i32
    %swap3A_780 = arith.index_cast %swap3A_779 : i32 to index
    %swap3A_781 = arith.constant 0 : index
    %swap3A_782 = tpu.vector_load %arg5[%swap3A_780, %swap3A_781] {strides = array<i32>} : memref<4x16xf32, #tpu.memory_space<vmem>>, vector<1x16xf32>,
    %swap3A_783 = vector.shape_cast %swap3A_782 : vector<1x16xf32> to vector<16xf32>
    %swap3A_784 = vector.shape_cast %scan3A_777 : vector<16xf32> to vector<1x16xf32>
    tpu.vector_store %arg5[%swap3A_780, %swap3A_781], %swap3A_784 {strides = array<i32>} : memref<4x16xf32, #tpu.memory_space<vmem>>, vector<1x16xf32>,
    %broadcast_in_dim3A_785 = arith.constant 0xFF800000 : f32
    %broadcast_in_dim3A_786 = vector.broadcast %broadcast_in_dim3A_785 : f32 to vector<16xf32>
    %dma_wait3A_787 = arith.constant 0 : i32
    %dma_wait3A_788 = arith.constant 0 : i32
    %dma_wait3A_789 = arith.constant 0 : i32
    %dma_wait3A_790 = tpu.memref_slice %arg4[%dma_wait3A_787, %dma_wait3A_788, %dma_wait3A_789] : memref<2x128x128xf32, #tpu.memory_space<vmem>> -> memref<1x128x128xf32, #tpu.memory_space<vmem>>
    %dma_wait3A_791 = tpu.memref_squeeze %dma_wait3A_790 : memref<1x128x128xf32, #tpu.memory_space<vmem>> -> memref<128x128xf32, #tpu.memory_space<vmem>>
    %dma_wait3A_792 = arith.constant 0 : i32
    %dma_wait3A_793 = arith.constant 0 : i32
    %dma_wait3A_794 = tpu.memref_slice %arg2[%add3A_705, %dma_wait3A_792, %dma_wait3A_793] : memref<128x512x512xf32, #tpu.memory_space<hbm>> -> memref<1x128x128xf32, #tpu.memory_space<hbm>>
    %dma_wait3A_795 = tpu.memref_squeeze %dma_wait3A_794 : memref<1x128x128xf32, #tpu.memory_space<hbm>> -> memref<128x128xf32, #tpu.memory_space<hbm>>
    %dma_wait3A_796 = arith.constant 0 : i32
    %dma_wait3A_797 = arith.constant 0 : i32
    %dma_wait3A_798 = tpu.memref_slice %arg4[%dma_wait3A_787, %dma_wait3A_796, %dma_wait3A_797] : memref<2x128x128xf32, #tpu.memory_space<vmem>> -> memref<1x128x128xf32, #tpu.memory_space<vmem>>
    %dma_wait3A_799 = tpu.memref_squeeze %dma_wait3A_798 : memref<1x128x128xf32, #tpu.memory_space<vmem>> -> memref<128x128xf32, #tpu.memory_space<vmem>>
    %dma_wait3A_800 = arith.constant 0 : i32
    %dma_wait3A_801 = arith.constant 0 : i32
    %dma_wait3A_802 = tpu.memref_slice %arg2[%add3A_705, %dma_wait3A_800, %dma_wait3A_801] : memref<128x512x512xf32, #tpu.memory_space<hbm>> -> memref<1x128x128xf32, #tpu.memory_space<hbm>>
    %dma_wait3A_803 = tpu.memref_squeeze %dma_wait3A_802 : memref<1x128x128xf32, #tpu.memory_space<hbm>> -> memref<128x128xf32, #tpu.memory_space<hbm>>
    tpu.wait_dma2 semaphore(%arg6 : memref<!tpu.dma_semaphore, #tpu.memory_space<semaphore_mem>>) src(%dma_wait3A_803 : memref<128x128xf32, #tpu.memory_space<hbm>>) dst(%dma_wait3A_799 : memref<128x128xf32, #tpu.memory_space<vmem>>)
    %mul3A_804 = arith.constant 4 : i32
    %mul3A_805 = arith.muli %add3A, %mul3A_804 : i32
    %add3A_806 = arith.constant 2 : i32
    %add3A_807 = arith.addi %mul3A_805, %add3A_806 : i32
    %dma_start3A_808 = arith.constant 1 : i32
    %dma_start3A_809 = arith.constant 0 : i32
    %dma_start3A_810 = arith.constant 0 : i32
    %dma_start3A_811 = tpu.memref_slice %arg4[%dma_start3A_808, %dma_start3A_809, %dma_start3A_810] : memref<2x128x128xf32, #tpu.memory_space<vmem>> -> memref<1x128x128xf32, #tpu.memory_space<vmem>>
    %dma_start3A_812 = tpu.memref_squeeze %dma_start3A_811 : memref<1x128x128xf32, #tpu.memory_space<vmem>> -> memref<128x128xf32, #tpu.memory_space<vmem>>
    %dma_start3A_813 = arith.constant 128 : i32
    %dma_start3A_814 = arith.constant 128 : i32
    %dma_start3A_815 = tpu.memref_slice %arg2[%add3A_807, %dma_start3A_813, %dma_start3A_814] : memref<128x512x512xf32, #tpu.memory_space<hbm>> -> memref<1x128x128xf32, #tpu.memory_space<hbm>>
    %dma_start3A_816 = tpu.memref_squeeze %dma_start3A_815 : memref<1x128x128xf32, #tpu.memory_space<hbm>> -> memref<128x128xf32, #tpu.memory_space<hbm>>
    %dma_start3A_817 = arith.constant 0 : i32
    %dma_start3A_818 = arith.constant 0 : i32
    %dma_start3A_819 = tpu.memref_slice %arg4[%dma_start3A_808, %dma_start3A_817, %dma_start3A_818] : memref<2x128x128xf32, #tpu.memory_space<vmem>> -> memref<1x128x128xf32, #tpu.memory_space<vmem>>
    %dma_start3A_820 = tpu.memref_squeeze %dma_start3A_819 : memref<1x128x128xf32, #tpu.memory_space<vmem>> -> memref<128x128xf32, #tpu.memory_space<vmem>>
    %dma_start3A_821 = arith.constant 128 : i32
    %dma_start3A_822 = arith.constant 128 : i32
    %dma_start3A_823 = tpu.memref_slice %arg2[%add3A_807, %dma_start3A_821, %dma_start3A_822] : memref<128x512x512xf32, #tpu.memory_space<hbm>> -> memref<1x128x128xf32, #tpu.memory_space<hbm>>
    %dma_start3A_824 = tpu.memref_squeeze %dma_start3A_823 : memref<1x128x128xf32, #tpu.memory_space<hbm>> -> memref<128x128xf32, #tpu.memory_space<hbm>>
    tpu.enqueue_dma source(%dma_start3A_824 : memref<128x128xf32, #tpu.memory_space<hbm>>) target(%dma_start3A_820 : memref<128x128xf32, #tpu.memory_space<vmem>>) target_semaphore(%arg7 : memref<!tpu.dma_semaphore, #tpu.memory_space<semaphore_mem>>)
    %scan3A_825 = arith.constant 0xFF800000 : f32
    %scan3A_826 = arith.constant 0 : i32
    %scan3A_827 = arith.constant 16 : i32
    %scan3A_828 = arith.addi %scan3A_826, %scan3A_827 : i32
    %scan3A_829 = arith.constant 1 : i32
    %scan3A_830 = scf.for %scan3A_1534 = %scan3A_826 to %scan3A_828 step %scan3A_829 iter_args(%scan3A_1535 = %broadcast_in_dim3A_786) -> (vector<16xf32>)  : i32 {
      %add3A_1536 = arith.constant 0 : i32
      %add3A_1537 = arith.addi %add3A_1536, %scan3A_1534 : i32
      %get3A = arith.constant 0 : i32
      %get3A_1538 = arith.index_cast %get3A : i32 to index
      %get3A_1539 = arith.index_cast %add3A_1537 : i32 to index
      %get3A_1540 = arith.constant 0 : index
      %get3A_1541 = tpu.vector_load %arg4[%get3A_1538, %get3A_1539, %get3A_1540] {strides = array<i32>} : memref<2x128x128xf32, #tpu.memory_space<vmem>>, vector<1x1x16xf32>,
      %get3A_1542 = vector.shape_cast %get3A_1541 : vector<1x1x16xf32> to vector<16xf32>
      %eq3A = vector.broadcast %scan3A_1534 : i32 to vector<16xi32>
      %eq3A_1543 = arith.cmpi eq, %iota3A, %eq3A : vector<16xi32>
      %broadcast_in_dim3A_1544 = vector.broadcast %scan3A_825 : f32 to vector<16xf32>
      %select_n3A = arith.select %eq3A_1543, %get3A_1542, %broadcast_in_dim3A_1544 : vector<16xi1>, vector<16xf32>
      %max3A = arith.maximumf %scan3A_1535, %select_n3A : vector<16xf32>
      scf.yield %max3A : vector<16xf32>
    }
    %scan3A_831 = arith.constant 16 : i32
    %scan3A_832 = arith.constant 0xFF800000 : f32
    %scan3A_833 = arith.constant 0 : i32
    %scan3A_834 = arith.constant 16 : i32
    %scan3A_835 = arith.addi %scan3A_833, %scan3A_834 : i32
    %scan3A_836 = arith.constant 1 : i32
    %scan3A_837 = scf.for %scan3A_1534 = %scan3A_833 to %scan3A_835 step %scan3A_836 iter_args(%scan3A_1535 = %scan3A_830) -> (vector<16xf32>)  : i32 {
      %add3A_1536 = arith.constant 16 : i32
      %add3A_1537 = arith.addi %add3A_1536, %scan3A_1534 : i32
      %get3A = arith.constant 0 : i32
      %get3A_1538 = arith.index_cast %get3A : i32 to index
      %get3A_1539 = arith.index_cast %add3A_1537 : i32 to index
      %get3A_1540 = arith.constant 16 : index
      %get3A_1541 = tpu.vector_load %arg4[%get3A_1538, %get3A_1539, %get3A_1540] {strides = array<i32>} : memref<2x128x128xf32, #tpu.memory_space<vmem>>, vector<1x1x16xf32>,
      %get3A_1542 = vector.shape_cast %get3A_1541 : vector<1x1x16xf32> to vector<16xf32>
      %eq3A = vector.broadcast %scan3A_1534 : i32 to vector<16xi32>
      %eq3A_1543 = arith.cmpi eq, %iota3A, %eq3A : vector<16xi32>
      %broadcast_in_dim3A_1544 = vector.broadcast %scan3A_832 : f32 to vector<16xf32>
      %select_n3A = arith.select %eq3A_1543, %get3A_1542, %broadcast_in_dim3A_1544 : vector<16xi1>, vector<16xf32>
      %max3A = arith.maximumf %scan3A_1535, %select_n3A : vector<16xf32>
      scf.yield %max3A : vector<16xf32>
    }
    %scan3A_838 = arith.constant 16 : i32
    %scan3A_839 = arith.constant 0xFF800000 : f32
    %scan3A_840 = arith.constant 0 : i32
    %scan3A_841 = arith.constant 16 : i32
    %scan3A_842 = arith.addi %scan3A_840, %scan3A_841 : i32
    %scan3A_843 = arith.constant 1 : i32
    %scan3A_844 = scf.for %scan3A_1534 = %scan3A_840 to %scan3A_842 step %scan3A_843 iter_args(%scan3A_1535 = %scan3A_837) -> (vector<16xf32>)  : i32 {
      %add3A_1536 = arith.constant 32 : i32
      %add3A_1537 = arith.addi %add3A_1536, %scan3A_1534 : i32
      %get3A = arith.constant 0 : i32
      %get3A_1538 = arith.index_cast %get3A : i32 to index
      %get3A_1539 = arith.index_cast %add3A_1537 : i32 to index
      %get3A_1540 = arith.constant 32 : index
      %get3A_1541 = tpu.vector_load %arg4[%get3A_1538, %get3A_1539, %get3A_1540] {strides = array<i32>} : memref<2x128x128xf32, #tpu.memory_space<vmem>>, vector<1x1x16xf32>,
      %get3A_1542 = vector.shape_cast %get3A_1541 : vector<1x1x16xf32> to vector<16xf32>
      %eq3A = vector.broadcast %scan3A_1534 : i32 to vector<16xi32>
      %eq3A_1543 = arith.cmpi eq, %iota3A, %eq3A : vector<16xi32>
      %broadcast_in_dim3A_1544 = vector.broadcast %scan3A_839 : f32 to vector<16xf32>
      %select_n3A = arith.select %eq3A_1543, %get3A_1542, %broadcast_in_dim3A_1544 : vector<16xi1>, vector<16xf32>
      %max3A = arith.maximumf %scan3A_1535, %select_n3A : vector<16xf32>
      scf.yield %max3A : vector<16xf32>
    }
    %scan3A_845 = arith.constant 16 : i32
    %scan3A_846 = arith.constant 0xFF800000 : f32
    %scan3A_847 = arith.constant 0 : i32
    %scan3A_848 = arith.constant 16 : i32
    %scan3A_849 = arith.addi %scan3A_847, %scan3A_848 : i32
    %scan3A_850 = arith.constant 1 : i32
    %scan3A_851 = scf.for %scan3A_1534 = %scan3A_847 to %scan3A_849 step %scan3A_850 iter_args(%scan3A_1535 = %scan3A_844) -> (vector<16xf32>)  : i32 {
      %add3A_1536 = arith.constant 48 : i32
      %add3A_1537 = arith.addi %add3A_1536, %scan3A_1534 : i32
      %get3A = arith.constant 0 : i32
      %get3A_1538 = arith.index_cast %get3A : i32 to index
      %get3A_1539 = arith.index_cast %add3A_1537 : i32 to index
      %get3A_1540 = arith.constant 48 : index
      %get3A_1541 = tpu.vector_load %arg4[%get3A_1538, %get3A_1539, %get3A_1540] {strides = array<i32>} : memref<2x128x128xf32, #tpu.memory_space<vmem>>, vector<1x1x16xf32>,
      %get3A_1542 = vector.shape_cast %get3A_1541 : vector<1x1x16xf32> to vector<16xf32>
      %eq3A = vector.broadcast %scan3A_1534 : i32 to vector<16xi32>
      %eq3A_1543 = arith.cmpi eq, %iota3A, %eq3A : vector<16xi32>
      %broadcast_in_dim3A_1544 = vector.broadcast %scan3A_846 : f32 to vector<16xf32>
      %select_n3A = arith.select %eq3A_1543, %get3A_1542, %broadcast_in_dim3A_1544 : vector<16xi1>, vector<16xf32>
      %max3A = arith.maximumf %scan3A_1535, %select_n3A : vector<16xf32>
      scf.yield %max3A : vector<16xf32>
    }
    %scan3A_852 = arith.constant 16 : i32
    %scan3A_853 = arith.constant 0xFF800000 : f32
    %scan3A_854 = arith.constant 0 : i32
    %scan3A_855 = arith.constant 16 : i32
    %scan3A_856 = arith.addi %scan3A_854, %scan3A_855 : i32
    %scan3A_857 = arith.constant 1 : i32
    %scan3A_858 = scf.for %scan3A_1534 = %scan3A_854 to %scan3A_856 step %scan3A_857 iter_args(%scan3A_1535 = %scan3A_851) -> (vector<16xf32>)  : i32 {
      %add3A_1536 = arith.constant 64 : i32
      %add3A_1537 = arith.addi %add3A_1536, %scan3A_1534 : i32
      %get3A = arith.constant 0 : i32
      %get3A_1538 = arith.index_cast %get3A : i32 to index
      %get3A_1539 = arith.index_cast %add3A_1537 : i32 to index
      %get3A_1540 = arith.constant 64 : index
      %get3A_1541 = tpu.vector_load %arg4[%get3A_1538, %get3A_1539, %get3A_1540] {strides = array<i32>} : memref<2x128x128xf32, #tpu.memory_space<vmem>>, vector<1x1x16xf32>,
      %get3A_1542 = vector.shape_cast %get3A_1541 : vector<1x1x16xf32> to vector<16xf32>
      %eq3A = vector.broadcast %scan3A_1534 : i32 to vector<16xi32>
      %eq3A_1543 = arith.cmpi eq, %iota3A, %eq3A : vector<16xi32>
      %broadcast_in_dim3A_1544 = vector.broadcast %scan3A_853 : f32 to vector<16xf32>
      %select_n3A = arith.select %eq3A_1543, %get3A_1542, %broadcast_in_dim3A_1544 : vector<16xi1>, vector<16xf32>
      %max3A = arith.maximumf %scan3A_1535, %select_n3A : vector<16xf32>
      scf.yield %max3A : vector<16xf32>
    }
    %scan3A_859 = arith.constant 16 : i32
    %scan3A_860 = arith.constant 0xFF800000 : f32
    %scan3A_861 = arith.constant 0 : i32
    %scan3A_862 = arith.constant 16 : i32
    %scan3A_863 = arith.addi %scan3A_861, %scan3A_862 : i32
    %scan3A_864 = arith.constant 1 : i32
    %scan3A_865 = scf.for %scan3A_1534 = %scan3A_861 to %scan3A_863 step %scan3A_864 iter_args(%scan3A_1535 = %scan3A_858) -> (vector<16xf32>)  : i32 {
      %add3A_1536 = arith.constant 80 : i32
      %add3A_1537 = arith.addi %add3A_1536, %scan3A_1534 : i32
      %get3A = arith.constant 0 : i32
      %get3A_1538 = arith.index_cast %get3A : i32 to index
      %get3A_1539 = arith.index_cast %add3A_1537 : i32 to index
      %get3A_1540 = arith.constant 80 : index
      %get3A_1541 = tpu.vector_load %arg4[%get3A_1538, %get3A_1539, %get3A_1540] {strides = array<i32>} : memref<2x128x128xf32, #tpu.memory_space<vmem>>, vector<1x1x16xf32>,
      %get3A_1542 = vector.shape_cast %get3A_1541 : vector<1x1x16xf32> to vector<16xf32>
      %eq3A = vector.broadcast %scan3A_1534 : i32 to vector<16xi32>
      %eq3A_1543 = arith.cmpi eq, %iota3A, %eq3A : vector<16xi32>
      %broadcast_in_dim3A_1544 = vector.broadcast %scan3A_860 : f32 to vector<16xf32>
      %select_n3A = arith.select %eq3A_1543, %get3A_1542, %broadcast_in_dim3A_1544 : vector<16xi1>, vector<16xf32>
      %max3A = arith.maximumf %scan3A_1535, %select_n3A : vector<16xf32>
      scf.yield %max3A : vector<16xf32>
    }
    %scan3A_866 = arith.constant 16 : i32
    %scan3A_867 = arith.constant 0xFF800000 : f32
    %scan3A_868 = arith.constant 0 : i32
    %scan3A_869 = arith.constant 16 : i32
    %scan3A_870 = arith.addi %scan3A_868, %scan3A_869 : i32
    %scan3A_871 = arith.constant 1 : i32
    %scan3A_872 = scf.for %scan3A_1534 = %scan3A_868 to %scan3A_870 step %scan3A_871 iter_args(%scan3A_1535 = %scan3A_865) -> (vector<16xf32>)  : i32 {
      %add3A_1536 = arith.constant 96 : i32
      %add3A_1537 = arith.addi %add3A_1536, %scan3A_1534 : i32
      %get3A = arith.constant 0 : i32
      %get3A_1538 = arith.index_cast %get3A : i32 to index
      %get3A_1539 = arith.index_cast %add3A_1537 : i32 to index
      %get3A_1540 = arith.constant 96 : index
      %get3A_1541 = tpu.vector_load %arg4[%get3A_1538, %get3A_1539, %get3A_1540] {strides = array<i32>} : memref<2x128x128xf32, #tpu.memory_space<vmem>>, vector<1x1x16xf32>,
      %get3A_1542 = vector.shape_cast %get3A_1541 : vector<1x1x16xf32> to vector<16xf32>
      %eq3A = vector.broadcast %scan3A_1534 : i32 to vector<16xi32>
      %eq3A_1543 = arith.cmpi eq, %iota3A, %eq3A : vector<16xi32>
      %broadcast_in_dim3A_1544 = vector.broadcast %scan3A_867 : f32 to vector<16xf32>
      %select_n3A = arith.select %eq3A_1543, %get3A_1542, %broadcast_in_dim3A_1544 : vector<16xi1>, vector<16xf32>
      %max3A = arith.maximumf %scan3A_1535, %select_n3A : vector<16xf32>
      scf.yield %max3A : vector<16xf32>
    }
    %scan3A_873 = arith.constant 16 : i32
    %scan3A_874 = arith.constant 0xFF800000 : f32
    %scan3A_875 = arith.constant 0 : i32
    %scan3A_876 = arith.constant 16 : i32
    %scan3A_877 = arith.addi %scan3A_875, %scan3A_876 : i32
    %scan3A_878 = arith.constant 1 : i32
    %scan3A_879 = scf.for %scan3A_1534 = %scan3A_875 to %scan3A_877 step %scan3A_878 iter_args(%scan3A_1535 = %scan3A_872) -> (vector<16xf32>)  : i32 {
      %add3A_1536 = arith.constant 112 : i32
      %add3A_1537 = arith.addi %add3A_1536, %scan3A_1534 : i32
      %get3A = arith.constant 0 : i32
      %get3A_1538 = arith.index_cast %get3A : i32 to index
      %get3A_1539 = arith.index_cast %add3A_1537 : i32 to index
      %get3A_1540 = arith.constant 112 : index
      %get3A_1541 = tpu.vector_load %arg4[%get3A_1538, %get3A_1539, %get3A_1540] {strides = array<i32>} : memref<2x128x128xf32, #tpu.memory_space<vmem>>, vector<1x1x16xf32>,
      %get3A_1542 = vector.shape_cast %get3A_1541 : vector<1x1x16xf32> to vector<16xf32>
      %eq3A = vector.broadcast %scan3A_1534 : i32 to vector<16xi32>
      %eq3A_1543 = arith.cmpi eq, %iota3A, %eq3A : vector<16xi32>
      %broadcast_in_dim3A_1544 = vector.broadcast %scan3A_874 : f32 to vector<16xf32>
      %select_n3A = arith.select %eq3A_1543, %get3A_1542, %broadcast_in_dim3A_1544 : vector<16xi1>, vector<16xf32>
      %max3A = arith.maximumf %scan3A_1535, %select_n3A : vector<16xf32>
      scf.yield %max3A : vector<16xf32>
    }
    %scan3A_880 = arith.constant 16 : i32
    %dma_wait3A_881 = arith.constant 1 : i32
    %dma_wait3A_882 = arith.constant 0 : i32
    %dma_wait3A_883 = arith.constant 0 : i32
    %dma_wait3A_884 = tpu.memref_slice %arg4[%dma_wait3A_881, %dma_wait3A_882, %dma_wait3A_883] : memref<2x128x128xf32, #tpu.memory_space<vmem>> -> memref<1x128x128xf32, #tpu.memory_space<vmem>>
    %dma_wait3A_885 = tpu.memref_squeeze %dma_wait3A_884 : memref<1x128x128xf32, #tpu.memory_space<vmem>> -> memref<128x128xf32, #tpu.memory_space<vmem>>
    %dma_wait3A_886 = arith.constant 128 : i32
    %dma_wait3A_887 = arith.constant 128 : i32
    %dma_wait3A_888 = tpu.memref_slice %arg2[%add3A_807, %dma_wait3A_886, %dma_wait3A_887] : memref<128x512x512xf32, #tpu.memory_space<hbm>> -> memref<1x128x128xf32, #tpu.memory_space<hbm>>
    %dma_wait3A_889 = tpu.memref_squeeze %dma_wait3A_888 : memref<1x128x128xf32, #tpu.memory_space<hbm>> -> memref<128x128xf32, #tpu.memory_space<hbm>>
    %dma_wait3A_890 = arith.constant 0 : i32
    %dma_wait3A_891 = arith.constant 0 : i32
    %dma_wait3A_892 = tpu.memref_slice %arg4[%dma_wait3A_881, %dma_wait3A_890, %dma_wait3A_891] : memref<2x128x128xf32, #tpu.memory_space<vmem>> -> memref<1x128x128xf32, #tpu.memory_space<vmem>>
    %dma_wait3A_893 = tpu.memref_squeeze %dma_wait3A_892 : memref<1x128x128xf32, #tpu.memory_space<vmem>> -> memref<128x128xf32, #tpu.memory_space<vmem>>
    %dma_wait3A_894 = arith.constant 128 : i32
    %dma_wait3A_895 = arith.constant 128 : i32
    %dma_wait3A_896 = tpu.memref_slice %arg2[%add3A_807, %dma_wait3A_894, %dma_wait3A_895] : memref<128x512x512xf32, #tpu.memory_space<hbm>> -> memref<1x128x128xf32, #tpu.memory_space<hbm>>
    %dma_wait3A_897 = tpu.memref_squeeze %dma_wait3A_896 : memref<1x128x128xf32, #tpu.memory_space<hbm>> -> memref<128x128xf32, #tpu.memory_space<hbm>>
    tpu.wait_dma2 semaphore(%arg7 : memref<!tpu.dma_semaphore, #tpu.memory_space<semaphore_mem>>) src(%dma_wait3A_897 : memref<128x128xf32, #tpu.memory_space<hbm>>) dst(%dma_wait3A_893 : memref<128x128xf32, #tpu.memory_space<vmem>>)
    %mul3A_898 = arith.constant 4 : i32
    %mul3A_899 = arith.muli %add3A, %mul3A_898 : i32
    %add3A_900 = arith.constant 2 : i32
    %add3A_901 = arith.addi %mul3A_899, %add3A_900 : i32
    %dma_start3A_902 = arith.constant 0 : i32
    %dma_start3A_903 = arith.constant 0 : i32
    %dma_start3A_904 = arith.constant 0 : i32
    %dma_start3A_905 = tpu.memref_slice %arg4[%dma_start3A_902, %dma_start3A_903, %dma_start3A_904] : memref<2x128x128xf32, #tpu.memory_space<vmem>> -> memref<1x128x128xf32, #tpu.memory_space<vmem>>
    %dma_start3A_906 = tpu.memref_squeeze %dma_start3A_905 : memref<1x128x128xf32, #tpu.memory_space<vmem>> -> memref<128x128xf32, #tpu.memory_space<vmem>>
    %dma_start3A_907 = arith.constant 256 : i32
    %dma_start3A_908 = arith.constant 256 : i32
    %dma_start3A_909 = tpu.memref_slice %arg2[%add3A_901, %dma_start3A_907, %dma_start3A_908] : memref<128x512x512xf32, #tpu.memory_space<hbm>> -> memref<1x128x128xf32, #tpu.memory_space<hbm>>
    %dma_start3A_910 = tpu.memref_squeeze %dma_start3A_909 : memref<1x128x128xf32, #tpu.memory_space<hbm>> -> memref<128x128xf32, #tpu.memory_space<hbm>>
    %dma_start3A_911 = arith.constant 0 : i32
    %dma_start3A_912 = arith.constant 0 : i32
    %dma_start3A_913 = tpu.memref_slice %arg4[%dma_start3A_902, %dma_start3A_911, %dma_start3A_912] : memref<2x128x128xf32, #tpu.memory_space<vmem>> -> memref<1x128x128xf32, #tpu.memory_space<vmem>>
    %dma_start3A_914 = tpu.memref_squeeze %dma_start3A_913 : memref<1x128x128xf32, #tpu.memory_space<vmem>> -> memref<128x128xf32, #tpu.memory_space<vmem>>
    %dma_start3A_915 = arith.constant 256 : i32
    %dma_start3A_916 = arith.constant 256 : i32
    %dma_start3A_917 = tpu.memref_slice %arg2[%add3A_901, %dma_start3A_915, %dma_start3A_916] : memref<128x512x512xf32, #tpu.memory_space<hbm>> -> memref<1x128x128xf32, #tpu.memory_space<hbm>>
    %dma_start3A_918 = tpu.memref_squeeze %dma_start3A_917 : memref<1x128x128xf32, #tpu.memory_space<hbm>> -> memref<128x128xf32, #tpu.memory_space<hbm>>
    tpu.enqueue_dma source(%dma_start3A_918 : memref<128x128xf32, #tpu.memory_space<hbm>>) target(%dma_start3A_914 : memref<128x128xf32, #tpu.memory_space<vmem>>) target_semaphore(%arg6 : memref<!tpu.dma_semaphore, #tpu.memory_space<semaphore_mem>>)
    %scan3A_919 = arith.constant 0xFF800000 : f32
    %scan3A_920 = arith.constant 0 : i32
    %scan3A_921 = arith.constant 16 : i32
    %scan3A_922 = arith.addi %scan3A_920, %scan3A_921 : i32
    %scan3A_923 = arith.constant 1 : i32
    %scan3A_924 = scf.for %scan3A_1534 = %scan3A_920 to %scan3A_922 step %scan3A_923 iter_args(%scan3A_1535 = %scan3A_879) -> (vector<16xf32>)  : i32 {
      %add3A_1536 = arith.constant 0 : i32
      %add3A_1537 = arith.addi %add3A_1536, %scan3A_1534 : i32
      %get3A = arith.constant 1 : i32
      %get3A_1538 = arith.index_cast %get3A : i32 to index
      %get3A_1539 = arith.index_cast %add3A_1537 : i32 to index
      %get3A_1540 = arith.constant 0 : index
      %get3A_1541 = tpu.vector_load %arg4[%get3A_1538, %get3A_1539, %get3A_1540] {strides = array<i32>} : memref<2x128x128xf32, #tpu.memory_space<vmem>>, vector<1x1x16xf32>,
      %get3A_1542 = vector.shape_cast %get3A_1541 : vector<1x1x16xf32> to vector<16xf32>
      %eq3A = vector.broadcast %scan3A_1534 : i32 to vector<16xi32>
      %eq3A_1543 = arith.cmpi eq, %iota3A, %eq3A : vector<16xi32>
      %broadcast_in_dim3A_1544 = vector.broadcast %scan3A_919 : f32 to vector<16xf32>
      %select_n3A = arith.select %eq3A_1543, %get3A_1542, %broadcast_in_dim3A_1544 : vector<16xi1>, vector<16xf32>
      %max3A = arith.maximumf %scan3A_1535, %select_n3A : vector<16xf32>
      scf.yield %max3A : vector<16xf32>
    }
    %scan3A_925 = arith.constant 16 : i32
    %scan3A_926 = arith.constant 0xFF800000 : f32
    %scan3A_927 = arith.constant 0 : i32
    %scan3A_928 = arith.constant 16 : i32
    %scan3A_929 = arith.addi %scan3A_927, %scan3A_928 : i32
    %scan3A_930 = arith.constant 1 : i32
    %scan3A_931 = scf.for %scan3A_1534 = %scan3A_927 to %scan3A_929 step %scan3A_930 iter_args(%scan3A_1535 = %scan3A_924) -> (vector<16xf32>)  : i32 {
      %add3A_1536 = arith.constant 16 : i32
      %add3A_1537 = arith.addi %add3A_1536, %scan3A_1534 : i32
      %get3A = arith.constant 1 : i32
      %get3A_1538 = arith.index_cast %get3A : i32 to index
      %get3A_1539 = arith.index_cast %add3A_1537 : i32 to index
      %get3A_1540 = arith.constant 16 : index
      %get3A_1541 = tpu.vector_load %arg4[%get3A_1538, %get3A_1539, %get3A_1540] {strides = array<i32>} : memref<2x128x128xf32, #tpu.memory_space<vmem>>, vector<1x1x16xf32>,
      %get3A_1542 = vector.shape_cast %get3A_1541 : vector<1x1x16xf32> to vector<16xf32>
      %eq3A = vector.broadcast %scan3A_1534 : i32 to vector<16xi32>
      %eq3A_1543 = arith.cmpi eq, %iota3A, %eq3A : vector<16xi32>
      %broadcast_in_dim3A_1544 = vector.broadcast %scan3A_926 : f32 to vector<16xf32>
      %select_n3A = arith.select %eq3A_1543, %get3A_1542, %broadcast_in_dim3A_1544 : vector<16xi1>, vector<16xf32>
      %max3A = arith.maximumf %scan3A_1535, %select_n3A : vector<16xf32>
      scf.yield %max3A : vector<16xf32>
    }
    %scan3A_932 = arith.constant 16 : i32
    %scan3A_933 = arith.constant 0xFF800000 : f32
    %scan3A_934 = arith.constant 0 : i32
    %scan3A_935 = arith.constant 16 : i32
    %scan3A_936 = arith.addi %scan3A_934, %scan3A_935 : i32
    %scan3A_937 = arith.constant 1 : i32
    %scan3A_938 = scf.for %scan3A_1534 = %scan3A_934 to %scan3A_936 step %scan3A_937 iter_args(%scan3A_1535 = %scan3A_931) -> (vector<16xf32>)  : i32 {
      %add3A_1536 = arith.constant 32 : i32
      %add3A_1537 = arith.addi %add3A_1536, %scan3A_1534 : i32
      %get3A = arith.constant 1 : i32
      %get3A_1538 = arith.index_cast %get3A : i32 to index
      %get3A_1539 = arith.index_cast %add3A_1537 : i32 to index
      %get3A_1540 = arith.constant 32 : index
      %get3A_1541 = tpu.vector_load %arg4[%get3A_1538, %get3A_1539, %get3A_1540] {strides = array<i32>} : memref<2x128x128xf32, #tpu.memory_space<vmem>>, vector<1x1x16xf32>,
      %get3A_1542 = vector.shape_cast %get3A_1541 : vector<1x1x16xf32> to vector<16xf32>
      %eq3A = vector.broadcast %scan3A_1534 : i32 to vector<16xi32>
      %eq3A_1543 = arith.cmpi eq, %iota3A, %eq3A : vector<16xi32>
      %broadcast_in_dim3A_1544 = vector.broadcast %scan3A_933 : f32 to vector<16xf32>
      %select_n3A = arith.select %eq3A_1543, %get3A_1542, %broadcast_in_dim3A_1544 : vector<16xi1>, vector<16xf32>
      %max3A = arith.maximumf %scan3A_1535, %select_n3A : vector<16xf32>
      scf.yield %max3A : vector<16xf32>
    }
    %scan3A_939 = arith.constant 16 : i32
    %scan3A_940 = arith.constant 0xFF800000 : f32
    %scan3A_941 = arith.constant 0 : i32
    %scan3A_942 = arith.constant 16 : i32
    %scan3A_943 = arith.addi %scan3A_941, %scan3A_942 : i32
    %scan3A_944 = arith.constant 1 : i32
    %scan3A_945 = scf.for %scan3A_1534 = %scan3A_941 to %scan3A_943 step %scan3A_944 iter_args(%scan3A_1535 = %scan3A_938) -> (vector<16xf32>)  : i32 {
      %add3A_1536 = arith.constant 48 : i32
      %add3A_1537 = arith.addi %add3A_1536, %scan3A_1534 : i32
      %get3A = arith.constant 1 : i32
      %get3A_1538 = arith.index_cast %get3A : i32 to index
      %get3A_1539 = arith.index_cast %add3A_1537 : i32 to index
      %get3A_1540 = arith.constant 48 : index
      %get3A_1541 = tpu.vector_load %arg4[%get3A_1538, %get3A_1539, %get3A_1540] {strides = array<i32>} : memref<2x128x128xf32, #tpu.memory_space<vmem>>, vector<1x1x16xf32>,
      %get3A_1542 = vector.shape_cast %get3A_1541 : vector<1x1x16xf32> to vector<16xf32>
      %eq3A = vector.broadcast %scan3A_1534 : i32 to vector<16xi32>
      %eq3A_1543 = arith.cmpi eq, %iota3A, %eq3A : vector<16xi32>
      %broadcast_in_dim3A_1544 = vector.broadcast %scan3A_940 : f32 to vector<16xf32>
      %select_n3A = arith.select %eq3A_1543, %get3A_1542, %broadcast_in_dim3A_1544 : vector<16xi1>, vector<16xf32>
      %max3A = arith.maximumf %scan3A_1535, %select_n3A : vector<16xf32>
      scf.yield %max3A : vector<16xf32>
    }
    %scan3A_946 = arith.constant 16 : i32
    %scan3A_947 = arith.constant 0xFF800000 : f32
    %scan3A_948 = arith.constant 0 : i32
    %scan3A_949 = arith.constant 16 : i32
    %scan3A_950 = arith.addi %scan3A_948, %scan3A_949 : i32
    %scan3A_951 = arith.constant 1 : i32
    %scan3A_952 = scf.for %scan3A_1534 = %scan3A_948 to %scan3A_950 step %scan3A_951 iter_args(%scan3A_1535 = %scan3A_945) -> (vector<16xf32>)  : i32 {
      %add3A_1536 = arith.constant 64 : i32
      %add3A_1537 = arith.addi %add3A_1536, %scan3A_1534 : i32
      %get3A = arith.constant 1 : i32
      %get3A_1538 = arith.index_cast %get3A : i32 to index
      %get3A_1539 = arith.index_cast %add3A_1537 : i32 to index
      %get3A_1540 = arith.constant 64 : index
      %get3A_1541 = tpu.vector_load %arg4[%get3A_1538, %get3A_1539, %get3A_1540] {strides = array<i32>} : memref<2x128x128xf32, #tpu.memory_space<vmem>>, vector<1x1x16xf32>,
      %get3A_1542 = vector.shape_cast %get3A_1541 : vector<1x1x16xf32> to vector<16xf32>
      %eq3A = vector.broadcast %scan3A_1534 : i32 to vector<16xi32>
      %eq3A_1543 = arith.cmpi eq, %iota3A, %eq3A : vector<16xi32>
      %broadcast_in_dim3A_1544 = vector.broadcast %scan3A_947 : f32 to vector<16xf32>
      %select_n3A = arith.select %eq3A_1543, %get3A_1542, %broadcast_in_dim3A_1544 : vector<16xi1>, vector<16xf32>
      %max3A = arith.maximumf %scan3A_1535, %select_n3A : vector<16xf32>
      scf.yield %max3A : vector<16xf32>
    }
    %scan3A_953 = arith.constant 16 : i32
    %scan3A_954 = arith.constant 0xFF800000 : f32
    %scan3A_955 = arith.constant 0 : i32
    %scan3A_956 = arith.constant 16 : i32
    %scan3A_957 = arith.addi %scan3A_955, %scan3A_956 : i32
    %scan3A_958 = arith.constant 1 : i32
    %scan3A_959 = scf.for %scan3A_1534 = %scan3A_955 to %scan3A_957 step %scan3A_958 iter_args(%scan3A_1535 = %scan3A_952) -> (vector<16xf32>)  : i32 {
      %add3A_1536 = arith.constant 80 : i32
      %add3A_1537 = arith.addi %add3A_1536, %scan3A_1534 : i32
      %get3A = arith.constant 1 : i32
      %get3A_1538 = arith.index_cast %get3A : i32 to index
      %get3A_1539 = arith.index_cast %add3A_1537 : i32 to index
      %get3A_1540 = arith.constant 80 : index
      %get3A_1541 = tpu.vector_load %arg4[%get3A_1538, %get3A_1539, %get3A_1540] {strides = array<i32>} : memref<2x128x128xf32, #tpu.memory_space<vmem>>, vector<1x1x16xf32>,
      %get3A_1542 = vector.shape_cast %get3A_1541 : vector<1x1x16xf32> to vector<16xf32>
      %eq3A = vector.broadcast %scan3A_1534 : i32 to vector<16xi32>
      %eq3A_1543 = arith.cmpi eq, %iota3A, %eq3A : vector<16xi32>
      %broadcast_in_dim3A_1544 = vector.broadcast %scan3A_954 : f32 to vector<16xf32>
      %select_n3A = arith.select %eq3A_1543, %get3A_1542, %broadcast_in_dim3A_1544 : vector<16xi1>, vector<16xf32>
      %max3A = arith.maximumf %scan3A_1535, %select_n3A : vector<16xf32>
      scf.yield %max3A : vector<16xf32>
    }
    %scan3A_960 = arith.constant 16 : i32
    %scan3A_961 = arith.constant 0xFF800000 : f32
    %scan3A_962 = arith.constant 0 : i32
    %scan3A_963 = arith.constant 16 : i32
    %scan3A_964 = arith.addi %scan3A_962, %scan3A_963 : i32
    %scan3A_965 = arith.constant 1 : i32
    %scan3A_966 = scf.for %scan3A_1534 = %scan3A_962 to %scan3A_964 step %scan3A_965 iter_args(%scan3A_1535 = %scan3A_959) -> (vector<16xf32>)  : i32 {
      %add3A_1536 = arith.constant 96 : i32
      %add3A_1537 = arith.addi %add3A_1536, %scan3A_1534 : i32
      %get3A = arith.constant 1 : i32
      %get3A_1538 = arith.index_cast %get3A : i32 to index
      %get3A_1539 = arith.index_cast %add3A_1537 : i32 to index
      %get3A_1540 = arith.constant 96 : index
      %get3A_1541 = tpu.vector_load %arg4[%get3A_1538, %get3A_1539, %get3A_1540] {strides = array<i32>} : memref<2x128x128xf32, #tpu.memory_space<vmem>>, vector<1x1x16xf32>,
      %get3A_1542 = vector.shape_cast %get3A_1541 : vector<1x1x16xf32> to vector<16xf32>
      %eq3A = vector.broadcast %scan3A_1534 : i32 to vector<16xi32>
      %eq3A_1543 = arith.cmpi eq, %iota3A, %eq3A : vector<16xi32>
      %broadcast_in_dim3A_1544 = vector.broadcast %scan3A_961 : f32 to vector<16xf32>
      %select_n3A = arith.select %eq3A_1543, %get3A_1542, %broadcast_in_dim3A_1544 : vector<16xi1>, vector<16xf32>
      %max3A = arith.maximumf %scan3A_1535, %select_n3A : vector<16xf32>
      scf.yield %max3A : vector<16xf32>
    }
    %scan3A_967 = arith.constant 16 : i32
    %scan3A_968 = arith.constant 0xFF800000 : f32
    %scan3A_969 = arith.constant 0 : i32
    %scan3A_970 = arith.constant 16 : i32
    %scan3A_971 = arith.addi %scan3A_969, %scan3A_970 : i32
    %scan3A_972 = arith.constant 1 : i32
    %scan3A_973 = scf.for %scan3A_1534 = %scan3A_969 to %scan3A_971 step %scan3A_972 iter_args(%scan3A_1535 = %scan3A_966) -> (vector<16xf32>)  : i32 {
      %add3A_1536 = arith.constant 112 : i32
      %add3A_1537 = arith.addi %add3A_1536, %scan3A_1534 : i32
      %get3A = arith.constant 1 : i32
      %get3A_1538 = arith.index_cast %get3A : i32 to index
      %get3A_1539 = arith.index_cast %add3A_1537 : i32 to index
      %get3A_1540 = arith.constant 112 : index
      %get3A_1541 = tpu.vector_load %arg4[%get3A_1538, %get3A_1539, %get3A_1540] {strides = array<i32>} : memref<2x128x128xf32, #tpu.memory_space<vmem>>, vector<1x1x16xf32>,
      %get3A_1542 = vector.shape_cast %get3A_1541 : vector<1x1x16xf32> to vector<16xf32>
      %eq3A = vector.broadcast %scan3A_1534 : i32 to vector<16xi32>
      %eq3A_1543 = arith.cmpi eq, %iota3A, %eq3A : vector<16xi32>
      %broadcast_in_dim3A_1544 = vector.broadcast %scan3A_968 : f32 to vector<16xf32>
      %select_n3A = arith.select %eq3A_1543, %get3A_1542, %broadcast_in_dim3A_1544 : vector<16xi1>, vector<16xf32>
      %max3A = arith.maximumf %scan3A_1535, %select_n3A : vector<16xf32>
      scf.yield %max3A : vector<16xf32>
    }
    %scan3A_974 = arith.constant 16 : i32
    %dma_wait3A_975 = arith.constant 0 : i32
    %dma_wait3A_976 = arith.constant 0 : i32
    %dma_wait3A_977 = arith.constant 0 : i32
    %dma_wait3A_978 = tpu.memref_slice %arg4[%dma_wait3A_975, %dma_wait3A_976, %dma_wait3A_977] : memref<2x128x128xf32, #tpu.memory_space<vmem>> -> memref<1x128x128xf32, #tpu.memory_space<vmem>>
    %dma_wait3A_979 = tpu.memref_squeeze %dma_wait3A_978 : memref<1x128x128xf32, #tpu.memory_space<vmem>> -> memref<128x128xf32, #tpu.memory_space<vmem>>
    %dma_wait3A_980 = arith.constant 256 : i32
    %dma_wait3A_981 = arith.constant 256 : i32
    %dma_wait3A_982 = tpu.memref_slice %arg2[%add3A_901, %dma_wait3A_980, %dma_wait3A_981] : memref<128x512x512xf32, #tpu.memory_space<hbm>> -> memref<1x128x128xf32, #tpu.memory_space<hbm>>
    %dma_wait3A_983 = tpu.memref_squeeze %dma_wait3A_982 : memref<1x128x128xf32, #tpu.memory_space<hbm>> -> memref<128x128xf32, #tpu.memory_space<hbm>>
    %dma_wait3A_984 = arith.constant 0 : i32
    %dma_wait3A_985 = arith.constant 0 : i32
    %dma_wait3A_986 = tpu.memref_slice %arg4[%dma_wait3A_975, %dma_wait3A_984, %dma_wait3A_985] : memref<2x128x128xf32, #tpu.memory_space<vmem>> -> memref<1x128x128xf32, #tpu.memory_space<vmem>>
    %dma_wait3A_987 = tpu.memref_squeeze %dma_wait3A_986 : memref<1x128x128xf32, #tpu.memory_space<vmem>> -> memref<128x128xf32, #tpu.memory_space<vmem>>
    %dma_wait3A_988 = arith.constant 256 : i32
    %dma_wait3A_989 = arith.constant 256 : i32
    %dma_wait3A_990 = tpu.memref_slice %arg2[%add3A_901, %dma_wait3A_988, %dma_wait3A_989] : memref<128x512x512xf32, #tpu.memory_space<hbm>> -> memref<1x128x128xf32, #tpu.memory_space<hbm>>
    %dma_wait3A_991 = tpu.memref_squeeze %dma_wait3A_990 : memref<1x128x128xf32, #tpu.memory_space<hbm>> -> memref<128x128xf32, #tpu.memory_space<hbm>>
    tpu.wait_dma2 semaphore(%arg6 : memref<!tpu.dma_semaphore, #tpu.memory_space<semaphore_mem>>) src(%dma_wait3A_991 : memref<128x128xf32, #tpu.memory_space<hbm>>) dst(%dma_wait3A_987 : memref<128x128xf32, #tpu.memory_space<vmem>>)
    %mul3A_992 = arith.constant 4 : i32
    %mul3A_993 = arith.muli %add3A, %mul3A_992 : i32
    %add3A_994 = arith.constant 2 : i32
    %add3A_995 = arith.addi %mul3A_993, %add3A_994 : i32
    %dma_start3A_996 = arith.constant 1 : i32
    %dma_start3A_997 = arith.constant 0 : i32
    %dma_start3A_998 = arith.constant 0 : i32
    %dma_start3A_999 = tpu.memref_slice %arg4[%dma_start3A_996, %dma_start3A_997, %dma_start3A_998] : memref<2x128x128xf32, #tpu.memory_space<vmem>> -> memref<1x128x128xf32, #tpu.memory_space<vmem>>
    %dma_start3A_1000 = tpu.memref_squeeze %dma_start3A_999 : memref<1x128x128xf32, #tpu.memory_space<vmem>> -> memref<128x128xf32, #tpu.memory_space<vmem>>
    %dma_start3A_1001 = arith.constant 384 : i32
    %dma_start3A_1002 = arith.constant 384 : i32
    %dma_start3A_1003 = tpu.memref_slice %arg2[%add3A_995, %dma_start3A_1001, %dma_start3A_1002] : memref<128x512x512xf32, #tpu.memory_space<hbm>> -> memref<1x128x128xf32, #tpu.memory_space<hbm>>
    %dma_start3A_1004 = tpu.memref_squeeze %dma_start3A_1003 : memref<1x128x128xf32, #tpu.memory_space<hbm>> -> memref<128x128xf32, #tpu.memory_space<hbm>>
    %dma_start3A_1005 = arith.constant 0 : i32
    %dma_start3A_1006 = arith.constant 0 : i32
    %dma_start3A_1007 = tpu.memref_slice %arg4[%dma_start3A_996, %dma_start3A_1005, %dma_start3A_1006] : memref<2x128x128xf32, #tpu.memory_space<vmem>> -> memref<1x128x128xf32, #tpu.memory_space<vmem>>
    %dma_start3A_1008 = tpu.memref_squeeze %dma_start3A_1007 : memref<1x128x128xf32, #tpu.memory_space<vmem>> -> memref<128x128xf32, #tpu.memory_space<vmem>>
    %dma_start3A_1009 = arith.constant 384 : i32
    %dma_start3A_1010 = arith.constant 384 : i32
    %dma_start3A_1011 = tpu.memref_slice %arg2[%add3A_995, %dma_start3A_1009, %dma_start3A_1010] : memref<128x512x512xf32, #tpu.memory_space<hbm>> -> memref<1x128x128xf32, #tpu.memory_space<hbm>>
    %dma_start3A_1012 = tpu.memref_squeeze %dma_start3A_1011 : memref<1x128x128xf32, #tpu.memory_space<hbm>> -> memref<128x128xf32, #tpu.memory_space<hbm>>
    tpu.enqueue_dma source(%dma_start3A_1012 : memref<128x128xf32, #tpu.memory_space<hbm>>) target(%dma_start3A_1008 : memref<128x128xf32, #tpu.memory_space<vmem>>) target_semaphore(%arg7 : memref<!tpu.dma_semaphore, #tpu.memory_space<semaphore_mem>>)
    %scan3A_1013 = arith.constant 0xFF800000 : f32
    %scan3A_1014 = arith.constant 0 : i32
    %scan3A_1015 = arith.constant 16 : i32
    %scan3A_1016 = arith.addi %scan3A_1014, %scan3A_1015 : i32
    %scan3A_1017 = arith.constant 1 : i32
    %scan3A_1018 = scf.for %scan3A_1534 = %scan3A_1014 to %scan3A_1016 step %scan3A_1017 iter_args(%scan3A_1535 = %scan3A_973) -> (vector<16xf32>)  : i32 {
      %add3A_1536 = arith.constant 0 : i32
      %add3A_1537 = arith.addi %add3A_1536, %scan3A_1534 : i32
      %get3A = arith.constant 0 : i32
      %get3A_1538 = arith.index_cast %get3A : i32 to index
      %get3A_1539 = arith.index_cast %add3A_1537 : i32 to index
      %get3A_1540 = arith.constant 0 : index
      %get3A_1541 = tpu.vector_load %arg4[%get3A_1538, %get3A_1539, %get3A_1540] {strides = array<i32>} : memref<2x128x128xf32, #tpu.memory_space<vmem>>, vector<1x1x16xf32>,
      %get3A_1542 = vector.shape_cast %get3A_1541 : vector<1x1x16xf32> to vector<16xf32>
      %eq3A = vector.broadcast %scan3A_1534 : i32 to vector<16xi32>
      %eq3A_1543 = arith.cmpi eq, %iota3A, %eq3A : vector<16xi32>
      %broadcast_in_dim3A_1544 = vector.broadcast %scan3A_1013 : f32 to vector<16xf32>
      %select_n3A = arith.select %eq3A_1543, %get3A_1542, %broadcast_in_dim3A_1544 : vector<16xi1>, vector<16xf32>
      %max3A = arith.maximumf %scan3A_1535, %select_n3A : vector<16xf32>
      scf.yield %max3A : vector<16xf32>
    }
    %scan3A_1019 = arith.constant 16 : i32
    %scan3A_1020 = arith.constant 0xFF800000 : f32
    %scan3A_1021 = arith.constant 0 : i32
    %scan3A_1022 = arith.constant 16 : i32
    %scan3A_1023 = arith.addi %scan3A_1021, %scan3A_1022 : i32
    %scan3A_1024 = arith.constant 1 : i32
    %scan3A_1025 = scf.for %scan3A_1534 = %scan3A_1021 to %scan3A_1023 step %scan3A_1024 iter_args(%scan3A_1535 = %scan3A_1018) -> (vector<16xf32>)  : i32 {
      %add3A_1536 = arith.constant 16 : i32
      %add3A_1537 = arith.addi %add3A_1536, %scan3A_1534 : i32
      %get3A = arith.constant 0 : i32
      %get3A_1538 = arith.index_cast %get3A : i32 to index
      %get3A_1539 = arith.index_cast %add3A_1537 : i32 to index
      %get3A_1540 = arith.constant 16 : index
      %get3A_1541 = tpu.vector_load %arg4[%get3A_1538, %get3A_1539, %get3A_1540] {strides = array<i32>} : memref<2x128x128xf32, #tpu.memory_space<vmem>>, vector<1x1x16xf32>,
      %get3A_1542 = vector.shape_cast %get3A_1541 : vector<1x1x16xf32> to vector<16xf32>
      %eq3A = vector.broadcast %scan3A_1534 : i32 to vector<16xi32>
      %eq3A_1543 = arith.cmpi eq, %iota3A, %eq3A : vector<16xi32>
      %broadcast_in_dim3A_1544 = vector.broadcast %scan3A_1020 : f32 to vector<16xf32>
      %select_n3A = arith.select %eq3A_1543, %get3A_1542, %broadcast_in_dim3A_1544 : vector<16xi1>, vector<16xf32>
      %max3A = arith.maximumf %scan3A_1535, %select_n3A : vector<16xf32>
      scf.yield %max3A : vector<16xf32>
    }
    %scan3A_1026 = arith.constant 16 : i32
    %scan3A_1027 = arith.constant 0xFF800000 : f32
    %scan3A_1028 = arith.constant 0 : i32
    %scan3A_1029 = arith.constant 16 : i32
    %scan3A_1030 = arith.addi %scan3A_1028, %scan3A_1029 : i32
    %scan3A_1031 = arith.constant 1 : i32
    %scan3A_1032 = scf.for %scan3A_1534 = %scan3A_1028 to %scan3A_1030 step %scan3A_1031 iter_args(%scan3A_1535 = %scan3A_1025) -> (vector<16xf32>)  : i32 {
      %add3A_1536 = arith.constant 32 : i32
      %add3A_1537 = arith.addi %add3A_1536, %scan3A_1534 : i32
      %get3A = arith.constant 0 : i32
      %get3A_1538 = arith.index_cast %get3A : i32 to index
      %get3A_1539 = arith.index_cast %add3A_1537 : i32 to index
      %get3A_1540 = arith.constant 32 : index
      %get3A_1541 = tpu.vector_load %arg4[%get3A_1538, %get3A_1539, %get3A_1540] {strides = array<i32>} : memref<2x128x128xf32, #tpu.memory_space<vmem>>, vector<1x1x16xf32>,
      %get3A_1542 = vector.shape_cast %get3A_1541 : vector<1x1x16xf32> to vector<16xf32>
      %eq3A = vector.broadcast %scan3A_1534 : i32 to vector<16xi32>
      %eq3A_1543 = arith.cmpi eq, %iota3A, %eq3A : vector<16xi32>
      %broadcast_in_dim3A_1544 = vector.broadcast %scan3A_1027 : f32 to vector<16xf32>
      %select_n3A = arith.select %eq3A_1543, %get3A_1542, %broadcast_in_dim3A_1544 : vector<16xi1>, vector<16xf32>
      %max3A = arith.maximumf %scan3A_1535, %select_n3A : vector<16xf32>
      scf.yield %max3A : vector<16xf32>
    }
    %scan3A_1033 = arith.constant 16 : i32
    %scan3A_1034 = arith.constant 0xFF800000 : f32
    %scan3A_1035 = arith.constant 0 : i32
    %scan3A_1036 = arith.constant 16 : i32
    %scan3A_1037 = arith.addi %scan3A_1035, %scan3A_1036 : i32
    %scan3A_1038 = arith.constant 1 : i32
    %scan3A_1039 = scf.for %scan3A_1534 = %scan3A_1035 to %scan3A_1037 step %scan3A_1038 iter_args(%scan3A_1535 = %scan3A_1032) -> (vector<16xf32>)  : i32 {
      %add3A_1536 = arith.constant 48 : i32
      %add3A_1537 = arith.addi %add3A_1536, %scan3A_1534 : i32
      %get3A = arith.constant 0 : i32
      %get3A_1538 = arith.index_cast %get3A : i32 to index
      %get3A_1539 = arith.index_cast %add3A_1537 : i32 to index
      %get3A_1540 = arith.constant 48 : index
      %get3A_1541 = tpu.vector_load %arg4[%get3A_1538, %get3A_1539, %get3A_1540] {strides = array<i32>} : memref<2x128x128xf32, #tpu.memory_space<vmem>>, vector<1x1x16xf32>,
      %get3A_1542 = vector.shape_cast %get3A_1541 : vector<1x1x16xf32> to vector<16xf32>
      %eq3A = vector.broadcast %scan3A_1534 : i32 to vector<16xi32>
      %eq3A_1543 = arith.cmpi eq, %iota3A, %eq3A : vector<16xi32>
      %broadcast_in_dim3A_1544 = vector.broadcast %scan3A_1034 : f32 to vector<16xf32>
      %select_n3A = arith.select %eq3A_1543, %get3A_1542, %broadcast_in_dim3A_1544 : vector<16xi1>, vector<16xf32>
      %max3A = arith.maximumf %scan3A_1535, %select_n3A : vector<16xf32>
      scf.yield %max3A : vector<16xf32>
    }
    %scan3A_1040 = arith.constant 16 : i32
    %scan3A_1041 = arith.constant 0xFF800000 : f32
    %scan3A_1042 = arith.constant 0 : i32
    %scan3A_1043 = arith.constant 16 : i32
    %scan3A_1044 = arith.addi %scan3A_1042, %scan3A_1043 : i32
    %scan3A_1045 = arith.constant 1 : i32
    %scan3A_1046 = scf.for %scan3A_1534 = %scan3A_1042 to %scan3A_1044 step %scan3A_1045 iter_args(%scan3A_1535 = %scan3A_1039) -> (vector<16xf32>)  : i32 {
      %add3A_1536 = arith.constant 64 : i32
      %add3A_1537 = arith.addi %add3A_1536, %scan3A_1534 : i32
      %get3A = arith.constant 0 : i32
      %get3A_1538 = arith.index_cast %get3A : i32 to index
      %get3A_1539 = arith.index_cast %add3A_1537 : i32 to index
      %get3A_1540 = arith.constant 64 : index
      %get3A_1541 = tpu.vector_load %arg4[%get3A_1538, %get3A_1539, %get3A_1540] {strides = array<i32>} : memref<2x128x128xf32, #tpu.memory_space<vmem>>, vector<1x1x16xf32>,
      %get3A_1542 = vector.shape_cast %get3A_1541 : vector<1x1x16xf32> to vector<16xf32>
      %eq3A = vector.broadcast %scan3A_1534 : i32 to vector<16xi32>
      %eq3A_1543 = arith.cmpi eq, %iota3A, %eq3A : vector<16xi32>
      %broadcast_in_dim3A_1544 = vector.broadcast %scan3A_1041 : f32 to vector<16xf32>
      %select_n3A = arith.select %eq3A_1543, %get3A_1542, %broadcast_in_dim3A_1544 : vector<16xi1>, vector<16xf32>
      %max3A = arith.maximumf %scan3A_1535, %select_n3A : vector<16xf32>
      scf.yield %max3A : vector<16xf32>
    }
    %scan3A_1047 = arith.constant 16 : i32
    %scan3A_1048 = arith.constant 0xFF800000 : f32
    %scan3A_1049 = arith.constant 0 : i32
    %scan3A_1050 = arith.constant 16 : i32
    %scan3A_1051 = arith.addi %scan3A_1049, %scan3A_1050 : i32
    %scan3A_1052 = arith.constant 1 : i32
    %scan3A_1053 = scf.for %scan3A_1534 = %scan3A_1049 to %scan3A_1051 step %scan3A_1052 iter_args(%scan3A_1535 = %scan3A_1046) -> (vector<16xf32>)  : i32 {
      %add3A_1536 = arith.constant 80 : i32
      %add3A_1537 = arith.addi %add3A_1536, %scan3A_1534 : i32
      %get3A = arith.constant 0 : i32
      %get3A_1538 = arith.index_cast %get3A : i32 to index
      %get3A_1539 = arith.index_cast %add3A_1537 : i32 to index
      %get3A_1540 = arith.constant 80 : index
      %get3A_1541 = tpu.vector_load %arg4[%get3A_1538, %get3A_1539, %get3A_1540] {strides = array<i32>} : memref<2x128x128xf32, #tpu.memory_space<vmem>>, vector<1x1x16xf32>,
      %get3A_1542 = vector.shape_cast %get3A_1541 : vector<1x1x16xf32> to vector<16xf32>
      %eq3A = vector.broadcast %scan3A_1534 : i32 to vector<16xi32>
      %eq3A_1543 = arith.cmpi eq, %iota3A, %eq3A : vector<16xi32>
      %broadcast_in_dim3A_1544 = vector.broadcast %scan3A_1048 : f32 to vector<16xf32>
      %select_n3A = arith.select %eq3A_1543, %get3A_1542, %broadcast_in_dim3A_1544 : vector<16xi1>, vector<16xf32>
      %max3A = arith.maximumf %scan3A_1535, %select_n3A : vector<16xf32>
      scf.yield %max3A : vector<16xf32>
    }
    %scan3A_1054 = arith.constant 16 : i32
    %scan3A_1055 = arith.constant 0xFF800000 : f32
    %scan3A_1056 = arith.constant 0 : i32
    %scan3A_1057 = arith.constant 16 : i32
    %scan3A_1058 = arith.addi %scan3A_1056, %scan3A_1057 : i32
    %scan3A_1059 = arith.constant 1 : i32
    %scan3A_1060 = scf.for %scan3A_1534 = %scan3A_1056 to %scan3A_1058 step %scan3A_1059 iter_args(%scan3A_1535 = %scan3A_1053) -> (vector<16xf32>)  : i32 {
      %add3A_1536 = arith.constant 96 : i32
      %add3A_1537 = arith.addi %add3A_1536, %scan3A_1534 : i32
      %get3A = arith.constant 0 : i32
      %get3A_1538 = arith.index_cast %get3A : i32 to index
      %get3A_1539 = arith.index_cast %add3A_1537 : i32 to index
      %get3A_1540 = arith.constant 96 : index
      %get3A_1541 = tpu.vector_load %arg4[%get3A_1538, %get3A_1539, %get3A_1540] {strides = array<i32>} : memref<2x128x128xf32, #tpu.memory_space<vmem>>, vector<1x1x16xf32>,
      %get3A_1542 = vector.shape_cast %get3A_1541 : vector<1x1x16xf32> to vector<16xf32>
      %eq3A = vector.broadcast %scan3A_1534 : i32 to vector<16xi32>
      %eq3A_1543 = arith.cmpi eq, %iota3A, %eq3A : vector<16xi32>
      %broadcast_in_dim3A_1544 = vector.broadcast %scan3A_1055 : f32 to vector<16xf32>
      %select_n3A = arith.select %eq3A_1543, %get3A_1542, %broadcast_in_dim3A_1544 : vector<16xi1>, vector<16xf32>
      %max3A = arith.maximumf %scan3A_1535, %select_n3A : vector<16xf32>
      scf.yield %max3A : vector<16xf32>
    }
    %scan3A_1061 = arith.constant 16 : i32
    %scan3A_1062 = arith.constant 0xFF800000 : f32
    %scan3A_1063 = arith.constant 0 : i32
    %scan3A_1064 = arith.constant 16 : i32
    %scan3A_1065 = arith.addi %scan3A_1063, %scan3A_1064 : i32
    %scan3A_1066 = arith.constant 1 : i32
    %scan3A_1067 = scf.for %scan3A_1534 = %scan3A_1063 to %scan3A_1065 step %scan3A_1066 iter_args(%scan3A_1535 = %scan3A_1060) -> (vector<16xf32>)  : i32 {
      %add3A_1536 = arith.constant 112 : i32
      %add3A_1537 = arith.addi %add3A_1536, %scan3A_1534 : i32
      %get3A = arith.constant 0 : i32
      %get3A_1538 = arith.index_cast %get3A : i32 to index
      %get3A_1539 = arith.index_cast %add3A_1537 : i32 to index
      %get3A_1540 = arith.constant 112 : index
      %get3A_1541 = tpu.vector_load %arg4[%get3A_1538, %get3A_1539, %get3A_1540] {strides = array<i32>} : memref<2x128x128xf32, #tpu.memory_space<vmem>>, vector<1x1x16xf32>,
      %get3A_1542 = vector.shape_cast %get3A_1541 : vector<1x1x16xf32> to vector<16xf32>
      %eq3A = vector.broadcast %scan3A_1534 : i32 to vector<16xi32>
      %eq3A_1543 = arith.cmpi eq, %iota3A, %eq3A : vector<16xi32>
      %broadcast_in_dim3A_1544 = vector.broadcast %scan3A_1062 : f32 to vector<16xf32>
      %select_n3A = arith.select %eq3A_1543, %get3A_1542, %broadcast_in_dim3A_1544 : vector<16xi1>, vector<16xf32>
      %max3A = arith.maximumf %scan3A_1535, %select_n3A : vector<16xf32>
      scf.yield %max3A : vector<16xf32>
    }
    %scan3A_1068 = arith.constant 16 : i32
    %dma_wait3A_1069 = arith.constant 1 : i32
    %dma_wait3A_1070 = arith.constant 0 : i32
    %dma_wait3A_1071 = arith.constant 0 : i32
    %dma_wait3A_1072 = tpu.memref_slice %arg4[%dma_wait3A_1069, %dma_wait3A_1070, %dma_wait3A_1071] : memref<2x128x128xf32, #tpu.memory_space<vmem>> -> memref<1x128x128xf32, #tpu.memory_space<vmem>>
    %dma_wait3A_1073 = tpu.memref_squeeze %dma_wait3A_1072 : memref<1x128x128xf32, #tpu.memory_space<vmem>> -> memref<128x128xf32, #tpu.memory_space<vmem>>
    %dma_wait3A_1074 = arith.constant 384 : i32
    %dma_wait3A_1075 = arith.constant 384 : i32
    %dma_wait3A_1076 = tpu.memref_slice %arg2[%add3A_995, %dma_wait3A_1074, %dma_wait3A_1075] : memref<128x512x512xf32, #tpu.memory_space<hbm>> -> memref<1x128x128xf32, #tpu.memory_space<hbm>>
    %dma_wait3A_1077 = tpu.memref_squeeze %dma_wait3A_1076 : memref<1x128x128xf32, #tpu.memory_space<hbm>> -> memref<128x128xf32, #tpu.memory_space<hbm>>
    %dma_wait3A_1078 = arith.constant 0 : i32
    %dma_wait3A_1079 = arith.constant 0 : i32
    %dma_wait3A_1080 = tpu.memref_slice %arg4[%dma_wait3A_1069, %dma_wait3A_1078, %dma_wait3A_1079] : memref<2x128x128xf32, #tpu.memory_space<vmem>> -> memref<1x128x128xf32, #tpu.memory_space<vmem>>
    %dma_wait3A_1081 = tpu.memref_squeeze %dma_wait3A_1080 : memref<1x128x128xf32, #tpu.memory_space<vmem>> -> memref<128x128xf32, #tpu.memory_space<vmem>>
    %dma_wait3A_1082 = arith.constant 384 : i32
    %dma_wait3A_1083 = arith.constant 384 : i32
    %dma_wait3A_1084 = tpu.memref_slice %arg2[%add3A_995, %dma_wait3A_1082, %dma_wait3A_1083] : memref<128x512x512xf32, #tpu.memory_space<hbm>> -> memref<1x128x128xf32, #tpu.memory_space<hbm>>
    %dma_wait3A_1085 = tpu.memref_squeeze %dma_wait3A_1084 : memref<1x128x128xf32, #tpu.memory_space<hbm>> -> memref<128x128xf32, #tpu.memory_space<hbm>>
    tpu.wait_dma2 semaphore(%arg7 : memref<!tpu.dma_semaphore, #tpu.memory_space<semaphore_mem>>) src(%dma_wait3A_1085 : memref<128x128xf32, #tpu.memory_space<hbm>>) dst(%dma_wait3A_1081 : memref<128x128xf32, #tpu.memory_space<vmem>>)
    %mul3A_1086 = arith.constant 4 : i32
    %mul3A_1087 = arith.muli %add3A, %mul3A_1086 : i32
    %add3A_1088 = arith.constant 3 : i32
    %add3A_1089 = arith.addi %mul3A_1087, %add3A_1088 : i32
    %dma_start3A_1090 = arith.constant 0 : i32
    %dma_start3A_1091 = arith.constant 0 : i32
    %dma_start3A_1092 = arith.constant 0 : i32
    %dma_start3A_1093 = tpu.memref_slice %arg4[%dma_start3A_1090, %dma_start3A_1091, %dma_start3A_1092] : memref<2x128x128xf32, #tpu.memory_space<vmem>> -> memref<1x128x128xf32, #tpu.memory_space<vmem>>
    %dma_start3A_1094 = tpu.memref_squeeze %dma_start3A_1093 : memref<1x128x128xf32, #tpu.memory_space<vmem>> -> memref<128x128xf32, #tpu.memory_space<vmem>>
    %dma_start3A_1095 = arith.constant 0 : i32
    %dma_start3A_1096 = arith.constant 0 : i32
    %dma_start3A_1097 = tpu.memref_slice %arg2[%add3A_1089, %dma_start3A_1095, %dma_start3A_1096] : memref<128x512x512xf32, #tpu.memory_space<hbm>> -> memref<1x128x128xf32, #tpu.memory_space<hbm>>
    %dma_start3A_1098 = tpu.memref_squeeze %dma_start3A_1097 : memref<1x128x128xf32, #tpu.memory_space<hbm>> -> memref<128x128xf32, #tpu.memory_space<hbm>>
    %dma_start3A_1099 = arith.constant 0 : i32
    %dma_start3A_1100 = arith.constant 0 : i32
    %dma_start3A_1101 = tpu.memref_slice %arg4[%dma_start3A_1090, %dma_start3A_1099, %dma_start3A_1100] : memref<2x128x128xf32, #tpu.memory_space<vmem>> -> memref<1x128x128xf32, #tpu.memory_space<vmem>>
    %dma_start3A_1102 = tpu.memref_squeeze %dma_start3A_1101 : memref<1x128x128xf32, #tpu.memory_space<vmem>> -> memref<128x128xf32, #tpu.memory_space<vmem>>
    %dma_start3A_1103 = arith.constant 0 : i32
    %dma_start3A_1104 = arith.constant 0 : i32
    %dma_start3A_1105 = tpu.memref_slice %arg2[%add3A_1089, %dma_start3A_1103, %dma_start3A_1104] : memref<128x512x512xf32, #tpu.memory_space<hbm>> -> memref<1x128x128xf32, #tpu.memory_space<hbm>>
    %dma_start3A_1106 = tpu.memref_squeeze %dma_start3A_1105 : memref<1x128x128xf32, #tpu.memory_space<hbm>> -> memref<128x128xf32, #tpu.memory_space<hbm>>
    tpu.enqueue_dma source(%dma_start3A_1106 : memref<128x128xf32, #tpu.memory_space<hbm>>) target(%dma_start3A_1102 : memref<128x128xf32, #tpu.memory_space<vmem>>) target_semaphore(%arg6 : memref<!tpu.dma_semaphore, #tpu.memory_space<semaphore_mem>>)
    %scan3A_1107 = arith.constant 0xFF800000 : f32
    %scan3A_1108 = arith.constant 0 : i32
    %scan3A_1109 = arith.constant 16 : i32
    %scan3A_1110 = arith.addi %scan3A_1108, %scan3A_1109 : i32
    %scan3A_1111 = arith.constant 1 : i32
    %scan3A_1112 = scf.for %scan3A_1534 = %scan3A_1108 to %scan3A_1110 step %scan3A_1111 iter_args(%scan3A_1535 = %scan3A_1067) -> (vector<16xf32>)  : i32 {
      %add3A_1536 = arith.constant 0 : i32
      %add3A_1537 = arith.addi %add3A_1536, %scan3A_1534 : i32
      %get3A = arith.constant 1 : i32
      %get3A_1538 = arith.index_cast %get3A : i32 to index
      %get3A_1539 = arith.index_cast %add3A_1537 : i32 to index
      %get3A_1540 = arith.constant 0 : index
      %get3A_1541 = tpu.vector_load %arg4[%get3A_1538, %get3A_1539, %get3A_1540] {strides = array<i32>} : memref<2x128x128xf32, #tpu.memory_space<vmem>>, vector<1x1x16xf32>,
      %get3A_1542 = vector.shape_cast %get3A_1541 : vector<1x1x16xf32> to vector<16xf32>
      %eq3A = vector.broadcast %scan3A_1534 : i32 to vector<16xi32>
      %eq3A_1543 = arith.cmpi eq, %iota3A, %eq3A : vector<16xi32>
      %broadcast_in_dim3A_1544 = vector.broadcast %scan3A_1107 : f32 to vector<16xf32>
      %select_n3A = arith.select %eq3A_1543, %get3A_1542, %broadcast_in_dim3A_1544 : vector<16xi1>, vector<16xf32>
      %max3A = arith.maximumf %scan3A_1535, %select_n3A : vector<16xf32>
      scf.yield %max3A : vector<16xf32>
    }
    %scan3A_1113 = arith.constant 16 : i32
    %scan3A_1114 = arith.constant 0xFF800000 : f32
    %scan3A_1115 = arith.constant 0 : i32
    %scan3A_1116 = arith.constant 16 : i32
    %scan3A_1117 = arith.addi %scan3A_1115, %scan3A_1116 : i32
    %scan3A_1118 = arith.constant 1 : i32
    %scan3A_1119 = scf.for %scan3A_1534 = %scan3A_1115 to %scan3A_1117 step %scan3A_1118 iter_args(%scan3A_1535 = %scan3A_1112) -> (vector<16xf32>)  : i32 {
      %add3A_1536 = arith.constant 16 : i32
      %add3A_1537 = arith.addi %add3A_1536, %scan3A_1534 : i32
      %get3A = arith.constant 1 : i32
      %get3A_1538 = arith.index_cast %get3A : i32 to index
      %get3A_1539 = arith.index_cast %add3A_1537 : i32 to index
      %get3A_1540 = arith.constant 16 : index
      %get3A_1541 = tpu.vector_load %arg4[%get3A_1538, %get3A_1539, %get3A_1540] {strides = array<i32>} : memref<2x128x128xf32, #tpu.memory_space<vmem>>, vector<1x1x16xf32>,
      %get3A_1542 = vector.shape_cast %get3A_1541 : vector<1x1x16xf32> to vector<16xf32>
      %eq3A = vector.broadcast %scan3A_1534 : i32 to vector<16xi32>
      %eq3A_1543 = arith.cmpi eq, %iota3A, %eq3A : vector<16xi32>
      %broadcast_in_dim3A_1544 = vector.broadcast %scan3A_1114 : f32 to vector<16xf32>
      %select_n3A = arith.select %eq3A_1543, %get3A_1542, %broadcast_in_dim3A_1544 : vector<16xi1>, vector<16xf32>
      %max3A = arith.maximumf %scan3A_1535, %select_n3A : vector<16xf32>
      scf.yield %max3A : vector<16xf32>
    }
    %scan3A_1120 = arith.constant 16 : i32
    %scan3A_1121 = arith.constant 0xFF800000 : f32
    %scan3A_1122 = arith.constant 0 : i32
    %scan3A_1123 = arith.constant 16 : i32
    %scan3A_1124 = arith.addi %scan3A_1122, %scan3A_1123 : i32
    %scan3A_1125 = arith.constant 1 : i32
    %scan3A_1126 = scf.for %scan3A_1534 = %scan3A_1122 to %scan3A_1124 step %scan3A_1125 iter_args(%scan3A_1535 = %scan3A_1119) -> (vector<16xf32>)  : i32 {
      %add3A_1536 = arith.constant 32 : i32
      %add3A_1537 = arith.addi %add3A_1536, %scan3A_1534 : i32
      %get3A = arith.constant 1 : i32
      %get3A_1538 = arith.index_cast %get3A : i32 to index
      %get3A_1539 = arith.index_cast %add3A_1537 : i32 to index
      %get3A_1540 = arith.constant 32 : index
      %get3A_1541 = tpu.vector_load %arg4[%get3A_1538, %get3A_1539, %get3A_1540] {strides = array<i32>} : memref<2x128x128xf32, #tpu.memory_space<vmem>>, vector<1x1x16xf32>,
      %get3A_1542 = vector.shape_cast %get3A_1541 : vector<1x1x16xf32> to vector<16xf32>
      %eq3A = vector.broadcast %scan3A_1534 : i32 to vector<16xi32>
      %eq3A_1543 = arith.cmpi eq, %iota3A, %eq3A : vector<16xi32>
      %broadcast_in_dim3A_1544 = vector.broadcast %scan3A_1121 : f32 to vector<16xf32>
      %select_n3A = arith.select %eq3A_1543, %get3A_1542, %broadcast_in_dim3A_1544 : vector<16xi1>, vector<16xf32>
      %max3A = arith.maximumf %scan3A_1535, %select_n3A : vector<16xf32>
      scf.yield %max3A : vector<16xf32>
    }
    %scan3A_1127 = arith.constant 16 : i32
    %scan3A_1128 = arith.constant 0xFF800000 : f32
    %scan3A_1129 = arith.constant 0 : i32
    %scan3A_1130 = arith.constant 16 : i32
    %scan3A_1131 = arith.addi %scan3A_1129, %scan3A_1130 : i32
    %scan3A_1132 = arith.constant 1 : i32
    %scan3A_1133 = scf.for %scan3A_1534 = %scan3A_1129 to %scan3A_1131 step %scan3A_1132 iter_args(%scan3A_1535 = %scan3A_1126) -> (vector<16xf32>)  : i32 {
      %add3A_1536 = arith.constant 48 : i32
      %add3A_1537 = arith.addi %add3A_1536, %scan3A_1534 : i32
      %get3A = arith.constant 1 : i32
      %get3A_1538 = arith.index_cast %get3A : i32 to index
      %get3A_1539 = arith.index_cast %add3A_1537 : i32 to index
      %get3A_1540 = arith.constant 48 : index
      %get3A_1541 = tpu.vector_load %arg4[%get3A_1538, %get3A_1539, %get3A_1540] {strides = array<i32>} : memref<2x128x128xf32, #tpu.memory_space<vmem>>, vector<1x1x16xf32>,
      %get3A_1542 = vector.shape_cast %get3A_1541 : vector<1x1x16xf32> to vector<16xf32>
      %eq3A = vector.broadcast %scan3A_1534 : i32 to vector<16xi32>
      %eq3A_1543 = arith.cmpi eq, %iota3A, %eq3A : vector<16xi32>
      %broadcast_in_dim3A_1544 = vector.broadcast %scan3A_1128 : f32 to vector<16xf32>
      %select_n3A = arith.select %eq3A_1543, %get3A_1542, %broadcast_in_dim3A_1544 : vector<16xi1>, vector<16xf32>
      %max3A = arith.maximumf %scan3A_1535, %select_n3A : vector<16xf32>
      scf.yield %max3A : vector<16xf32>
    }
    %scan3A_1134 = arith.constant 16 : i32
    %scan3A_1135 = arith.constant 0xFF800000 : f32
    %scan3A_1136 = arith.constant 0 : i32
    %scan3A_1137 = arith.constant 16 : i32
    %scan3A_1138 = arith.addi %scan3A_1136, %scan3A_1137 : i32
    %scan3A_1139 = arith.constant 1 : i32
    %scan3A_1140 = scf.for %scan3A_1534 = %scan3A_1136 to %scan3A_1138 step %scan3A_1139 iter_args(%scan3A_1535 = %scan3A_1133) -> (vector<16xf32>)  : i32 {
      %add3A_1536 = arith.constant 64 : i32
      %add3A_1537 = arith.addi %add3A_1536, %scan3A_1534 : i32
      %get3A = arith.constant 1 : i32
      %get3A_1538 = arith.index_cast %get3A : i32 to index
      %get3A_1539 = arith.index_cast %add3A_1537 : i32 to index
      %get3A_1540 = arith.constant 64 : index
      %get3A_1541 = tpu.vector_load %arg4[%get3A_1538, %get3A_1539, %get3A_1540] {strides = array<i32>} : memref<2x128x128xf32, #tpu.memory_space<vmem>>, vector<1x1x16xf32>,
      %get3A_1542 = vector.shape_cast %get3A_1541 : vector<1x1x16xf32> to vector<16xf32>
      %eq3A = vector.broadcast %scan3A_1534 : i32 to vector<16xi32>
      %eq3A_1543 = arith.cmpi eq, %iota3A, %eq3A : vector<16xi32>
      %broadcast_in_dim3A_1544 = vector.broadcast %scan3A_1135 : f32 to vector<16xf32>
      %select_n3A = arith.select %eq3A_1543, %get3A_1542, %broadcast_in_dim3A_1544 : vector<16xi1>, vector<16xf32>
      %max3A = arith.maximumf %scan3A_1535, %select_n3A : vector<16xf32>
      scf.yield %max3A : vector<16xf32>
    }
    %scan3A_1141 = arith.constant 16 : i32
    %scan3A_1142 = arith.constant 0xFF800000 : f32
    %scan3A_1143 = arith.constant 0 : i32
    %scan3A_1144 = arith.constant 16 : i32
    %scan3A_1145 = arith.addi %scan3A_1143, %scan3A_1144 : i32
    %scan3A_1146 = arith.constant 1 : i32
    %scan3A_1147 = scf.for %scan3A_1534 = %scan3A_1143 to %scan3A_1145 step %scan3A_1146 iter_args(%scan3A_1535 = %scan3A_1140) -> (vector<16xf32>)  : i32 {
      %add3A_1536 = arith.constant 80 : i32
      %add3A_1537 = arith.addi %add3A_1536, %scan3A_1534 : i32
      %get3A = arith.constant 1 : i32
      %get3A_1538 = arith.index_cast %get3A : i32 to index
      %get3A_1539 = arith.index_cast %add3A_1537 : i32 to index
      %get3A_1540 = arith.constant 80 : index
      %get3A_1541 = tpu.vector_load %arg4[%get3A_1538, %get3A_1539, %get3A_1540] {strides = array<i32>} : memref<2x128x128xf32, #tpu.memory_space<vmem>>, vector<1x1x16xf32>,
      %get3A_1542 = vector.shape_cast %get3A_1541 : vector<1x1x16xf32> to vector<16xf32>
      %eq3A = vector.broadcast %scan3A_1534 : i32 to vector<16xi32>
      %eq3A_1543 = arith.cmpi eq, %iota3A, %eq3A : vector<16xi32>
      %broadcast_in_dim3A_1544 = vector.broadcast %scan3A_1142 : f32 to vector<16xf32>
      %select_n3A = arith.select %eq3A_1543, %get3A_1542, %broadcast_in_dim3A_1544 : vector<16xi1>, vector<16xf32>
      %max3A = arith.maximumf %scan3A_1535, %select_n3A : vector<16xf32>
      scf.yield %max3A : vector<16xf32>
    }
    %scan3A_1148 = arith.constant 16 : i32
    %scan3A_1149 = arith.constant 0xFF800000 : f32
    %scan3A_1150 = arith.constant 0 : i32
    %scan3A_1151 = arith.constant 16 : i32
    %scan3A_1152 = arith.addi %scan3A_1150, %scan3A_1151 : i32
    %scan3A_1153 = arith.constant 1 : i32
    %scan3A_1154 = scf.for %scan3A_1534 = %scan3A_1150 to %scan3A_1152 step %scan3A_1153 iter_args(%scan3A_1535 = %scan3A_1147) -> (vector<16xf32>)  : i32 {
      %add3A_1536 = arith.constant 96 : i32
      %add3A_1537 = arith.addi %add3A_1536, %scan3A_1534 : i32
      %get3A = arith.constant 1 : i32
      %get3A_1538 = arith.index_cast %get3A : i32 to index
      %get3A_1539 = arith.index_cast %add3A_1537 : i32 to index
      %get3A_1540 = arith.constant 96 : index
      %get3A_1541 = tpu.vector_load %arg4[%get3A_1538, %get3A_1539, %get3A_1540] {strides = array<i32>} : memref<2x128x128xf32, #tpu.memory_space<vmem>>, vector<1x1x16xf32>,
      %get3A_1542 = vector.shape_cast %get3A_1541 : vector<1x1x16xf32> to vector<16xf32>
      %eq3A = vector.broadcast %scan3A_1534 : i32 to vector<16xi32>
      %eq3A_1543 = arith.cmpi eq, %iota3A, %eq3A : vector<16xi32>
      %broadcast_in_dim3A_1544 = vector.broadcast %scan3A_1149 : f32 to vector<16xf32>
      %select_n3A = arith.select %eq3A_1543, %get3A_1542, %broadcast_in_dim3A_1544 : vector<16xi1>, vector<16xf32>
      %max3A = arith.maximumf %scan3A_1535, %select_n3A : vector<16xf32>
      scf.yield %max3A : vector<16xf32>
    }
    %scan3A_1155 = arith.constant 16 : i32
    %scan3A_1156 = arith.constant 0xFF800000 : f32
    %scan3A_1157 = arith.constant 0 : i32
    %scan3A_1158 = arith.constant 16 : i32
    %scan3A_1159 = arith.addi %scan3A_1157, %scan3A_1158 : i32
    %scan3A_1160 = arith.constant 1 : i32
    %scan3A_1161 = scf.for %scan3A_1534 = %scan3A_1157 to %scan3A_1159 step %scan3A_1160 iter_args(%scan3A_1535 = %scan3A_1154) -> (vector<16xf32>)  : i32 {
      %add3A_1536 = arith.constant 112 : i32
      %add3A_1537 = arith.addi %add3A_1536, %scan3A_1534 : i32
      %get3A = arith.constant 1 : i32
      %get3A_1538 = arith.index_cast %get3A : i32 to index
      %get3A_1539 = arith.index_cast %add3A_1537 : i32 to index
      %get3A_1540 = arith.constant 112 : index
      %get3A_1541 = tpu.vector_load %arg4[%get3A_1538, %get3A_1539, %get3A_1540] {strides = array<i32>} : memref<2x128x128xf32, #tpu.memory_space<vmem>>, vector<1x1x16xf32>,
      %get3A_1542 = vector.shape_cast %get3A_1541 : vector<1x1x16xf32> to vector<16xf32>
      %eq3A = vector.broadcast %scan3A_1534 : i32 to vector<16xi32>
      %eq3A_1543 = arith.cmpi eq, %iota3A, %eq3A : vector<16xi32>
      %broadcast_in_dim3A_1544 = vector.broadcast %scan3A_1156 : f32 to vector<16xf32>
      %select_n3A = arith.select %eq3A_1543, %get3A_1542, %broadcast_in_dim3A_1544 : vector<16xi1>, vector<16xf32>
      %max3A = arith.maximumf %scan3A_1535, %select_n3A : vector<16xf32>
      scf.yield %max3A : vector<16xf32>
    }
    %scan3A_1162 = arith.constant 16 : i32
    %swap3A_1163 = arith.constant 2 : i32
    %swap3A_1164 = arith.index_cast %swap3A_1163 : i32 to index
    %swap3A_1165 = arith.constant 0 : index
    %swap3A_1166 = tpu.vector_load %arg5[%swap3A_1164, %swap3A_1165] {strides = array<i32>} : memref<4x16xf32, #tpu.memory_space<vmem>>, vector<1x16xf32>,
    %swap3A_1167 = vector.shape_cast %swap3A_1166 : vector<1x16xf32> to vector<16xf32>
    %swap3A_1168 = vector.shape_cast %scan3A_1161 : vector<16xf32> to vector<1x16xf32>
    tpu.vector_store %arg5[%swap3A_1164, %swap3A_1165], %swap3A_1168 {strides = array<i32>} : memref<4x16xf32, #tpu.memory_space<vmem>>, vector<1x16xf32>,
    %broadcast_in_dim3A_1169 = arith.constant 0xFF800000 : f32
    %broadcast_in_dim3A_1170 = vector.broadcast %broadcast_in_dim3A_1169 : f32 to vector<16xf32>
    %dma_wait3A_1171 = arith.constant 0 : i32
    %dma_wait3A_1172 = arith.constant 0 : i32
    %dma_wait3A_1173 = arith.constant 0 : i32
    %dma_wait3A_1174 = tpu.memref_slice %arg4[%dma_wait3A_1171, %dma_wait3A_1172, %dma_wait3A_1173] : memref<2x128x128xf32, #tpu.memory_space<vmem>> -> memref<1x128x128xf32, #tpu.memory_space<vmem>>
    %dma_wait3A_1175 = tpu.memref_squeeze %dma_wait3A_1174 : memref<1x128x128xf32, #tpu.memory_space<vmem>> -> memref<128x128xf32, #tpu.memory_space<vmem>>
    %dma_wait3A_1176 = arith.constant 0 : i32
    %dma_wait3A_1177 = arith.constant 0 : i32
    %dma_wait3A_1178 = tpu.memref_slice %arg2[%add3A_1089, %dma_wait3A_1176, %dma_wait3A_1177] : memref<128x512x512xf32, #tpu.memory_space<hbm>> -> memref<1x128x128xf32, #tpu.memory_space<hbm>>
    %dma_wait3A_1179 = tpu.memref_squeeze %dma_wait3A_1178 : memref<1x128x128xf32, #tpu.memory_space<hbm>> -> memref<128x128xf32, #tpu.memory_space<hbm>>
    %dma_wait3A_1180 = arith.constant 0 : i32
    %dma_wait3A_1181 = arith.constant 0 : i32
    %dma_wait3A_1182 = tpu.memref_slice %arg4[%dma_wait3A_1171, %dma_wait3A_1180, %dma_wait3A_1181] : memref<2x128x128xf32, #tpu.memory_space<vmem>> -> memref<1x128x128xf32, #tpu.memory_space<vmem>>
    %dma_wait3A_1183 = tpu.memref_squeeze %dma_wait3A_1182 : memref<1x128x128xf32, #tpu.memory_space<vmem>> -> memref<128x128xf32, #tpu.memory_space<vmem>>
    %dma_wait3A_1184 = arith.constant 0 : i32
    %dma_wait3A_1185 = arith.constant 0 : i32
    %dma_wait3A_1186 = tpu.memref_slice %arg2[%add3A_1089, %dma_wait3A_1184, %dma_wait3A_1185] : memref<128x512x512xf32, #tpu.memory_space<hbm>> -> memref<1x128x128xf32, #tpu.memory_space<hbm>>
    %dma_wait3A_1187 = tpu.memref_squeeze %dma_wait3A_1186 : memref<1x128x128xf32, #tpu.memory_space<hbm>> -> memref<128x128xf32, #tpu.memory_space<hbm>>
    tpu.wait_dma2 semaphore(%arg6 : memref<!tpu.dma_semaphore, #tpu.memory_space<semaphore_mem>>) src(%dma_wait3A_1187 : memref<128x128xf32, #tpu.memory_space<hbm>>) dst(%dma_wait3A_1183 : memref<128x128xf32, #tpu.memory_space<vmem>>)
    %mul3A_1188 = arith.constant 4 : i32
    %mul3A_1189 = arith.muli %add3A, %mul3A_1188 : i32
    %add3A_1190 = arith.constant 3 : i32
    %add3A_1191 = arith.addi %mul3A_1189, %add3A_1190 : i32
    %dma_start3A_1192 = arith.constant 1 : i32
    %dma_start3A_1193 = arith.constant 0 : i32
    %dma_start3A_1194 = arith.constant 0 : i32
    %dma_start3A_1195 = tpu.memref_slice %arg4[%dma_start3A_1192, %dma_start3A_1193, %dma_start3A_1194] : memref<2x128x128xf32, #tpu.memory_space<vmem>> -> memref<1x128x128xf32, #tpu.memory_space<vmem>>
    %dma_start3A_1196 = tpu.memref_squeeze %dma_start3A_1195 : memref<1x128x128xf32, #tpu.memory_space<vmem>> -> memref<128x128xf32, #tpu.memory_space<vmem>>
    %dma_start3A_1197 = arith.constant 128 : i32
    %dma_start3A_1198 = arith.constant 128 : i32
    %dma_start3A_1199 = tpu.memref_slice %arg2[%add3A_1191, %dma_start3A_1197, %dma_start3A_1198] : memref<128x512x512xf32, #tpu.memory_space<hbm>> -> memref<1x128x128xf32, #tpu.memory_space<hbm>>
    %dma_start3A_1200 = tpu.memref_squeeze %dma_start3A_1199 : memref<1x128x128xf32, #tpu.memory_space<hbm>> -> memref<128x128xf32, #tpu.memory_space<hbm>>
    %dma_start3A_1201 = arith.constant 0 : i32
    %dma_start3A_1202 = arith.constant 0 : i32
    %dma_start3A_1203 = tpu.memref_slice %arg4[%dma_start3A_1192, %dma_start3A_1201, %dma_start3A_1202] : memref<2x128x128xf32, #tpu.memory_space<vmem>> -> memref<1x128x128xf32, #tpu.memory_space<vmem>>
    %dma_start3A_1204 = tpu.memref_squeeze %dma_start3A_1203 : memref<1x128x128xf32, #tpu.memory_space<vmem>> -> memref<128x128xf32, #tpu.memory_space<vmem>>
    %dma_start3A_1205 = arith.constant 128 : i32
    %dma_start3A_1206 = arith.constant 128 : i32
    %dma_start3A_1207 = tpu.memref_slice %arg2[%add3A_1191, %dma_start3A_1205, %dma_start3A_1206] : memref<128x512x512xf32, #tpu.memory_space<hbm>> -> memref<1x128x128xf32, #tpu.memory_space<hbm>>
    %dma_start3A_1208 = tpu.memref_squeeze %dma_start3A_1207 : memref<1x128x128xf32, #tpu.memory_space<hbm>> -> memref<128x128xf32, #tpu.memory_space<hbm>>
    tpu.enqueue_dma source(%dma_start3A_1208 : memref<128x128xf32, #tpu.memory_space<hbm>>) target(%dma_start3A_1204 : memref<128x128xf32, #tpu.memory_space<vmem>>) target_semaphore(%arg7 : memref<!tpu.dma_semaphore, #tpu.memory_space<semaphore_mem>>)
    %scan3A_1209 = arith.constant 0xFF800000 : f32
    %scan3A_1210 = arith.constant 0 : i32
    %scan3A_1211 = arith.constant 16 : i32
    %scan3A_1212 = arith.addi %scan3A_1210, %scan3A_1211 : i32
    %scan3A_1213 = arith.constant 1 : i32
    %scan3A_1214 = scf.for %scan3A_1534 = %scan3A_1210 to %scan3A_1212 step %scan3A_1213 iter_args(%scan3A_1535 = %broadcast_in_dim3A_1170) -> (vector<16xf32>)  : i32 {
      %add3A_1536 = arith.constant 0 : i32
      %add3A_1537 = arith.addi %add3A_1536, %scan3A_1534 : i32
      %get3A = arith.constant 0 : i32
      %get3A_1538 = arith.index_cast %get3A : i32 to index
      %get3A_1539 = arith.index_cast %add3A_1537 : i32 to index
      %get3A_1540 = arith.constant 0 : index
      %get3A_1541 = tpu.vector_load %arg4[%get3A_1538, %get3A_1539, %get3A_1540] {strides = array<i32>} : memref<2x128x128xf32, #tpu.memory_space<vmem>>, vector<1x1x16xf32>,
      %get3A_1542 = vector.shape_cast %get3A_1541 : vector<1x1x16xf32> to vector<16xf32>
      %eq3A = vector.broadcast %scan3A_1534 : i32 to vector<16xi32>
      %eq3A_1543 = arith.cmpi eq, %iota3A, %eq3A : vector<16xi32>
      %broadcast_in_dim3A_1544 = vector.broadcast %scan3A_1209 : f32 to vector<16xf32>
      %select_n3A = arith.select %eq3A_1543, %get3A_1542, %broadcast_in_dim3A_1544 : vector<16xi1>, vector<16xf32>
      %max3A = arith.maximumf %scan3A_1535, %select_n3A : vector<16xf32>
      scf.yield %max3A : vector<16xf32>
    }
    %scan3A_1215 = arith.constant 16 : i32
    %scan3A_1216 = arith.constant 0xFF800000 : f32
    %scan3A_1217 = arith.constant 0 : i32
    %scan3A_1218 = arith.constant 16 : i32
    %scan3A_1219 = arith.addi %scan3A_1217, %scan3A_1218 : i32
    %scan3A_1220 = arith.constant 1 : i32
    %scan3A_1221 = scf.for %scan3A_1534 = %scan3A_1217 to %scan3A_1219 step %scan3A_1220 iter_args(%scan3A_1535 = %scan3A_1214) -> (vector<16xf32>)  : i32 {
      %add3A_1536 = arith.constant 16 : i32
      %add3A_1537 = arith.addi %add3A_1536, %scan3A_1534 : i32
      %get3A = arith.constant 0 : i32
      %get3A_1538 = arith.index_cast %get3A : i32 to index
      %get3A_1539 = arith.index_cast %add3A_1537 : i32 to index
      %get3A_1540 = arith.constant 16 : index
      %get3A_1541 = tpu.vector_load %arg4[%get3A_1538, %get3A_1539, %get3A_1540] {strides = array<i32>} : memref<2x128x128xf32, #tpu.memory_space<vmem>>, vector<1x1x16xf32>,
      %get3A_1542 = vector.shape_cast %get3A_1541 : vector<1x1x16xf32> to vector<16xf32>
      %eq3A = vector.broadcast %scan3A_1534 : i32 to vector<16xi32>
      %eq3A_1543 = arith.cmpi eq, %iota3A, %eq3A : vector<16xi32>
      %broadcast_in_dim3A_1544 = vector.broadcast %scan3A_1216 : f32 to vector<16xf32>
      %select_n3A = arith.select %eq3A_1543, %get3A_1542, %broadcast_in_dim3A_1544 : vector<16xi1>, vector<16xf32>
      %max3A = arith.maximumf %scan3A_1535, %select_n3A : vector<16xf32>
      scf.yield %max3A : vector<16xf32>
    }
    %scan3A_1222 = arith.constant 16 : i32
    %scan3A_1223 = arith.constant 0xFF800000 : f32
    %scan3A_1224 = arith.constant 0 : i32
    %scan3A_1225 = arith.constant 16 : i32
    %scan3A_1226 = arith.addi %scan3A_1224, %scan3A_1225 : i32
    %scan3A_1227 = arith.constant 1 : i32
    %scan3A_1228 = scf.for %scan3A_1534 = %scan3A_1224 to %scan3A_1226 step %scan3A_1227 iter_args(%scan3A_1535 = %scan3A_1221) -> (vector<16xf32>)  : i32 {
      %add3A_1536 = arith.constant 32 : i32
      %add3A_1537 = arith.addi %add3A_1536, %scan3A_1534 : i32
      %get3A = arith.constant 0 : i32
      %get3A_1538 = arith.index_cast %get3A : i32 to index
      %get3A_1539 = arith.index_cast %add3A_1537 : i32 to index
      %get3A_1540 = arith.constant 32 : index
      %get3A_1541 = tpu.vector_load %arg4[%get3A_1538, %get3A_1539, %get3A_1540] {strides = array<i32>} : memref<2x128x128xf32, #tpu.memory_space<vmem>>, vector<1x1x16xf32>,
      %get3A_1542 = vector.shape_cast %get3A_1541 : vector<1x1x16xf32> to vector<16xf32>
      %eq3A = vector.broadcast %scan3A_1534 : i32 to vector<16xi32>
      %eq3A_1543 = arith.cmpi eq, %iota3A, %eq3A : vector<16xi32>
      %broadcast_in_dim3A_1544 = vector.broadcast %scan3A_1223 : f32 to vector<16xf32>
      %select_n3A = arith.select %eq3A_1543, %get3A_1542, %broadcast_in_dim3A_1544 : vector<16xi1>, vector<16xf32>
      %max3A = arith.maximumf %scan3A_1535, %select_n3A : vector<16xf32>
      scf.yield %max3A : vector<16xf32>
    }
    %scan3A_1229 = arith.constant 16 : i32
    %scan3A_1230 = arith.constant 0xFF800000 : f32
    %scan3A_1231 = arith.constant 0 : i32
    %scan3A_1232 = arith.constant 16 : i32
    %scan3A_1233 = arith.addi %scan3A_1231, %scan3A_1232 : i32
    %scan3A_1234 = arith.constant 1 : i32
    %scan3A_1235 = scf.for %scan3A_1534 = %scan3A_1231 to %scan3A_1233 step %scan3A_1234 iter_args(%scan3A_1535 = %scan3A_1228) -> (vector<16xf32>)  : i32 {
      %add3A_1536 = arith.constant 48 : i32
      %add3A_1537 = arith.addi %add3A_1536, %scan3A_1534 : i32
      %get3A = arith.constant 0 : i32
      %get3A_1538 = arith.index_cast %get3A : i32 to index
      %get3A_1539 = arith.index_cast %add3A_1537 : i32 to index
      %get3A_1540 = arith.constant 48 : index
      %get3A_1541 = tpu.vector_load %arg4[%get3A_1538, %get3A_1539, %get3A_1540] {strides = array<i32>} : memref<2x128x128xf32, #tpu.memory_space<vmem>>, vector<1x1x16xf32>,
      %get3A_1542 = vector.shape_cast %get3A_1541 : vector<1x1x16xf32> to vector<16xf32>
      %eq3A = vector.broadcast %scan3A_1534 : i32 to vector<16xi32>
      %eq3A_1543 = arith.cmpi eq, %iota3A, %eq3A : vector<16xi32>
      %broadcast_in_dim3A_1544 = vector.broadcast %scan3A_1230 : f32 to vector<16xf32>
      %select_n3A = arith.select %eq3A_1543, %get3A_1542, %broadcast_in_dim3A_1544 : vector<16xi1>, vector<16xf32>
      %max3A = arith.maximumf %scan3A_1535, %select_n3A : vector<16xf32>
      scf.yield %max3A : vector<16xf32>
    }
    %scan3A_1236 = arith.constant 16 : i32
    %scan3A_1237 = arith.constant 0xFF800000 : f32
    %scan3A_1238 = arith.constant 0 : i32
    %scan3A_1239 = arith.constant 16 : i32
    %scan3A_1240 = arith.addi %scan3A_1238, %scan3A_1239 : i32
    %scan3A_1241 = arith.constant 1 : i32
    %scan3A_1242 = scf.for %scan3A_1534 = %scan3A_1238 to %scan3A_1240 step %scan3A_1241 iter_args(%scan3A_1535 = %scan3A_1235) -> (vector<16xf32>)  : i32 {
      %add3A_1536 = arith.constant 64 : i32
      %add3A_1537 = arith.addi %add3A_1536, %scan3A_1534 : i32
      %get3A = arith.constant 0 : i32
      %get3A_1538 = arith.index_cast %get3A : i32 to index
      %get3A_1539 = arith.index_cast %add3A_1537 : i32 to index
      %get3A_1540 = arith.constant 64 : index
      %get3A_1541 = tpu.vector_load %arg4[%get3A_1538, %get3A_1539, %get3A_1540] {strides = array<i32>} : memref<2x128x128xf32, #tpu.memory_space<vmem>>, vector<1x1x16xf32>,
      %get3A_1542 = vector.shape_cast %get3A_1541 : vector<1x1x16xf32> to vector<16xf32>
      %eq3A = vector.broadcast %scan3A_1534 : i32 to vector<16xi32>
      %eq3A_1543 = arith.cmpi eq, %iota3A, %eq3A : vector<16xi32>
      %broadcast_in_dim3A_1544 = vector.broadcast %scan3A_1237 : f32 to vector<16xf32>
      %select_n3A = arith.select %eq3A_1543, %get3A_1542, %broadcast_in_dim3A_1544 : vector<16xi1>, vector<16xf32>
      %max3A = arith.maximumf %scan3A_1535, %select_n3A : vector<16xf32>
      scf.yield %max3A : vector<16xf32>
    }
    %scan3A_1243 = arith.constant 16 : i32
    %scan3A_1244 = arith.constant 0xFF800000 : f32
    %scan3A_1245 = arith.constant 0 : i32
    %scan3A_1246 = arith.constant 16 : i32
    %scan3A_1247 = arith.addi %scan3A_1245, %scan3A_1246 : i32
    %scan3A_1248 = arith.constant 1 : i32
    %scan3A_1249 = scf.for %scan3A_1534 = %scan3A_1245 to %scan3A_1247 step %scan3A_1248 iter_args(%scan3A_1535 = %scan3A_1242) -> (vector<16xf32>)  : i32 {
      %add3A_1536 = arith.constant 80 : i32
      %add3A_1537 = arith.addi %add3A_1536, %scan3A_1534 : i32
      %get3A = arith.constant 0 : i32
      %get3A_1538 = arith.index_cast %get3A : i32 to index
      %get3A_1539 = arith.index_cast %add3A_1537 : i32 to index
      %get3A_1540 = arith.constant 80 : index
      %get3A_1541 = tpu.vector_load %arg4[%get3A_1538, %get3A_1539, %get3A_1540] {strides = array<i32>} : memref<2x128x128xf32, #tpu.memory_space<vmem>>, vector<1x1x16xf32>,
      %get3A_1542 = vector.shape_cast %get3A_1541 : vector<1x1x16xf32> to vector<16xf32>
      %eq3A = vector.broadcast %scan3A_1534 : i32 to vector<16xi32>
      %eq3A_1543 = arith.cmpi eq, %iota3A, %eq3A : vector<16xi32>
      %broadcast_in_dim3A_1544 = vector.broadcast %scan3A_1244 : f32 to vector<16xf32>
      %select_n3A = arith.select %eq3A_1543, %get3A_1542, %broadcast_in_dim3A_1544 : vector<16xi1>, vector<16xf32>
      %max3A = arith.maximumf %scan3A_1535, %select_n3A : vector<16xf32>
      scf.yield %max3A : vector<16xf32>
    }
    %scan3A_1250 = arith.constant 16 : i32
    %scan3A_1251 = arith.constant 0xFF800000 : f32
    %scan3A_1252 = arith.constant 0 : i32
    %scan3A_1253 = arith.constant 16 : i32
    %scan3A_1254 = arith.addi %scan3A_1252, %scan3A_1253 : i32
    %scan3A_1255 = arith.constant 1 : i32
    %scan3A_1256 = scf.for %scan3A_1534 = %scan3A_1252 to %scan3A_1254 step %scan3A_1255 iter_args(%scan3A_1535 = %scan3A_1249) -> (vector<16xf32>)  : i32 {
      %add3A_1536 = arith.constant 96 : i32
      %add3A_1537 = arith.addi %add3A_1536, %scan3A_1534 : i32
      %get3A = arith.constant 0 : i32
      %get3A_1538 = arith.index_cast %get3A : i32 to index
      %get3A_1539 = arith.index_cast %add3A_1537 : i32 to index
      %get3A_1540 = arith.constant 96 : index
      %get3A_1541 = tpu.vector_load %arg4[%get3A_1538, %get3A_1539, %get3A_1540] {strides = array<i32>} : memref<2x128x128xf32, #tpu.memory_space<vmem>>, vector<1x1x16xf32>,
      %get3A_1542 = vector.shape_cast %get3A_1541 : vector<1x1x16xf32> to vector<16xf32>
      %eq3A = vector.broadcast %scan3A_1534 : i32 to vector<16xi32>
      %eq3A_1543 = arith.cmpi eq, %iota3A, %eq3A : vector<16xi32>
      %broadcast_in_dim3A_1544 = vector.broadcast %scan3A_1251 : f32 to vector<16xf32>
      %select_n3A = arith.select %eq3A_1543, %get3A_1542, %broadcast_in_dim3A_1544 : vector<16xi1>, vector<16xf32>
      %max3A = arith.maximumf %scan3A_1535, %select_n3A : vector<16xf32>
      scf.yield %max3A : vector<16xf32>
    }
    %scan3A_1257 = arith.constant 16 : i32
    %scan3A_1258 = arith.constant 0xFF800000 : f32
    %scan3A_1259 = arith.constant 0 : i32
    %scan3A_1260 = arith.constant 16 : i32
    %scan3A_1261 = arith.addi %scan3A_1259, %scan3A_1260 : i32
    %scan3A_1262 = arith.constant 1 : i32
    %scan3A_1263 = scf.for %scan3A_1534 = %scan3A_1259 to %scan3A_1261 step %scan3A_1262 iter_args(%scan3A_1535 = %scan3A_1256) -> (vector<16xf32>)  : i32 {
      %add3A_1536 = arith.constant 112 : i32
      %add3A_1537 = arith.addi %add3A_1536, %scan3A_1534 : i32
      %get3A = arith.constant 0 : i32
      %get3A_1538 = arith.index_cast %get3A : i32 to index
      %get3A_1539 = arith.index_cast %add3A_1537 : i32 to index
      %get3A_1540 = arith.constant 112 : index
      %get3A_1541 = tpu.vector_load %arg4[%get3A_1538, %get3A_1539, %get3A_1540] {strides = array<i32>} : memref<2x128x128xf32, #tpu.memory_space<vmem>>, vector<1x1x16xf32>,
      %get3A_1542 = vector.shape_cast %get3A_1541 : vector<1x1x16xf32> to vector<16xf32>
      %eq3A = vector.broadcast %scan3A_1534 : i32 to vector<16xi32>
      %eq3A_1543 = arith.cmpi eq, %iota3A, %eq3A : vector<16xi32>
      %broadcast_in_dim3A_1544 = vector.broadcast %scan3A_1258 : f32 to vector<16xf32>
      %select_n3A = arith.select %eq3A_1543, %get3A_1542, %broadcast_in_dim3A_1544 : vector<16xi1>, vector<16xf32>
      %max3A = arith.maximumf %scan3A_1535, %select_n3A : vector<16xf32>
      scf.yield %max3A : vector<16xf32>
    }
    %scan3A_1264 = arith.constant 16 : i32
    %dma_wait3A_1265 = arith.constant 1 : i32
    %dma_wait3A_1266 = arith.constant 0 : i32
    %dma_wait3A_1267 = arith.constant 0 : i32
    %dma_wait3A_1268 = tpu.memref_slice %arg4[%dma_wait3A_1265, %dma_wait3A_1266, %dma_wait3A_1267] : memref<2x128x128xf32, #tpu.memory_space<vmem>> -> memref<1x128x128xf32, #tpu.memory_space<vmem>>
    %dma_wait3A_1269 = tpu.memref_squeeze %dma_wait3A_1268 : memref<1x128x128xf32, #tpu.memory_space<vmem>> -> memref<128x128xf32, #tpu.memory_space<vmem>>
    %dma_wait3A_1270 = arith.constant 128 : i32
    %dma_wait3A_1271 = arith.constant 128 : i32
    %dma_wait3A_1272 = tpu.memref_slice %arg2[%add3A_1191, %dma_wait3A_1270, %dma_wait3A_1271] : memref<128x512x512xf32, #tpu.memory_space<hbm>> -> memref<1x128x128xf32, #tpu.memory_space<hbm>>
    %dma_wait3A_1273 = tpu.memref_squeeze %dma_wait3A_1272 : memref<1x128x128xf32, #tpu.memory_space<hbm>> -> memref<128x128xf32, #tpu.memory_space<hbm>>
    %dma_wait3A_1274 = arith.constant 0 : i32
    %dma_wait3A_1275 = arith.constant 0 : i32
    %dma_wait3A_1276 = tpu.memref_slice %arg4[%dma_wait3A_1265, %dma_wait3A_1274, %dma_wait3A_1275] : memref<2x128x128xf32, #tpu.memory_space<vmem>> -> memref<1x128x128xf32, #tpu.memory_space<vmem>>
    %dma_wait3A_1277 = tpu.memref_squeeze %dma_wait3A_1276 : memref<1x128x128xf32, #tpu.memory_space<vmem>> -> memref<128x128xf32, #tpu.memory_space<vmem>>
    %dma_wait3A_1278 = arith.constant 128 : i32
    %dma_wait3A_1279 = arith.constant 128 : i32
    %dma_wait3A_1280 = tpu.memref_slice %arg2[%add3A_1191, %dma_wait3A_1278, %dma_wait3A_1279] : memref<128x512x512xf32, #tpu.memory_space<hbm>> -> memref<1x128x128xf32, #tpu.memory_space<hbm>>
    %dma_wait3A_1281 = tpu.memref_squeeze %dma_wait3A_1280 : memref<1x128x128xf32, #tpu.memory_space<hbm>> -> memref<128x128xf32, #tpu.memory_space<hbm>>
    tpu.wait_dma2 semaphore(%arg7 : memref<!tpu.dma_semaphore, #tpu.memory_space<semaphore_mem>>) src(%dma_wait3A_1281 : memref<128x128xf32, #tpu.memory_space<hbm>>) dst(%dma_wait3A_1277 : memref<128x128xf32, #tpu.memory_space<vmem>>)
    %mul3A_1282 = arith.constant 4 : i32
    %mul3A_1283 = arith.muli %add3A, %mul3A_1282 : i32
    %add3A_1284 = arith.constant 3 : i32
    %add3A_1285 = arith.addi %mul3A_1283, %add3A_1284 : i32
    %dma_start3A_1286 = arith.constant 0 : i32
    %dma_start3A_1287 = arith.constant 0 : i32
    %dma_start3A_1288 = arith.constant 0 : i32
    %dma_start3A_1289 = tpu.memref_slice %arg4[%dma_start3A_1286, %dma_start3A_1287, %dma_start3A_1288] : memref<2x128x128xf32, #tpu.memory_space<vmem>> -> memref<1x128x128xf32, #tpu.memory_space<vmem>>
    %dma_start3A_1290 = tpu.memref_squeeze %dma_start3A_1289 : memref<1x128x128xf32, #tpu.memory_space<vmem>> -> memref<128x128xf32, #tpu.memory_space<vmem>>
    %dma_start3A_1291 = arith.constant 256 : i32
    %dma_start3A_1292 = arith.constant 256 : i32
    %dma_start3A_1293 = tpu.memref_slice %arg2[%add3A_1285, %dma_start3A_1291, %dma_start3A_1292] : memref<128x512x512xf32, #tpu.memory_space<hbm>> -> memref<1x128x128xf32, #tpu.memory_space<hbm>>
    %dma_start3A_1294 = tpu.memref_squeeze %dma_start3A_1293 : memref<1x128x128xf32, #tpu.memory_space<hbm>> -> memref<128x128xf32, #tpu.memory_space<hbm>>
    %dma_start3A_1295 = arith.constant 0 : i32
    %dma_start3A_1296 = arith.constant 0 : i32
    %dma_start3A_1297 = tpu.memref_slice %arg4[%dma_start3A_1286, %dma_start3A_1295, %dma_start3A_1296] : memref<2x128x128xf32, #tpu.memory_space<vmem>> -> memref<1x128x128xf32, #tpu.memory_space<vmem>>
    %dma_start3A_1298 = tpu.memref_squeeze %dma_start3A_1297 : memref<1x128x128xf32, #tpu.memory_space<vmem>> -> memref<128x128xf32, #tpu.memory_space<vmem>>
    %dma_start3A_1299 = arith.constant 256 : i32
    %dma_start3A_1300 = arith.constant 256 : i32
    %dma_start3A_1301 = tpu.memref_slice %arg2[%add3A_1285, %dma_start3A_1299, %dma_start3A_1300] : memref<128x512x512xf32, #tpu.memory_space<hbm>> -> memref<1x128x128xf32, #tpu.memory_space<hbm>>
    %dma_start3A_1302 = tpu.memref_squeeze %dma_start3A_1301 : memref<1x128x128xf32, #tpu.memory_space<hbm>> -> memref<128x128xf32, #tpu.memory_space<hbm>>
    tpu.enqueue_dma source(%dma_start3A_1302 : memref<128x128xf32, #tpu.memory_space<hbm>>) target(%dma_start3A_1298 : memref<128x128xf32, #tpu.memory_space<vmem>>) target_semaphore(%arg6 : memref<!tpu.dma_semaphore, #tpu.memory_space<semaphore_mem>>)
    %scan3A_1303 = arith.constant 0xFF800000 : f32
    %scan3A_1304 = arith.constant 0 : i32
    %scan3A_1305 = arith.constant 16 : i32
    %scan3A_1306 = arith.addi %scan3A_1304, %scan3A_1305 : i32
    %scan3A_1307 = arith.constant 1 : i32
    %scan3A_1308 = scf.for %scan3A_1534 = %scan3A_1304 to %scan3A_1306 step %scan3A_1307 iter_args(%scan3A_1535 = %scan3A_1263) -> (vector<16xf32>)  : i32 {
      %add3A_1536 = arith.constant 0 : i32
      %add3A_1537 = arith.addi %add3A_1536, %scan3A_1534 : i32
      %get3A = arith.constant 1 : i32
      %get3A_1538 = arith.index_cast %get3A : i32 to index
      %get3A_1539 = arith.index_cast %add3A_1537 : i32 to index
      %get3A_1540 = arith.constant 0 : index
      %get3A_1541 = tpu.vector_load %arg4[%get3A_1538, %get3A_1539, %get3A_1540] {strides = array<i32>} : memref<2x128x128xf32, #tpu.memory_space<vmem>>, vector<1x1x16xf32>,
      %get3A_1542 = vector.shape_cast %get3A_1541 : vector<1x1x16xf32> to vector<16xf32>
      %eq3A = vector.broadcast %scan3A_1534 : i32 to vector<16xi32>
      %eq3A_1543 = arith.cmpi eq, %iota3A, %eq3A : vector<16xi32>
      %broadcast_in_dim3A_1544 = vector.broadcast %scan3A_1303 : f32 to vector<16xf32>
      %select_n3A = arith.select %eq3A_1543, %get3A_1542, %broadcast_in_dim3A_1544 : vector<16xi1>, vector<16xf32>
      %max3A = arith.maximumf %scan3A_1535, %select_n3A : vector<16xf32>
      scf.yield %max3A : vector<16xf32>
    }
    %scan3A_1309 = arith.constant 16 : i32
    %scan3A_1310 = arith.constant 0xFF800000 : f32
    %scan3A_1311 = arith.constant 0 : i32
    %scan3A_1312 = arith.constant 16 : i32
    %scan3A_1313 = arith.addi %scan3A_1311, %scan3A_1312 : i32
    %scan3A_1314 = arith.constant 1 : i32
    %scan3A_1315 = scf.for %scan3A_1534 = %scan3A_1311 to %scan3A_1313 step %scan3A_1314 iter_args(%scan3A_1535 = %scan3A_1308) -> (vector<16xf32>)  : i32 {
      %add3A_1536 = arith.constant 16 : i32
      %add3A_1537 = arith.addi %add3A_1536, %scan3A_1534 : i32
      %get3A = arith.constant 1 : i32
      %get3A_1538 = arith.index_cast %get3A : i32 to index
      %get3A_1539 = arith.index_cast %add3A_1537 : i32 to index
      %get3A_1540 = arith.constant 16 : index
      %get3A_1541 = tpu.vector_load %arg4[%get3A_1538, %get3A_1539, %get3A_1540] {strides = array<i32>} : memref<2x128x128xf32, #tpu.memory_space<vmem>>, vector<1x1x16xf32>,
      %get3A_1542 = vector.shape_cast %get3A_1541 : vector<1x1x16xf32> to vector<16xf32>
      %eq3A = vector.broadcast %scan3A_1534 : i32 to vector<16xi32>
      %eq3A_1543 = arith.cmpi eq, %iota3A, %eq3A : vector<16xi32>
      %broadcast_in_dim3A_1544 = vector.broadcast %scan3A_1310 : f32 to vector<16xf32>
      %select_n3A = arith.select %eq3A_1543, %get3A_1542, %broadcast_in_dim3A_1544 : vector<16xi1>, vector<16xf32>
      %max3A = arith.maximumf %scan3A_1535, %select_n3A : vector<16xf32>
      scf.yield %max3A : vector<16xf32>
    }
    %scan3A_1316 = arith.constant 16 : i32
    %scan3A_1317 = arith.constant 0xFF800000 : f32
    %scan3A_1318 = arith.constant 0 : i32
    %scan3A_1319 = arith.constant 16 : i32
    %scan3A_1320 = arith.addi %scan3A_1318, %scan3A_1319 : i32
    %scan3A_1321 = arith.constant 1 : i32
    %scan3A_1322 = scf.for %scan3A_1534 = %scan3A_1318 to %scan3A_1320 step %scan3A_1321 iter_args(%scan3A_1535 = %scan3A_1315) -> (vector<16xf32>)  : i32 {
      %add3A_1536 = arith.constant 32 : i32
      %add3A_1537 = arith.addi %add3A_1536, %scan3A_1534 : i32
      %get3A = arith.constant 1 : i32
      %get3A_1538 = arith.index_cast %get3A : i32 to index
      %get3A_1539 = arith.index_cast %add3A_1537 : i32 to index
      %get3A_1540 = arith.constant 32 : index
      %get3A_1541 = tpu.vector_load %arg4[%get3A_1538, %get3A_1539, %get3A_1540] {strides = array<i32>} : memref<2x128x128xf32, #tpu.memory_space<vmem>>, vector<1x1x16xf32>,
      %get3A_1542 = vector.shape_cast %get3A_1541 : vector<1x1x16xf32> to vector<16xf32>
      %eq3A = vector.broadcast %scan3A_1534 : i32 to vector<16xi32>
      %eq3A_1543 = arith.cmpi eq, %iota3A, %eq3A : vector<16xi32>
      %broadcast_in_dim3A_1544 = vector.broadcast %scan3A_1317 : f32 to vector<16xf32>
      %select_n3A = arith.select %eq3A_1543, %get3A_1542, %broadcast_in_dim3A_1544 : vector<16xi1>, vector<16xf32>
      %max3A = arith.maximumf %scan3A_1535, %select_n3A : vector<16xf32>
      scf.yield %max3A : vector<16xf32>
    }
    %scan3A_1323 = arith.constant 16 : i32
    %scan3A_1324 = arith.constant 0xFF800000 : f32
    %scan3A_1325 = arith.constant 0 : i32
    %scan3A_1326 = arith.constant 16 : i32
    %scan3A_1327 = arith.addi %scan3A_1325, %scan3A_1326 : i32
    %scan3A_1328 = arith.constant 1 : i32
    %scan3A_1329 = scf.for %scan3A_1534 = %scan3A_1325 to %scan3A_1327 step %scan3A_1328 iter_args(%scan3A_1535 = %scan3A_1322) -> (vector<16xf32>)  : i32 {
      %add3A_1536 = arith.constant 48 : i32
      %add3A_1537 = arith.addi %add3A_1536, %scan3A_1534 : i32
      %get3A = arith.constant 1 : i32
      %get3A_1538 = arith.index_cast %get3A : i32 to index
      %get3A_1539 = arith.index_cast %add3A_1537 : i32 to index
      %get3A_1540 = arith.constant 48 : index
      %get3A_1541 = tpu.vector_load %arg4[%get3A_1538, %get3A_1539, %get3A_1540] {strides = array<i32>} : memref<2x128x128xf32, #tpu.memory_space<vmem>>, vector<1x1x16xf32>,
      %get3A_1542 = vector.shape_cast %get3A_1541 : vector<1x1x16xf32> to vector<16xf32>
      %eq3A = vector.broadcast %scan3A_1534 : i32 to vector<16xi32>
      %eq3A_1543 = arith.cmpi eq, %iota3A, %eq3A : vector<16xi32>
      %broadcast_in_dim3A_1544 = vector.broadcast %scan3A_1324 : f32 to vector<16xf32>
      %select_n3A = arith.select %eq3A_1543, %get3A_1542, %broadcast_in_dim3A_1544 : vector<16xi1>, vector<16xf32>
      %max3A = arith.maximumf %scan3A_1535, %select_n3A : vector<16xf32>
      scf.yield %max3A : vector<16xf32>
    }
    %scan3A_1330 = arith.constant 16 : i32
    %scan3A_1331 = arith.constant 0xFF800000 : f32
    %scan3A_1332 = arith.constant 0 : i32
    %scan3A_1333 = arith.constant 16 : i32
    %scan3A_1334 = arith.addi %scan3A_1332, %scan3A_1333 : i32
    %scan3A_1335 = arith.constant 1 : i32
    %scan3A_1336 = scf.for %scan3A_1534 = %scan3A_1332 to %scan3A_1334 step %scan3A_1335 iter_args(%scan3A_1535 = %scan3A_1329) -> (vector<16xf32>)  : i32 {
      %add3A_1536 = arith.constant 64 : i32
      %add3A_1537 = arith.addi %add3A_1536, %scan3A_1534 : i32
      %get3A = arith.constant 1 : i32
      %get3A_1538 = arith.index_cast %get3A : i32 to index
      %get3A_1539 = arith.index_cast %add3A_1537 : i32 to index
      %get3A_1540 = arith.constant 64 : index
      %get3A_1541 = tpu.vector_load %arg4[%get3A_1538, %get3A_1539, %get3A_1540] {strides = array<i32>} : memref<2x128x128xf32, #tpu.memory_space<vmem>>, vector<1x1x16xf32>,
      %get3A_1542 = vector.shape_cast %get3A_1541 : vector<1x1x16xf32> to vector<16xf32>
      %eq3A = vector.broadcast %scan3A_1534 : i32 to vector<16xi32>
      %eq3A_1543 = arith.cmpi eq, %iota3A, %eq3A : vector<16xi32>
      %broadcast_in_dim3A_1544 = vector.broadcast %scan3A_1331 : f32 to vector<16xf32>
      %select_n3A = arith.select %eq3A_1543, %get3A_1542, %broadcast_in_dim3A_1544 : vector<16xi1>, vector<16xf32>
      %max3A = arith.maximumf %scan3A_1535, %select_n3A : vector<16xf32>
      scf.yield %max3A : vector<16xf32>
    }
    %scan3A_1337 = arith.constant 16 : i32
    %scan3A_1338 = arith.constant 0xFF800000 : f32
    %scan3A_1339 = arith.constant 0 : i32
    %scan3A_1340 = arith.constant 16 : i32
    %scan3A_1341 = arith.addi %scan3A_1339, %scan3A_1340 : i32
    %scan3A_1342 = arith.constant 1 : i32
    %scan3A_1343 = scf.for %scan3A_1534 = %scan3A_1339 to %scan3A_1341 step %scan3A_1342 iter_args(%scan3A_1535 = %scan3A_1336) -> (vector<16xf32>)  : i32 {
      %add3A_1536 = arith.constant 80 : i32
      %add3A_1537 = arith.addi %add3A_1536, %scan3A_1534 : i32
      %get3A = arith.constant 1 : i32
      %get3A_1538 = arith.index_cast %get3A : i32 to index
      %get3A_1539 = arith.index_cast %add3A_1537 : i32 to index
      %get3A_1540 = arith.constant 80 : index
      %get3A_1541 = tpu.vector_load %arg4[%get3A_1538, %get3A_1539, %get3A_1540] {strides = array<i32>} : memref<2x128x128xf32, #tpu.memory_space<vmem>>, vector<1x1x16xf32>,
      %get3A_1542 = vector.shape_cast %get3A_1541 : vector<1x1x16xf32> to vector<16xf32>
      %eq3A = vector.broadcast %scan3A_1534 : i32 to vector<16xi32>
      %eq3A_1543 = arith.cmpi eq, %iota3A, %eq3A : vector<16xi32>
      %broadcast_in_dim3A_1544 = vector.broadcast %scan3A_1338 : f32 to vector<16xf32>
      %select_n3A = arith.select %eq3A_1543, %get3A_1542, %broadcast_in_dim3A_1544 : vector<16xi1>, vector<16xf32>
      %max3A = arith.maximumf %scan3A_1535, %select_n3A : vector<16xf32>
      scf.yield %max3A : vector<16xf32>
    }
    %scan3A_1344 = arith.constant 16 : i32
    %scan3A_1345 = arith.constant 0xFF800000 : f32
    %scan3A_1346 = arith.constant 0 : i32
    %scan3A_1347 = arith.constant 16 : i32
    %scan3A_1348 = arith.addi %scan3A_1346, %scan3A_1347 : i32
    %scan3A_1349 = arith.constant 1 : i32
    %scan3A_1350 = scf.for %scan3A_1534 = %scan3A_1346 to %scan3A_1348 step %scan3A_1349 iter_args(%scan3A_1535 = %scan3A_1343) -> (vector<16xf32>)  : i32 {
      %add3A_1536 = arith.constant 96 : i32
      %add3A_1537 = arith.addi %add3A_1536, %scan3A_1534 : i32
      %get3A = arith.constant 1 : i32
      %get3A_1538 = arith.index_cast %get3A : i32 to index
      %get3A_1539 = arith.index_cast %add3A_1537 : i32 to index
      %get3A_1540 = arith.constant 96 : index
      %get3A_1541 = tpu.vector_load %arg4[%get3A_1538, %get3A_1539, %get3A_1540] {strides = array<i32>} : memref<2x128x128xf32, #tpu.memory_space<vmem>>, vector<1x1x16xf32>,
      %get3A_1542 = vector.shape_cast %get3A_1541 : vector<1x1x16xf32> to vector<16xf32>
      %eq3A = vector.broadcast %scan3A_1534 : i32 to vector<16xi32>
      %eq3A_1543 = arith.cmpi eq, %iota3A, %eq3A : vector<16xi32>
      %broadcast_in_dim3A_1544 = vector.broadcast %scan3A_1345 : f32 to vector<16xf32>
      %select_n3A = arith.select %eq3A_1543, %get3A_1542, %broadcast_in_dim3A_1544 : vector<16xi1>, vector<16xf32>
      %max3A = arith.maximumf %scan3A_1535, %select_n3A : vector<16xf32>
      scf.yield %max3A : vector<16xf32>
    }
    %scan3A_1351 = arith.constant 16 : i32
    %scan3A_1352 = arith.constant 0xFF800000 : f32
    %scan3A_1353 = arith.constant 0 : i32
    %scan3A_1354 = arith.constant 16 : i32
    %scan3A_1355 = arith.addi %scan3A_1353, %scan3A_1354 : i32
    %scan3A_1356 = arith.constant 1 : i32
    %scan3A_1357 = scf.for %scan3A_1534 = %scan3A_1353 to %scan3A_1355 step %scan3A_1356 iter_args(%scan3A_1535 = %scan3A_1350) -> (vector<16xf32>)  : i32 {
      %add3A_1536 = arith.constant 112 : i32
      %add3A_1537 = arith.addi %add3A_1536, %scan3A_1534 : i32
      %get3A = arith.constant 1 : i32
      %get3A_1538 = arith.index_cast %get3A : i32 to index
      %get3A_1539 = arith.index_cast %add3A_1537 : i32 to index
      %get3A_1540 = arith.constant 112 : index
      %get3A_1541 = tpu.vector_load %arg4[%get3A_1538, %get3A_1539, %get3A_1540] {strides = array<i32>} : memref<2x128x128xf32, #tpu.memory_space<vmem>>, vector<1x1x16xf32>,
      %get3A_1542 = vector.shape_cast %get3A_1541 : vector<1x1x16xf32> to vector<16xf32>
      %eq3A = vector.broadcast %scan3A_1534 : i32 to vector<16xi32>
      %eq3A_1543 = arith.cmpi eq, %iota3A, %eq3A : vector<16xi32>
      %broadcast_in_dim3A_1544 = vector.broadcast %scan3A_1352 : f32 to vector<16xf32>
      %select_n3A = arith.select %eq3A_1543, %get3A_1542, %broadcast_in_dim3A_1544 : vector<16xi1>, vector<16xf32>
      %max3A = arith.maximumf %scan3A_1535, %select_n3A : vector<16xf32>
      scf.yield %max3A : vector<16xf32>
    }
    %scan3A_1358 = arith.constant 16 : i32
    %dma_wait3A_1359 = arith.constant 0 : i32
    %dma_wait3A_1360 = arith.constant 0 : i32
    %dma_wait3A_1361 = arith.constant 0 : i32
    %dma_wait3A_1362 = tpu.memref_slice %arg4[%dma_wait3A_1359, %dma_wait3A_1360, %dma_wait3A_1361] : memref<2x128x128xf32, #tpu.memory_space<vmem>> -> memref<1x128x128xf32, #tpu.memory_space<vmem>>
    %dma_wait3A_1363 = tpu.memref_squeeze %dma_wait3A_1362 : memref<1x128x128xf32, #tpu.memory_space<vmem>> -> memref<128x128xf32, #tpu.memory_space<vmem>>
    %dma_wait3A_1364 = arith.constant 256 : i32
    %dma_wait3A_1365 = arith.constant 256 : i32
    %dma_wait3A_1366 = tpu.memref_slice %arg2[%add3A_1285, %dma_wait3A_1364, %dma_wait3A_1365] : memref<128x512x512xf32, #tpu.memory_space<hbm>> -> memref<1x128x128xf32, #tpu.memory_space<hbm>>
    %dma_wait3A_1367 = tpu.memref_squeeze %dma_wait3A_1366 : memref<1x128x128xf32, #tpu.memory_space<hbm>> -> memref<128x128xf32, #tpu.memory_space<hbm>>
    %dma_wait3A_1368 = arith.constant 0 : i32
    %dma_wait3A_1369 = arith.constant 0 : i32
    %dma_wait3A_1370 = tpu.memref_slice %arg4[%dma_wait3A_1359, %dma_wait3A_1368, %dma_wait3A_1369] : memref<2x128x128xf32, #tpu.memory_space<vmem>> -> memref<1x128x128xf32, #tpu.memory_space<vmem>>
    %dma_wait3A_1371 = tpu.memref_squeeze %dma_wait3A_1370 : memref<1x128x128xf32, #tpu.memory_space<vmem>> -> memref<128x128xf32, #tpu.memory_space<vmem>>
    %dma_wait3A_1372 = arith.constant 256 : i32
    %dma_wait3A_1373 = arith.constant 256 : i32
    %dma_wait3A_1374 = tpu.memref_slice %arg2[%add3A_1285, %dma_wait3A_1372, %dma_wait3A_1373] : memref<128x512x512xf32, #tpu.memory_space<hbm>> -> memref<1x128x128xf32, #tpu.memory_space<hbm>>
    %dma_wait3A_1375 = tpu.memref_squeeze %dma_wait3A_1374 : memref<1x128x128xf32, #tpu.memory_space<hbm>> -> memref<128x128xf32, #tpu.memory_space<hbm>>
    tpu.wait_dma2 semaphore(%arg6 : memref<!tpu.dma_semaphore, #tpu.memory_space<semaphore_mem>>) src(%dma_wait3A_1375 : memref<128x128xf32, #tpu.memory_space<hbm>>) dst(%dma_wait3A_1371 : memref<128x128xf32, #tpu.memory_space<vmem>>)
    %mul3A_1376 = arith.constant 4 : i32
    %mul3A_1377 = arith.muli %add3A, %mul3A_1376 : i32
    %add3A_1378 = arith.constant 3 : i32
    %add3A_1379 = arith.addi %mul3A_1377, %add3A_1378 : i32
    %dma_start3A_1380 = arith.constant 1 : i32
    %dma_start3A_1381 = arith.constant 0 : i32
    %dma_start3A_1382 = arith.constant 0 : i32
    %dma_start3A_1383 = tpu.memref_slice %arg4[%dma_start3A_1380, %dma_start3A_1381, %dma_start3A_1382] : memref<2x128x128xf32, #tpu.memory_space<vmem>> -> memref<1x128x128xf32, #tpu.memory_space<vmem>>
    %dma_start3A_1384 = tpu.memref_squeeze %dma_start3A_1383 : memref<1x128x128xf32, #tpu.memory_space<vmem>> -> memref<128x128xf32, #tpu.memory_space<vmem>>
    %dma_start3A_1385 = arith.constant 384 : i32
    %dma_start3A_1386 = arith.constant 384 : i32
    %dma_start3A_1387 = tpu.memref_slice %arg2[%add3A_1379, %dma_start3A_1385, %dma_start3A_1386] : memref<128x512x512xf32, #tpu.memory_space<hbm>> -> memref<1x128x128xf32, #tpu.memory_space<hbm>>
    %dma_start3A_1388 = tpu.memref_squeeze %dma_start3A_1387 : memref<1x128x128xf32, #tpu.memory_space<hbm>> -> memref<128x128xf32, #tpu.memory_space<hbm>>
    %dma_start3A_1389 = arith.constant 0 : i32
    %dma_start3A_1390 = arith.constant 0 : i32
    %dma_start3A_1391 = tpu.memref_slice %arg4[%dma_start3A_1380, %dma_start3A_1389, %dma_start3A_1390] : memref<2x128x128xf32, #tpu.memory_space<vmem>> -> memref<1x128x128xf32, #tpu.memory_space<vmem>>
    %dma_start3A_1392 = tpu.memref_squeeze %dma_start3A_1391 : memref<1x128x128xf32, #tpu.memory_space<vmem>> -> memref<128x128xf32, #tpu.memory_space<vmem>>
    %dma_start3A_1393 = arith.constant 384 : i32
    %dma_start3A_1394 = arith.constant 384 : i32
    %dma_start3A_1395 = tpu.memref_slice %arg2[%add3A_1379, %dma_start3A_1393, %dma_start3A_1394] : memref<128x512x512xf32, #tpu.memory_space<hbm>> -> memref<1x128x128xf32, #tpu.memory_space<hbm>>
    %dma_start3A_1396 = tpu.memref_squeeze %dma_start3A_1395 : memref<1x128x128xf32, #tpu.memory_space<hbm>> -> memref<128x128xf32, #tpu.memory_space<hbm>>
    tpu.enqueue_dma source(%dma_start3A_1396 : memref<128x128xf32, #tpu.memory_space<hbm>>) target(%dma_start3A_1392 : memref<128x128xf32, #tpu.memory_space<vmem>>) target_semaphore(%arg7 : memref<!tpu.dma_semaphore, #tpu.memory_space<semaphore_mem>>)
    %scan3A_1397 = arith.constant 0xFF800000 : f32
    %scan3A_1398 = arith.constant 0 : i32
    %scan3A_1399 = arith.constant 16 : i32
    %scan3A_1400 = arith.addi %scan3A_1398, %scan3A_1399 : i32
    %scan3A_1401 = arith.constant 1 : i32
    %scan3A_1402 = scf.for %scan3A_1534 = %scan3A_1398 to %scan3A_1400 step %scan3A_1401 iter_args(%scan3A_1535 = %scan3A_1357) -> (vector<16xf32>)  : i32 {
      %add3A_1536 = arith.constant 0 : i32
      %add3A_1537 = arith.addi %add3A_1536, %scan3A_1534 : i32
      %get3A = arith.constant 0 : i32
      %get3A_1538 = arith.index_cast %get3A : i32 to index
      %get3A_1539 = arith.index_cast %add3A_1537 : i32 to index
      %get3A_1540 = arith.constant 0 : index
      %get3A_1541 = tpu.vector_load %arg4[%get3A_1538, %get3A_1539, %get3A_1540] {strides = array<i32>} : memref<2x128x128xf32, #tpu.memory_space<vmem>>, vector<1x1x16xf32>,
      %get3A_1542 = vector.shape_cast %get3A_1541 : vector<1x1x16xf32> to vector<16xf32>
      %eq3A = vector.broadcast %scan3A_1534 : i32 to vector<16xi32>
      %eq3A_1543 = arith.cmpi eq, %iota3A, %eq3A : vector<16xi32>
      %broadcast_in_dim3A_1544 = vector.broadcast %scan3A_1397 : f32 to vector<16xf32>
      %select_n3A = arith.select %eq3A_1543, %get3A_1542, %broadcast_in_dim3A_1544 : vector<16xi1>, vector<16xf32>
      %max3A = arith.maximumf %scan3A_1535, %select_n3A : vector<16xf32>
      scf.yield %max3A : vector<16xf32>
    }
    %scan3A_1403 = arith.constant 16 : i32
    %scan3A_1404 = arith.constant 0xFF800000 : f32
    %scan3A_1405 = arith.constant 0 : i32
    %scan3A_1406 = arith.constant 16 : i32
    %scan3A_1407 = arith.addi %scan3A_1405, %scan3A_1406 : i32
    %scan3A_1408 = arith.constant 1 : i32
    %scan3A_1409 = scf.for %scan3A_1534 = %scan3A_1405 to %scan3A_1407 step %scan3A_1408 iter_args(%scan3A_1535 = %scan3A_1402) -> (vector<16xf32>)  : i32 {
      %add3A_1536 = arith.constant 16 : i32
      %add3A_1537 = arith.addi %add3A_1536, %scan3A_1534 : i32
      %get3A = arith.constant 0 : i32
      %get3A_1538 = arith.index_cast %get3A : i32 to index
      %get3A_1539 = arith.index_cast %add3A_1537 : i32 to index
      %get3A_1540 = arith.constant 16 : index
      %get3A_1541 = tpu.vector_load %arg4[%get3A_1538, %get3A_1539, %get3A_1540] {strides = array<i32>} : memref<2x128x128xf32, #tpu.memory_space<vmem>>, vector<1x1x16xf32>,
      %get3A_1542 = vector.shape_cast %get3A_1541 : vector<1x1x16xf32> to vector<16xf32>
      %eq3A = vector.broadcast %scan3A_1534 : i32 to vector<16xi32>
      %eq3A_1543 = arith.cmpi eq, %iota3A, %eq3A : vector<16xi32>
      %broadcast_in_dim3A_1544 = vector.broadcast %scan3A_1404 : f32 to vector<16xf32>
      %select_n3A = arith.select %eq3A_1543, %get3A_1542, %broadcast_in_dim3A_1544 : vector<16xi1>, vector<16xf32>
      %max3A = arith.maximumf %scan3A_1535, %select_n3A : vector<16xf32>
      scf.yield %max3A : vector<16xf32>
    }
    %scan3A_1410 = arith.constant 16 : i32
    %scan3A_1411 = arith.constant 0xFF800000 : f32
    %scan3A_1412 = arith.constant 0 : i32
    %scan3A_1413 = arith.constant 16 : i32
    %scan3A_1414 = arith.addi %scan3A_1412, %scan3A_1413 : i32
    %scan3A_1415 = arith.constant 1 : i32
    %scan3A_1416 = scf.for %scan3A_1534 = %scan3A_1412 to %scan3A_1414 step %scan3A_1415 iter_args(%scan3A_1535 = %scan3A_1409) -> (vector<16xf32>)  : i32 {
      %add3A_1536 = arith.constant 32 : i32
      %add3A_1537 = arith.addi %add3A_1536, %scan3A_1534 : i32
      %get3A = arith.constant 0 : i32
      %get3A_1538 = arith.index_cast %get3A : i32 to index
      %get3A_1539 = arith.index_cast %add3A_1537 : i32 to index
      %get3A_1540 = arith.constant 32 : index
      %get3A_1541 = tpu.vector_load %arg4[%get3A_1538, %get3A_1539, %get3A_1540] {strides = array<i32>} : memref<2x128x128xf32, #tpu.memory_space<vmem>>, vector<1x1x16xf32>,
      %get3A_1542 = vector.shape_cast %get3A_1541 : vector<1x1x16xf32> to vector<16xf32>
      %eq3A = vector.broadcast %scan3A_1534 : i32 to vector<16xi32>
      %eq3A_1543 = arith.cmpi eq, %iota3A, %eq3A : vector<16xi32>
      %broadcast_in_dim3A_1544 = vector.broadcast %scan3A_1411 : f32 to vector<16xf32>
      %select_n3A = arith.select %eq3A_1543, %get3A_1542, %broadcast_in_dim3A_1544 : vector<16xi1>, vector<16xf32>
      %max3A = arith.maximumf %scan3A_1535, %select_n3A : vector<16xf32>
      scf.yield %max3A : vector<16xf32>
    }
    %scan3A_1417 = arith.constant 16 : i32
    %scan3A_1418 = arith.constant 0xFF800000 : f32
    %scan3A_1419 = arith.constant 0 : i32
    %scan3A_1420 = arith.constant 16 : i32
    %scan3A_1421 = arith.addi %scan3A_1419, %scan3A_1420 : i32
    %scan3A_1422 = arith.constant 1 : i32
    %scan3A_1423 = scf.for %scan3A_1534 = %scan3A_1419 to %scan3A_1421 step %scan3A_1422 iter_args(%scan3A_1535 = %scan3A_1416) -> (vector<16xf32>)  : i32 {
      %add3A_1536 = arith.constant 48 : i32
      %add3A_1537 = arith.addi %add3A_1536, %scan3A_1534 : i32
      %get3A = arith.constant 0 : i32
      %get3A_1538 = arith.index_cast %get3A : i32 to index
      %get3A_1539 = arith.index_cast %add3A_1537 : i32 to index
      %get3A_1540 = arith.constant 48 : index
      %get3A_1541 = tpu.vector_load %arg4[%get3A_1538, %get3A_1539, %get3A_1540] {strides = array<i32>} : memref<2x128x128xf32, #tpu.memory_space<vmem>>, vector<1x1x16xf32>,
      %get3A_1542 = vector.shape_cast %get3A_1541 : vector<1x1x16xf32> to vector<16xf32>
      %eq3A = vector.broadcast %scan3A_1534 : i32 to vector<16xi32>
      %eq3A_1543 = arith.cmpi eq, %iota3A, %eq3A : vector<16xi32>
      %broadcast_in_dim3A_1544 = vector.broadcast %scan3A_1418 : f32 to vector<16xf32>
      %select_n3A = arith.select %eq3A_1543, %get3A_1542, %broadcast_in_dim3A_1544 : vector<16xi1>, vector<16xf32>
      %max3A = arith.maximumf %scan3A_1535, %select_n3A : vector<16xf32>
      scf.yield %max3A : vector<16xf32>
    }
    %scan3A_1424 = arith.constant 16 : i32
    %scan3A_1425 = arith.constant 0xFF800000 : f32
    %scan3A_1426 = arith.constant 0 : i32
    %scan3A_1427 = arith.constant 16 : i32
    %scan3A_1428 = arith.addi %scan3A_1426, %scan3A_1427 : i32
    %scan3A_1429 = arith.constant 1 : i32
    %scan3A_1430 = scf.for %scan3A_1534 = %scan3A_1426 to %scan3A_1428 step %scan3A_1429 iter_args(%scan3A_1535 = %scan3A_1423) -> (vector<16xf32>)  : i32 {
      %add3A_1536 = arith.constant 64 : i32
      %add3A_1537 = arith.addi %add3A_1536, %scan3A_1534 : i32
      %get3A = arith.constant 0 : i32
      %get3A_1538 = arith.index_cast %get3A : i32 to index
      %get3A_1539 = arith.index_cast %add3A_1537 : i32 to index
      %get3A_1540 = arith.constant 64 : index
      %get3A_1541 = tpu.vector_load %arg4[%get3A_1538, %get3A_1539, %get3A_1540] {strides = array<i32>} : memref<2x128x128xf32, #tpu.memory_space<vmem>>, vector<1x1x16xf32>,
      %get3A_1542 = vector.shape_cast %get3A_1541 : vector<1x1x16xf32> to vector<16xf32>
      %eq3A = vector.broadcast %scan3A_1534 : i32 to vector<16xi32>
      %eq3A_1543 = arith.cmpi eq, %iota3A, %eq3A : vector<16xi32>
      %broadcast_in_dim3A_1544 = vector.broadcast %scan3A_1425 : f32 to vector<16xf32>
      %select_n3A = arith.select %eq3A_1543, %get3A_1542, %broadcast_in_dim3A_1544 : vector<16xi1>, vector<16xf32>
      %max3A = arith.maximumf %scan3A_1535, %select_n3A : vector<16xf32>
      scf.yield %max3A : vector<16xf32>
    }
    %scan3A_1431 = arith.constant 16 : i32
    %scan3A_1432 = arith.constant 0xFF800000 : f32
    %scan3A_1433 = arith.constant 0 : i32
    %scan3A_1434 = arith.constant 16 : i32
    %scan3A_1435 = arith.addi %scan3A_1433, %scan3A_1434 : i32
    %scan3A_1436 = arith.constant 1 : i32
    %scan3A_1437 = scf.for %scan3A_1534 = %scan3A_1433 to %scan3A_1435 step %scan3A_1436 iter_args(%scan3A_1535 = %scan3A_1430) -> (vector<16xf32>)  : i32 {
      %add3A_1536 = arith.constant 80 : i32
      %add3A_1537 = arith.addi %add3A_1536, %scan3A_1534 : i32
      %get3A = arith.constant 0 : i32
      %get3A_1538 = arith.index_cast %get3A : i32 to index
      %get3A_1539 = arith.index_cast %add3A_1537 : i32 to index
      %get3A_1540 = arith.constant 80 : index
      %get3A_1541 = tpu.vector_load %arg4[%get3A_1538, %get3A_1539, %get3A_1540] {strides = array<i32>} : memref<2x128x128xf32, #tpu.memory_space<vmem>>, vector<1x1x16xf32>,
      %get3A_1542 = vector.shape_cast %get3A_1541 : vector<1x1x16xf32> to vector<16xf32>
      %eq3A = vector.broadcast %scan3A_1534 : i32 to vector<16xi32>
      %eq3A_1543 = arith.cmpi eq, %iota3A, %eq3A : vector<16xi32>
      %broadcast_in_dim3A_1544 = vector.broadcast %scan3A_1432 : f32 to vector<16xf32>
      %select_n3A = arith.select %eq3A_1543, %get3A_1542, %broadcast_in_dim3A_1544 : vector<16xi1>, vector<16xf32>
      %max3A = arith.maximumf %scan3A_1535, %select_n3A : vector<16xf32>
      scf.yield %max3A : vector<16xf32>
    }
    %scan3A_1438 = arith.constant 16 : i32
    %scan3A_1439 = arith.constant 0xFF800000 : f32
    %scan3A_1440 = arith.constant 0 : i32
    %scan3A_1441 = arith.constant 16 : i32
    %scan3A_1442 = arith.addi %scan3A_1440, %scan3A_1441 : i32
    %scan3A_1443 = arith.constant 1 : i32
    %scan3A_1444 = scf.for %scan3A_1534 = %scan3A_1440 to %scan3A_1442 step %scan3A_1443 iter_args(%scan3A_1535 = %scan3A_1437) -> (vector<16xf32>)  : i32 {
      %add3A_1536 = arith.constant 96 : i32
      %add3A_1537 = arith.addi %add3A_1536, %scan3A_1534 : i32
      %get3A = arith.constant 0 : i32
      %get3A_1538 = arith.index_cast %get3A : i32 to index
      %get3A_1539 = arith.index_cast %add3A_1537 : i32 to index
      %get3A_1540 = arith.constant 96 : index
      %get3A_1541 = tpu.vector_load %arg4[%get3A_1538, %get3A_1539, %get3A_1540] {strides = array<i32>} : memref<2x128x128xf32, #tpu.memory_space<vmem>>, vector<1x1x16xf32>,
      %get3A_1542 = vector.shape_cast %get3A_1541 : vector<1x1x16xf32> to vector<16xf32>
      %eq3A = vector.broadcast %scan3A_1534 : i32 to vector<16xi32>
      %eq3A_1543 = arith.cmpi eq, %iota3A, %eq3A : vector<16xi32>
      %broadcast_in_dim3A_1544 = vector.broadcast %scan3A_1439 : f32 to vector<16xf32>
      %select_n3A = arith.select %eq3A_1543, %get3A_1542, %broadcast_in_dim3A_1544 : vector<16xi1>, vector<16xf32>
      %max3A = arith.maximumf %scan3A_1535, %select_n3A : vector<16xf32>
      scf.yield %max3A : vector<16xf32>
    }
    %scan3A_1445 = arith.constant 16 : i32
    %scan3A_1446 = arith.constant 0xFF800000 : f32
    %scan3A_1447 = arith.constant 0 : i32
    %scan3A_1448 = arith.constant 16 : i32
    %scan3A_1449 = arith.addi %scan3A_1447, %scan3A_1448 : i32
    %scan3A_1450 = arith.constant 1 : i32
    %scan3A_1451 = scf.for %scan3A_1534 = %scan3A_1447 to %scan3A_1449 step %scan3A_1450 iter_args(%scan3A_1535 = %scan3A_1444) -> (vector<16xf32>)  : i32 {
      %add3A_1536 = arith.constant 112 : i32
      %add3A_1537 = arith.addi %add3A_1536, %scan3A_1534 : i32
      %get3A = arith.constant 0 : i32
      %get3A_1538 = arith.index_cast %get3A : i32 to index
      %get3A_1539 = arith.index_cast %add3A_1537 : i32 to index
      %get3A_1540 = arith.constant 112 : index
      %get3A_1541 = tpu.vector_load %arg4[%get3A_1538, %get3A_1539, %get3A_1540] {strides = array<i32>} : memref<2x128x128xf32, #tpu.memory_space<vmem>>, vector<1x1x16xf32>,
      %get3A_1542 = vector.shape_cast %get3A_1541 : vector<1x1x16xf32> to vector<16xf32>
      %eq3A = vector.broadcast %scan3A_1534 : i32 to vector<16xi32>
      %eq3A_1543 = arith.cmpi eq, %iota3A, %eq3A : vector<16xi32>
      %broadcast_in_dim3A_1544 = vector.broadcast %scan3A_1446 : f32 to vector<16xf32>
      %select_n3A = arith.select %eq3A_1543, %get3A_1542, %broadcast_in_dim3A_1544 : vector<16xi1>, vector<16xf32>
      %max3A = arith.maximumf %scan3A_1535, %select_n3A : vector<16xf32>
      scf.yield %max3A : vector<16xf32>
    }
    %scan3A_1452 = arith.constant 16 : i32
    %dma_wait3A_1453 = arith.constant 1 : i32
    %dma_wait3A_1454 = arith.constant 0 : i32
    %dma_wait3A_1455 = arith.constant 0 : i32
    %dma_wait3A_1456 = tpu.memref_slice %arg4[%dma_wait3A_1453, %dma_wait3A_1454, %dma_wait3A_1455] : memref<2x128x128xf32, #tpu.memory_space<vmem>> -> memref<1x128x128xf32, #tpu.memory_space<vmem>>
    %dma_wait3A_1457 = tpu.memref_squeeze %dma_wait3A_1456 : memref<1x128x128xf32, #tpu.memory_space<vmem>> -> memref<128x128xf32, #tpu.memory_space<vmem>>
    %dma_wait3A_1458 = arith.constant 384 : i32
    %dma_wait3A_1459 = arith.constant 384 : i32
    %dma_wait3A_1460 = tpu.memref_slice %arg2[%add3A_1379, %dma_wait3A_1458, %dma_wait3A_1459] : memref<128x512x512xf32, #tpu.memory_space<hbm>> -> memref<1x128x128xf32, #tpu.memory_space<hbm>>
    %dma_wait3A_1461 = tpu.memref_squeeze %dma_wait3A_1460 : memref<1x128x128xf32, #tpu.memory_space<hbm>> -> memref<128x128xf32, #tpu.memory_space<hbm>>
    %dma_wait3A_1462 = arith.constant 0 : i32
    %dma_wait3A_1463 = arith.constant 0 : i32
    %dma_wait3A_1464 = tpu.memref_slice %arg4[%dma_wait3A_1453, %dma_wait3A_1462, %dma_wait3A_1463] : memref<2x128x128xf32, #tpu.memory_space<vmem>> -> memref<1x128x128xf32, #tpu.memory_space<vmem>>
    %dma_wait3A_1465 = tpu.memref_squeeze %dma_wait3A_1464 : memref<1x128x128xf32, #tpu.memory_space<vmem>> -> memref<128x128xf32, #tpu.memory_space<vmem>>
    %dma_wait3A_1466 = arith.constant 384 : i32
    %dma_wait3A_1467 = arith.constant 384 : i32
    %dma_wait3A_1468 = tpu.memref_slice %arg2[%add3A_1379, %dma_wait3A_1466, %dma_wait3A_1467] : memref<128x512x512xf32, #tpu.memory_space<hbm>> -> memref<1x128x128xf32, #tpu.memory_space<hbm>>
    %dma_wait3A_1469 = tpu.memref_squeeze %dma_wait3A_1468 : memref<1x128x128xf32, #tpu.memory_space<hbm>> -> memref<128x128xf32, #tpu.memory_space<hbm>>
    tpu.wait_dma2 semaphore(%arg7 : memref<!tpu.dma_semaphore, #tpu.memory_space<semaphore_mem>>) src(%dma_wait3A_1469 : memref<128x128xf32, #tpu.memory_space<hbm>>) dst(%dma_wait3A_1465 : memref<128x128xf32, #tpu.memory_space<vmem>>)
    %scan3A_1470 = arith.constant 0xFF800000 : f32
    %scan3A_1471 = arith.constant 0 : i32
    %scan3A_1472 = arith.constant 16 : i32
    %scan3A_1473 = arith.addi %scan3A_1471, %scan3A_1472 : i32
    %scan3A_1474 = arith.constant 1 : i32
    %scan3A_1475 = scf.for %scan3A_1534 = %scan3A_1471 to %scan3A_1473 step %scan3A_1474 iter_args(%scan3A_1535 = %scan3A_1451) -> (vector<16xf32>)  : i32 {
      %add3A_1536 = arith.constant 0 : i32
      %add3A_1537 = arith.addi %add3A_1536, %scan3A_1534 : i32
      %get3A = arith.constant 1 : i32
      %get3A_1538 = arith.index_cast %get3A : i32 to index
      %get3A_1539 = arith.index_cast %add3A_1537 : i32 to index
      %get3A_1540 = arith.constant 0 : index
      %get3A_1541 = tpu.vector_load %arg4[%get3A_1538, %get3A_1539, %get3A_1540] {strides = array<i32>} : memref<2x128x128xf32, #tpu.memory_space<vmem>>, vector<1x1x16xf32>,
      %get3A_1542 = vector.shape_cast %get3A_1541 : vector<1x1x16xf32> to vector<16xf32>
      %eq3A = vector.broadcast %scan3A_1534 : i32 to vector<16xi32>
      %eq3A_1543 = arith.cmpi eq, %iota3A, %eq3A : vector<16xi32>
      %broadcast_in_dim3A_1544 = vector.broadcast %scan3A_1470 : f32 to vector<16xf32>
      %select_n3A = arith.select %eq3A_1543, %get3A_1542, %broadcast_in_dim3A_1544 : vector<16xi1>, vector<16xf32>
      %max3A = arith.maximumf %scan3A_1535, %select_n3A : vector<16xf32>
      scf.yield %max3A : vector<16xf32>
    }
    %scan3A_1476 = arith.constant 16 : i32
    %scan3A_1477 = arith.constant 0xFF800000 : f32
    %scan3A_1478 = arith.constant 0 : i32
    %scan3A_1479 = arith.constant 16 : i32
    %scan3A_1480 = arith.addi %scan3A_1478, %scan3A_1479 : i32
    %scan3A_1481 = arith.constant 1 : i32
    %scan3A_1482 = scf.for %scan3A_1534 = %scan3A_1478 to %scan3A_1480 step %scan3A_1481 iter_args(%scan3A_1535 = %scan3A_1475) -> (vector<16xf32>)  : i32 {
      %add3A_1536 = arith.constant 16 : i32
      %add3A_1537 = arith.addi %add3A_1536, %scan3A_1534 : i32
      %get3A = arith.constant 1 : i32
      %get3A_1538 = arith.index_cast %get3A : i32 to index
      %get3A_1539 = arith.index_cast %add3A_1537 : i32 to index
      %get3A_1540 = arith.constant 16 : index
      %get3A_1541 = tpu.vector_load %arg4[%get3A_1538, %get3A_1539, %get3A_1540] {strides = array<i32>} : memref<2x128x128xf32, #tpu.memory_space<vmem>>, vector<1x1x16xf32>,
      %get3A_1542 = vector.shape_cast %get3A_1541 : vector<1x1x16xf32> to vector<16xf32>
      %eq3A = vector.broadcast %scan3A_1534 : i32 to vector<16xi32>
      %eq3A_1543 = arith.cmpi eq, %iota3A, %eq3A : vector<16xi32>
      %broadcast_in_dim3A_1544 = vector.broadcast %scan3A_1477 : f32 to vector<16xf32>
      %select_n3A = arith.select %eq3A_1543, %get3A_1542, %broadcast_in_dim3A_1544 : vector<16xi1>, vector<16xf32>
      %max3A = arith.maximumf %scan3A_1535, %select_n3A : vector<16xf32>
      scf.yield %max3A : vector<16xf32>
    }
    %scan3A_1483 = arith.constant 16 : i32
    %scan3A_1484 = arith.constant 0xFF800000 : f32
    %scan3A_1485 = arith.constant 0 : i32
    %scan3A_1486 = arith.constant 16 : i32
    %scan3A_1487 = arith.addi %scan3A_1485, %scan3A_1486 : i32
    %scan3A_1488 = arith.constant 1 : i32
    %scan3A_1489 = scf.for %scan3A_1534 = %scan3A_1485 to %scan3A_1487 step %scan3A_1488 iter_args(%scan3A_1535 = %scan3A_1482) -> (vector<16xf32>)  : i32 {
      %add3A_1536 = arith.constant 32 : i32
      %add3A_1537 = arith.addi %add3A_1536, %scan3A_1534 : i32
      %get3A = arith.constant 1 : i32
      %get3A_1538 = arith.index_cast %get3A : i32 to index
      %get3A_1539 = arith.index_cast %add3A_1537 : i32 to index
      %get3A_1540 = arith.constant 32 : index
      %get3A_1541 = tpu.vector_load %arg4[%get3A_1538, %get3A_1539, %get3A_1540] {strides = array<i32>} : memref<2x128x128xf32, #tpu.memory_space<vmem>>, vector<1x1x16xf32>,
      %get3A_1542 = vector.shape_cast %get3A_1541 : vector<1x1x16xf32> to vector<16xf32>
      %eq3A = vector.broadcast %scan3A_1534 : i32 to vector<16xi32>
      %eq3A_1543 = arith.cmpi eq, %iota3A, %eq3A : vector<16xi32>
      %broadcast_in_dim3A_1544 = vector.broadcast %scan3A_1484 : f32 to vector<16xf32>
      %select_n3A = arith.select %eq3A_1543, %get3A_1542, %broadcast_in_dim3A_1544 : vector<16xi1>, vector<16xf32>
      %max3A = arith.maximumf %scan3A_1535, %select_n3A : vector<16xf32>
      scf.yield %max3A : vector<16xf32>
    }
    %scan3A_1490 = arith.constant 16 : i32
    %scan3A_1491 = arith.constant 0xFF800000 : f32
    %scan3A_1492 = arith.constant 0 : i32
    %scan3A_1493 = arith.constant 16 : i32
    %scan3A_1494 = arith.addi %scan3A_1492, %scan3A_1493 : i32
    %scan3A_1495 = arith.constant 1 : i32
    %scan3A_1496 = scf.for %scan3A_1534 = %scan3A_1492 to %scan3A_1494 step %scan3A_1495 iter_args(%scan3A_1535 = %scan3A_1489) -> (vector<16xf32>)  : i32 {
      %add3A_1536 = arith.constant 48 : i32
      %add3A_1537 = arith.addi %add3A_1536, %scan3A_1534 : i32
      %get3A = arith.constant 1 : i32
      %get3A_1538 = arith.index_cast %get3A : i32 to index
      %get3A_1539 = arith.index_cast %add3A_1537 : i32 to index
      %get3A_1540 = arith.constant 48 : index
      %get3A_1541 = tpu.vector_load %arg4[%get3A_1538, %get3A_1539, %get3A_1540] {strides = array<i32>} : memref<2x128x128xf32, #tpu.memory_space<vmem>>, vector<1x1x16xf32>,
      %get3A_1542 = vector.shape_cast %get3A_1541 : vector<1x1x16xf32> to vector<16xf32>
      %eq3A = vector.broadcast %scan3A_1534 : i32 to vector<16xi32>
      %eq3A_1543 = arith.cmpi eq, %iota3A, %eq3A : vector<16xi32>
      %broadcast_in_dim3A_1544 = vector.broadcast %scan3A_1491 : f32 to vector<16xf32>
      %select_n3A = arith.select %eq3A_1543, %get3A_1542, %broadcast_in_dim3A_1544 : vector<16xi1>, vector<16xf32>
      %max3A = arith.maximumf %scan3A_1535, %select_n3A : vector<16xf32>
      scf.yield %max3A : vector<16xf32>
    }
    %scan3A_1497 = arith.constant 16 : i32
    %scan3A_1498 = arith.constant 0xFF800000 : f32
    %scan3A_1499 = arith.constant 0 : i32
    %scan3A_1500 = arith.constant 16 : i32
    %scan3A_1501 = arith.addi %scan3A_1499, %scan3A_1500 : i32
    %scan3A_1502 = arith.constant 1 : i32
    %scan3A_1503 = scf.for %scan3A_1534 = %scan3A_1499 to %scan3A_1501 step %scan3A_1502 iter_args(%scan3A_1535 = %scan3A_1496) -> (vector<16xf32>)  : i32 {
      %add3A_1536 = arith.constant 64 : i32
      %add3A_1537 = arith.addi %add3A_1536, %scan3A_1534 : i32
      %get3A = arith.constant 1 : i32
      %get3A_1538 = arith.index_cast %get3A : i32 to index
      %get3A_1539 = arith.index_cast %add3A_1537 : i32 to index
      %get3A_1540 = arith.constant 64 : index
      %get3A_1541 = tpu.vector_load %arg4[%get3A_1538, %get3A_1539, %get3A_1540] {strides = array<i32>} : memref<2x128x128xf32, #tpu.memory_space<vmem>>, vector<1x1x16xf32>,
      %get3A_1542 = vector.shape_cast %get3A_1541 : vector<1x1x16xf32> to vector<16xf32>
      %eq3A = vector.broadcast %scan3A_1534 : i32 to vector<16xi32>
      %eq3A_1543 = arith.cmpi eq, %iota3A, %eq3A : vector<16xi32>
      %broadcast_in_dim3A_1544 = vector.broadcast %scan3A_1498 : f32 to vector<16xf32>
      %select_n3A = arith.select %eq3A_1543, %get3A_1542, %broadcast_in_dim3A_1544 : vector<16xi1>, vector<16xf32>
      %max3A = arith.maximumf %scan3A_1535, %select_n3A : vector<16xf32>
      scf.yield %max3A : vector<16xf32>
    }
    %scan3A_1504 = arith.constant 16 : i32
    %scan3A_1505 = arith.constant 0xFF800000 : f32
    %scan3A_1506 = arith.constant 0 : i32
    %scan3A_1507 = arith.constant 16 : i32
    %scan3A_1508 = arith.addi %scan3A_1506, %scan3A_1507 : i32
    %scan3A_1509 = arith.constant 1 : i32
    %scan3A_1510 = scf.for %scan3A_1534 = %scan3A_1506 to %scan3A_1508 step %scan3A_1509 iter_args(%scan3A_1535 = %scan3A_1503) -> (vector<16xf32>)  : i32 {
      %add3A_1536 = arith.constant 80 : i32
      %add3A_1537 = arith.addi %add3A_1536, %scan3A_1534 : i32
      %get3A = arith.constant 1 : i32
      %get3A_1538 = arith.index_cast %get3A : i32 to index
      %get3A_1539 = arith.index_cast %add3A_1537 : i32 to index
      %get3A_1540 = arith.constant 80 : index
      %get3A_1541 = tpu.vector_load %arg4[%get3A_1538, %get3A_1539, %get3A_1540] {strides = array<i32>} : memref<2x128x128xf32, #tpu.memory_space<vmem>>, vector<1x1x16xf32>,
      %get3A_1542 = vector.shape_cast %get3A_1541 : vector<1x1x16xf32> to vector<16xf32>
      %eq3A = vector.broadcast %scan3A_1534 : i32 to vector<16xi32>
      %eq3A_1543 = arith.cmpi eq, %iota3A, %eq3A : vector<16xi32>
      %broadcast_in_dim3A_1544 = vector.broadcast %scan3A_1505 : f32 to vector<16xf32>
      %select_n3A = arith.select %eq3A_1543, %get3A_1542, %broadcast_in_dim3A_1544 : vector<16xi1>, vector<16xf32>
      %max3A = arith.maximumf %scan3A_1535, %select_n3A : vector<16xf32>
      scf.yield %max3A : vector<16xf32>
    }
    %scan3A_1511 = arith.constant 16 : i32
    %scan3A_1512 = arith.constant 0xFF800000 : f32
    %scan3A_1513 = arith.constant 0 : i32
    %scan3A_1514 = arith.constant 16 : i32
    %scan3A_1515 = arith.addi %scan3A_1513, %scan3A_1514 : i32
    %scan3A_1516 = arith.constant 1 : i32
    %scan3A_1517 = scf.for %scan3A_1534 = %scan3A_1513 to %scan3A_1515 step %scan3A_1516 iter_args(%scan3A_1535 = %scan3A_1510) -> (vector<16xf32>)  : i32 {
      %add3A_1536 = arith.constant 96 : i32
      %add3A_1537 = arith.addi %add3A_1536, %scan3A_1534 : i32
      %get3A = arith.constant 1 : i32
      %get3A_1538 = arith.index_cast %get3A : i32 to index
      %get3A_1539 = arith.index_cast %add3A_1537 : i32 to index
      %get3A_1540 = arith.constant 96 : index
      %get3A_1541 = tpu.vector_load %arg4[%get3A_1538, %get3A_1539, %get3A_1540] {strides = array<i32>} : memref<2x128x128xf32, #tpu.memory_space<vmem>>, vector<1x1x16xf32>,
      %get3A_1542 = vector.shape_cast %get3A_1541 : vector<1x1x16xf32> to vector<16xf32>
      %eq3A = vector.broadcast %scan3A_1534 : i32 to vector<16xi32>
      %eq3A_1543 = arith.cmpi eq, %iota3A, %eq3A : vector<16xi32>
      %broadcast_in_dim3A_1544 = vector.broadcast %scan3A_1512 : f32 to vector<16xf32>
      %select_n3A = arith.select %eq3A_1543, %get3A_1542, %broadcast_in_dim3A_1544 : vector<16xi1>, vector<16xf32>
      %max3A = arith.maximumf %scan3A_1535, %select_n3A : vector<16xf32>
      scf.yield %max3A : vector<16xf32>
    }
    %scan3A_1518 = arith.constant 16 : i32
    %scan3A_1519 = arith.constant 0xFF800000 : f32
    %scan3A_1520 = arith.constant 0 : i32
    %scan3A_1521 = arith.constant 16 : i32
    %scan3A_1522 = arith.addi %scan3A_1520, %scan3A_1521 : i32
    %scan3A_1523 = arith.constant 1 : i32
    %scan3A_1524 = scf.for %scan3A_1534 = %scan3A_1520 to %scan3A_1522 step %scan3A_1523 iter_args(%scan3A_1535 = %scan3A_1517) -> (vector<16xf32>)  : i32 {
      %add3A_1536 = arith.constant 112 : i32
      %add3A_1537 = arith.addi %add3A_1536, %scan3A_1534 : i32
      %get3A = arith.constant 1 : i32
      %get3A_1538 = arith.index_cast %get3A : i32 to index
      %get3A_1539 = arith.index_cast %add3A_1537 : i32 to index
      %get3A_1540 = arith.constant 112 : index
      %get3A_1541 = tpu.vector_load %arg4[%get3A_1538, %get3A_1539, %get3A_1540] {strides = array<i32>} : memref<2x128x128xf32, #tpu.memory_space<vmem>>, vector<1x1x16xf32>,
      %get3A_1542 = vector.shape_cast %get3A_1541 : vector<1x1x16xf32> to vector<16xf32>
      %eq3A = vector.broadcast %scan3A_1534 : i32 to vector<16xi32>
      %eq3A_1543 = arith.cmpi eq, %iota3A, %eq3A : vector<16xi32>
      %broadcast_in_dim3A_1544 = vector.broadcast %scan3A_1519 : f32 to vector<16xf32>
      %select_n3A = arith.select %eq3A_1543, %get3A_1542, %broadcast_in_dim3A_1544 : vector<16xi1>, vector<16xf32>
      %max3A = arith.maximumf %scan3A_1535, %select_n3A : vector<16xf32>
      scf.yield %max3A : vector<16xf32>
    }
    %scan3A_1525 = arith.constant 16 : i32
    %swap3A_1526 = arith.constant 3 : i32
    %swap3A_1527 = arith.index_cast %swap3A_1526 : i32 to index
    %swap3A_1528 = arith.constant 0 : index
    %swap3A_1529 = tpu.vector_load %arg5[%swap3A_1527, %swap3A_1528] {strides = array<i32>} : memref<4x16xf32, #tpu.memory_space<vmem>>, vector<1x16xf32>,
    %swap3A_1530 = vector.shape_cast %swap3A_1529 : vector<1x16xf32> to vector<16xf32>
    %swap3A_1531 = vector.shape_cast %scan3A_1524 : vector<16xf32> to vector<1x16xf32>
    tpu.vector_store %arg5[%swap3A_1527, %swap3A_1528], %swap3A_1531 {strides = array<i32>} : memref<4x16xf32, #tpu.memory_space<vmem>>, vector<1x16xf32>,
    %broadcast_in_dim3A_1532 = arith.constant 0xFF800000 : f32
    %broadcast_in_dim3A_1533 = vector.broadcast %broadcast_in_dim3A_1532 : f32 to vector<16xf32>
    "tpu.region"() ({
      %run_scoped3A = tpu.sem_alloc : memref<!tpu.dma_semaphore, #tpu.memory_space<semaphore_mem>>
      %dma_start3A_1534 = arith.constant 0 : i32
      %dma_start3A_1535 = arith.constant 0 : i32
      %dma_start3A_1536 = tpu.memref_slice %arg3[%add3A, %dma_start3A_1534, %dma_start3A_1535] : memref<32x4x16xf32, #tpu.memory_space<hbm>> -> memref<1x4x16xf32, #tpu.memory_space<hbm>>
      %dma_start3A_1537 = tpu.memref_squeeze %dma_start3A_1536 : memref<1x4x16xf32, #tpu.memory_space<hbm>> -> memref<4x16xf32, #tpu.memory_space<hbm>>
      %dma_start3A_1538 = arith.constant 0 : i32
      %dma_start3A_1539 = arith.constant 0 : i32
      %dma_start3A_1540 = tpu.memref_slice %arg3[%add3A, %dma_start3A_1538, %dma_start3A_1539] : memref<32x4x16xf32, #tpu.memory_space<hbm>> -> memref<1x4x16xf32, #tpu.memory_space<hbm>>
      %dma_start3A_1541 = tpu.memref_squeeze %dma_start3A_1540 : memref<1x4x16xf32, #tpu.memory_space<hbm>> -> memref<4x16xf32, #tpu.memory_space<hbm>>
      tpu.enqueue_dma source(%arg5 : memref<4x16xf32, #tpu.memory_space<vmem>>) target(%dma_start3A_1541 : memref<4x16xf32, #tpu.memory_space<hbm>>) target_semaphore(%run_scoped3A : memref<!tpu.dma_semaphore, #tpu.memory_space<semaphore_mem>>)
      %dma_wait3A_1542 = arith.constant 0 : i32
      %dma_wait3A_1543 = arith.constant 0 : i32
      %dma_wait3A_1544 = tpu.memref_slice %arg3[%add3A, %dma_wait3A_1542, %dma_wait3A_1543] : memref<32x4x16xf32, #tpu.memory_space<hbm>> -> memref<1x4x16xf32, #tpu.memory_space<hbm>>
      %dma_wait3A_1545 = tpu.memref_squeeze %dma_wait3A_1544 : memref<1x4x16xf32, #tpu.memory_space<hbm>> -> memref<4x16xf32, #tpu.memory_space<hbm>>
      %dma_wait3A_1546 = arith.constant 0 : i32
      %dma_wait3A_1547 = arith.constant 0 : i32
      %dma_wait3A_1548 = tpu.memref_slice %arg3[%add3A, %dma_wait3A_1546, %dma_wait3A_1547] : memref<32x4x16xf32, #tpu.memory_space<hbm>> -> memref<1x4x16xf32, #tpu.memory_space<hbm>>
      %dma_wait3A_1549 = tpu.memref_squeeze %dma_wait3A_1548 : memref<1x4x16xf32, #tpu.memory_space<hbm>> -> memref<4x16xf32, #tpu.memory_space<hbm>>
      tpu.wait_dma2 semaphore(%run_scoped3A : memref<!tpu.dma_semaphore, #tpu.memory_space<semaphore_mem>>) src(%arg5 : memref<4x16xf32, #tpu.memory_space<vmem>>) dst(%dma_wait3A_1549 : memref<4x16xf32, #tpu.memory_space<hbm>>)
      tpu.yield
    }) : () -> ()
    return
  }
}

module attributes {stable_mosaic.version = 14 : i64} {
  func.func @_maxes_body(%arg0: i32, %arg1: memref<8x512x512xf32, #tpu.memory_space<vmem>>, %arg2: memref<8x32xf32, #tpu.memory_space<vmem>>) attributes {dimension_semantics = [#tpu.dimension_semantics<arbitrary>], iteration_bounds = array<i64: 16>, scalar_prefetch = 0 : i64, scratch_operands = 0 : i64, tpu.core_type = #tpu.core_type<tc>, window_params = [{transform_indices = @transform_0, window_bounds = array<i64: 8, 512, 512>}, {pipeline_mode = #tpu.pipeline_mode<synchronous>, transform_indices = @transform_1, window_bounds = array<i64: 8, 32>}]} {
    %get3A = arith.constant 0 : index
    %get3A_0 = arith.constant 0 : index
    %get3A_1 = arith.constant 0 : index
    %get3A_2 = vector.load %arg1[%get3A, %get3A_0, %get3A_1] : memref<8x512x512xf32, #tpu.memory_space<vmem>>, vector<8x512x512xf32>
    %iota3A = tpu.iota {dimensions = array<i32: 0>} : vector<512x512xi32>
    %iota3A_3 = tpu.iota {dimensions = array<i32: 1>} : vector<512x512xi32>
    %eq3A = arith.cmpi eq, %iota3A, %iota3A_3 : vector<512x512xi32>
    %broadcast_in_dim3A = vector.shape_cast %eq3A : vector<512x512xi1> to vector<1x512x512xi1>
    %jit3A = arith.constant 0xFF800000 : f32
    %broadcast_in_dim3A_4 = vector.shape_cast %broadcast_in_dim3A : vector<1x512x512xi1> to vector<1x512x512xi1>
    %broadcast_in_dim3A_5 = vector.broadcast %broadcast_in_dim3A_4 : vector<1x512x512xi1> to vector<8x512x512xi1>
    %broadcast_in_dim3A_6 = vector.broadcast %jit3A : f32 to vector<8x512x512xf32>
    %select_n3A = arith.select %broadcast_in_dim3A_5, %get3A_2, %broadcast_in_dim3A_6 : vector<8x512x512xi1>, vector<8x512x512xf32>
    %reduce_max3A = arith.constant dense<0xFF800000> : vector<8xf32>
    %reduce_max3A_7 = vector.multi_reduction <maximumf>, %select_n3A, %reduce_max3A [1, 2] : vector<8x512x512xf32> to vector<8xf32>
    %reshape3A = vector.shape_cast %reduce_max3A_7 : vector<8xf32> to vector<1x8xf32>
    %jit3A_8 = arith.constant 0xFF800000 : f32
    %broadcast_in_dim3A_9 = vector.shape_cast %broadcast_in_dim3A : vector<1x512x512xi1> to vector<1x512x512xi1>
    %broadcast_in_dim3A_10 = vector.broadcast %broadcast_in_dim3A_9 : vector<1x512x512xi1> to vector<8x512x512xi1>
    %broadcast_in_dim3A_11 = vector.broadcast %jit3A_8 : f32 to vector<8x512x512xf32>
    %select_n3A_12 = arith.select %broadcast_in_dim3A_10, %broadcast_in_dim3A_11, %get3A_2 : vector<8x512x512xi1>, vector<8x512x512xf32>
    %reduce_max3A_13 = arith.constant dense<0xFF800000> : vector<8xf32>
    %reduce_max3A_14 = vector.multi_reduction <maximumf>, %select_n3A_12, %reduce_max3A_13 [1, 2] : vector<8x512x512xf32> to vector<8xf32>
    %reshape3A_15 = vector.shape_cast %reduce_max3A_14 : vector<8xf32> to vector<1x8xf32>
    %eq3A_16 = arith.constant 0 : i32
    %eq3A_17 = arith.cmpi eq, %arg0, %eq3A_16 : i32
    %convert_element_type3A = arith.extui %eq3A_17 : i1 to i32
    %cond3A = arith.constant 0 : i32
    %cond3A_18 = arith.cmpi ne, %convert_element_type3A, %cond3A : i32
    scf.if %cond3A_18 {
      %swap3A = arith.constant 0 : index
      %swap3A_94 = arith.constant 0 : index
      %swap3A_95 = vector.load %arg2[%swap3A, %swap3A_94] : memref<8x32xf32, #tpu.memory_space<vmem>>, vector<1x8xf32>
      tpu.vector_store %arg2[%swap3A, %swap3A_94], %reshape3A {strides = array<i32>} : memref<8x32xf32, #tpu.memory_space<vmem>>, vector<1x8xf32>,
      %swap3A_96 = arith.constant 0 : index
      %swap3A_97 = arith.constant 16 : index
      %swap3A_98 = vector.load %arg2[%swap3A_96, %swap3A_97] : memref<8x32xf32, #tpu.memory_space<vmem>>, vector<1x8xf32>
      tpu.vector_store %arg2[%swap3A_96, %swap3A_97], %reshape3A_15 {strides = array<i32>} : memref<8x32xf32, #tpu.memory_space<vmem>>, vector<1x8xf32>,
    } else {
    }
    %eq3A_19 = arith.constant 1 : i32
    %eq3A_20 = arith.cmpi eq, %arg0, %eq3A_19 : i32
    %convert_element_type3A_21 = arith.extui %eq3A_20 : i1 to i32
    %cond3A_22 = arith.constant 0 : i32
    %cond3A_23 = arith.cmpi ne, %convert_element_type3A_21, %cond3A_22 : i32
    scf.if %cond3A_23 {
      %swap3A = arith.constant 0 : index
      %swap3A_94 = arith.constant 8 : index
      %swap3A_95 = vector.load %arg2[%swap3A, %swap3A_94] : memref<8x32xf32, #tpu.memory_space<vmem>>, vector<1x8xf32>
      tpu.vector_store %arg2[%swap3A, %swap3A_94], %reshape3A {strides = array<i32>} : memref<8x32xf32, #tpu.memory_space<vmem>>, vector<1x8xf32>,
      %swap3A_96 = arith.constant 0 : index
      %swap3A_97 = arith.constant 24 : index
      %swap3A_98 = vector.load %arg2[%swap3A_96, %swap3A_97] : memref<8x32xf32, #tpu.memory_space<vmem>>, vector<1x8xf32>
      tpu.vector_store %arg2[%swap3A_96, %swap3A_97], %reshape3A_15 {strides = array<i32>} : memref<8x32xf32, #tpu.memory_space<vmem>>, vector<1x8xf32>,
    } else {
    }
    %eq3A_24 = arith.constant 2 : i32
    %eq3A_25 = arith.cmpi eq, %arg0, %eq3A_24 : i32
    %convert_element_type3A_26 = arith.extui %eq3A_25 : i1 to i32
    %cond3A_27 = arith.constant 0 : i32
    %cond3A_28 = arith.cmpi ne, %convert_element_type3A_26, %cond3A_27 : i32
    scf.if %cond3A_28 {
      %swap3A = arith.constant 1 : index
      %swap3A_94 = arith.constant 0 : index
      %swap3A_95 = vector.load %arg2[%swap3A, %swap3A_94] : memref<8x32xf32, #tpu.memory_space<vmem>>, vector<1x8xf32>
      tpu.vector_store %arg2[%swap3A, %swap3A_94], %reshape3A {strides = array<i32>} : memref<8x32xf32, #tpu.memory_space<vmem>>, vector<1x8xf32>,
      %swap3A_96 = arith.constant 1 : index
      %swap3A_97 = arith.constant 16 : index
      %swap3A_98 = vector.load %arg2[%swap3A_96, %swap3A_97] : memref<8x32xf32, #tpu.memory_space<vmem>>, vector<1x8xf32>
      tpu.vector_store %arg2[%swap3A_96, %swap3A_97], %reshape3A_15 {strides = array<i32>} : memref<8x32xf32, #tpu.memory_space<vmem>>, vector<1x8xf32>,
    } else {
    }
    %eq3A_29 = arith.constant 3 : i32
    %eq3A_30 = arith.cmpi eq, %arg0, %eq3A_29 : i32
    %convert_element_type3A_31 = arith.extui %eq3A_30 : i1 to i32
    %cond3A_32 = arith.constant 0 : i32
    %cond3A_33 = arith.cmpi ne, %convert_element_type3A_31, %cond3A_32 : i32
    scf.if %cond3A_33 {
      %swap3A = arith.constant 1 : index
      %swap3A_94 = arith.constant 8 : index
      %swap3A_95 = vector.load %arg2[%swap3A, %swap3A_94] : memref<8x32xf32, #tpu.memory_space<vmem>>, vector<1x8xf32>
      tpu.vector_store %arg2[%swap3A, %swap3A_94], %reshape3A {strides = array<i32>} : memref<8x32xf32, #tpu.memory_space<vmem>>, vector<1x8xf32>,
      %swap3A_96 = arith.constant 1 : index
      %swap3A_97 = arith.constant 24 : index
      %swap3A_98 = vector.load %arg2[%swap3A_96, %swap3A_97] : memref<8x32xf32, #tpu.memory_space<vmem>>, vector<1x8xf32>
      tpu.vector_store %arg2[%swap3A_96, %swap3A_97], %reshape3A_15 {strides = array<i32>} : memref<8x32xf32, #tpu.memory_space<vmem>>, vector<1x8xf32>,
    } else {
    }
    %eq3A_34 = arith.constant 4 : i32
    %eq3A_35 = arith.cmpi eq, %arg0, %eq3A_34 : i32
    %convert_element_type3A_36 = arith.extui %eq3A_35 : i1 to i32
    %cond3A_37 = arith.constant 0 : i32
    %cond3A_38 = arith.cmpi ne, %convert_element_type3A_36, %cond3A_37 : i32
    scf.if %cond3A_38 {
      %swap3A = arith.constant 2 : index
      %swap3A_94 = arith.constant 0 : index
      %swap3A_95 = vector.load %arg2[%swap3A, %swap3A_94] : memref<8x32xf32, #tpu.memory_space<vmem>>, vector<1x8xf32>
      tpu.vector_store %arg2[%swap3A, %swap3A_94], %reshape3A {strides = array<i32>} : memref<8x32xf32, #tpu.memory_space<vmem>>, vector<1x8xf32>,
      %swap3A_96 = arith.constant 2 : index
      %swap3A_97 = arith.constant 16 : index
      %swap3A_98 = vector.load %arg2[%swap3A_96, %swap3A_97] : memref<8x32xf32, #tpu.memory_space<vmem>>, vector<1x8xf32>
      tpu.vector_store %arg2[%swap3A_96, %swap3A_97], %reshape3A_15 {strides = array<i32>} : memref<8x32xf32, #tpu.memory_space<vmem>>, vector<1x8xf32>,
    } else {
    }
    %eq3A_39 = arith.constant 5 : i32
    %eq3A_40 = arith.cmpi eq, %arg0, %eq3A_39 : i32
    %convert_element_type3A_41 = arith.extui %eq3A_40 : i1 to i32
    %cond3A_42 = arith.constant 0 : i32
    %cond3A_43 = arith.cmpi ne, %convert_element_type3A_41, %cond3A_42 : i32
    scf.if %cond3A_43 {
      %swap3A = arith.constant 2 : index
      %swap3A_94 = arith.constant 8 : index
      %swap3A_95 = vector.load %arg2[%swap3A, %swap3A_94] : memref<8x32xf32, #tpu.memory_space<vmem>>, vector<1x8xf32>
      tpu.vector_store %arg2[%swap3A, %swap3A_94], %reshape3A {strides = array<i32>} : memref<8x32xf32, #tpu.memory_space<vmem>>, vector<1x8xf32>,
      %swap3A_96 = arith.constant 2 : index
      %swap3A_97 = arith.constant 24 : index
      %swap3A_98 = vector.load %arg2[%swap3A_96, %swap3A_97] : memref<8x32xf32, #tpu.memory_space<vmem>>, vector<1x8xf32>
      tpu.vector_store %arg2[%swap3A_96, %swap3A_97], %reshape3A_15 {strides = array<i32>} : memref<8x32xf32, #tpu.memory_space<vmem>>, vector<1x8xf32>,
    } else {
    }
    %eq3A_44 = arith.constant 6 : i32
    %eq3A_45 = arith.cmpi eq, %arg0, %eq3A_44 : i32
    %convert_element_type3A_46 = arith.extui %eq3A_45 : i1 to i32
    %cond3A_47 = arith.constant 0 : i32
    %cond3A_48 = arith.cmpi ne, %convert_element_type3A_46, %cond3A_47 : i32
    scf.if %cond3A_48 {
      %swap3A = arith.constant 3 : index
      %swap3A_94 = arith.constant 0 : index
      %swap3A_95 = vector.load %arg2[%swap3A, %swap3A_94] : memref<8x32xf32, #tpu.memory_space<vmem>>, vector<1x8xf32>
      tpu.vector_store %arg2[%swap3A, %swap3A_94], %reshape3A {strides = array<i32>} : memref<8x32xf32, #tpu.memory_space<vmem>>, vector<1x8xf32>,
      %swap3A_96 = arith.constant 3 : index
      %swap3A_97 = arith.constant 16 : index
      %swap3A_98 = vector.load %arg2[%swap3A_96, %swap3A_97] : memref<8x32xf32, #tpu.memory_space<vmem>>, vector<1x8xf32>
      tpu.vector_store %arg2[%swap3A_96, %swap3A_97], %reshape3A_15 {strides = array<i32>} : memref<8x32xf32, #tpu.memory_space<vmem>>, vector<1x8xf32>,
    } else {
    }
    %eq3A_49 = arith.constant 7 : i32
    %eq3A_50 = arith.cmpi eq, %arg0, %eq3A_49 : i32
    %convert_element_type3A_51 = arith.extui %eq3A_50 : i1 to i32
    %cond3A_52 = arith.constant 0 : i32
    %cond3A_53 = arith.cmpi ne, %convert_element_type3A_51, %cond3A_52 : i32
    scf.if %cond3A_53 {
      %swap3A = arith.constant 3 : index
      %swap3A_94 = arith.constant 8 : index
      %swap3A_95 = vector.load %arg2[%swap3A, %swap3A_94] : memref<8x32xf32, #tpu.memory_space<vmem>>, vector<1x8xf32>
      tpu.vector_store %arg2[%swap3A, %swap3A_94], %reshape3A {strides = array<i32>} : memref<8x32xf32, #tpu.memory_space<vmem>>, vector<1x8xf32>,
      %swap3A_96 = arith.constant 3 : index
      %swap3A_97 = arith.constant 24 : index
      %swap3A_98 = vector.load %arg2[%swap3A_96, %swap3A_97] : memref<8x32xf32, #tpu.memory_space<vmem>>, vector<1x8xf32>
      tpu.vector_store %arg2[%swap3A_96, %swap3A_97], %reshape3A_15 {strides = array<i32>} : memref<8x32xf32, #tpu.memory_space<vmem>>, vector<1x8xf32>,
    } else {
    }
    %eq3A_54 = arith.constant 8 : i32
    %eq3A_55 = arith.cmpi eq, %arg0, %eq3A_54 : i32
    %convert_element_type3A_56 = arith.extui %eq3A_55 : i1 to i32
    %cond3A_57 = arith.constant 0 : i32
    %cond3A_58 = arith.cmpi ne, %convert_element_type3A_56, %cond3A_57 : i32
    scf.if %cond3A_58 {
      %swap3A = arith.constant 4 : index
      %swap3A_94 = arith.constant 0 : index
      %swap3A_95 = vector.load %arg2[%swap3A, %swap3A_94] : memref<8x32xf32, #tpu.memory_space<vmem>>, vector<1x8xf32>
      tpu.vector_store %arg2[%swap3A, %swap3A_94], %reshape3A {strides = array<i32>} : memref<8x32xf32, #tpu.memory_space<vmem>>, vector<1x8xf32>,
      %swap3A_96 = arith.constant 4 : index
      %swap3A_97 = arith.constant 16 : index
      %swap3A_98 = vector.load %arg2[%swap3A_96, %swap3A_97] : memref<8x32xf32, #tpu.memory_space<vmem>>, vector<1x8xf32>
      tpu.vector_store %arg2[%swap3A_96, %swap3A_97], %reshape3A_15 {strides = array<i32>} : memref<8x32xf32, #tpu.memory_space<vmem>>, vector<1x8xf32>,
    } else {
    }
    %eq3A_59 = arith.constant 9 : i32
    %eq3A_60 = arith.cmpi eq, %arg0, %eq3A_59 : i32
    %convert_element_type3A_61 = arith.extui %eq3A_60 : i1 to i32
    %cond3A_62 = arith.constant 0 : i32
    %cond3A_63 = arith.cmpi ne, %convert_element_type3A_61, %cond3A_62 : i32
    scf.if %cond3A_63 {
      %swap3A = arith.constant 4 : index
      %swap3A_94 = arith.constant 8 : index
      %swap3A_95 = vector.load %arg2[%swap3A, %swap3A_94] : memref<8x32xf32, #tpu.memory_space<vmem>>, vector<1x8xf32>
      tpu.vector_store %arg2[%swap3A, %swap3A_94], %reshape3A {strides = array<i32>} : memref<8x32xf32, #tpu.memory_space<vmem>>, vector<1x8xf32>,
      %swap3A_96 = arith.constant 4 : index
      %swap3A_97 = arith.constant 24 : index
      %swap3A_98 = vector.load %arg2[%swap3A_96, %swap3A_97] : memref<8x32xf32, #tpu.memory_space<vmem>>, vector<1x8xf32>
      tpu.vector_store %arg2[%swap3A_96, %swap3A_97], %reshape3A_15 {strides = array<i32>} : memref<8x32xf32, #tpu.memory_space<vmem>>, vector<1x8xf32>,
    } else {
    }
    %eq3A_64 = arith.constant 10 : i32
    %eq3A_65 = arith.cmpi eq, %arg0, %eq3A_64 : i32
    %convert_element_type3A_66 = arith.extui %eq3A_65 : i1 to i32
    %cond3A_67 = arith.constant 0 : i32
    %cond3A_68 = arith.cmpi ne, %convert_element_type3A_66, %cond3A_67 : i32
    scf.if %cond3A_68 {
      %swap3A = arith.constant 5 : index
      %swap3A_94 = arith.constant 0 : index
      %swap3A_95 = vector.load %arg2[%swap3A, %swap3A_94] : memref<8x32xf32, #tpu.memory_space<vmem>>, vector<1x8xf32>
      tpu.vector_store %arg2[%swap3A, %swap3A_94], %reshape3A {strides = array<i32>} : memref<8x32xf32, #tpu.memory_space<vmem>>, vector<1x8xf32>,
      %swap3A_96 = arith.constant 5 : index
      %swap3A_97 = arith.constant 16 : index
      %swap3A_98 = vector.load %arg2[%swap3A_96, %swap3A_97] : memref<8x32xf32, #tpu.memory_space<vmem>>, vector<1x8xf32>
      tpu.vector_store %arg2[%swap3A_96, %swap3A_97], %reshape3A_15 {strides = array<i32>} : memref<8x32xf32, #tpu.memory_space<vmem>>, vector<1x8xf32>,
    } else {
    }
    %eq3A_69 = arith.constant 11 : i32
    %eq3A_70 = arith.cmpi eq, %arg0, %eq3A_69 : i32
    %convert_element_type3A_71 = arith.extui %eq3A_70 : i1 to i32
    %cond3A_72 = arith.constant 0 : i32
    %cond3A_73 = arith.cmpi ne, %convert_element_type3A_71, %cond3A_72 : i32
    scf.if %cond3A_73 {
      %swap3A = arith.constant 5 : index
      %swap3A_94 = arith.constant 8 : index
      %swap3A_95 = vector.load %arg2[%swap3A, %swap3A_94] : memref<8x32xf32, #tpu.memory_space<vmem>>, vector<1x8xf32>
      tpu.vector_store %arg2[%swap3A, %swap3A_94], %reshape3A {strides = array<i32>} : memref<8x32xf32, #tpu.memory_space<vmem>>, vector<1x8xf32>,
      %swap3A_96 = arith.constant 5 : index
      %swap3A_97 = arith.constant 24 : index
      %swap3A_98 = vector.load %arg2[%swap3A_96, %swap3A_97] : memref<8x32xf32, #tpu.memory_space<vmem>>, vector<1x8xf32>
      tpu.vector_store %arg2[%swap3A_96, %swap3A_97], %reshape3A_15 {strides = array<i32>} : memref<8x32xf32, #tpu.memory_space<vmem>>, vector<1x8xf32>,
    } else {
    }
    %eq3A_74 = arith.constant 12 : i32
    %eq3A_75 = arith.cmpi eq, %arg0, %eq3A_74 : i32
    %convert_element_type3A_76 = arith.extui %eq3A_75 : i1 to i32
    %cond3A_77 = arith.constant 0 : i32
    %cond3A_78 = arith.cmpi ne, %convert_element_type3A_76, %cond3A_77 : i32
    scf.if %cond3A_78 {
      %swap3A = arith.constant 6 : index
      %swap3A_94 = arith.constant 0 : index
      %swap3A_95 = vector.load %arg2[%swap3A, %swap3A_94] : memref<8x32xf32, #tpu.memory_space<vmem>>, vector<1x8xf32>
      tpu.vector_store %arg2[%swap3A, %swap3A_94], %reshape3A {strides = array<i32>} : memref<8x32xf32, #tpu.memory_space<vmem>>, vector<1x8xf32>,
      %swap3A_96 = arith.constant 6 : index
      %swap3A_97 = arith.constant 16 : index
      %swap3A_98 = vector.load %arg2[%swap3A_96, %swap3A_97] : memref<8x32xf32, #tpu.memory_space<vmem>>, vector<1x8xf32>
      tpu.vector_store %arg2[%swap3A_96, %swap3A_97], %reshape3A_15 {strides = array<i32>} : memref<8x32xf32, #tpu.memory_space<vmem>>, vector<1x8xf32>,
    } else {
    }
    %eq3A_79 = arith.constant 13 : i32
    %eq3A_80 = arith.cmpi eq, %arg0, %eq3A_79 : i32
    %convert_element_type3A_81 = arith.extui %eq3A_80 : i1 to i32
    %cond3A_82 = arith.constant 0 : i32
    %cond3A_83 = arith.cmpi ne, %convert_element_type3A_81, %cond3A_82 : i32
    scf.if %cond3A_83 {
      %swap3A = arith.constant 6 : index
      %swap3A_94 = arith.constant 8 : index
      %swap3A_95 = vector.load %arg2[%swap3A, %swap3A_94] : memref<8x32xf32, #tpu.memory_space<vmem>>, vector<1x8xf32>
      tpu.vector_store %arg2[%swap3A, %swap3A_94], %reshape3A {strides = array<i32>} : memref<8x32xf32, #tpu.memory_space<vmem>>, vector<1x8xf32>,
      %swap3A_96 = arith.constant 6 : index
      %swap3A_97 = arith.constant 24 : index
      %swap3A_98 = vector.load %arg2[%swap3A_96, %swap3A_97] : memref<8x32xf32, #tpu.memory_space<vmem>>, vector<1x8xf32>
      tpu.vector_store %arg2[%swap3A_96, %swap3A_97], %reshape3A_15 {strides = array<i32>} : memref<8x32xf32, #tpu.memory_space<vmem>>, vector<1x8xf32>,
    } else {
    }
    %eq3A_84 = arith.constant 14 : i32
    %eq3A_85 = arith.cmpi eq, %arg0, %eq3A_84 : i32
    %convert_element_type3A_86 = arith.extui %eq3A_85 : i1 to i32
    %cond3A_87 = arith.constant 0 : i32
    %cond3A_88 = arith.cmpi ne, %convert_element_type3A_86, %cond3A_87 : i32
    scf.if %cond3A_88 {
      %swap3A = arith.constant 7 : index
      %swap3A_94 = arith.constant 0 : index
      %swap3A_95 = vector.load %arg2[%swap3A, %swap3A_94] : memref<8x32xf32, #tpu.memory_space<vmem>>, vector<1x8xf32>
      tpu.vector_store %arg2[%swap3A, %swap3A_94], %reshape3A {strides = array<i32>} : memref<8x32xf32, #tpu.memory_space<vmem>>, vector<1x8xf32>,
      %swap3A_96 = arith.constant 7 : index
      %swap3A_97 = arith.constant 16 : index
      %swap3A_98 = vector.load %arg2[%swap3A_96, %swap3A_97] : memref<8x32xf32, #tpu.memory_space<vmem>>, vector<1x8xf32>
      tpu.vector_store %arg2[%swap3A_96, %swap3A_97], %reshape3A_15 {strides = array<i32>} : memref<8x32xf32, #tpu.memory_space<vmem>>, vector<1x8xf32>,
    } else {
    }
    %eq3A_89 = arith.constant 15 : i32
    %eq3A_90 = arith.cmpi eq, %arg0, %eq3A_89 : i32
    %convert_element_type3A_91 = arith.extui %eq3A_90 : i1 to i32
    %cond3A_92 = arith.constant 0 : i32
    %cond3A_93 = arith.cmpi ne, %convert_element_type3A_91, %cond3A_92 : i32
    scf.if %cond3A_93 {
      %swap3A = arith.constant 7 : index
      %swap3A_94 = arith.constant 8 : index
      %swap3A_95 = vector.load %arg2[%swap3A, %swap3A_94] : memref<8x32xf32, #tpu.memory_space<vmem>>, vector<1x8xf32>
      tpu.vector_store %arg2[%swap3A, %swap3A_94], %reshape3A {strides = array<i32>} : memref<8x32xf32, #tpu.memory_space<vmem>>, vector<1x8xf32>,
      %swap3A_96 = arith.constant 7 : index
      %swap3A_97 = arith.constant 24 : index
      %swap3A_98 = vector.load %arg2[%swap3A_96, %swap3A_97] : memref<8x32xf32, #tpu.memory_space<vmem>>, vector<1x8xf32>
      tpu.vector_store %arg2[%swap3A_96, %swap3A_97], %reshape3A_15 {strides = array<i32>} : memref<8x32xf32, #tpu.memory_space<vmem>>, vector<1x8xf32>,
    } else {
    }
    return
  }
  func.func @transform_0(%arg0: i32) -> (i32, i32, i32) {
    %c0_i32 = arith.constant 0 : i32
    %c0_i32_0 = arith.constant 0 : i32
    %c0_i32_1 = arith.constant 0 : i32
    return %arg0, %c0_i32, %c0_i32_0 : i32, i32, i32
  }
  func.func @transform_1(%arg0: i32) -> (i32, i32) {
    %c0_i32 = arith.constant 0 : i32
    %c0_i32_0 = arith.constant 0 : i32
    %c0_i32_1 = arith.constant 0 : i32
    return %c0_i32, %c0_i32_0 : i32, i32
  }
}

</mosaic_0001>

<sc_bundles>
// kernel: kernel.4.cloned.1.call-start
scs
__scs_entry_jumppad:
0x0: {  	(pc) =	sbr.rel $0x88, $3  }
0x1: {  	(tag) =	ssettag $0x0;
	lr =	simm.s32 $0x1  }
0x2: {  	[smem:$0x3FA0] =	sst lr;
	_ =	strace $0xD0000000  }
0x3: {  	_ = 	snop  }
0x4: {  	_ = 	snop  }
0x5: {  	_ = 	snop  }
0x6: {  	_ = 	snop  }
0x7: {  	_ = 	snop  }
__scs_overlays_trampoline_lowered:
0x8: {  	[smem:$0x3FAF] =	sst s0  }
0x9: {  	[smem:$0x3FB0] =	sst s1  }
0xa: {  	[smem:$0x3FB1] =	sst s2  }
0xb: {  	[smem:$0x3FB2] =	sst s3  }
0xc: {  	[smem:$0x3FB3] =	sst s4  }
0xd: {  	[smem:$0x3FB4] =	sst s5  }
0xe: {  	[smem:$0x3FB5] =	sst s6  }
0xf: {  	[smem:$0x3FB6] =	sst s7  }
0x10: {  	[smem:$0x3FB7] =	sst s8  }
0x11: {  	[smem:$0x3FB8] =	sst s9;
	s0 =	simm.s32 @!p0 $0x0  }
0x12: {  	s1 =	sld [smem:$0x3F9E];
	s0 =	simm.s32 @p0 $0x1  }
0x13: {  	[smem:$0x3FB9] =	sst s0;
	s0 =	simm.s32 @!p1 $0x0  }
0x14: {  	s2 =	sld [smem:$0x3F9D];
	s0 =	simm.s32 @p1 $0x1  }
0x15: {  	[smem:$0x3FBA] =	sst s0;
	s0 =	simm.s32 @!p2 $0x0  }
0x16: {  	s3 =	sld [smem:$0x3FDB];
	s0 =	simm.s32 @p2 $0x1  }
0x17: {  	s4 =	simm.s32 $0x1BF5;
	[smem:$0x3FBC] =	sst s0  }
0x18: {  	s0 =	sld [smem:$0x3F9F];
	_ =	swait.ge [sflag:s4], $0x0  }
0x19: {  	s7 =	sld [smem:$0x3FA0]  }
0x1a: {  	s8 =	sadd.s32 $0xFFFFE003, lr  }
0x1b: {  	s9 =	sadd.s32 $0xFFFFFEF7, lr;
	s5 =	simm.s32 $0xFFFFFFFF;
	p2 =	slt.u32 s8, $0xFFFFF086  }
0x1c: {  	p1 =	slt.u32 s9, $0xF7A;
	s5 =	simm.s32 @!p2 $0x0  }
0x1d: {  	s5 =	simm.s32 @p1 $0x1;
	p0 =	seq.s32 s7, s2  }
0x1e: {  	s7 =	smul.u32 @!p0 $0xF7A, s2;
	p2 =	seq.s32 @!p0 s5, $0x0  }
0x1f: {  	s9 =	smul.u32 $0xF7A, s1;
	s8 =	simm.s32 @!p0 $0x1BF5;
	p2 =	por !p2, p0  }
0x20: {  	[sflag:s8] =	ssyncset.s32 @!p0 $0xFFFFF086;
	s6 =	sadd.s32 @!p0 s3, s7;
	s7 =	simm.s32 @!p0 $0x108  }
0x21: {  	s3 =	sadd.s32 s3, s9;
	s6 =	sadd.s32 @!p0 $0x88, s6;
	s7 =	simm.s32 @p2 $0x1082  }
0x22: {  	[simem:s7], [sflag:s8] =	dma.local @!p0 [hbm:s6], $0xF7A  }
0x23: {  	s9 =	sor.u32 $0xD0000000, s2;
	s6 =	simm.s32 $0x108;
	_ =	swait.ge @!p0 [sflag:s8], $0x0  }
0x24: {  	s3 =	sadd.s32 $0x88, s3;
	s6 =	simm.s32 @!p1 $0x1082;
	[sflag:s4] =	ssyncset.s32 $0xFFFFF086  }
0x25: {  	[simem:s6], [sflag:s4] =	dma.local [hbm:s3], $0xF7A  }
0x26: {  	[smem:$0x3FA0] =	sst s1;
	(tag) =	ssettag s2;
	_ =	strace s9  }
0x27: {  	s1 =	sld [smem:$0x3FB0]  }
0x28: {  	s2 =	sld [smem:$0x3FB1]  }
0x29: {  	s4 =	sld [smem:$0x3FB3]  }
0x2a: {  	p0 =	seq.s32 s5, $0x0;
	s5 =	sld [smem:$0x3FB4]  }
0x2b: {  	s6 =	sld [smem:$0x3FB5]  }
0x2c: {  	s7 =	sld [smem:$0x3FB6]  }
0x2d: {  	s3 =	simm.s32 $0x108;
	s8 =	sld [smem:$0x3FB7]  }
0x2e: {  	s3 =	simm.s32 @!p0 $0x1082;
	s9 =	sld [smem:$0x3FB8]  }
0x2f: {  	lr =	sadd.s32 s0, s3;
	s0 =	sld [smem:$0x3FAF]  }
0x30: {  	s3 =	sld [smem:$0x3FB2]  }
0x31: {  	[smem:$0x3FBB] =	sst s10  }
0x32: {  	s10 =	sld [smem:$0x3FB9];
	_ =	sdelay $0x3  }
0x33: {  	p0 =	seq.s32 s10, $0x1;
	s10 =	sld [smem:$0x3FBB];
	_ =	sdelay $0x3  }
0x34: {  	[smem:$0x3FBB] =	sst s10  }
0x35: {  	s10 =	sld [smem:$0x3FBA];
	_ =	sdelay $0x3  }
0x36: {  	p1 =	seq.s32 s10, $0x1;
	s10 =	sld [smem:$0x3FBB];
	_ =	sdelay $0x3  }
0x37: {  	[smem:$0x3FBB] =	sst s10  }
0x38: {  	s10 =	sld [smem:$0x3FBC]  }
0x39: {  	_ = 	snop;
	(pc) =	sbr.ind lr, $3  }
0x3a: {  	_ = 	snop  }
0x3b: {  	_ = 	snop  }
0x3c: {  	p2 =	seq.s32 s10, $0x1;
	s10 =	sld [smem:$0x3FBB]  }
0x3d: {  	_ =	shalt  }
0x3e: {  	_ =	shalt  }
0x3f: {  	_ =	shalt  }
0x40: {  	_ =	shalt  }
0x41: {  	_ =	shalt  }
0x42: {  	_ =	shalt  }
0x43: {  	_ =	shalt  }
0x44: {  	_ =	shalt  }
0x45: {  	_ =	shalt  }
0x46: {  	_ =	shalt  }
0x47: {  	_ =	shalt  }
0x48: {  	_ =	shalt  }
0x49: {  	_ =	shalt  }
0x4a: {  	_ =	shalt  }
0x4b: {  	_ =	shalt  }
0x4c: {  	_ =	shalt  }
0x4d: {  	_ =	shalt  }
0x4e: {  	_ =	shalt  }
0x4f: {  	_ =	shalt  }
0x50: {  	_ =	shalt  }
0x51: {  	_ =	shalt  }
0x52: {  	_ =	shalt  }
0x53: {  	_ =	shalt  }
0x54: {  	_ =	shalt  }
0x55: {  	_ =	shalt  }
0x56: {  	_ =	shalt  }
0x57: {  	_ =	shalt  }
0x58: {  	_ =	shalt  }
0x59: {  	_ =	shalt  }
0x5a: {  	_ =	shalt  }
0x5b: {  	_ =	shalt  }
0x5c: {  	_ =	shalt  }
0x5d: {  	_ =	shalt  }
0x5e: {  	_ =	shalt  }
0x5f: {  	_ =	shalt  }
0x60: {  	_ =	shalt  }
0x61: {  	_ =	shalt  }
0x62: {  	_ =	shalt  }
0x63: {  	_ =	shalt  }
0x64: {  	_ =	shalt  }
0x65: {  	_ =	shalt  }
0x66: {  	_ =	shalt  }
0x67: {  	_ =	shalt  }
0x68: {  	_ =	shalt  }
0x69: {  	_ =	shalt  }
0x6a: {  	_ =	shalt  }
0x6b: {  	_ =	shalt  }
0x6c: {  	_ =	shalt  }
0x6d: {  	_ =	shalt  }
0x6e: {  	_ =	shalt  }
0x6f: {  	_ =	shalt  }
0x70: {  	_ =	shalt  }
0x71: {  	_ =	shalt  }
0x72: {  	_ =	shalt  }
0x73: {  	_ =	shalt  }
0x74: {  	_ =	shalt  }
0x75: {  	_ =	shalt  }
0x76: {  	_ =	shalt  }
0x77: {  	_ =	shalt  }
0x78: {  	_ =	shalt  }
0x79: {  	_ =	shalt  }
0x7a: {  	_ =	shalt  }
0x7b: {  	_ =	shalt  }
0x7c: {  	_ =	shalt  }
0x7d: {  	_ =	shalt  }
0x7e: {  	_ =	shalt  }
0x7f: {  	_ =	shalt  }
0x80: {  	_ =	shalt  }
0x81: {  	_ =	shalt  }
0x82: {  	_ =	shalt  }
0x83: {  	_ =	shalt  }
0x84: {  	_ =	shalt  }
0x85: {  	_ =	shalt  }
0x86: {  	_ =	shalt  }
0x87: {  	_ =	shalt  }
.Lfunc_end0:
.L_simem_size_0:
called_computation_lowered:
.L_overlay_start_0:
0x88: {  	s2 =	sld [smem:$0x3FD9]  }
0x89: {  	s3 =	sld [smem:$0x3FFE];
	_ =	sdelay $0x1  }
0x8a: {  	s1 =	srdreg.scid  }
0x8b: {  	s0 =	sand.u32 $0x1, s1  }
0x8c: {  	s17 =	sshll.u32 s0, $0xA;
	s2 =	sadd.s32 s3, s2  }
0x8d: {  	s2 =	sadd.s32 s2, s17  }
0x8e: {  	[smem:$0x3FC7] =	sst s2  }
0x8f: {  	_ = 	snop  }
0x90: {  	s2 =	sld [smem:$0x3FC9];
	(tm) =	ssettm $0x1  }
0x91: {  	s18 =	sld [smem:$0x3FFB];
	_ =	sdelay $0x3  }
0x92: {  	_ =	strace s18  }
0x93: {  	s3 =	sld [smem:$0x3FFC];
	_ =	sdelay $0x3  }
0x94: {  	_ =	strace s3  }
0x95: {  	s3 =	sld [smem:$0x3FFD];
	_ =	sdelay $0x3  }
0x96: {  	_ =	strace s3  }
0x97: {  	_ =	strace $0x8FFFFFFF  }
0x98: {  	s19 =	sld [smem:$0x3FDB];
	_ =	sdelay $0x1  }
0x99: {  	s4 =	simm.s32 $_scs_section_size  }
0x9a: {  	s5 =	simm.s32 $_size__tile_overlayer_lowered;
	s6 =	simm.s32 $_tile_overlayer_lowered  }
0x9b: {  	s22 =	simm.s32 $0x1BFF;
	s21 =	sshll.u32 s6, $0x1;
	s3 =	sadd.s32 s4, s19  }
0x9c: {  	s7 =	simm.s32 $0x0;
	s20 =	sshll.u32 s5, $0x1;
	s5 =	sadd.s32 s21, s3  }
0x9d: {  	[timem:s7], [sflag:s22] =	dma.local [hbm:s5], s20  }
0x9e: {  	_ =	swait.ge [sflag:s22], s20  }
0x9f: {  	s4 =	ssub.s32 $0x0, s20;
	[sflag:s22] =	ssyncset.done $0x0  }
0xa0: {  	[sflag:s22] =	ssyncadd.s32 s4;
	_ =	sdelay $0x1  }
0xa1: {  	s23 =	simm.s32 $0x1B8B  }
0xa2: {  	_ =	swait.ge [sflag:s23], $0x1  }
0xa3: {  	[sflag:s23] =	ssyncset.done $0x0  }
0xa4: {  	s25 =	simm.s32 $0x1B8E;
	s24 =	sld [smem:$0x3FFE];
	[sflag:s23] =	ssyncadd.s32 $0xFFFFFFFF  }
0xa5: {  	s26 =	simm.s32 $execute0_lowered;
	[smem:$0x3FD2] =	sst s25  }
0xa6: {  	s5 =	sshll.u32 s26, $0x1;
	_ =	strace $0x80000046;
	[dreg:$0x1] =	wrdreg $0xFFFFFFFF  }
0xa7: {  	s28 =	simm.s32 $_size_execute0_lowered;
	s3 =	sadd.s32 s3, s5;
	[dreg:$0x0] =	wrdreg $0x0  }
0xa8: {  	s5 =	sshll.u32 s28, $0x1;
	[dreg:$0x2] =	wrdreg s3  }
0xa9: {  	[dreg:$0x3] =	wrdreg s5  }
0xaa: {  	[dreg:$0x4] =	wrdreg $0xC0  }
0xab: {  	_ =	task [dreg:s7], $0x5FFFF  }
0xac: {  	[dreg:$0x1] =	wrdreg $0xFFFFFFFF  }
0xad: {  	[dreg:$0x0] =	wrdreg $0x60  }
0xae: {  	[dreg:$0x2] =	wrdreg s2  }
0xaf: {  	[dreg:$0x3] =	wrdreg s24  }
0xb0: {  	[dreg:$0x4] =	wrdreg $0x9  }
0xb1: {  	_ =	task.clear_ibuf [dreg:s7], $0x5FFFF;
	_ =	strace $0x90000046  }
0xb2: {  	s29 =	simm.s32 $0x9;
	_ =	strace $0x80000048  }
0xb3: {  	_ =	swait.ge [sflag:s29], $0x1  }
0xb4: {  	[sflag:s29] =	ssyncadd.s32 $0xFFFFFFFF  }
0xb5: {  	_ =	strace $0x90000048  }
0xb6: {  	_ =	sfence  }
0xb7: {  	s30 =	sld [smem:$0x0];
	_ =	sdelay $0x2  }
0xb8: {  	s31 =	sshll.u32 s1, $0xD;
	s1 =	sshrl.u32 s1, $0x2  }
0xb9: {  	s3 =	sand.u32 $0x4000, s31;
	s1 =	sadd.s32 s1, s30  }
0xba: {  	s0 =	sor.u32 s3, s0;
	s1 =	sshll.u32 s1, $0x11  }
0xbb: {  	s0 =	sor.u32 s1, s0  }
0xbc: {  	s0 =	sadd.s32 $0x8F2B, s0  }
0xbd: {  	[sflag:s0] =	ssyncadd.remote.s32 $0x1  }
0xbe: {  	_ =	sfence.sel $0xFFFF  }
0xbf: {  	[dreg:$0x0] =	wrdreg $0xFFFFFFFF;
	(pc) =	sbr.abs _section_cstart, $3  }
0xc0: {  	[dreg:$0x1] =	wrdreg $0xFFFFFFFF  }
0xc1: {  	_ =	task.clear_ibuf [dreg:s7], $0x2FFFF;
	_ =	strace $0x9FFFFFFF  }
0xc2: {  	(tm) =	ssettm $0x7FFFFFFF  }
0xc3: {  	_ =	shalt  }
tec
execute0_lowered:
.L_overlay_start_1:
0x0: {  	(tag) =	ssettag $0x1  }
0x1: {  	s3 =	rddreg [dreg:$0x0];
	s1 =	srdreg.scid  }
0x2: {  	s0 =	stileid.u32;
	s19 =	rddreg [dreg:$0x1];
	s2 =	simm.s32 $0x0  }
0x3: {  	s22 =	simm.s32 $0x1000;
	s23 =	simm.s32 $0x1;
	s24 =	simm.s32 $0x4000  }
0x4: {  	s25 =	simm.s32 $0x2;
	s26 =	simm.s32 $0x8000;
	s28 =	simm.s32 $0x3  }
0x5: {  	s29 =	simm.s32 $0x0;
	s4 =	sand.u32 $0x1, s1;
	s5 =	sshll.u32 s0, $0x1  }
0x6: {  	[smem:$0x7FF] =	sst s2;
	s17 =	sor.u32 s4, s5;
	s4 =	ssub.s32 $0x2, s4  }
0x7: {  	_ =	strace $0x80000047;
	s5 =	sshll.u32 s17, $0x11;
	s6 =	sshrl.u32 s4, $0x1  }
0x8: {  	s21 =	sshll.u32 s17, $0x6;
	s3 =	sadd.s32 s3, s5;
	s20 =	ssub.s32 s4, s6  }
0x9: {  	s19 =	sadd.s32 s19, s21;
	s21 =	simm.s32 $0x400;
	s4 =	sadd.s32 $0x2080, s3  }
0xa: {  	s5 =	sadd.s32 $0x4100, s3;
	s6 =	sadd.s32 $0x6180, s3;
	s7 =	sadd.s32 $0x8000, s3  }
0xb: {  	s8 =	sadd.s32 $0xA080, s3;
	s9 =	sadd.s32 $0xC100, s3;
	s10 =	sadd.s32 $0xE180, s3  }
0xc: {  	s11 =	sadd.s32 $0x10000, s3;
	s12 =	sadd.s32 $0x12080, s3;
	s13 =	sadd.s32 $0x14100, s3  }
0xd: {  	s14 =	sadd.s32 $0x16180, s3;
	s15 =	sadd.s32 $0x18000, s3;
	s16 =	sadd.s32 $0x1A080, s3  }
0xe: {  	v0 =	vlaneseq.u32;
	s17 =	sadd.s32 $0x1C100, s3;
	s18 =	sadd.s32 $0x1E180, s3;
	s20 =	smax.u32 s20, $0x1  }
.LBB2_1:
0xf: {  	[tilespmem:s2], [sflag:$0x1] =	stream.strided.gather [hbm4b:s3+s21], $0x4000, s22, s21, $0x38;
	[tilespmem:$0x8200] =	vst v63  }
0x10: {  	_ =	swait.ge [sflag:s23], $0x4000  }
0x11: {  	[sflag:s23] =	ssyncset.done $0x0  }
0x12: {  	[sflag:s23] =	ssyncadd.s32 $0xFFFFC000  }
0x13: {  	[tilespmem:s24], [sflag:$0x2] =	stream.strided.gather [hbm4b:s4+s21], $0x4000, s22, s21, $0x38;
	[tilespmem:$0x8200] =	vst v63  }
0x14: {  	v2 =	vld [tilespmem:s2+$0x0];
	_ =	sdelay $0x3  }
0x15: {  	v1 =	vimm.f32 $-Inf;
	v3 =	vmov s2  }
0x16: {  	s30 =	simm.s32 $0x1;
	s31 =	simm.s32 $0x80;
	vm0 =	veq.s32 v3, v0;
	v2 =	vmax.f32 v1, v2  }
.LBB2_2:
0x17: {  	v3 =	vld [tilespmem:s31+$0x0];
	p0 =	sne.s32 s30, $0xF;
	v1 =	vsel vm0, v2, v1;
	s1 =	smov.u32 s30;
	s30 =	sadd.s32 $0x1, s30  }
.Ltmp0:
0x18: {  	(pc) =	sbr.rel @p0 .LBB2_2-.Ltmp0, $3  }
0x19: {  	_ =	sdelay $0x1  }
0x1a: {  	v2 =	vmov s1  }
0x1b: {  	s31 =	sadd.s32 $0x80, s31;
	vm0 =	veq.s32 v2, v0;
	v2 =	vmax.f32 v1, v3  }
0x1c: {  	s1 =	simm.s32 $0x810  }
0x1d: {  	v3 =	vld [tilespmem:s1+$0x0];
	_ =	sdelay $0x2  }
0x1e: {  	s1 =	simm.s32 $0x0  }
0x1f: {  	v2 =	vsel vm0, v2, v1;
	v1 =	vmov s1  }
0x20: {  	s30 =	simm.s32 $0x1;
	s31 =	simm.s32 $0x890;
	vm0 =	veq.s32 v1, v0;
	v3 =	vmax.f32 v2, v3  }
.LBB2_4:
0x21: {  	v4 =	vld [tilespmem:s31+$0x0];
	p0 =	sne.s32 s30, $0xF;
	v2 =	vsel vm0, v3, v2;
	s1 =	smov.u32 s30;
	s30 =	sadd.s32 $0x1, s30  }
.Ltmp1:
0x22: {  	(pc) =	sbr.rel @p0 .LBB2_4-.Ltmp1, $3  }
0x23: {  	_ =	sdelay $0x1  }
0x24: {  	v3 =	vmov s1  }
0x25: {  	s31 =	sadd.s32 $0x80, s31;
	vm0 =	veq.s32 v3, v0;
	v3 =	vmax.f32 v2, v4  }
0x26: {  	s1 =	simm.s32 $0x1020  }
0x27: {  	v4 =	vld [tilespmem:s1+$0x0];
	_ =	sdelay $0x3  }
0x28: {  	v2 =	vsel vm0, v3, v2  }
0x29: {  	s30 =	simm.s32 $0x1;
	vm0 =	veq.s32 v1, v0;
	s31 =	simm.s32 $0x10A0;
	v1 =	vmax.f32 v2, v4  }
.LBB2_6:
0x2a: {  	v3 =	vld [tilespmem:s31+$0x0];
	p0 =	sne.s32 s30, $0xF;
	v2 =	vsel vm0, v1, v2;
	s1 =	smov.u32 s30;
	s30 =	sadd.s32 $0x1, s30  }
.Ltmp2:
0x2b: {  	(pc) =	sbr.rel @p0 .LBB2_6-.Ltmp2, $3  }
0x2c: {  	_ =	sdelay $0x1  }
0x2d: {  	v1 =	vmov s1  }
0x2e: {  	s31 =	sadd.s32 $0x80, s31;
	vm0 =	veq.s32 v1, v0;
	v1 =	vmax.f32 v2, v3  }
0x2f: {  	s1 =	simm.s32 $0x1830  }
0x30: {  	v3 =	vld [tilespmem:s1+$0x0];
	_ =	sdelay $0x2  }
0x31: {  	s1 =	simm.s32 $0x0  }
0x32: {  	v2 =	vsel vm0, v1, v2;
	v1 =	vmov s1  }
0x33: {  	s30 =	simm.s32 $0x1;
	s31 =	simm.s32 $0x18B0;
	vm0 =	veq.s32 v1, v0;
	v3 =	vmax.f32 v2, v3  }
.LBB2_8:
0x34: {  	v4 =	vld [tilespmem:s31+$0x0];
	p0 =	sne.s32 s30, $0xF;
	v2 =	vsel vm0, v3, v2;
	s1 =	smov.u32 s30;
	s30 =	sadd.s32 $0x1, s30  }
.Ltmp3:
0x35: {  	(pc) =	sbr.rel @p0 .LBB2_8-.Ltmp3, $3  }
0x36: {  	_ =	sdelay $0x1  }
0x37: {  	v3 =	vmov s1  }
0x38: {  	s31 =	sadd.s32 $0x80, s31;
	vm0 =	veq.s32 v3, v0;
	v3 =	vmax.f32 v2, v4  }
0x39: {  	s1 =	simm.s32 $0x2040  }
0x3a: {  	v4 =	vld [tilespmem:s1+$0x0];
	_ =	sdelay $0x3  }
0x3b: {  	v2 =	vsel vm0, v3, v2  }
0x3c: {  	s30 =	simm.s32 $0x1;
	vm0 =	veq.s32 v1, v0;
	s31 =	simm.s32 $0x20C0;
	v1 =	vmax.f32 v2, v4  }
.LBB2_10:
0x3d: {  	v3 =	vld [tilespmem:s31+$0x0];
	p0 =	sne.s32 s30, $0xF;
	v2 =	vsel vm0, v1, v2;
	s1 =	smov.u32 s30;
	s30 =	sadd.s32 $0x1, s30  }
.Ltmp4:
0x3e: {  	(pc) =	sbr.rel @p0 .LBB2_10-.Ltmp4, $3  }
0x3f: {  	_ =	sdelay $0x1  }
0x40: {  	v1 =	vmov s1  }
0x41: {  	s31 =	sadd.s32 $0x80, s31;
	vm0 =	veq.s32 v1, v0;
	v1 =	vmax.f32 v2, v3  }
0x42: {  	s1 =	simm.s32 $0x2850  }
0x43: {  	v3 =	vld [tilespmem:s1+$0x0];
	_ =	sdelay $0x2  }
0x44: {  	s1 =	simm.s32 $0x0  }
0x45: {  	v2 =	vsel vm0, v1, v2;
	v1 =	vmov s1  }
0x46: {  	s30 =	simm.s32 $0x1;
	s31 =	simm.s32 $0x28D0;
	vm0 =	veq.s32 v1, v0;
	v3 =	vmax.f32 v2, v3  }
.LBB2_12:
0x47: {  	v4 =	vld [tilespmem:s31+$0x0];
	p0 =	sne.s32 s30, $0xF;
	v2 =	vsel vm0, v3, v2;
	s1 =	smov.u32 s30;
	s30 =	sadd.s32 $0x1, s30  }
.Ltmp5:
0x48: {  	(pc) =	sbr.rel @p0 .LBB2_12-.Ltmp5, $3  }
0x49: {  	_ =	sdelay $0x1  }
0x4a: {  	v3 =	vmov s1  }
0x4b: {  	s31 =	sadd.s32 $0x80, s31;
	vm0 =	veq.s32 v3, v0;
	v3 =	vmax.f32 v2, v4  }
0x4c: {  	s1 =	simm.s32 $0x3060  }
0x4d: {  	v4 =	vld [tilespmem:s1+$0x0];
	_ =	sdelay $0x3  }
0x4e: {  	v2 =	vsel vm0, v3, v2  }
0x4f: {  	s30 =	simm.s32 $0x1;
	vm0 =	veq.s32 v1, v0;
	s31 =	simm.s32 $0x30E0;
	v1 =	vmax.f32 v2, v4  }
.LBB2_14:
0x50: {  	v3 =	vld [tilespmem:s31+$0x0];
	p0 =	sne.s32 s30, $0xF;
	v2 =	vsel vm0, v1, v2;
	s1 =	smov.u32 s30;
	s30 =	sadd.s32 $0x1, s30  }
.Ltmp6:
0x51: {  	(pc) =	sbr.rel @p0 .LBB2_14-.Ltmp6, $3  }
0x52: {  	_ =	sdelay $0x1  }
0x53: {  	v1 =	vmov s1  }
0x54: {  	s31 =	sadd.s32 $0x80, s31;
	vm0 =	veq.s32 v1, v0;
	v1 =	vmax.f32 v2, v3  }
0x55: {  	s1 =	simm.s32 $0x3870  }
0x56: {  	v3 =	vld [tilespmem:s1+$0x0];
	_ =	sdelay $0x2  }
0x57: {  	s1 =	simm.s32 $0x0  }
0x58: {  	v1 =	vsel vm0, v1, v2;
	v2 =	vmov s1  }
0x59: {  	s30 =	simm.s32 $0x1;
	s31 =	simm.s32 $0x38F0;
	vm0 =	veq.s32 v2, v0;
	v2 =	vmax.f32 v1, v3  }
.LBB2_16:
0x5a: {  	v3 =	vld [tilespmem:s31+$0x0];
	p0 =	sne.s32 s30, $0xF;
	v1 =	vsel vm0, v2, v1;
	s1 =	smov.u32 s30;
	s30 =	sadd.s32 $0x1, s30  }
.Ltmp7:
0x5b: {  	(pc) =	sbr.rel @p0 .LBB2_16-.Ltmp7, $3  }
0x5c: {  	_ =	sdelay $0x1  }
0x5d: {  	v2 =	vmov s1  }
0x5e: {  	s31 =	sadd.s32 $0x80, s31;
	vm0 =	veq.s32 v2, v0;
	v2 =	vmax.f32 v1, v3  }
0x5f: {  	_ =	swait.ge [sflag:s25], $0x4000  }
0x60: {  	[sflag:s25] =	ssyncset.done $0x0  }
0x61: {  	s1 =	simm.s32 $0x0;
	s30 =	simm.s32 $0x4000;
	[sflag:s25] =	ssyncadd.s32 $0xFFFFC000  }
0x62: {  	[tilespmem:s1], [sflag:$0x1] =	stream.strided.gather [hbm4b:s5+s21], $0x4000, s22, s21, $0x38;
	[tilespmem:$0x8200] =	vst v63  }
0x63: {  	v3 =	vld [tilespmem:s30+$0x0];
	_ =	sdelay $0x3  }
0x64: {  	v2 =	vsel vm0, v2, v1;
	v1 =	vmov s1  }
0x65: {  	s31 =	simm.s32 $0x4080;
	vm0 =	veq.s32 v1, v0;
	s30 =	simm.s32 $0x1;
	v3 =	vmax.f32 v2, v3  }
.LBB2_18:
0x66: {  	v4 =	vld [tilespmem:s31+$0x0];
	p0 =	sne.s32 s30, $0xF;
	v2 =	vsel vm0, v3, v2;
	s1 =	smov.u32 s30;
	s30 =	sadd.s32 $0x1, s30  }
.Ltmp8:
0x67: {  	(pc) =	sbr.rel @p0 .LBB2_18-.Ltmp8, $3  }
0x68: {  	_ =	sdelay $0x1  }
0x69: {  	v3 =	vmov s1  }
0x6a: {  	s31 =	sadd.s32 $0x80, s31;
	vm0 =	veq.s32 v3, v0;
	v3 =	vmax.f32 v2, v4  }
0x6b: {  	s1 =	simm.s32 $0x4810  }
0x6c: {  	v4 =	vld [tilespmem:s1+$0x0];
	_ =	sdelay $0x3  }
0x6d: {  	v2 =	vsel vm0, v3, v2  }
0x6e: {  	s30 =	simm.s32 $0x1;
	vm0 =	veq.s32 v1, v0;
	s31 =	simm.s32 $0x4890;
	v1 =	vmax.f32 v2, v4  }
.LBB2_20:
0x6f: {  	v3 =	vld [tilespmem:s31+$0x0];
	p0 =	sne.s32 s30, $0xF;
	v2 =	vsel vm0, v1, v2;
	s1 =	smov.u32 s30;
	s30 =	sadd.s32 $0x1, s30  }
.Ltmp9:
0x70: {  	(pc) =	sbr.rel @p0 .LBB2_20-.Ltmp9, $3  }
0x71: {  	_ =	sdelay $0x1  }
0x72: {  	v1 =	vmov s1  }
0x73: {  	s31 =	sadd.s32 $0x80, s31;
	vm0 =	veq.s32 v1, v0;
	v1 =	vmax.f32 v2, v3  }
0x74: {  	s1 =	simm.s32 $0x5020  }
0x75: {  	v3 =	vld [tilespmem:s1+$0x0];
	_ =	sdelay $0x2  }
0x76: {  	s1 =	simm.s32 $0x0  }
0x77: {  	v2 =	vsel vm0, v1, v2;
	v1 =	vmov s1  }
0x78: {  	s30 =	simm.s32 $0x1;
	s31 =	simm.s32 $0x50A0;
	vm0 =	veq.s32 v1, v0;
	v3 =	vmax.f32 v2, v3  }
.LBB2_22:
0x79: {  	v4 =	vld [tilespmem:s31+$0x0];
	p0 =	sne.s32 s30, $0xF;
	v2 =	vsel vm0, v3, v2;
	s1 =	smov.u32 s30;
	s30 =	sadd.s32 $0x1, s30  }
.Ltmp10:
0x7a: {  	(pc) =	sbr.rel @p0 .LBB2_22-.Ltmp10, $3  }
0x7b: {  	_ =	sdelay $0x1  }
0x7c: {  	v3 =	vmov s1  }
0x7d: {  	s31 =	sadd.s32 $0x80, s31;
	vm0 =	veq.s32 v3, v0;
	v3 =	vmax.f32 v2, v4  }
0x7e: {  	s1 =	simm.s32 $0x5830  }
0x7f: {  	v4 =	vld [tilespmem:s1+$0x0];
	_ =	sdelay $0x3  }
0x80: {  	v2 =	vsel vm0, v3, v2  }
0x81: {  	s30 =	simm.s32 $0x1;
	vm0 =	veq.s32 v1, v0;
	s31 =	simm.s32 $0x58B0;
	v1 =	vmax.f32 v2, v4  }
.LBB2_24:
0x82: {  	v3 =	vld [tilespmem:s31+$0x0];
	p0 =	sne.s32 s30, $0xF;
	v2 =	vsel vm0, v1, v2;
	s1 =	smov.u32 s30;
	s30 =	sadd.s32 $0x1, s30  }
.Ltmp11:
0x83: {  	(pc) =	sbr.rel @p0 .LBB2_24-.Ltmp11, $3  }
0x84: {  	_ =	sdelay $0x1  }
0x85: {  	v1 =	vmov s1  }
0x86: {  	s31 =	sadd.s32 $0x80, s31;
	vm0 =	veq.s32 v1, v0;
	v1 =	vmax.f32 v2, v3  }
0x87: {  	s1 =	simm.s32 $0x6040  }
0x88: {  	v3 =	vld [tilespmem:s1+$0x0];
	_ =	sdelay $0x2  }
0x89: {  	s1 =	simm.s32 $0x0  }
0x8a: {  	v2 =	vsel vm0, v1, v2;
	v1 =	vmov s1  }
0x8b: {  	s30 =	simm.s32 $0x1;
	s31 =	simm.s32 $0x60C0;
	vm0 =	veq.s32 v1, v0;
	v3 =	vmax.f32 v2, v3  }
.LBB2_26:
0x8c: {  	v4 =	vld [tilespmem:s31+$0x0];
	p0 =	sne.s32 s30, $0xF;
	v2 =	vsel vm0, v3, v2;
	s1 =	smov.u32 s30;
	s30 =	sadd.s32 $0x1, s30  }
.Ltmp12:
0x8d: {  	(pc) =	sbr.rel @p0 .LBB2_26-.Ltmp12, $3  }
0x8e: {  	_ =	sdelay $0x1  }
0x8f: {  	v3 =	vmov s1  }
0x90: {  	s31 =	sadd.s32 $0x80, s31;
	vm0 =	veq.s32 v3, v0;
	v3 =	vmax.f32 v2, v4  }
0x91: {  	s1 =	simm.s32 $0x6850  }
0x92: {  	v4 =	vld [tilespmem:s1+$0x0];
	_ =	sdelay $0x3  }
0x93: {  	v2 =	vsel vm0, v3, v2  }
0x94: {  	s30 =	simm.s32 $0x1;
	vm0 =	veq.s32 v1, v0;
	s31 =	simm.s32 $0x68D0;
	v1 =	vmax.f32 v2, v4  }
.LBB2_28:
0x95: {  	v3 =	vld [tilespmem:s31+$0x0];
	p0 =	sne.s32 s30, $0xF;
	v2 =	vsel vm0, v1, v2;
	s1 =	smov.u32 s30;
	s30 =	sadd.s32 $0x1, s30  }
.Ltmp13:
0x96: {  	(pc) =	sbr.rel @p0 .LBB2_28-.Ltmp13, $3  }
0x97: {  	_ =	sdelay $0x1  }
0x98: {  	v1 =	vmov s1  }
0x99: {  	s31 =	sadd.s32 $0x80, s31;
	vm0 =	veq.s32 v1, v0;
	v1 =	vmax.f32 v2, v3  }
0x9a: {  	s1 =	simm.s32 $0x7060  }
0x9b: {  	v3 =	vld [tilespmem:s1+$0x0];
	_ =	sdelay $0x2  }
0x9c: {  	s1 =	simm.s32 $0x0  }
0x9d: {  	v1 =	vsel vm0, v1, v2;
	v2 =	vmov s1  }
0x9e: {  	s30 =	simm.s32 $0x1;
	s31 =	simm.s32 $0x70E0;
	vm0 =	veq.s32 v2, v0;
	v3 =	vmax.f32 v1, v3  }
.LBB2_30:
0x9f: {  	v4 =	vld [tilespmem:s31+$0x0];
	p0 =	sne.s32 s30, $0xF;
	v1 =	vsel vm0, v3, v1;
	s1 =	smov.u32 s30;
	s30 =	sadd.s32 $0x1, s30  }
.Ltmp14:
0xa0: {  	(pc) =	sbr.rel @p0 .LBB2_30-.Ltmp14, $3  }
0xa1: {  	_ =	sdelay $0x1  }
0xa2: {  	v3 =	vmov s1  }
0xa3: {  	s31 =	sadd.s32 $0x80, s31;
	vm0 =	veq.s32 v3, v0;
	v3 =	vmax.f32 v1, v4  }
0xa4: {  	s1 =	simm.s32 $0x7870  }
0xa5: {  	v4 =	vld [tilespmem:s1+$0x0];
	_ =	sdelay $0x3  }
0xa6: {  	v1 =	vsel vm0, v3, v1  }
0xa7: {  	s30 =	simm.s32 $0x1;
	vm0 =	veq.s32 v2, v0;
	s31 =	simm.s32 $0x78F0;
	v2 =	vmax.f32 v1, v4  }
.LBB2_32:
0xa8: {  	v3 =	vld [tilespmem:s31+$0x0];
	p0 =	sne.s32 s30, $0xF;
	v1 =	vsel vm0, v2, v1;
	s1 =	smov.u32 s30;
	s30 =	sadd.s32 $0x1, s30  }
.Ltmp15:
0xa9: {  	(pc) =	sbr.rel @p0 .LBB2_32-.Ltmp15, $3  }
0xaa: {  	_ =	sdelay $0x1  }
0xab: {  	v2 =	vmov s1  }
0xac: {  	s31 =	sadd.s32 $0x80, s31;
	vm0 =	veq.s32 v2, v0;
	v2 =	vmax.f32 v1, v3  }
0xad: {  	_ =	swait.ge [sflag:s23], $0x4000  }
0xae: {  	[sflag:s23] =	ssyncset.done $0x0  }
0xaf: {  	s1 =	simm.s32 $0x0;
	[sflag:s23] =	ssyncadd.s32 $0xFFFFC000  }
0xb0: {  	[tilespmem:s24], [sflag:$0x2] =	stream.strided.gather [hbm4b:s6+s21], $0x4000, s22, s21, $0x38;
	[tilespmem:$0x8200] =	vst v63  }
0xb1: {  	v3 =	vld [tilespmem:s1+$0x0];
	_ =	sdelay $0x3  }
0xb2: {  	v2 =	vsel vm0, v2, v1;
	v1 =	vmov s1  }
0xb3: {  	s30 =	simm.s32 $0x1;
	s31 =	simm.s32 $0x80;
	vm0 =	veq.s32 v1, v0;
	v3 =	vmax.f32 v2, v3  }
.LBB2_34:
0xb4: {  	v4 =	vld [tilespmem:s31+$0x0];
	p0 =	sne.s32 s30, $0xF;
	v2 =	vsel vm0, v3, v2;
	s1 =	smov.u32 s30;
	s30 =	sadd.s32 $0x1, s30  }
.Ltmp16:
0xb5: {  	(pc) =	sbr.rel @p0 .LBB2_34-.Ltmp16, $3  }
0xb6: {  	_ =	sdelay $0x1  }
0xb7: {  	v3 =	vmov s1  }
0xb8: {  	s31 =	sadd.s32 $0x80, s31;
	vm0 =	veq.s32 v3, v0;
	v3 =	vmax.f32 v2, v4  }
0xb9: {  	s1 =	simm.s32 $0x810  }
0xba: {  	v4 =	vld [tilespmem:s1+$0x0];
	_ =	sdelay $0x3  }
0xbb: {  	v2 =	vsel vm0, v3, v2  }
0xbc: {  	s30 =	simm.s32 $0x1;
	vm0 =	veq.s32 v1, v0;
	s31 =	simm.s32 $0x890;
	v1 =	vmax.f32 v2, v4  }
.LBB2_36:
0xbd: {  	v3 =	vld [tilespmem:s31+$0x0];
	p0 =	sne.s32 s30, $0xF;
	v2 =	vsel vm0, v1, v2;
	s1 =	smov.u32 s30;
	s30 =	sadd.s32 $0x1, s30  }
.Ltmp17:
0xbe: {  	(pc) =	sbr.rel @p0 .LBB2_36-.Ltmp17, $3  }
0xbf: {  	_ =	sdelay $0x1  }
0xc0: {  	v1 =	vmov s1  }
0xc1: {  	s31 =	sadd.s32 $0x80, s31;
	vm0 =	veq.s32 v1, v0;
	v1 =	vmax.f32 v2, v3  }
0xc2: {  	s1 =	simm.s32 $0x1020  }
0xc3: {  	v3 =	vld [tilespmem:s1+$0x0];
	_ =	sdelay $0x2  }
0xc4: {  	s1 =	simm.s32 $0x0  }
0xc5: {  	v2 =	vsel vm0, v1, v2;
	v1 =	vmov s1  }
0xc6: {  	s30 =	simm.s32 $0x1;
	s31 =	simm.s32 $0x10A0;
	vm0 =	veq.s32 v1, v0;
	v3 =	vmax.f32 v2, v3  }
.LBB2_38:
0xc7: {  	v4 =	vld [tilespmem:s31+$0x0];
	p0 =	sne.s32 s30, $0xF;
	v2 =	vsel vm0, v3, v2;
	s1 =	smov.u32 s30;
	s30 =	sadd.s32 $0x1, s30  }
.Ltmp18:
0xc8: {  	(pc) =	sbr.rel @p0 .LBB2_38-.Ltmp18, $3  }
0xc9: {  	_ =	sdelay $0x1  }
0xca: {  	v3 =	vmov s1  }
0xcb: {  	s31 =	sadd.s32 $0x80, s31;
	vm0 =	veq.s32 v3, v0;
	v3 =	vmax.f32 v2, v4  }
0xcc: {  	s1 =	simm.s32 $0x1830  }
0xcd: {  	v4 =	vld [tilespmem:s1+$0x0];
	_ =	sdelay $0x3  }
0xce: {  	v2 =	vsel vm0, v3, v2  }
0xcf: {  	s30 =	simm.s32 $0x1;
	vm0 =	veq.s32 v1, v0;
	s31 =	simm.s32 $0x18B0;
	v1 =	vmax.f32 v2, v4  }
.LBB2_40:
0xd0: {  	v3 =	vld [tilespmem:s31+$0x0];
	p0 =	sne.s32 s30, $0xF;
	v2 =	vsel vm0, v1, v2;
	s1 =	smov.u32 s30;
	s30 =	sadd.s32 $0x1, s30  }
.Ltmp19:
0xd1: {  	(pc) =	sbr.rel @p0 .LBB2_40-.Ltmp19, $3  }
0xd2: {  	_ =	sdelay $0x1  }
0xd3: {  	v1 =	vmov s1  }
0xd4: {  	s31 =	sadd.s32 $0x80, s31;
	vm0 =	veq.s32 v1, v0;
	v1 =	vmax.f32 v2, v3  }
0xd5: {  	s1 =	simm.s32 $0x2040  }
0xd6: {  	v3 =	vld [tilespmem:s1+$0x0];
	_ =	sdelay $0x2  }
0xd7: {  	s1 =	simm.s32 $0x0  }
0xd8: {  	v2 =	vsel vm0, v1, v2;
	v1 =	vmov s1  }
0xd9: {  	s30 =	simm.s32 $0x1;
	s31 =	simm.s32 $0x20C0;
	vm0 =	veq.s32 v1, v0;
	v3 =	vmax.f32 v2, v3  }
.LBB2_42:
0xda: {  	v4 =	vld [tilespmem:s31+$0x0];
	p0 =	sne.s32 s30, $0xF;
	v2 =	vsel vm0, v3, v2;
	s1 =	smov.u32 s30;
	s30 =	sadd.s32 $0x1, s30  }
.Ltmp20:
0xdb: {  	(pc) =	sbr.rel @p0 .LBB2_42-.Ltmp20, $3  }
0xdc: {  	_ =	sdelay $0x1  }
0xdd: {  	v3 =	vmov s1  }
0xde: {  	s31 =	sadd.s32 $0x80, s31;
	vm0 =	veq.s32 v3, v0;
	v3 =	vmax.f32 v2, v4  }
0xdf: {  	s1 =	simm.s32 $0x2850  }
0xe0: {  	v4 =	vld [tilespmem:s1+$0x0];
	_ =	sdelay $0x3  }
0xe1: {  	v2 =	vsel vm0, v3, v2  }
0xe2: {  	s30 =	simm.s32 $0x1;
	vm0 =	veq.s32 v1, v0;
	s31 =	simm.s32 $0x28D0;
	v1 =	vmax.f32 v2, v4  }
.LBB2_44:
0xe3: {  	v3 =	vld [tilespmem:s31+$0x0];
	p0 =	sne.s32 s30, $0xF;
	v2 =	vsel vm0, v1, v2;
	s1 =	smov.u32 s30;
	s30 =	sadd.s32 $0x1, s30  }
.Ltmp21:
0xe4: {  	(pc) =	sbr.rel @p0 .LBB2_44-.Ltmp21, $3  }
0xe5: {  	_ =	sdelay $0x1  }
0xe6: {  	v1 =	vmov s1  }
0xe7: {  	s31 =	sadd.s32 $0x80, s31;
	vm0 =	veq.s32 v1, v0;
	v1 =	vmax.f32 v2, v3  }
0xe8: {  	s1 =	simm.s32 $0x3060  }
0xe9: {  	v3 =	vld [tilespmem:s1+$0x0];
	_ =	sdelay $0x2  }
0xea: {  	s1 =	simm.s32 $0x0  }
0xeb: {  	v1 =	vsel vm0, v1, v2;
	v2 =	vmov s1  }
0xec: {  	s30 =	simm.s32 $0x1;
	s31 =	simm.s32 $0x30E0;
	vm0 =	veq.s32 v2, v0;
	v3 =	vmax.f32 v1, v3  }
.LBB2_46:
0xed: {  	v4 =	vld [tilespmem:s31+$0x0];
	p0 =	sne.s32 s30, $0xF;
	v1 =	vsel vm0, v3, v1;
	s1 =	smov.u32 s30;
	s30 =	sadd.s32 $0x1, s30  }
.Ltmp22:
0xee: {  	(pc) =	sbr.rel @p0 .LBB2_46-.Ltmp22, $3  }
0xef: {  	_ =	sdelay $0x1  }
0xf0: {  	v3 =	vmov s1  }
0xf1: {  	s31 =	sadd.s32 $0x80, s31;
	vm0 =	veq.s32 v3, v0;
	v3 =	vmax.f32 v1, v4  }
0xf2: {  	s1 =	simm.s32 $0x3870  }
0xf3: {  	v4 =	vld [tilespmem:s1+$0x0];
	_ =	sdelay $0x3  }
0xf4: {  	v1 =	vsel vm0, v3, v1  }
0xf5: {  	s30 =	simm.s32 $0x1;
	vm0 =	veq.s32 v2, v0;
	s31 =	simm.s32 $0x38F0;
	v2 =	vmax.f32 v1, v4  }
.LBB2_48:
0xf6: {  	v3 =	vld [tilespmem:s31+$0x0];
	p0 =	sne.s32 s30, $0xF;
	v1 =	vsel vm0, v2, v1;
	s1 =	smov.u32 s30;
	s30 =	sadd.s32 $0x1, s30  }
.Ltmp23:
0xf7: {  	(pc) =	sbr.rel @p0 .LBB2_48-.Ltmp23, $3  }
0xf8: {  	_ =	sdelay $0x1  }
0xf9: {  	v2 =	vmov s1  }
0xfa: {  	s31 =	sadd.s32 $0x80, s31;
	vm0 =	veq.s32 v2, v0;
	v2 =	vmax.f32 v1, v3  }
0xfb: {  	_ =	swait.ge [sflag:s25], $0x4000  }
0xfc: {  	[sflag:s25] =	ssyncset.done $0x0  }
0xfd: {  	s1 =	simm.s32 $0x0;
	s30 =	simm.s32 $0x4000;
	[sflag:s25] =	ssyncadd.s32 $0xFFFFC000  }
0xfe: {  	[tilespmem:s1], [sflag:$0x1] =	stream.strided.gather [hbm4b:s7+s21], $0x4000, s22, s21, $0x38;
	[tilespmem:$0x8200] =	vst v63  }
0xff: {  	v3 =	vld [tilespmem:s30+$0x0];
	_ =	sdelay $0x3  }
0x100: {  	v2 =	vsel vm0, v2, v1;
	v1 =	vmov s1  }
0x101: {  	s31 =	simm.s32 $0x4080;
	vm0 =	veq.s32 v1, v0;
	s30 =	simm.s32 $0x1;
	v3 =	vmax.f32 v2, v3  }
.LBB2_50:
0x102: {  	v4 =	vld [tilespmem:s31+$0x0];
	p0 =	sne.s32 s30, $0xF;
	v2 =	vsel vm0, v3, v2;
	s1 =	smov.u32 s30;
	s30 =	sadd.s32 $0x1, s30  }
.Ltmp24:
0x103: {  	(pc) =	sbr.rel @p0 .LBB2_50-.Ltmp24, $3  }
0x104: {  	_ =	sdelay $0x1  }
0x105: {  	v3 =	vmov s1  }
0x106: {  	s31 =	sadd.s32 $0x80, s31;
	vm0 =	veq.s32 v3, v0;
	v3 =	vmax.f32 v2, v4  }
0x107: {  	s1 =	simm.s32 $0x4810  }
0x108: {  	v4 =	vld [tilespmem:s1+$0x0];
	_ =	sdelay $0x3  }
0x109: {  	v2 =	vsel vm0, v3, v2  }
0x10a: {  	s30 =	simm.s32 $0x1;
	vm0 =	veq.s32 v1, v0;
	s31 =	simm.s32 $0x4890;
	v1 =	vmax.f32 v2, v4  }
.LBB2_52:
0x10b: {  	v3 =	vld [tilespmem:s31+$0x0];
	p0 =	sne.s32 s30, $0xF;
	v2 =	vsel vm0, v1, v2;
	s1 =	smov.u32 s30;
	s30 =	sadd.s32 $0x1, s30  }
.Ltmp25:
0x10c: {  	(pc) =	sbr.rel @p0 .LBB2_52-.Ltmp25, $3  }
0x10d: {  	_ =	sdelay $0x1  }
0x10e: {  	v1 =	vmov s1  }
0x10f: {  	s31 =	sadd.s32 $0x80, s31;
	vm0 =	veq.s32 v1, v0;
	v1 =	vmax.f32 v2, v3  }
0x110: {  	s1 =	simm.s32 $0x5020  }
0x111: {  	v3 =	vld [tilespmem:s1+$0x0];
	_ =	sdelay $0x2  }
0x112: {  	s1 =	simm.s32 $0x0  }
0x113: {  	v2 =	vsel vm0, v1, v2;
	v1 =	vmov s1  }
0x114: {  	s30 =	simm.s32 $0x1;
	s31 =	simm.s32 $0x50A0;
	vm0 =	veq.s32 v1, v0;
	v3 =	vmax.f32 v2, v3  }
.LBB2_54:
0x115: {  	v4 =	vld [tilespmem:s31+$0x0];
	p0 =	sne.s32 s30, $0xF;
	v2 =	vsel vm0, v3, v2;
	s1 =	smov.u32 s30;
	s30 =	sadd.s32 $0x1, s30  }
.Ltmp26:
0x116: {  	(pc) =	sbr.rel @p0 .LBB2_54-.Ltmp26, $3  }
0x117: {  	_ =	sdelay $0x1  }
0x118: {  	v3 =	vmov s1  }
0x119: {  	s31 =	sadd.s32 $0x80, s31;
	vm0 =	veq.s32 v3, v0;
	v3 =	vmax.f32 v2, v4  }
0x11a: {  	s1 =	simm.s32 $0x5830  }
0x11b: {  	v4 =	vld [tilespmem:s1+$0x0];
	_ =	sdelay $0x3  }
0x11c: {  	v2 =	vsel vm0, v3, v2  }
0x11d: {  	s30 =	simm.s32 $0x1;
	vm0 =	veq.s32 v1, v0;
	s31 =	simm.s32 $0x58B0;
	v1 =	vmax.f32 v2, v4  }
.LBB2_56:
0x11e: {  	v3 =	vld [tilespmem:s31+$0x0];
	p0 =	sne.s32 s30, $0xF;
	v2 =	vsel vm0, v1, v2;
	s1 =	smov.u32 s30;
	s30 =	sadd.s32 $0x1, s30  }
.Ltmp27:
0x11f: {  	(pc) =	sbr.rel @p0 .LBB2_56-.Ltmp27, $3  }
0x120: {  	_ =	sdelay $0x1  }
0x121: {  	v1 =	vmov s1  }
0x122: {  	s31 =	sadd.s32 $0x80, s31;
	vm0 =	veq.s32 v1, v0;
	v1 =	vmax.f32 v2, v3  }
0x123: {  	s1 =	simm.s32 $0x6040  }
0x124: {  	v3 =	vld [tilespmem:s1+$0x0];
	_ =	sdelay $0x2  }
0x125: {  	s1 =	simm.s32 $0x0  }
0x126: {  	v2 =	vsel vm0, v1, v2;
	v1 =	vmov s1  }
0x127: {  	s30 =	simm.s32 $0x1;
	s31 =	simm.s32 $0x60C0;
	vm0 =	veq.s32 v1, v0;
	v3 =	vmax.f32 v2, v3  }
.LBB2_58:
0x128: {  	v4 =	vld [tilespmem:s31+$0x0];
	p0 =	sne.s32 s30, $0xF;
	v2 =	vsel vm0, v3, v2;
	s1 =	smov.u32 s30;
	s30 =	sadd.s32 $0x1, s30  }
.Ltmp28:
0x129: {  	(pc) =	sbr.rel @p0 .LBB2_58-.Ltmp28, $3  }
0x12a: {  	_ =	sdelay $0x1  }
0x12b: {  	v3 =	vmov s1  }
0x12c: {  	s31 =	sadd.s32 $0x80, s31;
	vm0 =	veq.s32 v3, v0;
	v3 =	vmax.f32 v2, v4  }
0x12d: {  	s1 =	simm.s32 $0x6850  }
0x12e: {  	v4 =	vld [tilespmem:s1+$0x0];
	_ =	sdelay $0x3  }
0x12f: {  	v2 =	vsel vm0, v3, v2  }
0x130: {  	s30 =	simm.s32 $0x1;
	vm0 =	veq.s32 v1, v0;
	s31 =	simm.s32 $0x68D0;
	v1 =	vmax.f32 v2, v4  }
.LBB2_60:
0x131: {  	v3 =	vld [tilespmem:s31+$0x0];
	p0 =	sne.s32 s30, $0xF;
	v2 =	vsel vm0, v1, v2;
	s1 =	smov.u32 s30;
	s30 =	sadd.s32 $0x1, s30  }
.Ltmp29:
0x132: {  	(pc) =	sbr.rel @p0 .LBB2_60-.Ltmp29, $3  }
0x133: {  	_ =	sdelay $0x1  }
0x134: {  	v1 =	vmov s1  }
0x135: {  	s31 =	sadd.s32 $0x80, s31;
	vm0 =	veq.s32 v1, v0;
	v1 =	vmax.f32 v2, v3  }
0x136: {  	s1 =	simm.s32 $0x7060  }
0x137: {  	v3 =	vld [tilespmem:s1+$0x0];
	_ =	sdelay $0x2  }
0x138: {  	s1 =	simm.s32 $0x0  }
0x139: {  	v2 =	vsel vm0, v1, v2;
	v1 =	vmov s1  }
0x13a: {  	s30 =	simm.s32 $0x1;
	s31 =	simm.s32 $0x70E0;
	vm0 =	veq.s32 v1, v0;
	v3 =	vmax.f32 v2, v3  }
.LBB2_62:
0x13b: {  	v4 =	vld [tilespmem:s31+$0x0];
	p0 =	sne.s32 s30, $0xF;
	v2 =	vsel vm0, v3, v2;
	s1 =	smov.u32 s30;
	s30 =	sadd.s32 $0x1, s30  }
.Ltmp30:
0x13c: {  	(pc) =	sbr.rel @p0 .LBB2_62-.Ltmp30, $3  }
0x13d: {  	_ =	sdelay $0x1  }
0x13e: {  	v3 =	vmov s1  }
0x13f: {  	s31 =	sadd.s32 $0x80, s31;
	vm0 =	veq.s32 v3, v0;
	v3 =	vmax.f32 v2, v4  }
0x140: {  	s1 =	simm.s32 $0x7870  }
0x141: {  	v4 =	vld [tilespmem:s1+$0x0];
	_ =	sdelay $0x3  }
0x142: {  	v2 =	vsel vm0, v3, v2  }
0x143: {  	s30 =	simm.s32 $0x1;
	vm0 =	veq.s32 v1, v0;
	s31 =	simm.s32 $0x78F0;
	v1 =	vmax.f32 v2, v4  }
.LBB2_64:
0x144: {  	v3 =	vld [tilespmem:s31+$0x0];
	p0 =	sne.s32 s30, $0xF;
	v2 =	vsel vm0, v1, v2;
	s1 =	smov.u32 s30;
	s30 =	sadd.s32 $0x1, s30  }
.Ltmp31:
0x145: {  	(pc) =	sbr.rel @p0 .LBB2_64-.Ltmp31, $3  }
0x146: {  	_ =	sdelay $0x1  }
0x147: {  	v1 =	vmov s1  }
0x148: {  	s31 =	sadd.s32 $0x80, s31;
	vm0 =	veq.s32 v1, v0;
	v1 =	vmax.f32 v2, v3  }
0x149: {  	v1 =	vsel vm0, v1, v2  }
0x14a: {  	[tilespmem:$0x8000] =	vst v1  }
0x14b: {  	_ =	swait.ge [sflag:s23], $0x4000  }
0x14c: {  	[sflag:s23] =	ssyncset.done $0x0  }
0x14d: {  	s1 =	simm.s32 $0x0;
	[sflag:s23] =	ssyncadd.s32 $0xFFFFC000  }
0x14e: {  	[tilespmem:s24], [sflag:$0x2] =	stream.strided.gather [hbm4b:s8+s21], $0x4000, s22, s21, $0x38;
	[tilespmem:$0x8200] =	vst v63  }
0x14f: {  	v3 =	vld [tilespmem:s1+$0x0];
	_ =	sdelay $0x3  }
0x150: {  	v2 =	vimm.f32 $-Inf;
	v1 =	vmov s1  }
0x151: {  	s30 =	simm.s32 $0x1;
	s31 =	simm.s32 $0x80;
	vm0 =	veq.s32 v1, v0;
	v3 =	vmax.f32 v2, v3  }
.LBB2_66:
0x152: {  	v4 =	vld [tilespmem:s31+$0x0];
	p0 =	sne.s32 s30, $0xF;
	v2 =	vsel vm0, v3, v2;
	s1 =	smov.u32 s30;
	s30 =	sadd.s32 $0x1, s30  }
.Ltmp32:
0x153: {  	(pc) =	sbr.rel @p0 .LBB2_66-.Ltmp32, $3  }
0x154: {  	_ =	sdelay $0x1  }
0x155: {  	v3 =	vmov s1  }
0x156: {  	s31 =	sadd.s32 $0x80, s31;
	vm0 =	veq.s32 v3, v0;
	v3 =	vmax.f32 v2, v4  }
0x157: {  	s1 =	simm.s32 $0x810  }
0x158: {  	v4 =	vld [tilespmem:s1+$0x0];
	_ =	sdelay $0x3  }
0x159: {  	v2 =	vsel vm0, v3, v2  }
0x15a: {  	s30 =	simm.s32 $0x1;
	vm0 =	veq.s32 v1, v0;
	s31 =	simm.s32 $0x890;
	v1 =	vmax.f32 v2, v4  }
.LBB2_68:
0x15b: {  	v3 =	vld [tilespmem:s31+$0x0];
	p0 =	sne.s32 s30, $0xF;
	v2 =	vsel vm0, v1, v2;
	s1 =	smov.u32 s30;
	s30 =	sadd.s32 $0x1, s30  }
.Ltmp33:
0x15c: {  	(pc) =	sbr.rel @p0 .LBB2_68-.Ltmp33, $3  }
0x15d: {  	_ =	sdelay $0x1  }
0x15e: {  	v1 =	vmov s1  }
0x15f: {  	s31 =	sadd.s32 $0x80, s31;
	vm0 =	veq.s32 v1, v0;
	v1 =	vmax.f32 v2, v3  }
0x160: {  	s1 =	simm.s32 $0x1020  }
0x161: {  	v3 =	vld [tilespmem:s1+$0x0];
	_ =	sdelay $0x2  }
0x162: {  	s1 =	simm.s32 $0x0  }
0x163: {  	v2 =	vsel vm0, v1, v2;
	v1 =	vmov s1  }
0x164: {  	s30 =	simm.s32 $0x1;
	s31 =	simm.s32 $0x10A0;
	vm0 =	veq.s32 v1, v0;
	v3 =	vmax.f32 v2, v3  }
.LBB2_70:
0x165: {  	v4 =	vld [tilespmem:s31+$0x0];
	p0 =	sne.s32 s30, $0xF;
	v2 =	vsel vm0, v3, v2;
	s1 =	smov.u32 s30;
	s30 =	sadd.s32 $0x1, s30  }
.Ltmp34:
0x166: {  	(pc) =	sbr.rel @p0 .LBB2_70-.Ltmp34, $3  }
0x167: {  	_ =	sdelay $0x1  }
0x168: {  	v3 =	vmov s1  }
0x169: {  	s31 =	sadd.s32 $0x80, s31;
	vm0 =	veq.s32 v3, v0;
	v3 =	vmax.f32 v2, v4  }
0x16a: {  	s1 =	simm.s32 $0x1830  }
0x16b: {  	v4 =	vld [tilespmem:s1+$0x0];
	_ =	sdelay $0x3  }
0x16c: {  	v2 =	vsel vm0, v3, v2  }
0x16d: {  	s30 =	simm.s32 $0x1;
	vm0 =	veq.s32 v1, v0;
	s31 =	simm.s32 $0x18B0;
	v1 =	vmax.f32 v2, v4  }
.LBB2_72:
0x16e: {  	v3 =	vld [tilespmem:s31+$0x0];
	p0 =	sne.s32 s30, $0xF;
	v2 =	vsel vm0, v1, v2;
	s1 =	smov.u32 s30;
	s30 =	sadd.s32 $0x1, s30  }
.Ltmp35:
0x16f: {  	(pc) =	sbr.rel @p0 .LBB2_72-.Ltmp35, $3  }
0x170: {  	_ =	sdelay $0x1  }
0x171: {  	v1 =	vmov s1  }
0x172: {  	s31 =	sadd.s32 $0x80, s31;
	vm0 =	veq.s32 v1, v0;
	v1 =	vmax.f32 v2, v3  }
0x173: {  	s1 =	simm.s32 $0x2040  }
0x174: {  	v3 =	vld [tilespmem:s1+$0x0];
	_ =	sdelay $0x2  }
0x175: {  	s1 =	simm.s32 $0x0  }
0x176: {  	v2 =	vsel vm0, v1, v2;
	v1 =	vmov s1  }
0x177: {  	s30 =	simm.s32 $0x1;
	s31 =	simm.s32 $0x20C0;
	vm0 =	veq.s32 v1, v0;
	v3 =	vmax.f32 v2, v3  }
.LBB2_74:
0x178: {  	v4 =	vld [tilespmem:s31+$0x0];
	p0 =	sne.s32 s30, $0xF;
	v2 =	vsel vm0, v3, v2;
	s1 =	smov.u32 s30;
	s30 =	sadd.s32 $0x1, s30  }
.Ltmp36:
0x179: {  	(pc) =	sbr.rel @p0 .LBB2_74-.Ltmp36, $3  }
0x17a: {  	_ =	sdelay $0x1  }
0x17b: {  	v3 =	vmov s1  }
0x17c: {  	s31 =	sadd.s32 $0x80, s31;
	vm0 =	veq.s32 v3, v0;
	v3 =	vmax.f32 v2, v4  }
0x17d: {  	s1 =	simm.s32 $0x2850  }
0x17e: {  	v4 =	vld [tilespmem:s1+$0x0];
	_ =	sdelay $0x3  }
0x17f: {  	v2 =	vsel vm0, v3, v2  }
0x180: {  	s30 =	simm.s32 $0x1;
	vm0 =	veq.s32 v1, v0;
	s31 =	simm.s32 $0x28D0;
	v1 =	vmax.f32 v2, v4  }
.LBB2_76:
0x181: {  	v3 =	vld [tilespmem:s31+$0x0];
	p0 =	sne.s32 s30, $0xF;
	v2 =	vsel vm0, v1, v2;
	s1 =	smov.u32 s30;
	s30 =	sadd.s32 $0x1, s30  }
.Ltmp37:
0x182: {  	(pc) =	sbr.rel @p0 .LBB2_76-.Ltmp37, $3  }
0x183: {  	_ =	sdelay $0x1  }
0x184: {  	v1 =	vmov s1  }
0x185: {  	s31 =	sadd.s32 $0x80, s31;
	vm0 =	veq.s32 v1, v0;
	v1 =	vmax.f32 v2, v3  }
0x186: {  	s1 =	simm.s32 $0x3060  }
0x187: {  	v3 =	vld [tilespmem:s1+$0x0];
	_ =	sdelay $0x2  }
0x188: {  	s1 =	simm.s32 $0x0  }
0x189: {  	v1 =	vsel vm0, v1, v2;
	v2 =	vmov s1  }
0x18a: {  	s30 =	simm.s32 $0x1;
	s31 =	simm.s32 $0x30E0;
	vm0 =	veq.s32 v2, v0;
	v3 =	vmax.f32 v1, v3  }
.LBB2_78:
0x18b: {  	v4 =	vld [tilespmem:s31+$0x0];
	p0 =	sne.s32 s30, $0xF;
	v1 =	vsel vm0, v3, v1;
	s1 =	smov.u32 s30;
	s30 =	sadd.s32 $0x1, s30  }
.Ltmp38:
0x18c: {  	(pc) =	sbr.rel @p0 .LBB2_78-.Ltmp38, $3  }
0x18d: {  	_ =	sdelay $0x1  }
0x18e: {  	v3 =	vmov s1  }
0x18f: {  	s31 =	sadd.s32 $0x80, s31;
	vm0 =	veq.s32 v3, v0;
	v3 =	vmax.f32 v1, v4  }
0x190: {  	s1 =	simm.s32 $0x3870  }
0x191: {  	v4 =	vld [tilespmem:s1+$0x0];
	_ =	sdelay $0x3  }
0x192: {  	v1 =	vsel vm0, v3, v1  }
0x193: {  	s30 =	simm.s32 $0x1;
	vm0 =	veq.s32 v2, v0;
	s31 =	simm.s32 $0x38F0;
	v2 =	vmax.f32 v1, v4  }
.LBB2_80:
0x194: {  	v3 =	vld [tilespmem:s31+$0x0];
	p0 =	sne.s32 s30, $0xF;
	v1 =	vsel vm0, v2, v1;
	s1 =	smov.u32 s30;
	s30 =	sadd.s32 $0x1, s30  }
.Ltmp39:
0x195: {  	(pc) =	sbr.rel @p0 .LBB2_80-.Ltmp39, $3  }
0x196: {  	_ =	sdelay $0x1  }
0x197: {  	v2 =	vmov s1  }
0x198: {  	s31 =	sadd.s32 $0x80, s31;
	vm0 =	veq.s32 v2, v0;
	v2 =	vmax.f32 v1, v3  }
0x199: {  	_ =	swait.ge [sflag:s25], $0x4000  }
0x19a: {  	[sflag:s25] =	ssyncset.done $0x0  }
0x19b: {  	s1 =	simm.s32 $0x0;
	s30 =	simm.s32 $0x4000;
	[sflag:s25] =	ssyncadd.s32 $0xFFFFC000  }
0x19c: {  	[tilespmem:s1], [sflag:$0x1] =	stream.strided.gather [hbm4b:s9+s21], $0x4000, s22, s21, $0x38;
	[tilespmem:$0x8200] =	vst v63  }
0x19d: {  	v3 =	vld [tilespmem:s30+$0x0];
	_ =	sdelay $0x3  }
0x19e: {  	v2 =	vsel vm0, v2, v1;
	v1 =	vmov s1  }
0x19f: {  	s31 =	simm.s32 $0x4080;
	vm0 =	veq.s32 v1, v0;
	s30 =	simm.s32 $0x1;
	v3 =	vmax.f32 v2, v3  }
.LBB2_82:
0x1a0: {  	v4 =	vld [tilespmem:s31+$0x0];
	p0 =	sne.s32 s30, $0xF;
	v2 =	vsel vm0, v3, v2;
	s1 =	smov.u32 s30;
	s30 =	sadd.s32 $0x1, s30  }
.Ltmp40:
0x1a1: {  	(pc) =	sbr.rel @p0 .LBB2_82-.Ltmp40, $3  }
0x1a2: {  	_ =	sdelay $0x1  }
0x1a3: {  	v3 =	vmov s1  }
0x1a4: {  	s31 =	sadd.s32 $0x80, s31;
	vm0 =	veq.s32 v3, v0;
	v3 =	vmax.f32 v2, v4  }
0x1a5: {  	s1 =	simm.s32 $0x4810  }
0x1a6: {  	v4 =	vld [tilespmem:s1+$0x0];
	_ =	sdelay $0x3  }
0x1a7: {  	v2 =	vsel vm0, v3, v2  }
0x1a8: {  	s30 =	simm.s32 $0x1;
	vm0 =	veq.s32 v1, v0;
	s31 =	simm.s32 $0x4890;
	v1 =	vmax.f32 v2, v4  }
.LBB2_84:
0x1a9: {  	v3 =	vld [tilespmem:s31+$0x0];
	p0 =	sne.s32 s30, $0xF;
	v2 =	vsel vm0, v1, v2;
	s1 =	smov.u32 s30;
	s30 =	sadd.s32 $0x1, s30  }
.Ltmp41:
0x1aa: {  	(pc) =	sbr.rel @p0 .LBB2_84-.Ltmp41, $3  }
0x1ab: {  	_ =	sdelay $0x1  }
0x1ac: {  	v1 =	vmov s1  }
0x1ad: {  	s31 =	sadd.s32 $0x80, s31;
	vm0 =	veq.s32 v1, v0;
	v1 =	vmax.f32 v2, v3  }
0x1ae: {  	s1 =	simm.s32 $0x5020  }
0x1af: {  	v3 =	vld [tilespmem:s1+$0x0];
	_ =	sdelay $0x2  }
0x1b0: {  	s1 =	simm.s32 $0x0  }
0x1b1: {  	v2 =	vsel vm0, v1, v2;
	v1 =	vmov s1  }
0x1b2: {  	s30 =	simm.s32 $0x1;
	s31 =	simm.s32 $0x50A0;
	vm0 =	veq.s32 v1, v0;
	v3 =	vmax.f32 v2, v3  }
.LBB2_86:
0x1b3: {  	v4 =	vld [tilespmem:s31+$0x0];
	p0 =	sne.s32 s30, $0xF;
	v2 =	vsel vm0, v3, v2;
	s1 =	smov.u32 s30;
	s30 =	sadd.s32 $0x1, s30  }
.Ltmp42:
0x1b4: {  	(pc) =	sbr.rel @p0 .LBB2_86-.Ltmp42, $3  }
0x1b5: {  	_ =	sdelay $0x1  }
0x1b6: {  	v3 =	vmov s1  }
0x1b7: {  	s31 =	sadd.s32 $0x80, s31;
	vm0 =	veq.s32 v3, v0;
	v3 =	vmax.f32 v2, v4  }
0x1b8: {  	s1 =	simm.s32 $0x5830  }
0x1b9: {  	v4 =	vld [tilespmem:s1+$0x0];
	_ =	sdelay $0x3  }
0x1ba: {  	v2 =	vsel vm0, v3, v2  }
0x1bb: {  	s30 =	simm.s32 $0x1;
	vm0 =	veq.s32 v1, v0;
	s31 =	simm.s32 $0x58B0;
	v1 =	vmax.f32 v2, v4  }
.LBB2_88:
0x1bc: {  	v3 =	vld [tilespmem:s31+$0x0];
	p0 =	sne.s32 s30, $0xF;
	v2 =	vsel vm0, v1, v2;
	s1 =	smov.u32 s30;
	s30 =	sadd.s32 $0x1, s30  }
.Ltmp43:
0x1bd: {  	(pc) =	sbr.rel @p0 .LBB2_88-.Ltmp43, $3  }
0x1be: {  	_ =	sdelay $0x1  }
0x1bf: {  	v1 =	vmov s1  }
0x1c0: {  	s31 =	sadd.s32 $0x80, s31;
	vm0 =	veq.s32 v1, v0;
	v1 =	vmax.f32 v2, v3  }
0x1c1: {  	s1 =	simm.s32 $0x6040  }
0x1c2: {  	v3 =	vld [tilespmem:s1+$0x0];
	_ =	sdelay $0x2  }
0x1c3: {  	s1 =	simm.s32 $0x0  }
0x1c4: {  	v2 =	vsel vm0, v1, v2;
	v1 =	vmov s1  }
0x1c5: {  	s30 =	simm.s32 $0x1;
	s31 =	simm.s32 $0x60C0;
	vm0 =	veq.s32 v1, v0;
	v3 =	vmax.f32 v2, v3  }
.LBB2_90:
0x1c6: {  	v4 =	vld [tilespmem:s31+$0x0];
	p0 =	sne.s32 s30, $0xF;
	v2 =	vsel vm0, v3, v2;
	s1 =	smov.u32 s30;
	s30 =	sadd.s32 $0x1, s30  }
.Ltmp44:
0x1c7: {  	(pc) =	sbr.rel @p0 .LBB2_90-.Ltmp44, $3  }
0x1c8: {  	_ =	sdelay $0x1  }
0x1c9: {  	v3 =	vmov s1  }
0x1ca: {  	s31 =	sadd.s32 $0x80, s31;
	vm0 =	veq.s32 v3, v0;
	v3 =	vmax.f32 v2, v4  }
0x1cb: {  	s1 =	simm.s32 $0x6850  }
0x1cc: {  	v4 =	vld [tilespmem:s1+$0x0];
	_ =	sdelay $0x3  }
0x1cd: {  	v2 =	vsel vm0, v3, v2  }
0x1ce: {  	s30 =	simm.s32 $0x1;
	vm0 =	veq.s32 v1, v0;
	s31 =	simm.s32 $0x68D0;
	v1 =	vmax.f32 v2, v4  }
.LBB2_92:
0x1cf: {  	v3 =	vld [tilespmem:s31+$0x0];
	p0 =	sne.s32 s30, $0xF;
	v2 =	vsel vm0, v1, v2;
	s1 =	smov.u32 s30;
	s30 =	sadd.s32 $0x1, s30  }
.Ltmp45:
0x1d0: {  	(pc) =	sbr.rel @p0 .LBB2_92-.Ltmp45, $3  }
0x1d1: {  	_ =	sdelay $0x1  }
0x1d2: {  	v1 =	vmov s1  }
0x1d3: {  	s31 =	sadd.s32 $0x80, s31;
	vm0 =	veq.s32 v1, v0;
	v1 =	vmax.f32 v2, v3  }
0x1d4: {  	s1 =	simm.s32 $0x7060  }
0x1d5: {  	v3 =	vld [tilespmem:s1+$0x0];
	_ =	sdelay $0x2  }
0x1d6: {  	s1 =	simm.s32 $0x0  }
0x1d7: {  	v1 =	vsel vm0, v1, v2;
	v2 =	vmov s1  }
0x1d8: {  	s30 =	simm.s32 $0x1;
	s31 =	simm.s32 $0x70E0;
	vm0 =	veq.s32 v2, v0;
	v3 =	vmax.f32 v1, v3  }
.LBB2_94:
0x1d9: {  	v4 =	vld [tilespmem:s31+$0x0];
	p0 =	sne.s32 s30, $0xF;
	v1 =	vsel vm0, v3, v1;
	s1 =	smov.u32 s30;
	s30 =	sadd.s32 $0x1, s30  }
.Ltmp46:
0x1da: {  	(pc) =	sbr.rel @p0 .LBB2_94-.Ltmp46, $3  }
0x1db: {  	_ =	sdelay $0x1  }
0x1dc: {  	v3 =	vmov s1  }
0x1dd: {  	s31 =	sadd.s32 $0x80, s31;
	vm0 =	veq.s32 v3, v0;
	v3 =	vmax.f32 v1, v4  }
0x1de: {  	s1 =	simm.s32 $0x7870  }
0x1df: {  	v4 =	vld [tilespmem:s1+$0x0];
	_ =	sdelay $0x3  }
0x1e0: {  	v1 =	vsel vm0, v3, v1  }
0x1e1: {  	s30 =	simm.s32 $0x1;
	vm0 =	veq.s32 v2, v0;
	s31 =	simm.s32 $0x78F0;
	v2 =	vmax.f32 v1, v4  }
.LBB2_96:
0x1e2: {  	v3 =	vld [tilespmem:s31+$0x0];
	p0 =	sne.s32 s30, $0xF;
	v1 =	vsel vm0, v2, v1;
	s1 =	smov.u32 s30;
	s30 =	sadd.s32 $0x1, s30  }
.Ltmp47:
0x1e3: {  	(pc) =	sbr.rel @p0 .LBB2_96-.Ltmp47, $3  }
0x1e4: {  	_ =	sdelay $0x1  }
0x1e5: {  	v2 =	vmov s1  }
0x1e6: {  	s31 =	sadd.s32 $0x80, s31;
	vm0 =	veq.s32 v2, v0;
	v2 =	vmax.f32 v1, v3  }
0x1e7: {  	_ =	swait.ge [sflag:s23], $0x4000  }
0x1e8: {  	[sflag:s23] =	ssyncset.done $0x0  }
0x1e9: {  	s1 =	simm.s32 $0x0;
	[sflag:s23] =	ssyncadd.s32 $0xFFFFC000  }
0x1ea: {  	[tilespmem:s24], [sflag:$0x2] =	stream.strided.gather [hbm4b:s10+s21], $0x4000, s22, s21, $0x38;
	[tilespmem:$0x8200] =	vst v63  }
0x1eb: {  	v3 =	vld [tilespmem:s1+$0x0];
	_ =	sdelay $0x3  }
0x1ec: {  	v2 =	vsel vm0, v2, v1;
	v1 =	vmov s1  }
0x1ed: {  	s30 =	simm.s32 $0x1;
	s31 =	simm.s32 $0x80;
	vm0 =	veq.s32 v1, v0;
	v3 =	vmax.f32 v2, v3  }
.LBB2_98:
0x1ee: {  	v4 =	vld [tilespmem:s31+$0x0];
	p0 =	sne.s32 s30, $0xF;
	v2 =	vsel vm0, v3, v2;
	s1 =	smov.u32 s30;
	s30 =	sadd.s32 $0x1, s30  }
.Ltmp48:
0x1ef: {  	(pc) =	sbr.rel @p0 .LBB2_98-.Ltmp48, $3  }
0x1f0: {  	_ =	sdelay $0x1  }
0x1f1: {  	v3 =	vmov s1  }
0x1f2: {  	s31 =	sadd.s32 $0x80, s31;
	vm0 =	veq.s32 v3, v0;
	v3 =	vmax.f32 v2, v4  }
0x1f3: {  	s1 =	simm.s32 $0x810  }
0x1f4: {  	v4 =	vld [tilespmem:s1+$0x0];
	_ =	sdelay $0x3  }
0x1f5: {  	v2 =	vsel vm0, v3, v2  }
0x1f6: {  	s30 =	simm.s32 $0x1;
	vm0 =	veq.s32 v1, v0;
	s31 =	simm.s32 $0x890;
	v1 =	vmax.f32 v2, v4  }
.LBB2_100:
0x1f7: {  	v3 =	vld [tilespmem:s31+$0x0];
	p0 =	sne.s32 s30, $0xF;
	v2 =	vsel vm0, v1, v2;
	s1 =	smov.u32 s30;
	s30 =	sadd.s32 $0x1, s30  }
.Ltmp49:
0x1f8: {  	(pc) =	sbr.rel @p0 .LBB2_100-.Ltmp49, $3  }
0x1f9: {  	_ =	sdelay $0x1  }
0x1fa: {  	v1 =	vmov s1  }
0x1fb: {  	s31 =	sadd.s32 $0x80, s31;
	vm0 =	veq.s32 v1, v0;
	v1 =	vmax.f32 v2, v3  }
0x1fc: {  	s1 =	simm.s32 $0x1020  }
0x1fd: {  	v3 =	vld [tilespmem:s1+$0x0];
	_ =	sdelay $0x2  }
0x1fe: {  	s1 =	simm.s32 $0x0  }
0x1ff: {  	v2 =	vsel vm0, v1, v2;
	v1 =	vmov s1  }
0x200: {  	s30 =	simm.s32 $0x1;
	s31 =	simm.s32 $0x10A0;
	vm0 =	veq.s32 v1, v0;
	v3 =	vmax.f32 v2, v3  }
.LBB2_102:
0x201: {  	v4 =	vld [tilespmem:s31+$0x0];
	p0 =	sne.s32 s30, $0xF;
	v2 =	vsel vm0, v3, v2;
	s1 =	smov.u32 s30;
	s30 =	sadd.s32 $0x1, s30  }
.Ltmp50:
0x202: {  	(pc) =	sbr.rel @p0 .LBB2_102-.Ltmp50, $3  }
0x203: {  	_ =	sdelay $0x1  }
0x204: {  	v3 =	vmov s1  }
0x205: {  	s31 =	sadd.s32 $0x80, s31;
	vm0 =	veq.s32 v3, v0;
	v3 =	vmax.f32 v2, v4  }
0x206: {  	s1 =	simm.s32 $0x1830  }
0x207: {  	v4 =	vld [tilespmem:s1+$0x0];
	_ =	sdelay $0x3  }
0x208: {  	v2 =	vsel vm0, v3, v2  }
0x209: {  	s30 =	simm.s32 $0x1;
	vm0 =	veq.s32 v1, v0;
	s31 =	simm.s32 $0x18B0;
	v1 =	vmax.f32 v2, v4  }
.LBB2_104:
0x20a: {  	v3 =	vld [tilespmem:s31+$0x0];
	p0 =	sne.s32 s30, $0xF;
	v2 =	vsel vm0, v1, v2;
	s1 =	smov.u32 s30;
	s30 =	sadd.s32 $0x1, s30  }
.Ltmp51:
0x20b: {  	(pc) =	sbr.rel @p0 .LBB2_104-.Ltmp51, $3  }
0x20c: {  	_ =	sdelay $0x1  }
0x20d: {  	v1 =	vmov s1  }
0x20e: {  	s31 =	sadd.s32 $0x80, s31;
	vm0 =	veq.s32 v1, v0;
	v1 =	vmax.f32 v2, v3  }
0x20f: {  	s1 =	simm.s32 $0x2040  }
0x210: {  	v3 =	vld [tilespmem:s1+$0x0];
	_ =	sdelay $0x2  }
0x211: {  	s1 =	simm.s32 $0x0  }
0x212: {  	v2 =	vsel vm0, v1, v2;
	v1 =	vmov s1  }
0x213: {  	s30 =	simm.s32 $0x1;
	s31 =	simm.s32 $0x20C0;
	vm0 =	veq.s32 v1, v0;
	v3 =	vmax.f32 v2, v3  }
.LBB2_106:
0x214: {  	v4 =	vld [tilespmem:s31+$0x0];
	p0 =	sne.s32 s30, $0xF;
	v2 =	vsel vm0, v3, v2;
	s1 =	smov.u32 s30;
	s30 =	sadd.s32 $0x1, s30  }
.Ltmp52:
0x215: {  	(pc) =	sbr.rel @p0 .LBB2_106-.Ltmp52, $3  }
0x216: {  	_ =	sdelay $0x1  }
0x217: {  	v3 =	vmov s1  }
0x218: {  	s31 =	sadd.s32 $0x80, s31;
	vm0 =	veq.s32 v3, v0;
	v3 =	vmax.f32 v2, v4  }
0x219: {  	s1 =	simm.s32 $0x2850  }
0x21a: {  	v4 =	vld [tilespmem:s1+$0x0];
	_ =	sdelay $0x3  }
0x21b: {  	v2 =	vsel vm0, v3, v2  }
0x21c: {  	s30 =	simm.s32 $0x1;
	vm0 =	veq.s32 v1, v0;
	s31 =	simm.s32 $0x28D0;
	v1 =	vmax.f32 v2, v4  }
.LBB2_108:
0x21d: {  	v3 =	vld [tilespmem:s31+$0x0];
	p0 =	sne.s32 s30, $0xF;
	v2 =	vsel vm0, v1, v2;
	s1 =	smov.u32 s30;
	s30 =	sadd.s32 $0x1, s30  }
.Ltmp53:
0x21e: {  	(pc) =	sbr.rel @p0 .LBB2_108-.Ltmp53, $3  }
0x21f: {  	_ =	sdelay $0x1  }
0x220: {  	v1 =	vmov s1  }
0x221: {  	s31 =	sadd.s32 $0x80, s31;
	vm0 =	veq.s32 v1, v0;
	v1 =	vmax.f32 v2, v3  }
0x222: {  	s1 =	simm.s32 $0x3060  }
0x223: {  	v3 =	vld [tilespmem:s1+$0x0];
	_ =	sdelay $0x2  }
0x224: {  	s1 =	simm.s32 $0x0  }
0x225: {  	v1 =	vsel vm0, v1, v2;
	v2 =	vmov s1  }
0x226: {  	s30 =	simm.s32 $0x1;
	s31 =	simm.s32 $0x30E0;
	vm0 =	veq.s32 v2, v0;
	v3 =	vmax.f32 v1, v3  }
.LBB2_110:
0x227: {  	v4 =	vld [tilespmem:s31+$0x0];
	p0 =	sne.s32 s30, $0xF;
	v1 =	vsel vm0, v3, v1;
	s1 =	smov.u32 s30;
	s30 =	sadd.s32 $0x1, s30  }
.Ltmp54:
0x228: {  	(pc) =	sbr.rel @p0 .LBB2_110-.Ltmp54, $3  }
0x229: {  	_ =	sdelay $0x1  }
0x22a: {  	v3 =	vmov s1  }
0x22b: {  	s31 =	sadd.s32 $0x80, s31;
	vm0 =	veq.s32 v3, v0;
	v3 =	vmax.f32 v1, v4  }
0x22c: {  	s1 =	simm.s32 $0x3870  }
0x22d: {  	v4 =	vld [tilespmem:s1+$0x0];
	_ =	sdelay $0x3  }
0x22e: {  	v1 =	vsel vm0, v3, v1  }
0x22f: {  	s30 =	simm.s32 $0x1;
	vm0 =	veq.s32 v2, v0;
	s31 =	simm.s32 $0x38F0;
	v2 =	vmax.f32 v1, v4  }
.LBB2_112:
0x230: {  	v3 =	vld [tilespmem:s31+$0x0];
	p0 =	sne.s32 s30, $0xF;
	v1 =	vsel vm0, v2, v1;
	s1 =	smov.u32 s30;
	s30 =	sadd.s32 $0x1, s30  }
.Ltmp55:
0x231: {  	(pc) =	sbr.rel @p0 .LBB2_112-.Ltmp55, $3  }
0x232: {  	_ =	sdelay $0x1  }
0x233: {  	v2 =	vmov s1  }
0x234: {  	s31 =	sadd.s32 $0x80, s31;
	vm0 =	veq.s32 v2, v0;
	v2 =	vmax.f32 v1, v3  }
0x235: {  	_ =	swait.ge [sflag:s25], $0x4000  }
0x236: {  	[sflag:s25] =	ssyncset.done $0x0  }
0x237: {  	s1 =	simm.s32 $0x0;
	s30 =	simm.s32 $0x4000;
	[sflag:s25] =	ssyncadd.s32 $0xFFFFC000  }
0x238: {  	[tilespmem:s1], [sflag:$0x1] =	stream.strided.gather [hbm4b:s11+s21], $0x4000, s22, s21, $0x38;
	[tilespmem:$0x8200] =	vst v63  }
0x239: {  	v3 =	vld [tilespmem:s30+$0x0];
	_ =	sdelay $0x3  }
0x23a: {  	v2 =	vsel vm0, v2, v1;
	v1 =	vmov s1  }
0x23b: {  	s31 =	simm.s32 $0x4080;
	vm0 =	veq.s32 v1, v0;
	s30 =	simm.s32 $0x1;
	v3 =	vmax.f32 v2, v3  }
.LBB2_114:
0x23c: {  	v4 =	vld [tilespmem:s31+$0x0];
	p0 =	sne.s32 s30, $0xF;
	v2 =	vsel vm0, v3, v2;
	s1 =	smov.u32 s30;
	s30 =	sadd.s32 $0x1, s30  }
.Ltmp56:
0x23d: {  	(pc) =	sbr.rel @p0 .LBB2_114-.Ltmp56, $3  }
0x23e: {  	_ =	sdelay $0x1  }
0x23f: {  	v3 =	vmov s1  }
0x240: {  	s31 =	sadd.s32 $0x80, s31;
	vm0 =	veq.s32 v3, v0;
	v3 =	vmax.f32 v2, v4  }
0x241: {  	s1 =	simm.s32 $0x4810  }
0x242: {  	v4 =	vld [tilespmem:s1+$0x0];
	_ =	sdelay $0x3  }
0x243: {  	v2 =	vsel vm0, v3, v2  }
0x244: {  	s30 =	simm.s32 $0x1;
	vm0 =	veq.s32 v1, v0;
	s31 =	simm.s32 $0x4890;
	v1 =	vmax.f32 v2, v4  }
.LBB2_116:
0x245: {  	v3 =	vld [tilespmem:s31+$0x0];
	p0 =	sne.s32 s30, $0xF;
	v2 =	vsel vm0, v1, v2;
	s1 =	smov.u32 s30;
	s30 =	sadd.s32 $0x1, s30  }
.Ltmp57:
0x246: {  	(pc) =	sbr.rel @p0 .LBB2_116-.Ltmp57, $3  }
0x247: {  	_ =	sdelay $0x1  }
0x248: {  	v1 =	vmov s1  }
0x249: {  	s31 =	sadd.s32 $0x80, s31;
	vm0 =	veq.s32 v1, v0;
	v1 =	vmax.f32 v2, v3  }
0x24a: {  	s1 =	simm.s32 $0x5020  }
0x24b: {  	v3 =	vld [tilespmem:s1+$0x0];
	_ =	sdelay $0x2  }
0x24c: {  	s1 =	simm.s32 $0x0  }
0x24d: {  	v2 =	vsel vm0, v1, v2;
	v1 =	vmov s1  }
0x24e: {  	s30 =	simm.s32 $0x1;
	s31 =	simm.s32 $0x50A0;
	vm0 =	veq.s32 v1, v0;
	v3 =	vmax.f32 v2, v3  }
.LBB2_118:
0x24f: {  	v4 =	vld [tilespmem:s31+$0x0];
	p0 =	sne.s32 s30, $0xF;
	v2 =	vsel vm0, v3, v2;
	s1 =	smov.u32 s30;
	s30 =	sadd.s32 $0x1, s30  }
.Ltmp58:
0x250: {  	(pc) =	sbr.rel @p0 .LBB2_118-.Ltmp58, $3  }
0x251: {  	_ =	sdelay $0x1  }
0x252: {  	v3 =	vmov s1  }
0x253: {  	s31 =	sadd.s32 $0x80, s31;
	vm0 =	veq.s32 v3, v0;
	v3 =	vmax.f32 v2, v4  }
0x254: {  	s1 =	simm.s32 $0x5830  }
0x255: {  	v4 =	vld [tilespmem:s1+$0x0];
	_ =	sdelay $0x3  }
0x256: {  	v2 =	vsel vm0, v3, v2  }
0x257: {  	s30 =	simm.s32 $0x1;
	vm0 =	veq.s32 v1, v0;
	s31 =	simm.s32 $0x58B0;
	v1 =	vmax.f32 v2, v4  }
.LBB2_120:
0x258: {  	v3 =	vld [tilespmem:s31+$0x0];
	p0 =	sne.s32 s30, $0xF;
	v2 =	vsel vm0, v1, v2;
	s1 =	smov.u32 s30;
	s30 =	sadd.s32 $0x1, s30  }
.Ltmp59:
0x259: {  	(pc) =	sbr.rel @p0 .LBB2_120-.Ltmp59, $3  }
0x25a: {  	_ =	sdelay $0x1  }
0x25b: {  	v1 =	vmov s1  }
0x25c: {  	s31 =	sadd.s32 $0x80, s31;
	vm0 =	veq.s32 v1, v0;
	v1 =	vmax.f32 v2, v3  }
0x25d: {  	s1 =	simm.s32 $0x6040  }
0x25e: {  	v3 =	vld [tilespmem:s1+$0x0];
	_ =	sdelay $0x2  }
0x25f: {  	s1 =	simm.s32 $0x0  }
0x260: {  	v2 =	vsel vm0, v1, v2;
	v1 =	vmov s1  }
0x261: {  	s30 =	simm.s32 $0x1;
	s31 =	simm.s32 $0x60C0;
	vm0 =	veq.s32 v1, v0;
	v3 =	vmax.f32 v2, v3  }
.LBB2_122:
0x262: {  	v4 =	vld [tilespmem:s31+$0x0];
	p0 =	sne.s32 s30, $0xF;
	v2 =	vsel vm0, v3, v2;
	s1 =	smov.u32 s30;
	s30 =	sadd.s32 $0x1, s30  }
.Ltmp60:
0x263: {  	(pc) =	sbr.rel @p0 .LBB2_122-.Ltmp60, $3  }
0x264: {  	_ =	sdelay $0x1  }
0x265: {  	v3 =	vmov s1  }
0x266: {  	s31 =	sadd.s32 $0x80, s31;
	vm0 =	veq.s32 v3, v0;
	v3 =	vmax.f32 v2, v4  }
0x267: {  	s1 =	simm.s32 $0x6850  }
0x268: {  	v4 =	vld [tilespmem:s1+$0x0];
	_ =	sdelay $0x3  }
0x269: {  	v2 =	vsel vm0, v3, v2  }
0x26a: {  	s30 =	simm.s32 $0x1;
	vm0 =	veq.s32 v1, v0;
	s31 =	simm.s32 $0x68D0;
	v1 =	vmax.f32 v2, v4  }
.LBB2_124:
0x26b: {  	v3 =	vld [tilespmem:s31+$0x0];
	p0 =	sne.s32 s30, $0xF;
	v2 =	vsel vm0, v1, v2;
	s1 =	smov.u32 s30;
	s30 =	sadd.s32 $0x1, s30  }
.Ltmp61:
0x26c: {  	(pc) =	sbr.rel @p0 .LBB2_124-.Ltmp61, $3  }
0x26d: {  	_ =	sdelay $0x1  }
0x26e: {  	v1 =	vmov s1  }
0x26f: {  	s31 =	sadd.s32 $0x80, s31;
	vm0 =	veq.s32 v1, v0;
	v1 =	vmax.f32 v2, v3  }
0x270: {  	s1 =	simm.s32 $0x7060  }
0x271: {  	v3 =	vld [tilespmem:s1+$0x0];
	_ =	sdelay $0x2  }
0x272: {  	s1 =	simm.s32 $0x0  }
0x273: {  	v2 =	vsel vm0, v1, v2;
	v1 =	vmov s1  }
0x274: {  	s30 =	simm.s32 $0x1;
	s31 =	simm.s32 $0x70E0;
	vm0 =	veq.s32 v1, v0;
	v3 =	vmax.f32 v2, v3  }
.LBB2_126:
0x275: {  	v4 =	vld [tilespmem:s31+$0x0];
	p0 =	sne.s32 s30, $0xF;
	v2 =	vsel vm0, v3, v2;
	s1 =	smov.u32 s30;
	s30 =	sadd.s32 $0x1, s30  }
.Ltmp62:
0x276: {  	(pc) =	sbr.rel @p0 .LBB2_126-.Ltmp62, $3  }
0x277: {  	_ =	sdelay $0x1  }
0x278: {  	v3 =	vmov s1  }
0x279: {  	s31 =	sadd.s32 $0x80, s31;
	vm0 =	veq.s32 v3, v0;
	v3 =	vmax.f32 v2, v4  }
0x27a: {  	s1 =	simm.s32 $0x7870  }
0x27b: {  	v4 =	vld [tilespmem:s1+$0x0];
	_ =	sdelay $0x3  }
0x27c: {  	v2 =	vsel vm0, v3, v2  }
0x27d: {  	s30 =	simm.s32 $0x1;
	vm0 =	veq.s32 v1, v0;
	s31 =	simm.s32 $0x78F0;
	v1 =	vmax.f32 v2, v4  }
.LBB2_128:
0x27e: {  	v3 =	vld [tilespmem:s31+$0x0];
	p0 =	sne.s32 s30, $0xF;
	v2 =	vsel vm0, v1, v2;
	s1 =	smov.u32 s30;
	s30 =	sadd.s32 $0x1, s30  }
.Ltmp63:
0x27f: {  	(pc) =	sbr.rel @p0 .LBB2_128-.Ltmp63, $3  }
0x280: {  	_ =	sdelay $0x1  }
0x281: {  	v1 =	vmov s1  }
0x282: {  	s31 =	sadd.s32 $0x80, s31;
	vm0 =	veq.s32 v1, v0;
	v1 =	vmax.f32 v2, v3  }
0x283: {  	v1 =	vsel vm0, v1, v2  }
0x284: {  	[tilespmem:$0x8080] =	vst v1  }
0x285: {  	_ =	swait.ge [sflag:s23], $0x4000  }
0x286: {  	[sflag:s23] =	ssyncset.done $0x0  }
0x287: {  	s1 =	simm.s32 $0x0;
	[sflag:s23] =	ssyncadd.s32 $0xFFFFC000  }
0x288: {  	[tilespmem:s24], [sflag:$0x2] =	stream.strided.gather [hbm4b:s12+s21], $0x4000, s22, s21, $0x38;
	[tilespmem:$0x8200] =	vst v63  }
0x289: {  	v3 =	vld [tilespmem:s1+$0x0];
	_ =	sdelay $0x3  }
0x28a: {  	v2 =	vimm.f32 $-Inf;
	v1 =	vmov s1  }
0x28b: {  	s30 =	simm.s32 $0x1;
	s31 =	simm.s32 $0x80;
	vm0 =	veq.s32 v1, v0;
	v3 =	vmax.f32 v2, v3  }
.LBB2_130:
0x28c: {  	v4 =	vld [tilespmem:s31+$0x0];
	p0 =	sne.s32 s30, $0xF;
	v2 =	vsel vm0, v3, v2;
	s1 =	smov.u32 s30;
	s30 =	sadd.s32 $0x1, s30  }
.Ltmp64:
0x28d: {  	(pc) =	sbr.rel @p0 .LBB2_130-.Ltmp64, $3  }
0x28e: {  	_ =	sdelay $0x1  }
0x28f: {  	v3 =	vmov s1  }
0x290: {  	s31 =	sadd.s32 $0x80, s31;
	vm0 =	veq.s32 v3, v0;
	v3 =	vmax.f32 v2, v4  }
0x291: {  	s1 =	simm.s32 $0x810  }
0x292: {  	v4 =	vld [tilespmem:s1+$0x0];
	_ =	sdelay $0x3  }
0x293: {  	v2 =	vsel vm0, v3, v2  }
0x294: {  	s30 =	simm.s32 $0x1;
	vm0 =	veq.s32 v1, v0;
	s31 =	simm.s32 $0x890;
	v1 =	vmax.f32 v2, v4  }
.LBB2_132:
0x295: {  	v3 =	vld [tilespmem:s31+$0x0];
	p0 =	sne.s32 s30, $0xF;
	v2 =	vsel vm0, v1, v2;
	s1 =	smov.u32 s30;
	s30 =	sadd.s32 $0x1, s30  }
.Ltmp65:
0x296: {  	(pc) =	sbr.rel @p0 .LBB2_132-.Ltmp65, $3  }
0x297: {  	_ =	sdelay $0x1  }
0x298: {  	v1 =	vmov s1  }
0x299: {  	s31 =	sadd.s32 $0x80, s31;
	vm0 =	veq.s32 v1, v0;
	v1 =	vmax.f32 v2, v3  }
0x29a: {  	s1 =	simm.s32 $0x1020  }
0x29b: {  	v3 =	vld [tilespmem:s1+$0x0];
	_ =	sdelay $0x2  }
0x29c: {  	s1 =	simm.s32 $0x0  }
0x29d: {  	v2 =	vsel vm0, v1, v2;
	v1 =	vmov s1  }
0x29e: {  	s30 =	simm.s32 $0x1;
	s31 =	simm.s32 $0x10A0;
	vm0 =	veq.s32 v1, v0;
	v3 =	vmax.f32 v2, v3  }
.LBB2_134:
0x29f: {  	v4 =	vld [tilespmem:s31+$0x0];
	p0 =	sne.s32 s30, $0xF;
	v2 =	vsel vm0, v3, v2;
	s1 =	smov.u32 s30;
	s30 =	sadd.s32 $0x1, s30  }
.Ltmp66:
0x2a0: {  	(pc) =	sbr.rel @p0 .LBB2_134-.Ltmp66, $3  }
0x2a1: {  	_ =	sdelay $0x1  }
0x2a2: {  	v3 =	vmov s1  }
0x2a3: {  	s31 =	sadd.s32 $0x80, s31;
	vm0 =	veq.s32 v3, v0;
	v3 =	vmax.f32 v2, v4  }
0x2a4: {  	s1 =	simm.s32 $0x1830  }
0x2a5: {  	v4 =	vld [tilespmem:s1+$0x0];
	_ =	sdelay $0x3  }
0x2a6: {  	v2 =	vsel vm0, v3, v2  }
0x2a7: {  	s30 =	simm.s32 $0x1;
	vm0 =	veq.s32 v1, v0;
	s31 =	simm.s32 $0x18B0;
	v1 =	vmax.f32 v2, v4  }
.LBB2_136:
0x2a8: {  	v3 =	vld [tilespmem:s31+$0x0];
	p0 =	sne.s32 s30, $0xF;
	v2 =	vsel vm0, v1, v2;
	s1 =	smov.u32 s30;
	s30 =	sadd.s32 $0x1, s30  }
.Ltmp67:
0x2a9: {  	(pc) =	sbr.rel @p0 .LBB2_136-.Ltmp67, $3  }
0x2aa: {  	_ =	sdelay $0x1  }
0x2ab: {  	v1 =	vmov s1  }
0x2ac: {  	s31 =	sadd.s32 $0x80, s31;
	vm0 =	veq.s32 v1, v0;
	v1 =	vmax.f32 v2, v3  }
0x2ad: {  	s1 =	simm.s32 $0x2040  }
0x2ae: {  	v3 =	vld [tilespmem:s1+$0x0];
	_ =	sdelay $0x2  }
0x2af: {  	s1 =	simm.s32 $0x0  }
0x2b0: {  	v2 =	vsel vm0, v1, v2;
	v1 =	vmov s1  }
0x2b1: {  	s30 =	simm.s32 $0x1;
	s31 =	simm.s32 $0x20C0;
	vm0 =	veq.s32 v1, v0;
	v3 =	vmax.f32 v2, v3  }
.LBB2_138:
0x2b2: {  	v4 =	vld [tilespmem:s31+$0x0];
	p0 =	sne.s32 s30, $0xF;
	v2 =	vsel vm0, v3, v2;
	s1 =	smov.u32 s30;
	s30 =	sadd.s32 $0x1, s30  }
.Ltmp68:
0x2b3: {  	(pc) =	sbr.rel @p0 .LBB2_138-.Ltmp68, $3  }
0x2b4: {  	_ =	sdelay $0x1  }
0x2b5: {  	v3 =	vmov s1  }
0x2b6: {  	s31 =	sadd.s32 $0x80, s31;
	vm0 =	veq.s32 v3, v0;
	v3 =	vmax.f32 v2, v4  }
0x2b7: {  	s1 =	simm.s32 $0x2850  }
0x2b8: {  	v4 =	vld [tilespmem:s1+$0x0];
	_ =	sdelay $0x3  }
0x2b9: {  	v2 =	vsel vm0, v3, v2  }
0x2ba: {  	s30 =	simm.s32 $0x1;
	vm0 =	veq.s32 v1, v0;
	s31 =	simm.s32 $0x28D0;
	v1 =	vmax.f32 v2, v4  }
.LBB2_140:
0x2bb: {  	v3 =	vld [tilespmem:s31+$0x0];
	p0 =	sne.s32 s30, $0xF;
	v2 =	vsel vm0, v1, v2;
	s1 =	smov.u32 s30;
	s30 =	sadd.s32 $0x1, s30  }
.Ltmp69:
0x2bc: {  	(pc) =	sbr.rel @p0 .LBB2_140-.Ltmp69, $3  }
0x2bd: {  	_ =	sdelay $0x1  }
0x2be: {  	v1 =	vmov s1  }
0x2bf: {  	s31 =	sadd.s32 $0x80, s31;
	vm0 =	veq.s32 v1, v0;
	v1 =	vmax.f32 v2, v3  }
0x2c0: {  	s1 =	simm.s32 $0x3060  }
0x2c1: {  	v3 =	vld [tilespmem:s1+$0x0];
	_ =	sdelay $0x2  }
0x2c2: {  	s1 =	simm.s32 $0x0  }
0x2c3: {  	v1 =	vsel vm0, v1, v2;
	v2 =	vmov s1  }
0x2c4: {  	s30 =	simm.s32 $0x1;
	s31 =	simm.s32 $0x30E0;
	vm0 =	veq.s32 v2, v0;
	v3 =	vmax.f32 v1, v3  }
.LBB2_142:
0x2c5: {  	v4 =	vld [tilespmem:s31+$0x0];
	p0 =	sne.s32 s30, $0xF;
	v1 =	vsel vm0, v3, v1;
	s1 =	smov.u32 s30;
	s30 =	sadd.s32 $0x1, s30  }
.Ltmp70:
0x2c6: {  	(pc) =	sbr.rel @p0 .LBB2_142-.Ltmp70, $3  }
0x2c7: {  	_ =	sdelay $0x1  }
0x2c8: {  	v3 =	vmov s1  }
0x2c9: {  	s31 =	sadd.s32 $0x80, s31;
	vm0 =	veq.s32 v3, v0;
	v3 =	vmax.f32 v1, v4  }
0x2ca: {  	s1 =	simm.s32 $0x3870  }
0x2cb: {  	v4 =	vld [tilespmem:s1+$0x0];
	_ =	sdelay $0x3  }
0x2cc: {  	v1 =	vsel vm0, v3, v1  }
0x2cd: {  	s30 =	simm.s32 $0x1;
	vm0 =	veq.s32 v2, v0;
	s31 =	simm.s32 $0x38F0;
	v2 =	vmax.f32 v1, v4  }
.LBB2_144:
0x2ce: {  	v3 =	vld [tilespmem:s31+$0x0];
	p0 =	sne.s32 s30, $0xF;
	v1 =	vsel vm0, v2, v1;
	s1 =	smov.u32 s30;
	s30 =	sadd.s32 $0x1, s30  }
.Ltmp71:
0x2cf: {  	(pc) =	sbr.rel @p0 .LBB2_144-.Ltmp71, $3  }
0x2d0: {  	_ =	sdelay $0x1  }
0x2d1: {  	v2 =	vmov s1  }
0x2d2: {  	s31 =	sadd.s32 $0x80, s31;
	vm0 =	veq.s32 v2, v0;
	v2 =	vmax.f32 v1, v3  }
0x2d3: {  	_ =	swait.ge [sflag:s25], $0x4000  }
0x2d4: {  	[sflag:s25] =	ssyncset.done $0x0  }
0x2d5: {  	s1 =	simm.s32 $0x0;
	s30 =	simm.s32 $0x4000;
	[sflag:s25] =	ssyncadd.s32 $0xFFFFC000  }
0x2d6: {  	[tilespmem:s1], [sflag:$0x1] =	stream.strided.gather [hbm4b:s13+s21], $0x4000, s22, s21, $0x38;
	[tilespmem:$0x8200] =	vst v63  }
0x2d7: {  	v3 =	vld [tilespmem:s30+$0x0];
	_ =	sdelay $0x3  }
0x2d8: {  	v2 =	vsel vm0, v2, v1;
	v1 =	vmov s1  }
0x2d9: {  	s31 =	simm.s32 $0x4080;
	vm0 =	veq.s32 v1, v0;
	s30 =	simm.s32 $0x1;
	v3 =	vmax.f32 v2, v3  }
.LBB2_146:
0x2da: {  	v4 =	vld [tilespmem:s31+$0x0];
	p0 =	sne.s32 s30, $0xF;
	v2 =	vsel vm0, v3, v2;
	s1 =	smov.u32 s30;
	s30 =	sadd.s32 $0x1, s30  }
.Ltmp72:
0x2db: {  	(pc) =	sbr.rel @p0 .LBB2_146-.Ltmp72, $3  }
0x2dc: {  	_ =	sdelay $0x1  }
0x2dd: {  	v3 =	vmov s1  }
0x2de: {  	s31 =	sadd.s32 $0x80, s31;
	vm0 =	veq.s32 v3, v0;
	v3 =	vmax.f32 v2, v4  }
0x2df: {  	s1 =	simm.s32 $0x4810  }
0x2e0: {  	v4 =	vld [tilespmem:s1+$0x0];
	_ =	sdelay $0x3  }
0x2e1: {  	v2 =	vsel vm0, v3, v2  }
0x2e2: {  	s30 =	simm.s32 $0x1;
	vm0 =	veq.s32 v1, v0;
	s31 =	simm.s32 $0x4890;
	v1 =	vmax.f32 v2, v4  }
.LBB2_148:
0x2e3: {  	v3 =	vld [tilespmem:s31+$0x0];
	p0 =	sne.s32 s30, $0xF;
	v2 =	vsel vm0, v1, v2;
	s1 =	smov.u32 s30;
	s30 =	sadd.s32 $0x1, s30  }
.Ltmp73:
0x2e4: {  	(pc) =	sbr.rel @p0 .LBB2_148-.Ltmp73, $3  }
0x2e5: {  	_ =	sdelay $0x1  }
0x2e6: {  	v1 =	vmov s1  }
0x2e7: {  	s31 =	sadd.s32 $0x80, s31;
	vm0 =	veq.s32 v1, v0;
	v1 =	vmax.f32 v2, v3  }
0x2e8: {  	s1 =	simm.s32 $0x5020  }
0x2e9: {  	v3 =	vld [tilespmem:s1+$0x0];
	_ =	sdelay $0x2  }
0x2ea: {  	s1 =	simm.s32 $0x0  }
0x2eb: {  	v2 =	vsel vm0, v1, v2;
	v1 =	vmov s1  }
0x2ec: {  	s30 =	simm.s32 $0x1;
	s31 =	simm.s32 $0x50A0;
	vm0 =	veq.s32 v1, v0;
	v3 =	vmax.f32 v2, v3  }
.LBB2_150:
0x2ed: {  	v4 =	vld [tilespmem:s31+$0x0];
	p0 =	sne.s32 s30, $0xF;
	v2 =	vsel vm0, v3, v2;
	s1 =	smov.u32 s30;
	s30 =	sadd.s32 $0x1, s30  }
.Ltmp74:
0x2ee: {  	(pc) =	sbr.rel @p0 .LBB2_150-.Ltmp74, $3  }
0x2ef: {  	_ =	sdelay $0x1  }
0x2f0: {  	v3 =	vmov s1  }
0x2f1: {  	s31 =	sadd.s32 $0x80, s31;
	vm0 =	veq.s32 v3, v0;
	v3 =	vmax.f32 v2, v4  }
0x2f2: {  	s1 =	simm.s32 $0x5830  }
0x2f3: {  	v4 =	vld [tilespmem:s1+$0x0];
	_ =	sdelay $0x3  }
0x2f4: {  	v2 =	vsel vm0, v3, v2  }
0x2f5: {  	s30 =	simm.s32 $0x1;
	vm0 =	veq.s32 v1, v0;
	s31 =	simm.s32 $0x58B0;
	v1 =	vmax.f32 v2, v4  }
.LBB2_152:
0x2f6: {  	v3 =	vld [tilespmem:s31+$0x0];
	p0 =	sne.s32 s30, $0xF;
	v2 =	vsel vm0, v1, v2;
	s1 =	smov.u32 s30;
	s30 =	sadd.s32 $0x1, s30  }
.Ltmp75:
0x2f7: {  	(pc) =	sbr.rel @p0 .LBB2_152-.Ltmp75, $3  }
0x2f8: {  	_ =	sdelay $0x1  }
0x2f9: {  	v1 =	vmov s1  }
0x2fa: {  	s31 =	sadd.s32 $0x80, s31;
	vm0 =	veq.s32 v1, v0;
	v1 =	vmax.f32 v2, v3  }
0x2fb: {  	s1 =	simm.s32 $0x6040  }
0x2fc: {  	v3 =	vld [tilespmem:s1+$0x0];
	_ =	sdelay $0x2  }
0x2fd: {  	s1 =	simm.s32 $0x0  }
0x2fe: {  	v2 =	vsel vm0, v1, v2;
	v1 =	vmov s1  }
0x2ff: {  	s30 =	simm.s32 $0x1;
	s31 =	simm.s32 $0x60C0;
	vm0 =	veq.s32 v1, v0;
	v3 =	vmax.f32 v2, v3  }
.LBB2_154:
0x300: {  	v4 =	vld [tilespmem:s31+$0x0];
	p0 =	sne.s32 s30, $0xF;
	v2 =	vsel vm0, v3, v2;
	s1 =	smov.u32 s30;
	s30 =	sadd.s32 $0x1, s30  }
.Ltmp76:
0x301: {  	(pc) =	sbr.rel @p0 .LBB2_154-.Ltmp76, $3  }
0x302: {  	_ =	sdelay $0x1  }
0x303: {  	v3 =	vmov s1  }
0x304: {  	s31 =	sadd.s32 $0x80, s31;
	vm0 =	veq.s32 v3, v0;
	v3 =	vmax.f32 v2, v4  }
0x305: {  	s1 =	simm.s32 $0x6850  }
0x306: {  	v4 =	vld [tilespmem:s1+$0x0];
	_ =	sdelay $0x3  }
0x307: {  	v2 =	vsel vm0, v3, v2  }
0x308: {  	s30 =	simm.s32 $0x1;
	vm0 =	veq.s32 v1, v0;
	s31 =	simm.s32 $0x68D0;
	v1 =	vmax.f32 v2, v4  }
.LBB2_156:
0x309: {  	v3 =	vld [tilespmem:s31+$0x0];
	p0 =	sne.s32 s30, $0xF;
	v2 =	vsel vm0, v1, v2;
	s1 =	smov.u32 s30;
	s30 =	sadd.s32 $0x1, s30  }
.Ltmp77:
0x30a: {  	(pc) =	sbr.rel @p0 .LBB2_156-.Ltmp77, $3  }
0x30b: {  	_ =	sdelay $0x1  }
0x30c: {  	v1 =	vmov s1  }
0x30d: {  	s31 =	sadd.s32 $0x80, s31;
	vm0 =	veq.s32 v1, v0;
	v1 =	vmax.f32 v2, v3  }
0x30e: {  	s1 =	simm.s32 $0x7060  }
0x30f: {  	v3 =	vld [tilespmem:s1+$0x0];
	_ =	sdelay $0x2  }
0x310: {  	s1 =	simm.s32 $0x0  }
0x311: {  	v1 =	vsel vm0, v1, v2;
	v2 =	vmov s1  }
0x312: {  	s30 =	simm.s32 $0x1;
	s31 =	simm.s32 $0x70E0;
	vm0 =	veq.s32 v2, v0;
	v3 =	vmax.f32 v1, v3  }
.LBB2_158:
0x313: {  	v4 =	vld [tilespmem:s31+$0x0];
	p0 =	sne.s32 s30, $0xF;
	v1 =	vsel vm0, v3, v1;
	s1 =	smov.u32 s30;
	s30 =	sadd.s32 $0x1, s30  }
.Ltmp78:
0x314: {  	(pc) =	sbr.rel @p0 .LBB2_158-.Ltmp78, $3  }
0x315: {  	_ =	sdelay $0x1  }
0x316: {  	v3 =	vmov s1  }
0x317: {  	s31 =	sadd.s32 $0x80, s31;
	vm0 =	veq.s32 v3, v0;
	v3 =	vmax.f32 v1, v4  }
0x318: {  	s1 =	simm.s32 $0x7870  }
0x319: {  	v4 =	vld [tilespmem:s1+$0x0];
	_ =	sdelay $0x3  }
0x31a: {  	v1 =	vsel vm0, v3, v1  }
0x31b: {  	s30 =	simm.s32 $0x1;
	vm0 =	veq.s32 v2, v0;
	s31 =	simm.s32 $0x78F0;
	v2 =	vmax.f32 v1, v4  }
.LBB2_160:
0x31c: {  	v3 =	vld [tilespmem:s31+$0x0];
	p0 =	sne.s32 s30, $0xF;
	v1 =	vsel vm0, v2, v1;
	s1 =	smov.u32 s30;
	s30 =	sadd.s32 $0x1, s30  }
.Ltmp79:
0x31d: {  	(pc) =	sbr.rel @p0 .LBB2_160-.Ltmp79, $3  }
0x31e: {  	_ =	sdelay $0x1  }
0x31f: {  	v2 =	vmov s1  }
0x320: {  	s31 =	sadd.s32 $0x80, s31;
	vm0 =	veq.s32 v2, v0;
	v2 =	vmax.f32 v1, v3  }
0x321: {  	_ =	swait.ge [sflag:s23], $0x4000  }
0x322: {  	[sflag:s23] =	ssyncset.done $0x0  }
0x323: {  	s1 =	simm.s32 $0x0;
	[sflag:s23] =	ssyncadd.s32 $0xFFFFC000  }
0x324: {  	[tilespmem:s24], [sflag:$0x2] =	stream.strided.gather [hbm4b:s14+s21], $0x4000, s22, s21, $0x38;
	[tilespmem:$0x8200] =	vst v63  }
0x325: {  	v3 =	vld [tilespmem:s1+$0x0];
	_ =	sdelay $0x3  }
0x326: {  	v2 =	vsel vm0, v2, v1;
	v1 =	vmov s1  }
0x327: {  	s30 =	simm.s32 $0x1;
	s31 =	simm.s32 $0x80;
	vm0 =	veq.s32 v1, v0;
	v3 =	vmax.f32 v2, v3  }
.LBB2_162:
0x328: {  	v4 =	vld [tilespmem:s31+$0x0];
	p0 =	sne.s32 s30, $0xF;
	v2 =	vsel vm0, v3, v2;
	s1 =	smov.u32 s30;
	s30 =	sadd.s32 $0x1, s30  }
.Ltmp80:
0x329: {  	(pc) =	sbr.rel @p0 .LBB2_162-.Ltmp80, $3  }
0x32a: {  	_ =	sdelay $0x1  }
0x32b: {  	v3 =	vmov s1  }
0x32c: {  	s31 =	sadd.s32 $0x80, s31;
	vm0 =	veq.s32 v3, v0;
	v3 =	vmax.f32 v2, v4  }
0x32d: {  	s1 =	simm.s32 $0x810  }
0x32e: {  	v4 =	vld [tilespmem:s1+$0x0];
	_ =	sdelay $0x3  }
0x32f: {  	v2 =	vsel vm0, v3, v2  }
0x330: {  	s30 =	simm.s32 $0x1;
	vm0 =	veq.s32 v1, v0;
	s31 =	simm.s32 $0x890;
	v1 =	vmax.f32 v2, v4  }
.LBB2_164:
0x331: {  	v3 =	vld [tilespmem:s31+$0x0];
	p0 =	sne.s32 s30, $0xF;
	v2 =	vsel vm0, v1, v2;
	s1 =	smov.u32 s30;
	s30 =	sadd.s32 $0x1, s30  }
.Ltmp81:
0x332: {  	(pc) =	sbr.rel @p0 .LBB2_164-.Ltmp81, $3  }
0x333: {  	_ =	sdelay $0x1  }
0x334: {  	v1 =	vmov s1  }
0x335: {  	s31 =	sadd.s32 $0x80, s31;
	vm0 =	veq.s32 v1, v0;
	v1 =	vmax.f32 v2, v3  }
0x336: {  	s1 =	simm.s32 $0x1020  }
0x337: {  	v3 =	vld [tilespmem:s1+$0x0];
	_ =	sdelay $0x2  }
0x338: {  	s1 =	simm.s32 $0x0  }
0x339: {  	v2 =	vsel vm0, v1, v2;
	v1 =	vmov s1  }
0x33a: {  	s30 =	simm.s32 $0x1;
	s31 =	simm.s32 $0x10A0;
	vm0 =	veq.s32 v1, v0;
	v3 =	vmax.f32 v2, v3  }
.LBB2_166:
0x33b: {  	v4 =	vld [tilespmem:s31+$0x0];
	p0 =	sne.s32 s30, $0xF;
	v2 =	vsel vm0, v3, v2;
	s1 =	smov.u32 s30;
	s30 =	sadd.s32 $0x1, s30  }
.Ltmp82:
0x33c: {  	(pc) =	sbr.rel @p0 .LBB2_166-.Ltmp82, $3  }
0x33d: {  	_ =	sdelay $0x1  }
0x33e: {  	v3 =	vmov s1  }
0x33f: {  	s31 =	sadd.s32 $0x80, s31;
	vm0 =	veq.s32 v3, v0;
	v3 =	vmax.f32 v2, v4  }
0x340: {  	s1 =	simm.s32 $0x1830  }
0x341: {  	v4 =	vld [tilespmem:s1+$0x0];
	_ =	sdelay $0x3  }
0x342: {  	v2 =	vsel vm0, v3, v2  }
0x343: {  	s30 =	simm.s32 $0x1;
	vm0 =	veq.s32 v1, v0;
	s31 =	simm.s32 $0x18B0;
	v1 =	vmax.f32 v2, v4  }
.LBB2_168:
0x344: {  	v3 =	vld [tilespmem:s31+$0x0];
	p0 =	sne.s32 s30, $0xF;
	v2 =	vsel vm0, v1, v2;
	s1 =	smov.u32 s30;
	s30 =	sadd.s32 $0x1, s30  }
.Ltmp83:
0x345: {  	(pc) =	sbr.rel @p0 .LBB2_168-.Ltmp83, $3  }
0x346: {  	_ =	sdelay $0x1  }
0x347: {  	v1 =	vmov s1  }
0x348: {  	s31 =	sadd.s32 $0x80, s31;
	vm0 =	veq.s32 v1, v0;
	v1 =	vmax.f32 v2, v3  }
0x349: {  	s1 =	simm.s32 $0x2040  }
0x34a: {  	v3 =	vld [tilespmem:s1+$0x0];
	_ =	sdelay $0x2  }
0x34b: {  	s1 =	simm.s32 $0x0  }
0x34c: {  	v2 =	vsel vm0, v1, v2;
	v1 =	vmov s1  }
0x34d: {  	s30 =	simm.s32 $0x1;
	s31 =	simm.s32 $0x20C0;
	vm0 =	veq.s32 v1, v0;
	v3 =	vmax.f32 v2, v3  }
.LBB2_170:
0x34e: {  	v4 =	vld [tilespmem:s31+$0x0];
	p0 =	sne.s32 s30, $0xF;
	v2 =	vsel vm0, v3, v2;
	s1 =	smov.u32 s30;
	s30 =	sadd.s32 $0x1, s30  }
.Ltmp84:
0x34f: {  	(pc) =	sbr.rel @p0 .LBB2_170-.Ltmp84, $3  }
0x350: {  	_ =	sdelay $0x1  }
0x351: {  	v3 =	vmov s1  }
0x352: {  	s31 =	sadd.s32 $0x80, s31;
	vm0 =	veq.s32 v3, v0;
	v3 =	vmax.f32 v2, v4  }
0x353: {  	s1 =	simm.s32 $0x2850  }
0x354: {  	v4 =	vld [tilespmem:s1+$0x0];
	_ =	sdelay $0x3  }
0x355: {  	v2 =	vsel vm0, v3, v2  }
0x356: {  	s30 =	simm.s32 $0x1;
	vm0 =	veq.s32 v1, v0;
	s31 =	simm.s32 $0x28D0;
	v1 =	vmax.f32 v2, v4  }
.LBB2_172:
0x357: {  	v3 =	vld [tilespmem:s31+$0x0];
	p0 =	sne.s32 s30, $0xF;
	v2 =	vsel vm0, v1, v2;
	s1 =	smov.u32 s30;
	s30 =	sadd.s32 $0x1, s30  }
.Ltmp85:
0x358: {  	(pc) =	sbr.rel @p0 .LBB2_172-.Ltmp85, $3  }
0x359: {  	_ =	sdelay $0x1  }
0x35a: {  	v1 =	vmov s1  }
0x35b: {  	s31 =	sadd.s32 $0x80, s31;
	vm0 =	veq.s32 v1, v0;
	v1 =	vmax.f32 v2, v3  }
0x35c: {  	s1 =	simm.s32 $0x3060  }
0x35d: {  	v3 =	vld [tilespmem:s1+$0x0];
	_ =	sdelay $0x2  }
0x35e: {  	s1 =	simm.s32 $0x0  }
0x35f: {  	v1 =	vsel vm0, v1, v2;
	v2 =	vmov s1  }
0x360: {  	s30 =	simm.s32 $0x1;
	s31 =	simm.s32 $0x30E0;
	vm0 =	veq.s32 v2, v0;
	v3 =	vmax.f32 v1, v3  }
.LBB2_174:
0x361: {  	v4 =	vld [tilespmem:s31+$0x0];
	p0 =	sne.s32 s30, $0xF;
	v1 =	vsel vm0, v3, v1;
	s1 =	smov.u32 s30;
	s30 =	sadd.s32 $0x1, s30  }
.Ltmp86:
0x362: {  	(pc) =	sbr.rel @p0 .LBB2_174-.Ltmp86, $3  }
0x363: {  	_ =	sdelay $0x1  }
0x364: {  	v3 =	vmov s1  }
0x365: {  	s31 =	sadd.s32 $0x80, s31;
	vm0 =	veq.s32 v3, v0;
	v3 =	vmax.f32 v1, v4  }
0x366: {  	s1 =	simm.s32 $0x3870  }
0x367: {  	v4 =	vld [tilespmem:s1+$0x0];
	_ =	sdelay $0x3  }
0x368: {  	v1 =	vsel vm0, v3, v1  }
0x369: {  	s30 =	simm.s32 $0x1;
	vm0 =	veq.s32 v2, v0;
	s31 =	simm.s32 $0x38F0;
	v2 =	vmax.f32 v1, v4  }
.LBB2_176:
0x36a: {  	v3 =	vld [tilespmem:s31+$0x0];
	p0 =	sne.s32 s30, $0xF;
	v1 =	vsel vm0, v2, v1;
	s1 =	smov.u32 s30;
	s30 =	sadd.s32 $0x1, s30  }
.Ltmp87:
0x36b: {  	(pc) =	sbr.rel @p0 .LBB2_176-.Ltmp87, $3  }
0x36c: {  	_ =	sdelay $0x1  }
0x36d: {  	v2 =	vmov s1  }
0x36e: {  	s31 =	sadd.s32 $0x80, s31;
	vm0 =	veq.s32 v2, v0;
	v2 =	vmax.f32 v1, v3  }
0x36f: {  	_ =	swait.ge [sflag:s25], $0x4000  }
0x370: {  	[sflag:s25] =	ssyncset.done $0x0  }
0x371: {  	s1 =	simm.s32 $0x0;
	s30 =	simm.s32 $0x4000;
	[sflag:s25] =	ssyncadd.s32 $0xFFFFC000  }
0x372: {  	[tilespmem:s1], [sflag:$0x1] =	stream.strided.gather [hbm4b:s15+s21], $0x4000, s22, s21, $0x38;
	[tilespmem:$0x8200] =	vst v63  }
0x373: {  	v3 =	vld [tilespmem:s30+$0x0];
	_ =	sdelay $0x3  }
0x374: {  	v2 =	vsel vm0, v2, v1;
	v1 =	vmov s1  }
0x375: {  	s31 =	simm.s32 $0x4080;
	vm0 =	veq.s32 v1, v0;
	s30 =	simm.s32 $0x1;
	v3 =	vmax.f32 v2, v3  }
.LBB2_178:
0x376: {  	v4 =	vld [tilespmem:s31+$0x0];
	p0 =	sne.s32 s30, $0xF;
	v2 =	vsel vm0, v3, v2;
	s1 =	smov.u32 s30;
	s30 =	sadd.s32 $0x1, s30  }
.Ltmp88:
0x377: {  	(pc) =	sbr.rel @p0 .LBB2_178-.Ltmp88, $3  }
0x378: {  	_ =	sdelay $0x1  }
0x379: {  	v3 =	vmov s1  }
0x37a: {  	s31 =	sadd.s32 $0x80, s31;
	vm0 =	veq.s32 v3, v0;
	v3 =	vmax.f32 v2, v4  }
0x37b: {  	s1 =	simm.s32 $0x4810  }
0x37c: {  	v4 =	vld [tilespmem:s1+$0x0];
	_ =	sdelay $0x3  }
0x37d: {  	v2 =	vsel vm0, v3, v2  }
0x37e: {  	s30 =	simm.s32 $0x1;
	vm0 =	veq.s32 v1, v0;
	s31 =	simm.s32 $0x4890;
	v1 =	vmax.f32 v2, v4  }
.LBB2_180:
0x37f: {  	v3 =	vld [tilespmem:s31+$0x0];
	p0 =	sne.s32 s30, $0xF;
	v2 =	vsel vm0, v1, v2;
	s1 =	smov.u32 s30;
	s30 =	sadd.s32 $0x1, s30  }
.Ltmp89:
0x380: {  	(pc) =	sbr.rel @p0 .LBB2_180-.Ltmp89, $3  }
0x381: {  	_ =	sdelay $0x1  }
0x382: {  	v1 =	vmov s1  }
0x383: {  	s31 =	sadd.s32 $0x80, s31;
	vm0 =	veq.s32 v1, v0;
	v1 =	vmax.f32 v2, v3  }
0x384: {  	s1 =	simm.s32 $0x5020  }
0x385: {  	v3 =	vld [tilespmem:s1+$0x0];
	_ =	sdelay $0x2  }
0x386: {  	s1 =	simm.s32 $0x0  }
0x387: {  	v2 =	vsel vm0, v1, v2;
	v1 =	vmov s1  }
0x388: {  	s30 =	simm.s32 $0x1;
	s31 =	simm.s32 $0x50A0;
	vm0 =	veq.s32 v1, v0;
	v3 =	vmax.f32 v2, v3  }
.LBB2_182:
0x389: {  	v4 =	vld [tilespmem:s31+$0x0];
	p0 =	sne.s32 s30, $0xF;
	v2 =	vsel vm0, v3, v2;
	s1 =	smov.u32 s30;
	s30 =	sadd.s32 $0x1, s30  }
.Ltmp90:
0x38a: {  	(pc) =	sbr.rel @p0 .LBB2_182-.Ltmp90, $3  }
0x38b: {  	_ =	sdelay $0x1  }
0x38c: {  	v3 =	vmov s1  }
0x38d: {  	s31 =	sadd.s32 $0x80, s31;
	vm0 =	veq.s32 v3, v0;
	v3 =	vmax.f32 v2, v4  }
0x38e: {  	s1 =	simm.s32 $0x5830  }
0x38f: {  	v4 =	vld [tilespmem:s1+$0x0];
	_ =	sdelay $0x3  }
0x390: {  	v2 =	vsel vm0, v3, v2  }
0x391: {  	s30 =	simm.s32 $0x1;
	vm0 =	veq.s32 v1, v0;
	s31 =	simm.s32 $0x58B0;
	v1 =	vmax.f32 v2, v4  }
.LBB2_184:
0x392: {  	v3 =	vld [tilespmem:s31+$0x0];
	p0 =	sne.s32 s30, $0xF;
	v2 =	vsel vm0, v1, v2;
	s1 =	smov.u32 s30;
	s30 =	sadd.s32 $0x1, s30  }
.Ltmp91:
0x393: {  	(pc) =	sbr.rel @p0 .LBB2_184-.Ltmp91, $3  }
0x394: {  	_ =	sdelay $0x1  }
0x395: {  	v1 =	vmov s1  }
0x396: {  	s31 =	sadd.s32 $0x80, s31;
	vm0 =	veq.s32 v1, v0;
	v1 =	vmax.f32 v2, v3  }
0x397: {  	s1 =	simm.s32 $0x6040  }
0x398: {  	v3 =	vld [tilespmem:s1+$0x0];
	_ =	sdelay $0x2  }
0x399: {  	s1 =	simm.s32 $0x0  }
0x39a: {  	v2 =	vsel vm0, v1, v2;
	v1 =	vmov s1  }
0x39b: {  	s30 =	simm.s32 $0x1;
	s31 =	simm.s32 $0x60C0;
	vm0 =	veq.s32 v1, v0;
	v3 =	vmax.f32 v2, v3  }
.LBB2_186:
0x39c: {  	v4 =	vld [tilespmem:s31+$0x0];
	p0 =	sne.s32 s30, $0xF;
	v2 =	vsel vm0, v3, v2;
	s1 =	smov.u32 s30;
	s30 =	sadd.s32 $0x1, s30  }
.Ltmp92:
0x39d: {  	(pc) =	sbr.rel @p0 .LBB2_186-.Ltmp92, $3  }
0x39e: {  	_ =	sdelay $0x1  }
0x39f: {  	v3 =	vmov s1  }
0x3a0: {  	s31 =	sadd.s32 $0x80, s31;
	vm0 =	veq.s32 v3, v0;
	v3 =	vmax.f32 v2, v4  }
0x3a1: {  	s1 =	simm.s32 $0x6850  }
0x3a2: {  	v4 =	vld [tilespmem:s1+$0x0];
	_ =	sdelay $0x3  }
0x3a3: {  	v2 =	vsel vm0, v3, v2  }
0x3a4: {  	s30 =	simm.s32 $0x1;
	vm0 =	veq.s32 v1, v0;
	s31 =	simm.s32 $0x68D0;
	v1 =	vmax.f32 v2, v4  }
.LBB2_188:
0x3a5: {  	v3 =	vld [tilespmem:s31+$0x0];
	p0 =	sne.s32 s30, $0xF;
	v2 =	vsel vm0, v1, v2;
	s1 =	smov.u32 s30;
	s30 =	sadd.s32 $0x1, s30  }
.Ltmp93:
0x3a6: {  	(pc) =	sbr.rel @p0 .LBB2_188-.Ltmp93, $3  }
0x3a7: {  	_ =	sdelay $0x1  }
0x3a8: {  	v1 =	vmov s1  }
0x3a9: {  	s31 =	sadd.s32 $0x80, s31;
	vm0 =	veq.s32 v1, v0;
	v1 =	vmax.f32 v2, v3  }
0x3aa: {  	s1 =	simm.s32 $0x7060  }
0x3ab: {  	v3 =	vld [tilespmem:s1+$0x0];
	_ =	sdelay $0x2  }
0x3ac: {  	s1 =	simm.s32 $0x0  }
0x3ad: {  	v2 =	vsel vm0, v1, v2;
	v1 =	vmov s1  }
0x3ae: {  	s30 =	simm.s32 $0x1;
	s31 =	simm.s32 $0x70E0;
	vm0 =	veq.s32 v1, v0;
	v3 =	vmax.f32 v2, v3  }
.LBB2_190:
0x3af: {  	v4 =	vld [tilespmem:s31+$0x0];
	p0 =	sne.s32 s30, $0xF;
	v2 =	vsel vm0, v3, v2;
	s1 =	smov.u32 s30;
	s30 =	sadd.s32 $0x1, s30  }
.Ltmp94:
0x3b0: {  	(pc) =	sbr.rel @p0 .LBB2_190-.Ltmp94, $3  }
0x3b1: {  	_ =	sdelay $0x1  }
0x3b2: {  	v3 =	vmov s1  }
0x3b3: {  	s31 =	sadd.s32 $0x80, s31;
	vm0 =	veq.s32 v3, v0;
	v3 =	vmax.f32 v2, v4  }
0x3b4: {  	s1 =	simm.s32 $0x7870  }
0x3b5: {  	v4 =	vld [tilespmem:s1+$0x0];
	_ =	sdelay $0x3  }
0x3b6: {  	v2 =	vsel vm0, v3, v2  }
0x3b7: {  	s30 =	simm.s32 $0x1;
	vm0 =	veq.s32 v1, v0;
	s31 =	simm.s32 $0x78F0;
	v1 =	vmax.f32 v2, v4  }
.LBB2_192:
0x3b8: {  	v3 =	vld [tilespmem:s31+$0x0];
	p0 =	sne.s32 s30, $0xF;
	v2 =	vsel vm0, v1, v2;
	s1 =	smov.u32 s30;
	s30 =	sadd.s32 $0x1, s30  }
.Ltmp95:
0x3b9: {  	(pc) =	sbr.rel @p0 .LBB2_192-.Ltmp95, $3  }
0x3ba: {  	_ =	sdelay $0x1  }
0x3bb: {  	v1 =	vmov s1  }
0x3bc: {  	s31 =	sadd.s32 $0x80, s31;
	vm0 =	veq.s32 v1, v0;
	v1 =	vmax.f32 v2, v3  }
0x3bd: {  	v1 =	vsel vm0, v1, v2  }
0x3be: {  	[tilespmem:$0x8100] =	vst v1  }
0x3bf: {  	_ =	swait.ge [sflag:s23], $0x4000  }
0x3c0: {  	[sflag:s23] =	ssyncset.done $0x0  }
0x3c1: {  	s1 =	simm.s32 $0x0;
	[sflag:s23] =	ssyncadd.s32 $0xFFFFC000  }
0x3c2: {  	[tilespmem:s24], [sflag:$0x2] =	stream.strided.gather [hbm4b:s16+s21], $0x4000, s22, s21, $0x38;
	[tilespmem:$0x8200] =	vst v63  }
0x3c3: {  	v3 =	vld [tilespmem:s1+$0x0];
	_ =	sdelay $0x3  }
0x3c4: {  	v2 =	vimm.f32 $-Inf;
	v1 =	vmov s1  }
0x3c5: {  	s30 =	simm.s32 $0x1;
	s31 =	simm.s32 $0x80;
	vm0 =	veq.s32 v1, v0;
	v3 =	vmax.f32 v2, v3  }
.LBB2_194:
0x3c6: {  	v4 =	vld [tilespmem:s31+$0x0];
	p0 =	sne.s32 s30, $0xF;
	v2 =	vsel vm0, v3, v2;
	s1 =	smov.u32 s30;
	s30 =	sadd.s32 $0x1, s30  }
.Ltmp96:
0x3c7: {  	(pc) =	sbr.rel @p0 .LBB2_194-.Ltmp96, $3  }
0x3c8: {  	_ =	sdelay $0x1  }
0x3c9: {  	v3 =	vmov s1  }
0x3ca: {  	s31 =	sadd.s32 $0x80, s31;
	vm0 =	veq.s32 v3, v0;
	v3 =	vmax.f32 v2, v4  }
0x3cb: {  	s1 =	simm.s32 $0x810  }
0x3cc: {  	v4 =	vld [tilespmem:s1+$0x0];
	_ =	sdelay $0x3  }
0x3cd: {  	v2 =	vsel vm0, v3, v2  }
0x3ce: {  	s30 =	simm.s32 $0x1;
	vm0 =	veq.s32 v1, v0;
	s31 =	simm.s32 $0x890;
	v1 =	vmax.f32 v2, v4  }
.LBB2_196:
0x3cf: {  	v3 =	vld [tilespmem:s31+$0x0];
	p0 =	sne.s32 s30, $0xF;
	v2 =	vsel vm0, v1, v2;
	s1 =	smov.u32 s30;
	s30 =	sadd.s32 $0x1, s30  }
.Ltmp97:
0x3d0: {  	(pc) =	sbr.rel @p0 .LBB2_196-.Ltmp97, $3  }
0x3d1: {  	_ =	sdelay $0x1  }
0x3d2: {  	v1 =	vmov s1  }
0x3d3: {  	s31 =	sadd.s32 $0x80, s31;
	vm0 =	veq.s32 v1, v0;
	v1 =	vmax.f32 v2, v3  }
0x3d4: {  	s1 =	simm.s32 $0x1020  }
0x3d5: {  	v3 =	vld [tilespmem:s1+$0x0];
	_ =	sdelay $0x2  }
0x3d6: {  	s1 =	simm.s32 $0x0  }
0x3d7: {  	v2 =	vsel vm0, v1, v2;
	v1 =	vmov s1  }
0x3d8: {  	s30 =	simm.s32 $0x1;
	s31 =	simm.s32 $0x10A0;
	vm0 =	veq.s32 v1, v0;
	v3 =	vmax.f32 v2, v3  }
.LBB2_198:
0x3d9: {  	v4 =	vld [tilespmem:s31+$0x0];
	p0 =	sne.s32 s30, $0xF;
	v2 =	vsel vm0, v3, v2;
	s1 =	smov.u32 s30;
	s30 =	sadd.s32 $0x1, s30  }
.Ltmp98:
0x3da: {  	(pc) =	sbr.rel @p0 .LBB2_198-.Ltmp98, $3  }
0x3db: {  	_ =	sdelay $0x1  }
0x3dc: {  	v3 =	vmov s1  }
0x3dd: {  	s31 =	sadd.s32 $0x80, s31;
	vm0 =	veq.s32 v3, v0;
	v3 =	vmax.f32 v2, v4  }
0x3de: {  	s1 =	simm.s32 $0x1830  }
0x3df: {  	v4 =	vld [tilespmem:s1+$0x0];
	_ =	sdelay $0x3  }
0x3e0: {  	v2 =	vsel vm0, v3, v2  }
0x3e1: {  	s30 =	simm.s32 $0x1;
	vm0 =	veq.s32 v1, v0;
	s31 =	simm.s32 $0x18B0;
	v1 =	vmax.f32 v2, v4  }
.LBB2_200:
0x3e2: {  	v3 =	vld [tilespmem:s31+$0x0];
	p0 =	sne.s32 s30, $0xF;
	v2 =	vsel vm0, v1, v2;
	s1 =	smov.u32 s30;
	s30 =	sadd.s32 $0x1, s30  }
.Ltmp99:
0x3e3: {  	(pc) =	sbr.rel @p0 .LBB2_200-.Ltmp99, $3  }
0x3e4: {  	_ =	sdelay $0x1  }
0x3e5: {  	v1 =	vmov s1  }
0x3e6: {  	s31 =	sadd.s32 $0x80, s31;
	vm0 =	veq.s32 v1, v0;
	v1 =	vmax.f32 v2, v3  }
0x3e7: {  	s1 =	simm.s32 $0x2040  }
0x3e8: {  	v3 =	vld [tilespmem:s1+$0x0];
	_ =	sdelay $0x2  }
0x3e9: {  	s1 =	simm.s32 $0x0  }
0x3ea: {  	v2 =	vsel vm0, v1, v2;
	v1 =	vmov s1  }
0x3eb: {  	s30 =	simm.s32 $0x1;
	s31 =	simm.s32 $0x20C0;
	vm0 =	veq.s32 v1, v0;
	v3 =	vmax.f32 v2, v3  }
.LBB2_202:
0x3ec: {  	v4 =	vld [tilespmem:s31+$0x0];
	p0 =	sne.s32 s30, $0xF;
	v2 =	vsel vm0, v3, v2;
	s1 =	smov.u32 s30;
	s30 =	sadd.s32 $0x1, s30  }
.Ltmp100:
0x3ed: {  	(pc) =	sbr.rel @p0 .LBB2_202-.Ltmp100, $3  }
0x3ee: {  	_ =	sdelay $0x1  }
0x3ef: {  	v3 =	vmov s1  }
0x3f0: {  	s31 =	sadd.s32 $0x80, s31;
	vm0 =	veq.s32 v3, v0;
	v3 =	vmax.f32 v2, v4  }
0x3f1: {  	s1 =	simm.s32 $0x2850  }
0x3f2: {  	v4 =	vld [tilespmem:s1+$0x0];
	_ =	sdelay $0x3  }
0x3f3: {  	v2 =	vsel vm0, v3, v2  }
0x3f4: {  	s30 =	simm.s32 $0x1;
	vm0 =	veq.s32 v1, v0;
	s31 =	simm.s32 $0x28D0;
	v1 =	vmax.f32 v2, v4  }
.LBB2_204:
0x3f5: {  	v3 =	vld [tilespmem:s31+$0x0];
	p0 =	sne.s32 s30, $0xF;
	v2 =	vsel vm0, v1, v2;
	s1 =	smov.u32 s30;
	s30 =	sadd.s32 $0x1, s30  }
.Ltmp101:
0x3f6: {  	(pc) =	sbr.rel @p0 .LBB2_204-.Ltmp101, $3  }
0x3f7: {  	_ =	sdelay $0x1  }
0x3f8: {  	v1 =	vmov s1  }
0x3f9: {  	s31 =	sadd.s32 $0x80, s31;
	vm0 =	veq.s32 v1, v0;
	v1 =	vmax.f32 v2, v3  }
0x3fa: {  	s1 =	simm.s32 $0x3060  }
0x3fb: {  	v3 =	vld [tilespmem:s1+$0x0];
	_ =	sdelay $0x2  }
0x3fc: {  	s1 =	simm.s32 $0x0  }
0x3fd: {  	v1 =	vsel vm0, v1, v2;
	v2 =	vmov s1  }
0x3fe: {  	s30 =	simm.s32 $0x1;
	s31 =	simm.s32 $0x30E0;
	vm0 =	veq.s32 v2, v0;
	v3 =	vmax.f32 v1, v3  }
.LBB2_206:
0x3ff: {  	v4 =	vld [tilespmem:s31+$0x0];
	p0 =	sne.s32 s30, $0xF;
	v1 =	vsel vm0, v3, v1;
	s1 =	smov.u32 s30;
	s30 =	sadd.s32 $0x1, s30  }
.Ltmp102:
0x400: {  	(pc) =	sbr.rel @p0 .LBB2_206-.Ltmp102, $3  }
0x401: {  	_ =	sdelay $0x1  }
0x402: {  	v3 =	vmov s1  }
0x403: {  	s31 =	sadd.s32 $0x80, s31;
	vm0 =	veq.s32 v3, v0;
	v3 =	vmax.f32 v1, v4  }
0x404: {  	s1 =	simm.s32 $0x3870  }
0x405: {  	v4 =	vld [tilespmem:s1+$0x0];
	_ =	sdelay $0x3  }
0x406: {  	v1 =	vsel vm0, v3, v1  }
0x407: {  	s30 =	simm.s32 $0x1;
	vm0 =	veq.s32 v2, v0;
	s31 =	simm.s32 $0x38F0;
	v2 =	vmax.f32 v1, v4  }
.LBB2_208:
0x408: {  	v3 =	vld [tilespmem:s31+$0x0];
	p0 =	sne.s32 s30, $0xF;
	v1 =	vsel vm0, v2, v1;
	s1 =	smov.u32 s30;
	s30 =	sadd.s32 $0x1, s30  }
.Ltmp103:
0x409: {  	(pc) =	sbr.rel @p0 .LBB2_208-.Ltmp103, $3  }
0x40a: {  	_ =	sdelay $0x1  }
0x40b: {  	v2 =	vmov s1  }
0x40c: {  	s31 =	sadd.s32 $0x80, s31;
	vm0 =	veq.s32 v2, v0;
	v2 =	vmax.f32 v1, v3  }
0x40d: {  	_ =	swait.ge [sflag:s25], $0x4000  }
0x40e: {  	[sflag:s25] =	ssyncset.done $0x0  }
0x40f: {  	s1 =	simm.s32 $0x0;
	s30 =	simm.s32 $0x4000;
	[sflag:s25] =	ssyncadd.s32 $0xFFFFC000  }
0x410: {  	[tilespmem:s1], [sflag:$0x1] =	stream.strided.gather [hbm4b:s17+s21], $0x4000, s22, s21, $0x38;
	[tilespmem:$0x8200] =	vst v63  }
0x411: {  	v3 =	vld [tilespmem:s30+$0x0];
	_ =	sdelay $0x3  }
0x412: {  	v2 =	vsel vm0, v2, v1;
	v1 =	vmov s1  }
0x413: {  	s31 =	simm.s32 $0x4080;
	vm0 =	veq.s32 v1, v0;
	s30 =	simm.s32 $0x1;
	v3 =	vmax.f32 v2, v3  }
.LBB2_210:
0x414: {  	v4 =	vld [tilespmem:s31+$0x0];
	p0 =	sne.s32 s30, $0xF;
	v2 =	vsel vm0, v3, v2;
	s1 =	smov.u32 s30;
	s30 =	sadd.s32 $0x1, s30  }
.Ltmp104:
0x415: {  	(pc) =	sbr.rel @p0 .LBB2_210-.Ltmp104, $3  }
0x416: {  	_ =	sdelay $0x1  }
0x417: {  	v3 =	vmov s1  }
0x418: {  	s31 =	sadd.s32 $0x80, s31;
	vm0 =	veq.s32 v3, v0;
	v3 =	vmax.f32 v2, v4  }
0x419: {  	s1 =	simm.s32 $0x4810  }
0x41a: {  	v4 =	vld [tilespmem:s1+$0x0];
	_ =	sdelay $0x3  }
0x41b: {  	v2 =	vsel vm0, v3, v2  }
0x41c: {  	s30 =	simm.s32 $0x1;
	vm0 =	veq.s32 v1, v0;
	s31 =	simm.s32 $0x4890;
	v1 =	vmax.f32 v2, v4  }
.LBB2_212:
0x41d: {  	v3 =	vld [tilespmem:s31+$0x0];
	p0 =	sne.s32 s30, $0xF;
	v2 =	vsel vm0, v1, v2;
	s1 =	smov.u32 s30;
	s30 =	sadd.s32 $0x1, s30  }
.Ltmp105:
0x41e: {  	(pc) =	sbr.rel @p0 .LBB2_212-.Ltmp105, $3  }
0x41f: {  	_ =	sdelay $0x1  }
0x420: {  	v1 =	vmov s1  }
0x421: {  	s31 =	sadd.s32 $0x80, s31;
	vm0 =	veq.s32 v1, v0;
	v1 =	vmax.f32 v2, v3  }
0x422: {  	s1 =	simm.s32 $0x5020  }
0x423: {  	v3 =	vld [tilespmem:s1+$0x0];
	_ =	sdelay $0x2  }
0x424: {  	s1 =	simm.s32 $0x0  }
0x425: {  	v2 =	vsel vm0, v1, v2;
	v1 =	vmov s1  }
0x426: {  	s30 =	simm.s32 $0x1;
	s31 =	simm.s32 $0x50A0;
	vm0 =	veq.s32 v1, v0;
	v3 =	vmax.f32 v2, v3  }
.LBB2_214:
0x427: {  	v4 =	vld [tilespmem:s31+$0x0];
	p0 =	sne.s32 s30, $0xF;
	v2 =	vsel vm0, v3, v2;
	s1 =	smov.u32 s30;
	s30 =	sadd.s32 $0x1, s30  }
.Ltmp106:
0x428: {  	(pc) =	sbr.rel @p0 .LBB2_214-.Ltmp106, $3  }
0x429: {  	_ =	sdelay $0x1  }
0x42a: {  	v3 =	vmov s1  }
0x42b: {  	s31 =	sadd.s32 $0x80, s31;
	vm0 =	veq.s32 v3, v0;
	v3 =	vmax.f32 v2, v4  }
0x42c: {  	s1 =	simm.s32 $0x5830  }
0x42d: {  	v4 =	vld [tilespmem:s1+$0x0];
	_ =	sdelay $0x3  }
0x42e: {  	v2 =	vsel vm0, v3, v2  }
0x42f: {  	s30 =	simm.s32 $0x1;
	vm0 =	veq.s32 v1, v0;
	s31 =	simm.s32 $0x58B0;
	v1 =	vmax.f32 v2, v4  }
.LBB2_216:
0x430: {  	v3 =	vld [tilespmem:s31+$0x0];
	p0 =	sne.s32 s30, $0xF;
	v2 =	vsel vm0, v1, v2;
	s1 =	smov.u32 s30;
	s30 =	sadd.s32 $0x1, s30  }
.Ltmp107:
0x431: {  	(pc) =	sbr.rel @p0 .LBB2_216-.Ltmp107, $3  }
0x432: {  	_ =	sdelay $0x1  }
0x433: {  	v1 =	vmov s1  }
0x434: {  	s31 =	sadd.s32 $0x80, s31;
	vm0 =	veq.s32 v1, v0;
	v1 =	vmax.f32 v2, v3  }
0x435: {  	s1 =	simm.s32 $0x6040  }
0x436: {  	v3 =	vld [tilespmem:s1+$0x0];
	_ =	sdelay $0x2  }
0x437: {  	s1 =	simm.s32 $0x0  }
0x438: {  	v2 =	vsel vm0, v1, v2;
	v1 =	vmov s1  }
0x439: {  	s30 =	simm.s32 $0x1;
	s31 =	simm.s32 $0x60C0;
	vm0 =	veq.s32 v1, v0;
	v3 =	vmax.f32 v2, v3  }
.LBB2_218:
0x43a: {  	v4 =	vld [tilespmem:s31+$0x0];
	p0 =	sne.s32 s30, $0xF;
	v2 =	vsel vm0, v3, v2;
	s1 =	smov.u32 s30;
	s30 =	sadd.s32 $0x1, s30  }
.Ltmp108:
0x43b: {  	(pc) =	sbr.rel @p0 .LBB2_218-.Ltmp108, $3  }
0x43c: {  	_ =	sdelay $0x1  }
0x43d: {  	v3 =	vmov s1  }
0x43e: {  	s31 =	sadd.s32 $0x80, s31;
	vm0 =	veq.s32 v3, v0;
	v3 =	vmax.f32 v2, v4  }
0x43f: {  	s1 =	simm.s32 $0x6850  }
0x440: {  	v4 =	vld [tilespmem:s1+$0x0];
	_ =	sdelay $0x3  }
0x441: {  	v2 =	vsel vm0, v3, v2  }
0x442: {  	s30 =	simm.s32 $0x1;
	vm0 =	veq.s32 v1, v0;
	s31 =	simm.s32 $0x68D0;
	v1 =	vmax.f32 v2, v4  }
.LBB2_220:
0x443: {  	v3 =	vld [tilespmem:s31+$0x0];
	p0 =	sne.s32 s30, $0xF;
	v2 =	vsel vm0, v1, v2;
	s1 =	smov.u32 s30;
	s30 =	sadd.s32 $0x1, s30  }
.Ltmp109:
0x444: {  	(pc) =	sbr.rel @p0 .LBB2_220-.Ltmp109, $3  }
0x445: {  	_ =	sdelay $0x1  }
0x446: {  	v1 =	vmov s1  }
0x447: {  	s31 =	sadd.s32 $0x80, s31;
	vm0 =	veq.s32 v1, v0;
	v1 =	vmax.f32 v2, v3  }
0x448: {  	s1 =	simm.s32 $0x7060  }
0x449: {  	v3 =	vld [tilespmem:s1+$0x0];
	_ =	sdelay $0x2  }
0x44a: {  	s1 =	simm.s32 $0x0  }
0x44b: {  	v1 =	vsel vm0, v1, v2;
	v2 =	vmov s1  }
0x44c: {  	s30 =	simm.s32 $0x1;
	s31 =	simm.s32 $0x70E0;
	vm0 =	veq.s32 v2, v0;
	v3 =	vmax.f32 v1, v3  }
.LBB2_222:
0x44d: {  	v4 =	vld [tilespmem:s31+$0x0];
	p0 =	sne.s32 s30, $0xF;
	v1 =	vsel vm0, v3, v1;
	s1 =	smov.u32 s30;
	s30 =	sadd.s32 $0x1, s30  }
.Ltmp110:
0x44e: {  	(pc) =	sbr.rel @p0 .LBB2_222-.Ltmp110, $3  }
0x44f: {  	_ =	sdelay $0x1  }
0x450: {  	v3 =	vmov s1  }
0x451: {  	s31 =	sadd.s32 $0x80, s31;
	vm0 =	veq.s32 v3, v0;
	v3 =	vmax.f32 v1, v4  }
0x452: {  	s1 =	simm.s32 $0x7870  }
0x453: {  	v4 =	vld [tilespmem:s1+$0x0];
	_ =	sdelay $0x3  }
0x454: {  	v1 =	vsel vm0, v3, v1  }
0x455: {  	s30 =	simm.s32 $0x1;
	vm0 =	veq.s32 v2, v0;
	s31 =	simm.s32 $0x78F0;
	v2 =	vmax.f32 v1, v4  }
.LBB2_224:
0x456: {  	v3 =	vld [tilespmem:s31+$0x0];
	p0 =	sne.s32 s30, $0xF;
	v1 =	vsel vm0, v2, v1;
	s1 =	smov.u32 s30;
	s30 =	sadd.s32 $0x1, s30  }
.Ltmp111:
0x457: {  	(pc) =	sbr.rel @p0 .LBB2_224-.Ltmp111, $3  }
0x458: {  	_ =	sdelay $0x1  }
0x459: {  	v2 =	vmov s1  }
0x45a: {  	s31 =	sadd.s32 $0x80, s31;
	vm0 =	veq.s32 v2, v0;
	v2 =	vmax.f32 v1, v3  }
0x45b: {  	_ =	swait.ge [sflag:s23], $0x4000  }
0x45c: {  	[sflag:s23] =	ssyncset.done $0x0  }
0x45d: {  	s1 =	simm.s32 $0x0;
	[sflag:s23] =	ssyncadd.s32 $0xFFFFC000  }
0x45e: {  	[tilespmem:s24], [sflag:$0x2] =	stream.strided.gather [hbm4b:s18+s21], $0x4000, s22, s21, $0x38;
	[tilespmem:$0x8200] =	vst v63  }
0x45f: {  	v3 =	vld [tilespmem:s1+$0x0];
	_ =	sdelay $0x3  }
0x460: {  	v2 =	vsel vm0, v2, v1;
	v1 =	vmov s1  }
0x461: {  	s30 =	simm.s32 $0x1;
	s31 =	simm.s32 $0x80;
	vm0 =	veq.s32 v1, v0;
	v3 =	vmax.f32 v2, v3  }
.LBB2_226:
0x462: {  	v4 =	vld [tilespmem:s31+$0x0];
	p0 =	sne.s32 s30, $0xF;
	v2 =	vsel vm0, v3, v2;
	s1 =	smov.u32 s30;
	s30 =	sadd.s32 $0x1, s30  }
.Ltmp112:
0x463: {  	(pc) =	sbr.rel @p0 .LBB2_226-.Ltmp112, $3  }
0x464: {  	_ =	sdelay $0x1  }
0x465: {  	v3 =	vmov s1  }
0x466: {  	s31 =	sadd.s32 $0x80, s31;
	vm0 =	veq.s32 v3, v0;
	v3 =	vmax.f32 v2, v4  }
0x467: {  	s1 =	simm.s32 $0x810  }
0x468: {  	v4 =	vld [tilespmem:s1+$0x0];
	_ =	sdelay $0x3  }
0x469: {  	v2 =	vsel vm0, v3, v2  }
0x46a: {  	s30 =	simm.s32 $0x1;
	vm0 =	veq.s32 v1, v0;
	s31 =	simm.s32 $0x890;
	v1 =	vmax.f32 v2, v4  }
.LBB2_228:
0x46b: {  	v3 =	vld [tilespmem:s31+$0x0];
	p0 =	sne.s32 s30, $0xF;
	v2 =	vsel vm0, v1, v2;
	s1 =	smov.u32 s30;
	s30 =	sadd.s32 $0x1, s30  }
.Ltmp113:
0x46c: {  	(pc) =	sbr.rel @p0 .LBB2_228-.Ltmp113, $3  }
0x46d: {  	_ =	sdelay $0x1  }
0x46e: {  	v1 =	vmov s1  }
0x46f: {  	s31 =	sadd.s32 $0x80, s31;
	vm0 =	veq.s32 v1, v0;
	v1 =	vmax.f32 v2, v3  }
0x470: {  	s1 =	simm.s32 $0x1020  }
0x471: {  	v3 =	vld [tilespmem:s1+$0x0];
	_ =	sdelay $0x2  }
0x472: {  	s1 =	simm.s32 $0x0  }
0x473: {  	v2 =	vsel vm0, v1, v2;
	v1 =	vmov s1  }
0x474: {  	s30 =	simm.s32 $0x1;
	s31 =	simm.s32 $0x10A0;
	vm0 =	veq.s32 v1, v0;
	v3 =	vmax.f32 v2, v3  }
.LBB2_230:
0x475: {  	v4 =	vld [tilespmem:s31+$0x0];
	p0 =	sne.s32 s30, $0xF;
	v2 =	vsel vm0, v3, v2;
	s1 =	smov.u32 s30;
	s30 =	sadd.s32 $0x1, s30  }
.Ltmp114:
0x476: {  	(pc) =	sbr.rel @p0 .LBB2_230-.Ltmp114, $3  }
0x477: {  	_ =	sdelay $0x1  }
0x478: {  	v3 =	vmov s1  }
0x479: {  	s31 =	sadd.s32 $0x80, s31;
	vm0 =	veq.s32 v3, v0;
	v3 =	vmax.f32 v2, v4  }
0x47a: {  	s1 =	simm.s32 $0x1830  }
0x47b: {  	v4 =	vld [tilespmem:s1+$0x0];
	_ =	sdelay $0x3  }
0x47c: {  	v2 =	vsel vm0, v3, v2  }
0x47d: {  	s30 =	simm.s32 $0x1;
	vm0 =	veq.s32 v1, v0;
	s31 =	simm.s32 $0x18B0;
	v1 =	vmax.f32 v2, v4  }
.LBB2_232:
0x47e: {  	v3 =	vld [tilespmem:s31+$0x0];
	p0 =	sne.s32 s30, $0xF;
	v2 =	vsel vm0, v1, v2;
	s1 =	smov.u32 s30;
	s30 =	sadd.s32 $0x1, s30  }
.Ltmp115:
0x47f: {  	(pc) =	sbr.rel @p0 .LBB2_232-.Ltmp115, $3  }
0x480: {  	_ =	sdelay $0x1  }
0x481: {  	v1 =	vmov s1  }
0x482: {  	s31 =	sadd.s32 $0x80, s31;
	vm0 =	veq.s32 v1, v0;
	v1 =	vmax.f32 v2, v3  }
0x483: {  	s1 =	simm.s32 $0x2040  }
0x484: {  	v3 =	vld [tilespmem:s1+$0x0];
	_ =	sdelay $0x2  }
0x485: {  	s1 =	simm.s32 $0x0  }
0x486: {  	v2 =	vsel vm0, v1, v2;
	v1 =	vmov s1  }
0x487: {  	s30 =	simm.s32 $0x1;
	s31 =	simm.s32 $0x20C0;
	vm0 =	veq.s32 v1, v0;
	v3 =	vmax.f32 v2, v3  }
.LBB2_234:
0x488: {  	v4 =	vld [tilespmem:s31+$0x0];
	p0 =	sne.s32 s30, $0xF;
	v2 =	vsel vm0, v3, v2;
	s1 =	smov.u32 s30;
	s30 =	sadd.s32 $0x1, s30  }
.Ltmp116:
0x489: {  	(pc) =	sbr.rel @p0 .LBB2_234-.Ltmp116, $3  }
0x48a: {  	_ =	sdelay $0x1  }
0x48b: {  	v3 =	vmov s1  }
0x48c: {  	s31 =	sadd.s32 $0x80, s31;
	vm0 =	veq.s32 v3, v0;
	v3 =	vmax.f32 v2, v4  }
0x48d: {  	s1 =	simm.s32 $0x2850  }
0x48e: {  	v4 =	vld [tilespmem:s1+$0x0];
	_ =	sdelay $0x3  }
0x48f: {  	v2 =	vsel vm0, v3, v2  }
0x490: {  	s30 =	simm.s32 $0x1;
	vm0 =	veq.s32 v1, v0;
	s31 =	simm.s32 $0x28D0;
	v1 =	vmax.f32 v2, v4  }
.LBB2_236:
0x491: {  	v3 =	vld [tilespmem:s31+$0x0];
	p0 =	sne.s32 s30, $0xF;
	v2 =	vsel vm0, v1, v2;
	s1 =	smov.u32 s30;
	s30 =	sadd.s32 $0x1, s30  }
.Ltmp117:
0x492: {  	(pc) =	sbr.rel @p0 .LBB2_236-.Ltmp117, $3  }
0x493: {  	_ =	sdelay $0x1  }
0x494: {  	v1 =	vmov s1  }
0x495: {  	s31 =	sadd.s32 $0x80, s31;
	vm0 =	veq.s32 v1, v0;
	v1 =	vmax.f32 v2, v3  }
0x496: {  	s1 =	simm.s32 $0x3060  }
0x497: {  	v3 =	vld [tilespmem:s1+$0x0];
	_ =	sdelay $0x2  }
0x498: {  	s1 =	simm.s32 $0x0  }
0x499: {  	v1 =	vsel vm0, v1, v2;
	v2 =	vmov s1  }
0x49a: {  	s30 =	simm.s32 $0x1;
	s31 =	simm.s32 $0x30E0;
	vm0 =	veq.s32 v2, v0;
	v3 =	vmax.f32 v1, v3  }
.LBB2_238:
0x49b: {  	v4 =	vld [tilespmem:s31+$0x0];
	p0 =	sne.s32 s30, $0xF;
	v1 =	vsel vm0, v3, v1;
	s1 =	smov.u32 s30;
	s30 =	sadd.s32 $0x1, s30  }
.Ltmp118:
0x49c: {  	(pc) =	sbr.rel @p0 .LBB2_238-.Ltmp118, $3  }
0x49d: {  	_ =	sdelay $0x1  }
0x49e: {  	v3 =	vmov s1  }
0x49f: {  	s31 =	sadd.s32 $0x80, s31;
	vm0 =	veq.s32 v3, v0;
	v3 =	vmax.f32 v1, v4  }
0x4a0: {  	s1 =	simm.s32 $0x3870  }
0x4a1: {  	v4 =	vld [tilespmem:s1+$0x0];
	_ =	sdelay $0x3  }
0x4a2: {  	v1 =	vsel vm0, v3, v1  }
0x4a3: {  	s30 =	simm.s32 $0x1;
	vm0 =	veq.s32 v2, v0;
	s31 =	simm.s32 $0x38F0;
	v2 =	vmax.f32 v1, v4  }
.LBB2_240:
0x4a4: {  	v3 =	vld [tilespmem:s31+$0x0];
	p0 =	sne.s32 s30, $0xF;
	v1 =	vsel vm0, v2, v1;
	s1 =	smov.u32 s30;
	s30 =	sadd.s32 $0x1, s30  }
.Ltmp119:
0x4a5: {  	(pc) =	sbr.rel @p0 .LBB2_240-.Ltmp119, $3  }
0x4a6: {  	_ =	sdelay $0x1  }
0x4a7: {  	v2 =	vmov s1  }
0x4a8: {  	s31 =	sadd.s32 $0x80, s31;
	vm0 =	veq.s32 v2, v0;
	v2 =	vmax.f32 v1, v3  }
0x4a9: {  	_ =	swait.ge [sflag:s25], $0x4000  }
0x4aa: {  	[sflag:s25] =	ssyncset.done $0x0  }
0x4ab: {  	s1 =	simm.s32 $0x4000;
	[sflag:s25] =	ssyncadd.s32 $0xFFFFC000  }
0x4ac: {  	v3 =	vld [tilespmem:s1+$0x0];
	_ =	sdelay $0x2  }
0x4ad: {  	s1 =	simm.s32 $0x0  }
0x4ae: {  	v2 =	vsel vm0, v2, v1;
	v1 =	vmov s1  }
0x4af: {  	s30 =	simm.s32 $0x1;
	s31 =	simm.s32 $0x4080;
	vm0 =	veq.s32 v1, v0;
	v3 =	vmax.f32 v2, v3  }
.LBB2_242:
0x4b0: {  	v4 =	vld [tilespmem:s31+$0x0];
	p0 =	sne.s32 s30, $0xF;
	v2 =	vsel vm0, v3, v2;
	s1 =	smov.u32 s30;
	s30 =	sadd.s32 $0x1, s30  }
.Ltmp120:
0x4b1: {  	(pc) =	sbr.rel @p0 .LBB2_242-.Ltmp120, $3  }
0x4b2: {  	_ =	sdelay $0x1  }
0x4b3: {  	v3 =	vmov s1  }
0x4b4: {  	s31 =	sadd.s32 $0x80, s31;
	vm0 =	veq.s32 v3, v0;
	v3 =	vmax.f32 v2, v4  }
0x4b5: {  	s1 =	simm.s32 $0x4810  }
0x4b6: {  	v4 =	vld [tilespmem:s1+$0x0];
	_ =	sdelay $0x3  }
0x4b7: {  	v2 =	vsel vm0, v3, v2  }
0x4b8: {  	s30 =	simm.s32 $0x1;
	vm0 =	veq.s32 v1, v0;
	s31 =	simm.s32 $0x4890;
	v1 =	vmax.f32 v2, v4  }
.LBB2_244:
0x4b9: {  	v3 =	vld [tilespmem:s31+$0x0];
	p0 =	sne.s32 s30, $0xF;
	v2 =	vsel vm0, v1, v2;
	s1 =	smov.u32 s30;
	s30 =	sadd.s32 $0x1, s30  }
.Ltmp121:
0x4ba: {  	(pc) =	sbr.rel @p0 .LBB2_244-.Ltmp121, $3  }
0x4bb: {  	_ =	sdelay $0x1  }
0x4bc: {  	v1 =	vmov s1  }
0x4bd: {  	s31 =	sadd.s32 $0x80, s31;
	vm0 =	veq.s32 v1, v0;
	v1 =	vmax.f32 v2, v3  }
0x4be: {  	s1 =	simm.s32 $0x5020  }
0x4bf: {  	v3 =	vld [tilespmem:s1+$0x0];
	_ =	sdelay $0x2  }
0x4c0: {  	s1 =	simm.s32 $0x0  }
0x4c1: {  	v2 =	vsel vm0, v1, v2;
	v1 =	vmov s1  }
0x4c2: {  	s30 =	simm.s32 $0x1;
	s31 =	simm.s32 $0x50A0;
	vm0 =	veq.s32 v1, v0;
	v3 =	vmax.f32 v2, v3  }
.LBB2_246:
0x4c3: {  	v4 =	vld [tilespmem:s31+$0x0];
	p0 =	sne.s32 s30, $0xF;
	v2 =	vsel vm0, v3, v2;
	s1 =	smov.u32 s30;
	s30 =	sadd.s32 $0x1, s30  }
.Ltmp122:
0x4c4: {  	(pc) =	sbr.rel @p0 .LBB2_246-.Ltmp122, $3  }
0x4c5: {  	_ =	sdelay $0x1  }
0x4c6: {  	v3 =	vmov s1  }
0x4c7: {  	s31 =	sadd.s32 $0x80, s31;
	vm0 =	veq.s32 v3, v0;
	v3 =	vmax.f32 v2, v4  }
0x4c8: {  	s1 =	simm.s32 $0x5830  }
0x4c9: {  	v4 =	vld [tilespmem:s1+$0x0];
	_ =	sdelay $0x3  }
0x4ca: {  	v2 =	vsel vm0, v3, v2  }
0x4cb: {  	s30 =	simm.s32 $0x1;
	vm0 =	veq.s32 v1, v0;
	s31 =	simm.s32 $0x58B0;
	v1 =	vmax.f32 v2, v4  }
.LBB2_248:
0x4cc: {  	v3 =	vld [tilespmem:s31+$0x0];
	p0 =	sne.s32 s30, $0xF;
	v2 =	vsel vm0, v1, v2;
	s1 =	smov.u32 s30;
	s30 =	sadd.s32 $0x1, s30  }
.Ltmp123:
0x4cd: {  	(pc) =	sbr.rel @p0 .LBB2_248-.Ltmp123, $3  }
0x4ce: {  	_ =	sdelay $0x1  }
0x4cf: {  	v1 =	vmov s1  }
0x4d0: {  	s31 =	sadd.s32 $0x80, s31;
	vm0 =	veq.s32 v1, v0;
	v1 =	vmax.f32 v2, v3  }
0x4d1: {  	s1 =	simm.s32 $0x6040  }
0x4d2: {  	v3 =	vld [tilespmem:s1+$0x0];
	_ =	sdelay $0x2  }
0x4d3: {  	s1 =	simm.s32 $0x0  }
0x4d4: {  	v2 =	vsel vm0, v1, v2;
	v1 =	vmov s1  }
0x4d5: {  	s30 =	simm.s32 $0x1;
	s31 =	simm.s32 $0x60C0;
	vm0 =	veq.s32 v1, v0;
	v3 =	vmax.f32 v2, v3  }
.LBB2_250:
0x4d6: {  	v4 =	vld [tilespmem:s31+$0x0];
	p0 =	sne.s32 s30, $0xF;
	v2 =	vsel vm0, v3, v2;
	s1 =	smov.u32 s30;
	s30 =	sadd.s32 $0x1, s30  }
.Ltmp124:
0x4d7: {  	(pc) =	sbr.rel @p0 .LBB2_250-.Ltmp124, $3  }
0x4d8: {  	_ =	sdelay $0x1  }
0x4d9: {  	v3 =	vmov s1  }
0x4da: {  	s31 =	sadd.s32 $0x80, s31;
	vm0 =	veq.s32 v3, v0;
	v3 =	vmax.f32 v2, v4  }
0x4db: {  	s1 =	simm.s32 $0x6850  }
0x4dc: {  	v4 =	vld [tilespmem:s1+$0x0];
	_ =	sdelay $0x3  }
0x4dd: {  	v2 =	vsel vm0, v3, v2  }
0x4de: {  	s30 =	simm.s32 $0x1;
	vm0 =	veq.s32 v1, v0;
	s31 =	simm.s32 $0x68D0;
	v1 =	vmax.f32 v2, v4  }
.LBB2_252:
0x4df: {  	v3 =	vld [tilespmem:s31+$0x0];
	p0 =	sne.s32 s30, $0xF;
	v2 =	vsel vm0, v1, v2;
	s1 =	smov.u32 s30;
	s30 =	sadd.s32 $0x1, s30  }
.Ltmp125:
0x4e0: {  	(pc) =	sbr.rel @p0 .LBB2_252-.Ltmp125, $3  }
0x4e1: {  	_ =	sdelay $0x1  }
0x4e2: {  	v1 =	vmov s1  }
0x4e3: {  	s31 =	sadd.s32 $0x80, s31;
	vm0 =	veq.s32 v1, v0;
	v1 =	vmax.f32 v2, v3  }
0x4e4: {  	s1 =	simm.s32 $0x7060  }
0x4e5: {  	v3 =	vld [tilespmem:s1+$0x0];
	_ =	sdelay $0x2  }
0x4e6: {  	s1 =	simm.s32 $0x0  }
0x4e7: {  	v2 =	vsel vm0, v1, v2;
	v1 =	vmov s1  }
0x4e8: {  	s30 =	simm.s32 $0x1;
	s31 =	simm.s32 $0x70E0;
	vm0 =	veq.s32 v1, v0;
	v3 =	vmax.f32 v2, v3  }
.LBB2_254:
0x4e9: {  	v4 =	vld [tilespmem:s31+$0x0];
	p0 =	sne.s32 s30, $0xF;
	v2 =	vsel vm0, v3, v2;
	s1 =	smov.u32 s30;
	s30 =	sadd.s32 $0x1, s30  }
.Ltmp126:
0x4ea: {  	(pc) =	sbr.rel @p0 .LBB2_254-.Ltmp126, $3  }
0x4eb: {  	_ =	sdelay $0x1  }
0x4ec: {  	v3 =	vmov s1  }
0x4ed: {  	s31 =	sadd.s32 $0x80, s31;
	vm0 =	veq.s32 v3, v0;
	v3 =	vmax.f32 v2, v4  }
0x4ee: {  	s1 =	simm.s32 $0x7870  }
0x4ef: {  	v4 =	vld [tilespmem:s1+$0x0];
	_ =	sdelay $0x3  }
0x4f0: {  	v2 =	vsel vm0, v3, v2  }
0x4f1: {  	s30 =	simm.s32 $0x1;
	vm0 =	veq.s32 v1, v0;
	s31 =	simm.s32 $0x78F0;
	v1 =	vmax.f32 v2, v4  }
.LBB2_256:
0x4f2: {  	v3 =	vld [tilespmem:s31+$0x0];
	p0 =	sne.s32 s30, $0xF;
	v2 =	vsel vm0, v1, v2;
	s1 =	smov.u32 s30;
	s30 =	sadd.s32 $0x1, s30  }
.Ltmp127:
0x4f3: {  	(pc) =	sbr.rel @p0 .LBB2_256-.Ltmp127, $3  }
0x4f4: {  	_ =	sdelay $0x1  }
0x4f5: {  	v1 =	vmov s1  }
0x4f6: {  	s31 =	sadd.s32 $0x80, s31;
	vm0 =	veq.s32 v1, v0;
	v1 =	vmax.f32 v2, v3  }
0x4f7: {  	s29 =	sadd.s32 $0x1, s29  }
0x4f8: {  	v1 =	vsel vm0, v1, v2;
	p0 =	sne.s32 s29, s20  }
.Ltmp128:
0x4f9: {  	[tilespmem:$0x8180] =	vst v1;
	(pc) =	sbr.rel @p0 .LBB2_1-.Ltmp128, $4  }
0x4fa: {  	[hbm4b:s19+s2] =	stream.linear.scatter [tilespmem:s26], [sflag:$0x3], $0x200, $0x38;
	[tilespmem:$0x8200] =	vst v63  }
0x4fb: {  	_ =	swait.ge [sflag:s28], $0x200  }
0x4fc: {  	[sflag:s28] =	ssyncset.done $0x0  }
0x4fd: {  	[sflag:s28] =	ssyncadd.s32 $0xFFFFFE00  }
0x4fe: {  	_ =	sfence.sel $0x180000  }
0x4ff: {  	[bflag:$0x0] =	sbarrier.arrive $0xFFFF  }
0x500: {  	_ =	strace $0x90000047  }
0x501: {  	[bflag:$0x2] =	sbarrier.arrive $0xFFFF  }
0x502: {  	p0 =	sne.s32 s0, $0x0;
	s0 =	rddreg [dreg:$0x2]  }
0x503: {  	s0 =	sadd.s32 @!p0 $0x100000, s0  }
0x504: {  	[sflag:s0] =	ssyncadd.tile.s32 @!p0 $0x1;
	_ =	shalt  }
.Lfunc_end2:
_tile_overlayer_lowered:
.L_overlay_start_2:
0x505: {  	(tag) =	ssettag $0x2  }
0x506: {  	s0 =	rddreg [dreg:$0x0];
	s2 =	stileid.u32  }
0x507: {  	s1 =	rddreg [dreg:$0x1];
	p0 =	sne.s32 s2, $0x0  }
0x508: {  	s3 =	rddreg [dreg:$0x2];
	[bflag:$0x3] =	sbarrier.arrive $0xFFFF;
	s2 =	simm.s32 @!p0 $0x1C03  }
0x509: {  	[timem:s3], [sflag:s2] =	dma.local @!p0 [hbm:s0], s1  }
0x50a: {  	s0 =	simm.s32 @!p0 $0x3  }
0x50b: {  	_ =	swait.ge @!p0 [sflag:s0], s1  }
0x50c: {  	s1 =	ssub.s32 @!p0 $0x0, s1;
	[sflag:s0] =	ssyncset.done @!p0 $0x0  }
0x50d: {  	[sflag:s0] =	ssyncadd.s32 @!p0 s1  }
0x50e: {  	[bflag:$0x3] =	sbarrier.arrive $0xFFFF  }
0x50f: {  	_ =	shalt  }

</sc_bundles>
